<compile_context>
chip_gen: v7x
topology: tpu7x:2x2x1
jax: 0.10.2.dev20260603
libtpu: 0.0.44.dev20260713+nightly
codegen_flags: <defaults>
</compile_context>

<pallas_src>
import functools

import jax
import jax.numpy as jnp
from jax import lax
from jax.experimental import pallas as pl
from jax.experimental.pallas import tpu as pltpu
from jax.experimental.pallas import tpu_sc as plsc

_NC = 2
_NS = 16
_NW = _NC * _NS

_RB = 2000
_CH = 128
_HALVES = 6
_DW = 16


def _segsum_sc(n, e, d, with_deg=False):
  assert e % _CH == 0
  chunks_per_worker = e // (_NW * _CH)
  nextra = e // _CH - _NW * chunks_per_worker
  assert nextra < _NW
  assert chunks_per_worker % _HALVES == 0
  cpw_h = chunks_per_worker // _HALVES
  assert n % _NS == 0
  rows_per_tile = n // _NS
  zr = rows_per_tile // 5
  assert rows_per_tile == 5 * zr

  mesh = plsc.VectorSubcoreMesh(core_axis_name="c", subcore_axis_name="s")

  out_type = [jax.ShapeDtypeStruct((_NC, n, d), jnp.float32)]
  scratch = [
      pltpu.VMEM((cpw_h * _CH,), jnp.int32),
      pltpu.VMEM((cpw_h * _CH,), jnp.int32),
      pltpu.VMEM((_CH, d), jnp.float32),
      pltpu.VMEM((_CH, d), jnp.float32),
      pltpu.VMEM_SHARED((n, d), jnp.float32),
      pltpu.SemaphoreType.DMA,
      pltpu.SemaphoreType.DMA,
  ]
  if with_deg:
    out_type.append(jax.ShapeDtypeStruct((_NC, n, _DW), jnp.float32))
    scratch += [
        pltpu.VMEM((_CH, _DW), jnp.float32),
        pltpu.VMEM_SHARED((n, _DW), jnp.float32),
        pltpu.SemaphoreType.DMA,
    ]

  @functools.partial(
      pl.kernel,
      mesh=mesh,
      compiler_params=pltpu.CompilerParams(use_tc_tiling_on_sc=False),
      out_type=out_type,
      scratch_types=scratch,
  )
  def seg(*refs):
    if with_deg:
      (table_hbm, edge_hbm, zeros_hbm, aux_hbm,
       out_hbm, deg_hbm, src_v, dst_v, rows_a, rows_b, acc_sh,
       sem_a, sem_b, ones_v, dacc_sh, osem) = refs
    else:
      (table_hbm, edge_hbm, zeros_hbm,
       out_hbm, src_v, dst_v, rows_a, rows_b, acc_sh, sem_a, sem_b) = refs
    cid = lax.axis_index("c")
    sid = lax.axis_index("s")
    wid = cid * _NS + sid

    r0 = sid * rows_per_tile

    def zbody(z, carry):
      pltpu.sync_copy(zeros_hbm, acc_sh.at[pl.ds(r0 + z * zr, zr)])
      if with_deg:
        pltpu.sync_copy(aux_hbm.at[pl.ds(0, zr)],
                        dacc_sh.at[pl.ds(r0 + z * zr, zr)])
      return carry

    lax.fori_loop(0, 5, zbody, 0)
    if with_deg:
      pltpu.sync_copy(aux_hbm.at[pl.ds(128, _CH)], ones_v)
    plsc.subcore_barrier()

    tmax = cpw_h - 1

    def gather(t, buf, sem):
      pltpu.async_copy(table_hbm.at[src_v.at[pl.ds(t * _CH, _CH)]], buf, sem)

    def drain(buf, sem):
      pltpu.make_async_copy(table_hbm.at[src_v.at[pl.ds(0, _CH)]],
                            buf, sem).wait()

    def scat(t, buf):
      pltpu.sync_copy(buf, acc_sh.at[dst_v.at[pl.ds(t * _CH, _CH)]], add=True)
      if with_deg:
        pltpu.async_copy(ones_v,
                         dacc_sh.at[dst_v.at[pl.ds(t * _CH, _CH)]], osem,
                         add=True)

    epw = chunks_per_worker * _CH
    for half in range(_HALVES):
      off = wid * epw + half * (cpw_h * _CH)
      pltpu.sync_copy(edge_hbm.at[0, pl.ds(off, cpw_h * _CH)], src_v)
      pltpu.sync_copy(edge_hbm.at[1, pl.ds(off, cpw_h * _CH)], dst_v)
      gather(0, rows_a, sem_a)

      def body(i, carry):
        t0 = 2 * i
        gather(t0 + 1, rows_b, sem_b)
        drain(rows_a, sem_a)
        scat(t0, rows_a)
        gather(jnp.minimum(t0 + 2, tmax), rows_a, sem_a)
        drain(rows_b, sem_b)
        scat(t0 + 1, rows_b)
        return carry

      lax.fori_loop(0, cpw_h // 2, body, 0)
      if cpw_h % 2:
        drain(rows_a, sem_a)
        scat(tmax, rows_a)
      else:
        drain(rows_a, sem_a)

    if nextra:
      @pl.when(wid < nextra)
      def _():
        off2 = chunks_per_worker * _NW * _CH + wid * _CH
        pltpu.sync_copy(edge_hbm.at[0, pl.ds(off2, _CH)],
                        src_v.at[pl.ds(0, _CH)])
        pltpu.sync_copy(edge_hbm.at[1, pl.ds(off2, _CH)],
                        dst_v.at[pl.ds(0, _CH)])
        gather(0, rows_a, sem_a)
        drain(rows_a, sem_a)
        scat(0, rows_a)
        if with_deg:
          pltpu.make_async_copy(
              ones_v, dacc_sh.at[dst_v.at[pl.ds(0, _CH)]], osem).wait()

    if with_deg:
      def dbody(t, carry):
        pltpu.make_async_copy(
            ones_v, dacc_sh.at[dst_v.at[pl.ds(0, _CH)]], osem).wait()
        return carry

      lax.fori_loop(0, chunks_per_worker, dbody, 0)

    plsc.subcore_barrier()

    def wbody(z, carry):
      rr = r0 + z * zr
      pltpu.sync_copy(acc_sh.at[pl.ds(rr, zr)], out_hbm.at[cid, pl.ds(rr, zr)])
      if with_deg:
        pltpu.sync_copy(dacc_sh.at[pl.ds(rr, zr)],
                        deg_hbm.at[cid, pl.ds(rr, zr)])
      return carry

    lax.fori_loop(0, 5, wbody, 0)

  return seg


def _mid_tc(n, f, h, c):

  def body(x_ref, parts_ref, degp_ref, b1_ref, ws1_ref, wn1_ref,
           wn2_ref, ws2_ref, p2_ref, hs2_ref):
    deg = degp_ref[0, :, :1] + degp_ref[1, :, :1]
    dinv = 1.0 / jnp.maximum(deg, 1.0)
    hn = (parts_ref[0] + parts_ref[1]) * dinv
    h1 = jnp.dot(x_ref[...], ws1_ref[...], preferred_element_type=jnp.float32)
    h1 += jnp.dot(hn, wn1_ref[...], preferred_element_type=jnp.float32)
    h1 = jnp.maximum(h1 + b1_ref[0], 0.0)
    p2_ref[...] = jnp.dot(h1, wn2_ref[...], preferred_element_type=jnp.float32)
    hs2_ref[...] = jnp.dot(h1, ws2_ref[...], preferred_element_type=jnp.float32)

  return pl.pallas_call(
      body,
      grid=(n // _RB,),
      in_specs=[
          pl.BlockSpec((_RB, f), lambda i: (i, 0)),
          pl.BlockSpec((_NC, _RB, f), lambda i: (0, i, 0)),
          pl.BlockSpec((_NC, _RB, _DW), lambda i: (0, i, 0)),
          pl.BlockSpec((1, h), lambda i: (0, 0)),
          pl.BlockSpec((f, h), lambda i: (0, 0)),
          pl.BlockSpec((f, h), lambda i: (0, 0)),
          pl.BlockSpec((h, c), lambda i: (0, 0)),
          pl.BlockSpec((h, c), lambda i: (0, 0)),
      ],
      out_specs=[
          pl.BlockSpec((_RB, c), lambda i: (i, 0)),
          pl.BlockSpec((_RB, c), lambda i: (i, 0)),
      ],
      out_shape=[
          jax.ShapeDtypeStruct((n, c), jnp.float32),
          jax.ShapeDtypeStruct((n, c), jnp.float32),
      ],
  )


def _final_tc(n, c):

  def body(hs_ref, q_ref, degp_ref, b2_ref, out_ref):
    deg = degp_ref[0, :, :1] + degp_ref[1, :, :1]
    dinv = 1.0 / jnp.maximum(deg, 1.0)
    out_ref[...] = (hs_ref[...]
                    + (q_ref[0] + q_ref[1]) * dinv
                    + b2_ref[0])

  return pl.pallas_call(
      body,
      grid=(n // _RB,),
      in_specs=[
          pl.BlockSpec((_RB, c), lambda i: (i, 0)),
          pl.BlockSpec((_NC, _RB, c), lambda i: (0, i, 0)),
          pl.BlockSpec((_NC, _RB, _DW), lambda i: (0, i, 0)),
          pl.BlockSpec((1, c), lambda i: (0, 0)),
      ],
      out_specs=pl.BlockSpec((_RB, c), lambda i: (i, 0)),
      out_shape=jax.ShapeDtypeStruct((n, c), jnp.float32),
  )


@jax.jit
def kernel(in_feat, edge_index, W_self1, W_neigh1, b1, W_self2, W_neigh2, b2):
  n, f = in_feat.shape
  h = W_self1.shape[1]
  c = W_self2.shape[1]
  e = edge_index.shape[1]

  zr = n // _NS // 5
  zeros1 = jnp.zeros((zr, f), jnp.float32)
  zeros2 = jnp.zeros((zr, c), jnp.float32)
  aux = jnp.concatenate([jnp.zeros((128, _DW), jnp.float32),
                         jnp.ones((_CH, _DW), jnp.float32)])

  parts1, degp = _segsum_sc(n, e, f, with_deg=True)(
      in_feat, edge_index, zeros1, aux)
  p2, hs2 = _mid_tc(n, f, h, c)(
      in_feat, parts1, degp, b1.reshape(1, h), W_self1, W_neigh1,
      W_neigh2, W_self2)
  parts2, = _segsum_sc(n, e, c)(p2, edge_index, zeros2)
  return _final_tc(n, c)(hs2, parts2, degp, b2.reshape(1, c))

# --- scband reference (transcript-rebuilt; emitter-appended) ---
"""Pipeline reference for scband-graph-sage-15324443312421 (READ-ONLY COPY).

The authoritative reference and input builder live on the scoring server;
editing this copy changes nothing except your own understanding.
"""

import jax, jax.numpy as jnp
import numpy as np

N = 10000
E = 320000
F_IN = 128
H = 128
C = 64


def setup_inputs(seed: int = 0) -> dict:
    key = jax.random.key(seed)
    ks = jax.random.split(key, 8)
    x = jax.random.normal(ks[0], (N, F_IN), dtype=jnp.float32)
    edge_index = jax.random.randint(ks[1], (2, E), 0, N, dtype=jnp.int32)
    s1 = 1.0 / np.sqrt(F_IN)
    s2 = 1.0 / np.sqrt(H)
    W_self1 = jax.random.normal(ks[2], (F_IN, H), dtype=jnp.float32) * s1
    W_neigh1 = jax.random.normal(ks[3], (F_IN, H), dtype=jnp.float32) * s1
    b1 = jnp.zeros((H,), dtype=jnp.float32)
    W_self2 = jax.random.normal(ks[4], (H, C), dtype=jnp.float32) * s2
    W_neigh2 = jax.random.normal(ks[5], (H, C), dtype=jnp.float32) * s2
    b2 = jnp.zeros((C,), dtype=jnp.float32)
    return {"in_feat": x, "edge_index": edge_index,
            "W_self1": W_self1, "W_neigh1": W_neigh1, "b1": b1,
            "W_self2": W_self2, "W_neigh2": W_neigh2, "b2": b2}


def _sage_conv(h, src, dst, n_nodes, W_self, W_neigh, b):
    # DGL SAGEConv with 'mean' aggregator: fc_self(h) + fc_neigh(mean_{j->i} h_j) + bias
    msg = h[src]                                        # gather over edges
    agg = jax.ops.segment_sum(msg, dst, num_segments=n_nodes)  # scatter-add by dst
    deg = jax.ops.segment_sum(jnp.ones((src.shape[0],), h.dtype), dst, num_segments=n_nodes)
    h_neigh = agg / jnp.clip(deg, 1.0, None)[:, None]
    return h @ W_self + h_neigh @ W_neigh + b


def reference(in_feat, edge_index, W_self1, W_neigh1, b1, W_self2, W_neigh2, b2):
    src = edge_index[0]
    dst = edge_index[1]
    n_nodes = in_feat.shape[0]
    h = _sage_conv(in_feat, src, dst, n_nodes, W_self1, W_neigh1, b1)
    h = jax.nn.relu(h)
    h = _sage_conv(h, src, dst, n_nodes, W_self2, W_neigh2, b2)
    return h

if __name__ == "__main__":
    import jax
    _d = setup_inputs()
    print(jax.jit(kernel)(*tuple(_d.values())))

</pallas_src>

<mosaic_0001>
#map = affine_map<(d0, d1) -> (0, 0)>
#map1 = affine_map<(d0, d1) -> (0, 0, 0)>
module attributes {stable_mosaic.version = 14 : i64} {
  func.func @seg(%arg0: i32, %arg1: i32, %arg2: memref<10000x128xf32, #tpu.memory_space<hbm>>, %arg3: memref<2x320000xi32, #tpu.memory_space<hbm>>, %arg4: memref<125x128xf32, #tpu.memory_space<hbm>>, %arg5: memref<256x16xf32, #tpu.memory_space<hbm>>, %arg6: memref<2x10000x128xf32, #tpu.memory_space<hbm>>, %arg7: memref<2x10000x16xf32, #tpu.memory_space<hbm>>, %arg8: memref<1664xi32, #tpu.memory_space<vmem>>, %arg9: memref<1664xi32, #tpu.memory_space<vmem>>, %arg10: memref<128x128xf32, #tpu.memory_space<vmem>>, %arg11: memref<128x128xf32, #tpu.memory_space<vmem>>, %arg12: memref<10000x128xf32, #tpu.memory_space<vmem_shared>>, %arg13: memref<!tpu.dma_semaphore, #tpu.memory_space<semaphore_mem>>, %arg14: memref<!tpu.dma_semaphore, #tpu.memory_space<semaphore_mem>>, %arg15: memref<128x16xf32, #tpu.memory_space<vmem>>, %arg16: memref<10000x16xf32, #tpu.memory_space<vmem_shared>>, %arg17: memref<!tpu.dma_semaphore, #tpu.memory_space<semaphore_mem>>) attributes {dimension_semantics = [#tpu.dimension_semantics<core_parallel>, #tpu.dimension_semantics<subcore_parallel>], iteration_bounds = array<i64: 2, 16>, scalar_prefetch = 0 : i64, scratch_operands = 10 : i64, tpu.core_type = #tpu.core_type<sc_vector_subcore>, window_params = [{transform_indices = #map}, {transform_indices = #map}, {transform_indices = #map}, {transform_indices = #map}, {transform_indices = #map1}, {transform_indices = #map1}]} {
    %mul3A = arith.constant 16 : i32
    %mul3A_0 = arith.muli %arg0, %mul3A : i32
    %add3A = arith.addi %mul3A_0, %arg1 : i32
    %mul3A_1 = arith.constant 625 : i32
    %mul3A_2 = arith.muli %arg1, %mul3A_1 : i32
    %scan3A = arith.constant 0 : i32
    %scan3A_3 = arith.constant 0 : i32
    %scan3A_4 = arith.constant 5 : i32
    %scan3A_5 = arith.addi %scan3A_3, %scan3A_4 : i32
    %scan3A_6 = arith.constant 1 : i32
    scf.for %scan3A_182 = %scan3A_3 to %scan3A_5 step %scan3A_6  : i32 {
      %mul3A_183 = arith.constant 125 : i32
      %mul3A_184 = arith.muli %scan3A_182, %mul3A_183 : i32
      %add3A_185 = arith.addi %mul3A_2, %mul3A_184 : i32
      "tpu.region"() ({
        %run_scoped3A_189 = tpu.sem_alloc : memref<!tpu.dma_semaphore, #tpu.memory_space<semaphore_mem>>
        %dma_start3A_190 = arith.constant 0 : i32
        %dma_start3A_191 = tpu.memref_slice %arg12[%add3A_185, %dma_start3A_190] : memref<10000x128xf32, #tpu.memory_space<vmem_shared>> -> memref<125x128xf32, #tpu.memory_space<vmem_shared>>
        tpu.enqueue_dma source(%arg4 : memref<125x128xf32, #tpu.memory_space<hbm>>) target(%dma_start3A_191 : memref<125x128xf32, #tpu.memory_space<vmem_shared>>) target_semaphore(%run_scoped3A_189 : memref<!tpu.dma_semaphore, #tpu.memory_space<semaphore_mem>>)
        %dma_wait3A_192 = arith.constant 0 : i32
        %dma_wait3A_193 = tpu.memref_slice %arg12[%add3A_185, %dma_wait3A_192] : memref<10000x128xf32, #tpu.memory_space<vmem_shared>> -> memref<125x128xf32, #tpu.memory_space<vmem_shared>>
        tpu.wait_dma2 semaphore(%run_scoped3A_189 : memref<!tpu.dma_semaphore, #tpu.memory_space<semaphore_mem>>) src(%arg4 : memref<125x128xf32, #tpu.memory_space<hbm>>) dst(%dma_wait3A_193 : memref<125x128xf32, #tpu.memory_space<vmem_shared>>)
        tpu.yield
      }) : () -> ()
      %mul3A_186 = arith.constant 125 : i32
      %mul3A_187 = arith.muli %scan3A_182, %mul3A_186 : i32
      %add3A_188 = arith.addi %mul3A_2, %mul3A_187 : i32
      "tpu.region"() ({
        %run_scoped3A_189 = tpu.sem_alloc : memref<!tpu.dma_semaphore, #tpu.memory_space<semaphore_mem>>
        %dma_start3A_190 = arith.constant 0 : i32
        %dma_start3A_191 = tpu.memref_slice %arg16[%add3A_188, %dma_start3A_190] : memref<10000x16xf32, #tpu.memory_space<vmem_shared>> -> memref<125x16xf32, #tpu.memory_space<vmem_shared>>
        %dma_start3A_192 = arith.constant 0 : i32
        %dma_start3A_193 = arith.constant 0 : i32
        %dma_start3A_194 = tpu.memref_slice %arg5[%dma_start3A_192, %dma_start3A_193] : memref<256x16xf32, #tpu.memory_space<hbm>> -> memref<125x16xf32, #tpu.memory_space<hbm>>
        tpu.enqueue_dma source(%dma_start3A_194 : memref<125x16xf32, #tpu.memory_space<hbm>>) target(%dma_start3A_191 : memref<125x16xf32, #tpu.memory_space<vmem_shared>>) target_semaphore(%run_scoped3A_189 : memref<!tpu.dma_semaphore, #tpu.memory_space<semaphore_mem>>)
        %dma_wait3A_195 = arith.constant 0 : i32
        %dma_wait3A_196 = tpu.memref_slice %arg16[%add3A_188, %dma_wait3A_195] : memref<10000x16xf32, #tpu.memory_space<vmem_shared>> -> memref<125x16xf32, #tpu.memory_space<vmem_shared>>
        %dma_wait3A_197 = arith.constant 0 : i32
        %dma_wait3A_198 = arith.constant 0 : i32
        %dma_wait3A_199 = tpu.memref_slice %arg5[%dma_wait3A_197, %dma_wait3A_198] : memref<256x16xf32, #tpu.memory_space<hbm>> -> memref<125x16xf32, #tpu.memory_space<hbm>>
        tpu.wait_dma2 semaphore(%run_scoped3A_189 : memref<!tpu.dma_semaphore, #tpu.memory_space<semaphore_mem>>) src(%dma_wait3A_199 : memref<125x16xf32, #tpu.memory_space<hbm>>) dst(%dma_wait3A_196 : memref<125x16xf32, #tpu.memory_space<vmem_shared>>)
        tpu.yield
      }) : () -> ()
    }
    %scan3A_7 = arith.constant 5 : i32
    "tpu.region"() ({
      %run_scoped3A_182 = tpu.sem_alloc : memref<!tpu.dma_semaphore, #tpu.memory_space<semaphore_mem>>
      %dma_start3A_183 = arith.constant 128 : i32
      %dma_start3A_184 = arith.constant 0 : i32
      %dma_start3A_185 = tpu.memref_slice %arg5[%dma_start3A_183, %dma_start3A_184] : memref<256x16xf32, #tpu.memory_space<hbm>> -> memref<128x16xf32, #tpu.memory_space<hbm>>
      %dma_start3A_186 = arith.constant 128 : i32
      %dma_start3A_187 = arith.constant 0 : i32
      %dma_start3A_188 = tpu.memref_slice %arg5[%dma_start3A_186, %dma_start3A_187] : memref<256x16xf32, #tpu.memory_space<hbm>> -> memref<128x16xf32, #tpu.memory_space<hbm>>
      tpu.enqueue_dma source(%dma_start3A_188 : memref<128x16xf32, #tpu.memory_space<hbm>>) target(%arg15 : memref<128x16xf32, #tpu.memory_space<vmem>>) target_semaphore(%run_scoped3A_182 : memref<!tpu.dma_semaphore, #tpu.memory_space<semaphore_mem>>)
      %dma_wait3A_189 = arith.constant 128 : i32
      %dma_wait3A_190 = arith.constant 0 : i32
      %dma_wait3A_191 = tpu.memref_slice %arg5[%dma_wait3A_189, %dma_wait3A_190] : memref<256x16xf32, #tpu.memory_space<hbm>> -> memref<128x16xf32, #tpu.memory_space<hbm>>
      %dma_wait3A_192 = arith.constant 128 : i32
      %dma_wait3A_193 = arith.constant 0 : i32
      %dma_wait3A_194 = tpu.memref_slice %arg5[%dma_wait3A_192, %dma_wait3A_193] : memref<256x16xf32, #tpu.memory_space<hbm>> -> memref<128x16xf32, #tpu.memory_space<hbm>>
      tpu.wait_dma2 semaphore(%run_scoped3A_182 : memref<!tpu.dma_semaphore, #tpu.memory_space<semaphore_mem>>) src(%dma_wait3A_194 : memref<128x16xf32, #tpu.memory_space<hbm>>) dst(%arg15 : memref<128x16xf32, #tpu.memory_space<vmem>>)
      tpu.yield
    }) : () -> ()
    %barrier3A = arith.constant 0 : index
    tpu.barrier barrier_id(%barrier3A)
    %mul3A_8 = arith.constant 9984 : i32
    %mul3A_9 = arith.muli %add3A, %mul3A_8 : i32
    %add3A_10 = arith.constant 0 : i32
    %add3A_11 = arith.addi %mul3A_9, %add3A_10 : i32
    %run_scoped3A = arith.constant 0 : i32
    "tpu.region"() ({
      %run_scoped3A_182 = tpu.sem_alloc : memref<!tpu.dma_semaphore, #tpu.memory_space<semaphore_mem>>
      %dma_start3A_183 = tpu.memref_slice %arg3[%run_scoped3A, %add3A_11] : memref<2x320000xi32, #tpu.memory_space<hbm>> -> memref<1x1664xi32, #tpu.memory_space<hbm>>
      %dma_start3A_184 = tpu.memref_squeeze %dma_start3A_183 : memref<1x1664xi32, #tpu.memory_space<hbm>> -> memref<1664xi32, #tpu.memory_space<hbm>>
      %dma_start3A_185 = tpu.memref_slice %arg3[%run_scoped3A, %add3A_11] : memref<2x320000xi32, #tpu.memory_space<hbm>> -> memref<1x1664xi32, #tpu.memory_space<hbm>>
      %dma_start3A_186 = tpu.memref_squeeze %dma_start3A_185 : memref<1x1664xi32, #tpu.memory_space<hbm>> -> memref<1664xi32, #tpu.memory_space<hbm>>
      tpu.enqueue_dma source(%dma_start3A_186 : memref<1664xi32, #tpu.memory_space<hbm>>) target(%arg8 : memref<1664xi32, #tpu.memory_space<vmem>>) target_semaphore(%run_scoped3A_182 : memref<!tpu.dma_semaphore, #tpu.memory_space<semaphore_mem>>)
      %dma_wait3A_187 = tpu.memref_slice %arg3[%run_scoped3A, %add3A_11] : memref<2x320000xi32, #tpu.memory_space<hbm>> -> memref<1x1664xi32, #tpu.memory_space<hbm>>
      %dma_wait3A_188 = tpu.memref_squeeze %dma_wait3A_187 : memref<1x1664xi32, #tpu.memory_space<hbm>> -> memref<1664xi32, #tpu.memory_space<hbm>>
      %dma_wait3A_189 = tpu.memref_slice %arg3[%run_scoped3A, %add3A_11] : memref<2x320000xi32, #tpu.memory_space<hbm>> -> memref<1x1664xi32, #tpu.memory_space<hbm>>
      %dma_wait3A_190 = tpu.memref_squeeze %dma_wait3A_189 : memref<1x1664xi32, #tpu.memory_space<hbm>> -> memref<1664xi32, #tpu.memory_space<hbm>>
      tpu.wait_dma2 semaphore(%run_scoped3A_182 : memref<!tpu.dma_semaphore, #tpu.memory_space<semaphore_mem>>) src(%dma_wait3A_190 : memref<1664xi32, #tpu.memory_space<hbm>>) dst(%arg8 : memref<1664xi32, #tpu.memory_space<vmem>>)
      tpu.yield
    }) : () -> ()
    %run_scoped3A_12 = arith.constant 1 : i32
    "tpu.region"() ({
      %run_scoped3A_182 = tpu.sem_alloc : memref<!tpu.dma_semaphore, #tpu.memory_space<semaphore_mem>>
      %dma_start3A_183 = tpu.memref_slice %arg3[%run_scoped3A_12, %add3A_11] : memref<2x320000xi32, #tpu.memory_space<hbm>> -> memref<1x1664xi32, #tpu.memory_space<hbm>>
      %dma_start3A_184 = tpu.memref_squeeze %dma_start3A_183 : memref<1x1664xi32, #tpu.memory_space<hbm>> -> memref<1664xi32, #tpu.memory_space<hbm>>
      %dma_start3A_185 = tpu.memref_slice %arg3[%run_scoped3A_12, %add3A_11] : memref<2x320000xi32, #tpu.memory_space<hbm>> -> memref<1x1664xi32, #tpu.memory_space<hbm>>
      %dma_start3A_186 = tpu.memref_squeeze %dma_start3A_185 : memref<1x1664xi32, #tpu.memory_space<hbm>> -> memref<1664xi32, #tpu.memory_space<hbm>>
      tpu.enqueue_dma source(%dma_start3A_186 : memref<1664xi32, #tpu.memory_space<hbm>>) target(%arg9 : memref<1664xi32, #tpu.memory_space<vmem>>) target_semaphore(%run_scoped3A_182 : memref<!tpu.dma_semaphore, #tpu.memory_space<semaphore_mem>>)
      %dma_wait3A_187 = tpu.memref_slice %arg3[%run_scoped3A_12, %add3A_11] : memref<2x320000xi32, #tpu.memory_space<hbm>> -> memref<1x1664xi32, #tpu.memory_space<hbm>>
      %dma_wait3A_188 = tpu.memref_squeeze %dma_wait3A_187 : memref<1x1664xi32, #tpu.memory_space<hbm>> -> memref<1664xi32, #tpu.memory_space<hbm>>
      %dma_wait3A_189 = tpu.memref_slice %arg3[%run_scoped3A_12, %add3A_11] : memref<2x320000xi32, #tpu.memory_space<hbm>> -> memref<1x1664xi32, #tpu.memory_space<hbm>>
      %dma_wait3A_190 = tpu.memref_squeeze %dma_wait3A_189 : memref<1x1664xi32, #tpu.memory_space<hbm>> -> memref<1664xi32, #tpu.memory_space<hbm>>
      tpu.wait_dma2 semaphore(%run_scoped3A_182 : memref<!tpu.dma_semaphore, #tpu.memory_space<semaphore_mem>>) src(%dma_wait3A_190 : memref<1664xi32, #tpu.memory_space<hbm>>) dst(%arg9 : memref<1664xi32, #tpu.memory_space<vmem>>)
      tpu.yield
    }) : () -> ()
    %dma_start3A = arith.constant 0 : i32
    %dma_start3A_13 = tpu.memref_slice %arg8[%dma_start3A] : memref<1664xi32, #tpu.memory_space<vmem>> -> memref<128xi32, #tpu.memory_space<vmem>>
    %dma_start3A_14 = arith.constant 0 : i32
    %dma_start3A_15 = arith.constant 0 : i32
    %dma_start3A_16 = tpu.memref_slice %arg2[%dma_start3A_14, %dma_start3A_15] : memref<10000x128xf32, #tpu.memory_space<hbm>> -> memref<10000x128xf32, #tpu.memory_space<hbm>>
    tpu.enqueue_indirect_dma source(%dma_start3A_16 : memref<10000x128xf32, #tpu.memory_space<hbm>>) target(%arg10 : memref<128x128xf32, #tpu.memory_space<vmem>>) offsets(%dma_start3A_13 : memref<128xi32, #tpu.memory_space<vmem>>) semaphore(%arg13 : memref<!tpu.dma_semaphore, #tpu.memory_space<semaphore_mem>>)
    %scan3A_17 = arith.constant 0 : i32
    %scan3A_18 = arith.constant 0 : i32
    %scan3A_19 = arith.constant 6 : i32
    %scan3A_20 = arith.addi %scan3A_18, %scan3A_19 : i32
    %scan3A_21 = arith.constant 1 : i32
    scf.for %scan3A_182 = %scan3A_18 to %scan3A_20 step %scan3A_21  : i32 {
      %mul3A_183 = arith.constant 2 : i32
      %mul3A_184 = arith.muli %mul3A_183, %scan3A_182 : i32
      %add3A_185 = arith.constant 1 : i32
      %add3A_186 = arith.addi %mul3A_184, %add3A_185 : i32
      %mul3A_187 = arith.constant 128 : i32
      %mul3A_188 = arith.muli %add3A_186, %mul3A_187 : i32
      %dma_start3A_189 = tpu.memref_slice %arg8[%mul3A_188] : memref<1664xi32, #tpu.memory_space<vmem>> -> memref<128xi32, #tpu.memory_space<vmem>>
      %dma_start3A_190 = arith.constant 0 : i32
      %dma_start3A_191 = arith.constant 0 : i32
      %dma_start3A_192 = tpu.memref_slice %arg2[%dma_start3A_190, %dma_start3A_191] : memref<10000x128xf32, #tpu.memory_space<hbm>> -> memref<10000x128xf32, #tpu.memory_space<hbm>>
      tpu.enqueue_indirect_dma source(%dma_start3A_192 : memref<10000x128xf32, #tpu.memory_space<hbm>>) target(%arg11 : memref<128x128xf32, #tpu.memory_space<vmem>>) offsets(%dma_start3A_189 : memref<128xi32, #tpu.memory_space<vmem>>) semaphore(%arg14 : memref<!tpu.dma_semaphore, #tpu.memory_space<semaphore_mem>>)
      %dma_wait3A_193 = arith.constant 0 : i32
      %dma_wait3A_194 = tpu.memref_slice %arg8[%dma_wait3A_193] : memref<1664xi32, #tpu.memory_space<vmem>> -> memref<128xi32, #tpu.memory_space<vmem>>
      %dma_wait3A_195 = arith.constant 0 : i32
      %dma_wait3A_196 = arith.constant 0 : i32
      %dma_wait3A_197 = tpu.memref_slice %arg2[%dma_wait3A_195, %dma_wait3A_196] : memref<10000x128xf32, #tpu.memory_space<hbm>> -> memref<10000x128xf32, #tpu.memory_space<hbm>>
      tpu.wait_indirect_dma semaphore(%arg13 : memref<!tpu.dma_semaphore, #tpu.memory_space<semaphore_mem>>) src(%dma_wait3A_197 : memref<10000x128xf32, #tpu.memory_space<hbm>>) dst(%arg10 : memref<128x128xf32, #tpu.memory_space<vmem>>)
      %mul3A_198 = arith.constant 128 : i32
      %mul3A_199 = arith.muli %mul3A_184, %mul3A_198 : i32
      "tpu.region"() ({
        %run_scoped3A_230 = tpu.sem_alloc : memref<!tpu.dma_semaphore, #tpu.memory_space<semaphore_mem>>
        %dma_start3A_231 = tpu.memref_slice %arg9[%mul3A_199] : memref<1664xi32, #tpu.memory_space<vmem>> -> memref<128xi32, #tpu.memory_space<vmem>>
        %dma_start3A_232 = arith.constant 0 : i32
        %dma_start3A_233 = arith.constant 0 : i32
        %dma_start3A_234 = tpu.memref_slice %arg12[%dma_start3A_232, %dma_start3A_233] : memref<10000x128xf32, #tpu.memory_space<vmem_shared>> -> memref<10000x128xf32, #tpu.memory_space<vmem_shared>>
        tpu.enqueue_indirect_dma source(%arg10 : memref<128x128xf32, #tpu.memory_space<vmem>>) target(%dma_start3A_234 : memref<10000x128xf32, #tpu.memory_space<vmem_shared>>) offsets(%dma_start3A_231 : memref<128xi32, #tpu.memory_space<vmem>>) semaphore(%run_scoped3A_230 : memref<!tpu.dma_semaphore, #tpu.memory_space<semaphore_mem>>) {add = true}
        %dma_wait3A_235 = tpu.memref_slice %arg9[%mul3A_199] : memref<1664xi32, #tpu.memory_space<vmem>> -> memref<128xi32, #tpu.memory_space<vmem>>
        %dma_wait3A_236 = arith.constant 0 : i32
        %dma_wait3A_237 = arith.constant 0 : i32
        %dma_wait3A_238 = tpu.memref_slice %arg12[%dma_wait3A_236, %dma_wait3A_237] : memref<10000x128xf32, #tpu.memory_space<vmem_shared>> -> memref<10000x128xf32, #tpu.memory_space<vmem_shared>>
        tpu.wait_indirect_dma semaphore(%run_scoped3A_230 : memref<!tpu.dma_semaphore, #tpu.memory_space<semaphore_mem>>) src(%arg10 : memref<128x128xf32, #tpu.memory_space<vmem>>) dst(%dma_wait3A_238 : memref<10000x128xf32, #tpu.memory_space<vmem_shared>>)
        tpu.yield
      }) : () -> ()
      %mul3A_200 = arith.constant 128 : i32
      %mul3A_201 = arith.muli %mul3A_184, %mul3A_200 : i32
      %dma_start3A_202 = tpu.memref_slice %arg9[%mul3A_201] : memref<1664xi32, #tpu.memory_space<vmem>> -> memref<128xi32, #tpu.memory_space<vmem>>
      %dma_start3A_203 = arith.constant 0 : i32
      %dma_start3A_204 = arith.constant 0 : i32
      %dma_start3A_205 = tpu.memref_slice %arg16[%dma_start3A_203, %dma_start3A_204] : memref<10000x16xf32, #tpu.memory_space<vmem_shared>> -> memref<10000x16xf32, #tpu.memory_space<vmem_shared>>
      tpu.enqueue_indirect_dma source(%arg15 : memref<128x16xf32, #tpu.memory_space<vmem>>) target(%dma_start3A_205 : memref<10000x16xf32, #tpu.memory_space<vmem_shared>>) offsets(%dma_start3A_202 : memref<128xi32, #tpu.memory_space<vmem>>) semaphore(%arg17 : memref<!tpu.dma_semaphore, #tpu.memory_space<semaphore_mem>>) {add = true}
      %add3A_206 = arith.constant 2 : i32
      %add3A_207 = arith.addi %mul3A_184, %add3A_206 : i32
      %min3A = arith.constant 12 : i32
      %min3A_208 = arith.minsi %add3A_207, %min3A : i32
      %mul3A_209 = arith.constant 128 : i32
      %mul3A_210 = arith.muli %min3A_208, %mul3A_209 : i32
      %dma_start3A_211 = tpu.memref_slice %arg8[%mul3A_210] : memref<1664xi32, #tpu.memory_space<vmem>> -> memref<128xi32, #tpu.memory_space<vmem>>
      %dma_start3A_212 = arith.constant 0 : i32
      %dma_start3A_213 = arith.constant 0 : i32
      %dma_start3A_214 = tpu.memref_slice %arg2[%dma_start3A_212, %dma_start3A_213] : memref<10000x128xf32, #tpu.memory_space<hbm>> -> memref<10000x128xf32, #tpu.memory_space<hbm>>
      tpu.enqueue_indirect_dma source(%dma_start3A_214 : memref<10000x128xf32, #tpu.memory_space<hbm>>) target(%arg10 : memref<128x128xf32, #tpu.memory_space<vmem>>) offsets(%dma_start3A_211 : memref<128xi32, #tpu.memory_space<vmem>>) semaphore(%arg13 : memref<!tpu.dma_semaphore, #tpu.memory_space<semaphore_mem>>)
      %dma_wait3A_215 = arith.constant 0 : i32
      %dma_wait3A_216 = tpu.memref_slice %arg8[%dma_wait3A_215] : memref<1664xi32, #tpu.memory_space<vmem>> -> memref<128xi32, #tpu.memory_space<vmem>>
      %dma_wait3A_217 = arith.constant 0 : i32
      %dma_wait3A_218 = arith.constant 0 : i32
      %dma_wait3A_219 = tpu.memref_slice %arg2[%dma_wait3A_217, %dma_wait3A_218] : memref<10000x128xf32, #tpu.memory_space<hbm>> -> memref<10000x128xf32, #tpu.memory_space<hbm>>
      tpu.wait_indirect_dma semaphore(%arg14 : memref<!tpu.dma_semaphore, #tpu.memory_space<semaphore_mem>>) src(%dma_wait3A_219 : memref<10000x128xf32, #tpu.memory_space<hbm>>) dst(%arg11 : memref<128x128xf32, #tpu.memory_space<vmem>>)
      %add3A_220 = arith.constant 1 : i32
      %add3A_221 = arith.addi %mul3A_184, %add3A_220 : i32
      %mul3A_222 = arith.constant 128 : i32
      %mul3A_223 = arith.muli %add3A_221, %mul3A_222 : i32
      "tpu.region"() ({
        %run_scoped3A_230 = tpu.sem_alloc : memref<!tpu.dma_semaphore, #tpu.memory_space<semaphore_mem>>
        %dma_start3A_231 = tpu.memref_slice %arg9[%mul3A_223] : memref<1664xi32, #tpu.memory_space<vmem>> -> memref<128xi32, #tpu.memory_space<vmem>>
        %dma_start3A_232 = arith.constant 0 : i32
        %dma_start3A_233 = arith.constant 0 : i32
        %dma_start3A_234 = tpu.memref_slice %arg12[%dma_start3A_232, %dma_start3A_233] : memref<10000x128xf32, #tpu.memory_space<vmem_shared>> -> memref<10000x128xf32, #tpu.memory_space<vmem_shared>>
        tpu.enqueue_indirect_dma source(%arg11 : memref<128x128xf32, #tpu.memory_space<vmem>>) target(%dma_start3A_234 : memref<10000x128xf32, #tpu.memory_space<vmem_shared>>) offsets(%dma_start3A_231 : memref<128xi32, #tpu.memory_space<vmem>>) semaphore(%run_scoped3A_230 : memref<!tpu.dma_semaphore, #tpu.memory_space<semaphore_mem>>) {add = true}
        %dma_wait3A_235 = tpu.memref_slice %arg9[%mul3A_223] : memref<1664xi32, #tpu.memory_space<vmem>> -> memref<128xi32, #tpu.memory_space<vmem>>
        %dma_wait3A_236 = arith.constant 0 : i32
        %dma_wait3A_237 = arith.constant 0 : i32
        %dma_wait3A_238 = tpu.memref_slice %arg12[%dma_wait3A_236, %dma_wait3A_237] : memref<10000x128xf32, #tpu.memory_space<vmem_shared>> -> memref<10000x128xf32, #tpu.memory_space<vmem_shared>>
        tpu.wait_indirect_dma semaphore(%run_scoped3A_230 : memref<!tpu.dma_semaphore, #tpu.memory_space<semaphore_mem>>) src(%arg11 : memref<128x128xf32, #tpu.memory_space<vmem>>) dst(%dma_wait3A_238 : memref<10000x128xf32, #tpu.memory_space<vmem_shared>>)
        tpu.yield
      }) : () -> ()
      %mul3A_224 = arith.constant 128 : i32
      %mul3A_225 = arith.muli %add3A_221, %mul3A_224 : i32
      %dma_start3A_226 = tpu.memref_slice %arg9[%mul3A_225] : memref<1664xi32, #tpu.memory_space<vmem>> -> memref<128xi32, #tpu.memory_space<vmem>>
      %dma_start3A_227 = arith.constant 0 : i32
      %dma_start3A_228 = arith.constant 0 : i32
      %dma_start3A_229 = tpu.memref_slice %arg16[%dma_start3A_227, %dma_start3A_228] : memref<10000x16xf32, #tpu.memory_space<vmem_shared>> -> memref<10000x16xf32, #tpu.memory_space<vmem_shared>>
      tpu.enqueue_indirect_dma source(%arg15 : memref<128x16xf32, #tpu.memory_space<vmem>>) target(%dma_start3A_229 : memref<10000x16xf32, #tpu.memory_space<vmem_shared>>) offsets(%dma_start3A_226 : memref<128xi32, #tpu.memory_space<vmem>>) semaphore(%arg17 : memref<!tpu.dma_semaphore, #tpu.memory_space<semaphore_mem>>) {add = true}
    }
    %scan3A_22 = arith.constant 6 : i32
    %dma_wait3A = arith.constant 0 : i32
    %dma_wait3A_23 = tpu.memref_slice %arg8[%dma_wait3A] : memref<1664xi32, #tpu.memory_space<vmem>> -> memref<128xi32, #tpu.memory_space<vmem>>
    %dma_wait3A_24 = arith.constant 0 : i32
    %dma_wait3A_25 = arith.constant 0 : i32
    %dma_wait3A_26 = tpu.memref_slice %arg2[%dma_wait3A_24, %dma_wait3A_25] : memref<10000x128xf32, #tpu.memory_space<hbm>> -> memref<10000x128xf32, #tpu.memory_space<hbm>>
    tpu.wait_indirect_dma semaphore(%arg13 : memref<!tpu.dma_semaphore, #tpu.memory_space<semaphore_mem>>) src(%dma_wait3A_26 : memref<10000x128xf32, #tpu.memory_space<hbm>>) dst(%arg10 : memref<128x128xf32, #tpu.memory_space<vmem>>)
    "tpu.region"() ({
      %run_scoped3A_182 = tpu.sem_alloc : memref<!tpu.dma_semaphore, #tpu.memory_space<semaphore_mem>>
      %dma_start3A_183 = arith.constant 1536 : i32
      %dma_start3A_184 = tpu.memref_slice %arg9[%dma_start3A_183] : memref<1664xi32, #tpu.memory_space<vmem>> -> memref<128xi32, #tpu.memory_space<vmem>>
      %dma_start3A_185 = arith.constant 0 : i32
      %dma_start3A_186 = arith.constant 0 : i32
      %dma_start3A_187 = tpu.memref_slice %arg12[%dma_start3A_185, %dma_start3A_186] : memref<10000x128xf32, #tpu.memory_space<vmem_shared>> -> memref<10000x128xf32, #tpu.memory_space<vmem_shared>>
      tpu.enqueue_indirect_dma source(%arg10 : memref<128x128xf32, #tpu.memory_space<vmem>>) target(%dma_start3A_187 : memref<10000x128xf32, #tpu.memory_space<vmem_shared>>) offsets(%dma_start3A_184 : memref<128xi32, #tpu.memory_space<vmem>>) semaphore(%run_scoped3A_182 : memref<!tpu.dma_semaphore, #tpu.memory_space<semaphore_mem>>) {add = true}
      %dma_wait3A_188 = arith.constant 1536 : i32
      %dma_wait3A_189 = tpu.memref_slice %arg9[%dma_wait3A_188] : memref<1664xi32, #tpu.memory_space<vmem>> -> memref<128xi32, #tpu.memory_space<vmem>>
      %dma_wait3A_190 = arith.constant 0 : i32
      %dma_wait3A_191 = arith.constant 0 : i32
      %dma_wait3A_192 = tpu.memref_slice %arg12[%dma_wait3A_190, %dma_wait3A_191] : memref<10000x128xf32, #tpu.memory_space<vmem_shared>> -> memref<10000x128xf32, #tpu.memory_space<vmem_shared>>
      tpu.wait_indirect_dma semaphore(%run_scoped3A_182 : memref<!tpu.dma_semaphore, #tpu.memory_space<semaphore_mem>>) src(%arg10 : memref<128x128xf32, #tpu.memory_space<vmem>>) dst(%dma_wait3A_192 : memref<10000x128xf32, #tpu.memory_space<vmem_shared>>)
      tpu.yield
    }) : () -> ()
    %dma_start3A_27 = arith.constant 1536 : i32
    %dma_start3A_28 = tpu.memref_slice %arg9[%dma_start3A_27] : memref<1664xi32, #tpu.memory_space<vmem>> -> memref<128xi32, #tpu.memory_space<vmem>>
    %dma_start3A_29 = arith.constant 0 : i32
    %dma_start3A_30 = arith.constant 0 : i32
    %dma_start3A_31 = tpu.memref_slice %arg16[%dma_start3A_29, %dma_start3A_30] : memref<10000x16xf32, #tpu.memory_space<vmem_shared>> -> memref<10000x16xf32, #tpu.memory_space<vmem_shared>>
    tpu.enqueue_indirect_dma source(%arg15 : memref<128x16xf32, #tpu.memory_space<vmem>>) target(%dma_start3A_31 : memref<10000x16xf32, #tpu.memory_space<vmem_shared>>) offsets(%dma_start3A_28 : memref<128xi32, #tpu.memory_space<vmem>>) semaphore(%arg17 : memref<!tpu.dma_semaphore, #tpu.memory_space<semaphore_mem>>) {add = true}
    %mul3A_32 = arith.constant 9984 : i32
    %mul3A_33 = arith.muli %add3A, %mul3A_32 : i32
    %add3A_34 = arith.constant 1664 : i32
    %add3A_35 = arith.addi %mul3A_33, %add3A_34 : i32
    %run_scoped3A_36 = arith.constant 0 : i32
    "tpu.region"() ({
      %run_scoped3A_182 = tpu.sem_alloc : memref<!tpu.dma_semaphore, #tpu.memory_space<semaphore_mem>>
      %dma_start3A_183 = tpu.memref_slice %arg3[%run_scoped3A_36, %add3A_35] : memref<2x320000xi32, #tpu.memory_space<hbm>> -> memref<1x1664xi32, #tpu.memory_space<hbm>>
      %dma_start3A_184 = tpu.memref_squeeze %dma_start3A_183 : memref<1x1664xi32, #tpu.memory_space<hbm>> -> memref<1664xi32, #tpu.memory_space<hbm>>
      %dma_start3A_185 = tpu.memref_slice %arg3[%run_scoped3A_36, %add3A_35] : memref<2x320000xi32, #tpu.memory_space<hbm>> -> memref<1x1664xi32, #tpu.memory_space<hbm>>
      %dma_start3A_186 = tpu.memref_squeeze %dma_start3A_185 : memref<1x1664xi32, #tpu.memory_space<hbm>> -> memref<1664xi32, #tpu.memory_space<hbm>>
      tpu.enqueue_dma source(%dma_start3A_186 : memref<1664xi32, #tpu.memory_space<hbm>>) target(%arg8 : memref<1664xi32, #tpu.memory_space<vmem>>) target_semaphore(%run_scoped3A_182 : memref<!tpu.dma_semaphore, #tpu.memory_space<semaphore_mem>>)
      %dma_wait3A_187 = tpu.memref_slice %arg3[%run_scoped3A_36, %add3A_35] : memref<2x320000xi32, #tpu.memory_space<hbm>> -> memref<1x1664xi32, #tpu.memory_space<hbm>>
      %dma_wait3A_188 = tpu.memref_squeeze %dma_wait3A_187 : memref<1x1664xi32, #tpu.memory_space<hbm>> -> memref<1664xi32, #tpu.memory_space<hbm>>
      %dma_wait3A_189 = tpu.memref_slice %arg3[%run_scoped3A_36, %add3A_35] : memref<2x320000xi32, #tpu.memory_space<hbm>> -> memref<1x1664xi32, #tpu.memory_space<hbm>>
      %dma_wait3A_190 = tpu.memref_squeeze %dma_wait3A_189 : memref<1x1664xi32, #tpu.memory_space<hbm>> -> memref<1664xi32, #tpu.memory_space<hbm>>
      tpu.wait_dma2 semaphore(%run_scoped3A_182 : memref<!tpu.dma_semaphore, #tpu.memory_space<semaphore_mem>>) src(%dma_wait3A_190 : memref<1664xi32, #tpu.memory_space<hbm>>) dst(%arg8 : memref<1664xi32, #tpu.memory_space<vmem>>)
      tpu.yield
    }) : () -> ()
    %run_scoped3A_37 = arith.constant 1 : i32
    "tpu.region"() ({
      %run_scoped3A_182 = tpu.sem_alloc : memref<!tpu.dma_semaphore, #tpu.memory_space<semaphore_mem>>
      %dma_start3A_183 = tpu.memref_slice %arg3[%run_scoped3A_37, %add3A_35] : memref<2x320000xi32, #tpu.memory_space<hbm>> -> memref<1x1664xi32, #tpu.memory_space<hbm>>
      %dma_start3A_184 = tpu.memref_squeeze %dma_start3A_183 : memref<1x1664xi32, #tpu.memory_space<hbm>> -> memref<1664xi32, #tpu.memory_space<hbm>>
      %dma_start3A_185 = tpu.memref_slice %arg3[%run_scoped3A_37, %add3A_35] : memref<2x320000xi32, #tpu.memory_space<hbm>> -> memref<1x1664xi32, #tpu.memory_space<hbm>>
      %dma_start3A_186 = tpu.memref_squeeze %dma_start3A_185 : memref<1x1664xi32, #tpu.memory_space<hbm>> -> memref<1664xi32, #tpu.memory_space<hbm>>
      tpu.enqueue_dma source(%dma_start3A_186 : memref<1664xi32, #tpu.memory_space<hbm>>) target(%arg9 : memref<1664xi32, #tpu.memory_space<vmem>>) target_semaphore(%run_scoped3A_182 : memref<!tpu.dma_semaphore, #tpu.memory_space<semaphore_mem>>)
      %dma_wait3A_187 = tpu.memref_slice %arg3[%run_scoped3A_37, %add3A_35] : memref<2x320000xi32, #tpu.memory_space<hbm>> -> memref<1x1664xi32, #tpu.memory_space<hbm>>
      %dma_wait3A_188 = tpu.memref_squeeze %dma_wait3A_187 : memref<1x1664xi32, #tpu.memory_space<hbm>> -> memref<1664xi32, #tpu.memory_space<hbm>>
      %dma_wait3A_189 = tpu.memref_slice %arg3[%run_scoped3A_37, %add3A_35] : memref<2x320000xi32, #tpu.memory_space<hbm>> -> memref<1x1664xi32, #tpu.memory_space<hbm>>
      %dma_wait3A_190 = tpu.memref_squeeze %dma_wait3A_189 : memref<1x1664xi32, #tpu.memory_space<hbm>> -> memref<1664xi32, #tpu.memory_space<hbm>>
      tpu.wait_dma2 semaphore(%run_scoped3A_182 : memref<!tpu.dma_semaphore, #tpu.memory_space<semaphore_mem>>) src(%dma_wait3A_190 : memref<1664xi32, #tpu.memory_space<hbm>>) dst(%arg9 : memref<1664xi32, #tpu.memory_space<vmem>>)
      tpu.yield
    }) : () -> ()
    %dma_start3A_38 = arith.constant 0 : i32
    %dma_start3A_39 = tpu.memref_slice %arg8[%dma_start3A_38] : memref<1664xi32, #tpu.memory_space<vmem>> -> memref<128xi32, #tpu.memory_space<vmem>>
    %dma_start3A_40 = arith.constant 0 : i32
    %dma_start3A_41 = arith.constant 0 : i32
    %dma_start3A_42 = tpu.memref_slice %arg2[%dma_start3A_40, %dma_start3A_41] : memref<10000x128xf32, #tpu.memory_space<hbm>> -> memref<10000x128xf32, #tpu.memory_space<hbm>>
    tpu.enqueue_indirect_dma source(%dma_start3A_42 : memref<10000x128xf32, #tpu.memory_space<hbm>>) target(%arg10 : memref<128x128xf32, #tpu.memory_space<vmem>>) offsets(%dma_start3A_39 : memref<128xi32, #tpu.memory_space<vmem>>) semaphore(%arg13 : memref<!tpu.dma_semaphore, #tpu.memory_space<semaphore_mem>>)
    %scan3A_43 = arith.constant 0 : i32
    %scan3A_44 = arith.constant 0 : i32
    %scan3A_45 = arith.constant 6 : i32
    %scan3A_46 = arith.addi %scan3A_44, %scan3A_45 : i32
    %scan3A_47 = arith.constant 1 : i32
    scf.for %scan3A_182 = %scan3A_44 to %scan3A_46 step %scan3A_47  : i32 {
      %mul3A_183 = arith.constant 2 : i32
      %mul3A_184 = arith.muli %mul3A_183, %scan3A_182 : i32
      %add3A_185 = arith.constant 1 : i32
      %add3A_186 = arith.addi %mul3A_184, %add3A_185 : i32
      %mul3A_187 = arith.constant 128 : i32
      %mul3A_188 = arith.muli %add3A_186, %mul3A_187 : i32
      %dma_start3A_189 = tpu.memref_slice %arg8[%mul3A_188] : memref<1664xi32, #tpu.memory_space<vmem>> -> memref<128xi32, #tpu.memory_space<vmem>>
      %dma_start3A_190 = arith.constant 0 : i32
      %dma_start3A_191 = arith.constant 0 : i32
      %dma_start3A_192 = tpu.memref_slice %arg2[%dma_start3A_190, %dma_start3A_191] : memref<10000x128xf32, #tpu.memory_space<hbm>> -> memref<10000x128xf32, #tpu.memory_space<hbm>>
      tpu.enqueue_indirect_dma source(%dma_start3A_192 : memref<10000x128xf32, #tpu.memory_space<hbm>>) target(%arg11 : memref<128x128xf32, #tpu.memory_space<vmem>>) offsets(%dma_start3A_189 : memref<128xi32, #tpu.memory_space<vmem>>) semaphore(%arg14 : memref<!tpu.dma_semaphore, #tpu.memory_space<semaphore_mem>>)
      %dma_wait3A_193 = arith.constant 0 : i32
      %dma_wait3A_194 = tpu.memref_slice %arg8[%dma_wait3A_193] : memref<1664xi32, #tpu.memory_space<vmem>> -> memref<128xi32, #tpu.memory_space<vmem>>
      %dma_wait3A_195 = arith.constant 0 : i32
      %dma_wait3A_196 = arith.constant 0 : i32
      %dma_wait3A_197 = tpu.memref_slice %arg2[%dma_wait3A_195, %dma_wait3A_196] : memref<10000x128xf32, #tpu.memory_space<hbm>> -> memref<10000x128xf32, #tpu.memory_space<hbm>>
      tpu.wait_indirect_dma semaphore(%arg13 : memref<!tpu.dma_semaphore, #tpu.memory_space<semaphore_mem>>) src(%dma_wait3A_197 : memref<10000x128xf32, #tpu.memory_space<hbm>>) dst(%arg10 : memref<128x128xf32, #tpu.memory_space<vmem>>)
      %mul3A_198 = arith.constant 128 : i32
      %mul3A_199 = arith.muli %mul3A_184, %mul3A_198 : i32
      "tpu.region"() ({
        %run_scoped3A_230 = tpu.sem_alloc : memref<!tpu.dma_semaphore, #tpu.memory_space<semaphore_mem>>
        %dma_start3A_231 = tpu.memref_slice %arg9[%mul3A_199] : memref<1664xi32, #tpu.memory_space<vmem>> -> memref<128xi32, #tpu.memory_space<vmem>>
        %dma_start3A_232 = arith.constant 0 : i32
        %dma_start3A_233 = arith.constant 0 : i32
        %dma_start3A_234 = tpu.memref_slice %arg12[%dma_start3A_232, %dma_start3A_233] : memref<10000x128xf32, #tpu.memory_space<vmem_shared>> -> memref<10000x128xf32, #tpu.memory_space<vmem_shared>>
        tpu.enqueue_indirect_dma source(%arg10 : memref<128x128xf32, #tpu.memory_space<vmem>>) target(%dma_start3A_234 : memref<10000x128xf32, #tpu.memory_space<vmem_shared>>) offsets(%dma_start3A_231 : memref<128xi32, #tpu.memory_space<vmem>>) semaphore(%run_scoped3A_230 : memref<!tpu.dma_semaphore, #tpu.memory_space<semaphore_mem>>) {add = true}
        %dma_wait3A_235 = tpu.memref_slice %arg9[%mul3A_199] : memref<1664xi32, #tpu.memory_space<vmem>> -> memref<128xi32, #tpu.memory_space<vmem>>
        %dma_wait3A_236 = arith.constant 0 : i32
        %dma_wait3A_237 = arith.constant 0 : i32
        %dma_wait3A_238 = tpu.memref_slice %arg12[%dma_wait3A_236, %dma_wait3A_237] : memref<10000x128xf32, #tpu.memory_space<vmem_shared>> -> memref<10000x128xf32, #tpu.memory_space<vmem_shared>>
        tpu.wait_indirect_dma semaphore(%run_scoped3A_230 : memref<!tpu.dma_semaphore, #tpu.memory_space<semaphore_mem>>) src(%arg10 : memref<128x128xf32, #tpu.memory_space<vmem>>) dst(%dma_wait3A_238 : memref<10000x128xf32, #tpu.memory_space<vmem_shared>>)
        tpu.yield
      }) : () -> ()
      %mul3A_200 = arith.constant 128 : i32
      %mul3A_201 = arith.muli %mul3A_184, %mul3A_200 : i32
      %dma_start3A_202 = tpu.memref_slice %arg9[%mul3A_201] : memref<1664xi32, #tpu.memory_space<vmem>> -> memref<128xi32, #tpu.memory_space<vmem>>
      %dma_start3A_203 = arith.constant 0 : i32
      %dma_start3A_204 = arith.constant 0 : i32
      %dma_start3A_205 = tpu.memref_slice %arg16[%dma_start3A_203, %dma_start3A_204] : memref<10000x16xf32, #tpu.memory_space<vmem_shared>> -> memref<10000x16xf32, #tpu.memory_space<vmem_shared>>
      tpu.enqueue_indirect_dma source(%arg15 : memref<128x16xf32, #tpu.memory_space<vmem>>) target(%dma_start3A_205 : memref<10000x16xf32, #tpu.memory_space<vmem_shared>>) offsets(%dma_start3A_202 : memref<128xi32, #tpu.memory_space<vmem>>) semaphore(%arg17 : memref<!tpu.dma_semaphore, #tpu.memory_space<semaphore_mem>>) {add = true}
      %add3A_206 = arith.constant 2 : i32
      %add3A_207 = arith.addi %mul3A_184, %add3A_206 : i32
      %min3A = arith.constant 12 : i32
      %min3A_208 = arith.minsi %add3A_207, %min3A : i32
      %mul3A_209 = arith.constant 128 : i32
      %mul3A_210 = arith.muli %min3A_208, %mul3A_209 : i32
      %dma_start3A_211 = tpu.memref_slice %arg8[%mul3A_210] : memref<1664xi32, #tpu.memory_space<vmem>> -> memref<128xi32, #tpu.memory_space<vmem>>
      %dma_start3A_212 = arith.constant 0 : i32
      %dma_start3A_213 = arith.constant 0 : i32
      %dma_start3A_214 = tpu.memref_slice %arg2[%dma_start3A_212, %dma_start3A_213] : memref<10000x128xf32, #tpu.memory_space<hbm>> -> memref<10000x128xf32, #tpu.memory_space<hbm>>
      tpu.enqueue_indirect_dma source(%dma_start3A_214 : memref<10000x128xf32, #tpu.memory_space<hbm>>) target(%arg10 : memref<128x128xf32, #tpu.memory_space<vmem>>) offsets(%dma_start3A_211 : memref<128xi32, #tpu.memory_space<vmem>>) semaphore(%arg13 : memref<!tpu.dma_semaphore, #tpu.memory_space<semaphore_mem>>)
      %dma_wait3A_215 = arith.constant 0 : i32
      %dma_wait3A_216 = tpu.memref_slice %arg8[%dma_wait3A_215] : memref<1664xi32, #tpu.memory_space<vmem>> -> memref<128xi32, #tpu.memory_space<vmem>>
      %dma_wait3A_217 = arith.constant 0 : i32
      %dma_wait3A_218 = arith.constant 0 : i32
      %dma_wait3A_219 = tpu.memref_slice %arg2[%dma_wait3A_217, %dma_wait3A_218] : memref<10000x128xf32, #tpu.memory_space<hbm>> -> memref<10000x128xf32, #tpu.memory_space<hbm>>
      tpu.wait_indirect_dma semaphore(%arg14 : memref<!tpu.dma_semaphore, #tpu.memory_space<semaphore_mem>>) src(%dma_wait3A_219 : memref<10000x128xf32, #tpu.memory_space<hbm>>) dst(%arg11 : memref<128x128xf32, #tpu.memory_space<vmem>>)
      %add3A_220 = arith.constant 1 : i32
      %add3A_221 = arith.addi %mul3A_184, %add3A_220 : i32
      %mul3A_222 = arith.constant 128 : i32
      %mul3A_223 = arith.muli %add3A_221, %mul3A_222 : i32
      "tpu.region"() ({
        %run_scoped3A_230 = tpu.sem_alloc : memref<!tpu.dma_semaphore, #tpu.memory_space<semaphore_mem>>
        %dma_start3A_231 = tpu.memref_slice %arg9[%mul3A_223] : memref<1664xi32, #tpu.memory_space<vmem>> -> memref<128xi32, #tpu.memory_space<vmem>>
        %dma_start3A_232 = arith.constant 0 : i32
        %dma_start3A_233 = arith.constant 0 : i32
        %dma_start3A_234 = tpu.memref_slice %arg12[%dma_start3A_232, %dma_start3A_233] : memref<10000x128xf32, #tpu.memory_space<vmem_shared>> -> memref<10000x128xf32, #tpu.memory_space<vmem_shared>>
        tpu.enqueue_indirect_dma source(%arg11 : memref<128x128xf32, #tpu.memory_space<vmem>>) target(%dma_start3A_234 : memref<10000x128xf32, #tpu.memory_space<vmem_shared>>) offsets(%dma_start3A_231 : memref<128xi32, #tpu.memory_space<vmem>>) semaphore(%run_scoped3A_230 : memref<!tpu.dma_semaphore, #tpu.memory_space<semaphore_mem>>) {add = true}
        %dma_wait3A_235 = tpu.memref_slice %arg9[%mul3A_223] : memref<1664xi32, #tpu.memory_space<vmem>> -> memref<128xi32, #tpu.memory_space<vmem>>
        %dma_wait3A_236 = arith.constant 0 : i32
        %dma_wait3A_237 = arith.constant 0 : i32
        %dma_wait3A_238 = tpu.memref_slice %arg12[%dma_wait3A_236, %dma_wait3A_237] : memref<10000x128xf32, #tpu.memory_space<vmem_shared>> -> memref<10000x128xf32, #tpu.memory_space<vmem_shared>>
        tpu.wait_indirect_dma semaphore(%run_scoped3A_230 : memref<!tpu.dma_semaphore, #tpu.memory_space<semaphore_mem>>) src(%arg11 : memref<128x128xf32, #tpu.memory_space<vmem>>) dst(%dma_wait3A_238 : memref<10000x128xf32, #tpu.memory_space<vmem_shared>>)
        tpu.yield
      }) : () -> ()
      %mul3A_224 = arith.constant 128 : i32
      %mul3A_225 = arith.muli %add3A_221, %mul3A_224 : i32
      %dma_start3A_226 = tpu.memref_slice %arg9[%mul3A_225] : memref<1664xi32, #tpu.memory_space<vmem>> -> memref<128xi32, #tpu.memory_space<vmem>>
      %dma_start3A_227 = arith.constant 0 : i32
      %dma_start3A_228 = arith.constant 0 : i32
      %dma_start3A_229 = tpu.memref_slice %arg16[%dma_start3A_227, %dma_start3A_228] : memref<10000x16xf32, #tpu.memory_space<vmem_shared>> -> memref<10000x16xf32, #tpu.memory_space<vmem_shared>>
      tpu.enqueue_indirect_dma source(%arg15 : memref<128x16xf32, #tpu.memory_space<vmem>>) target(%dma_start3A_229 : memref<10000x16xf32, #tpu.memory_space<vmem_shared>>) offsets(%dma_start3A_226 : memref<128xi32, #tpu.memory_space<vmem>>) semaphore(%arg17 : memref<!tpu.dma_semaphore, #tpu.memory_space<semaphore_mem>>) {add = true}
    }
    %scan3A_48 = arith.constant 6 : i32
    %dma_wait3A_49 = arith.constant 0 : i32
    %dma_wait3A_50 = tpu.memref_slice %arg8[%dma_wait3A_49] : memref<1664xi32, #tpu.memory_space<vmem>> -> memref<128xi32, #tpu.memory_space<vmem>>
    %dma_wait3A_51 = arith.constant 0 : i32
    %dma_wait3A_52 = arith.constant 0 : i32
    %dma_wait3A_53 = tpu.memref_slice %arg2[%dma_wait3A_51, %dma_wait3A_52] : memref<10000x128xf32, #tpu.memory_space<hbm>> -> memref<10000x128xf32, #tpu.memory_space<hbm>>
    tpu.wait_indirect_dma semaphore(%arg13 : memref<!tpu.dma_semaphore, #tpu.memory_space<semaphore_mem>>) src(%dma_wait3A_53 : memref<10000x128xf32, #tpu.memory_space<hbm>>) dst(%arg10 : memref<128x128xf32, #tpu.memory_space<vmem>>)
    "tpu.region"() ({
      %run_scoped3A_182 = tpu.sem_alloc : memref<!tpu.dma_semaphore, #tpu.memory_space<semaphore_mem>>
      %dma_start3A_183 = arith.constant 1536 : i32
      %dma_start3A_184 = tpu.memref_slice %arg9[%dma_start3A_183] : memref<1664xi32, #tpu.memory_space<vmem>> -> memref<128xi32, #tpu.memory_space<vmem>>
      %dma_start3A_185 = arith.constant 0 : i32
      %dma_start3A_186 = arith.constant 0 : i32
      %dma_start3A_187 = tpu.memref_slice %arg12[%dma_start3A_185, %dma_start3A_186] : memref<10000x128xf32, #tpu.memory_space<vmem_shared>> -> memref<10000x128xf32, #tpu.memory_space<vmem_shared>>
      tpu.enqueue_indirect_dma source(%arg10 : memref<128x128xf32, #tpu.memory_space<vmem>>) target(%dma_start3A_187 : memref<10000x128xf32, #tpu.memory_space<vmem_shared>>) offsets(%dma_start3A_184 : memref<128xi32, #tpu.memory_space<vmem>>) semaphore(%run_scoped3A_182 : memref<!tpu.dma_semaphore, #tpu.memory_space<semaphore_mem>>) {add = true}
      %dma_wait3A_188 = arith.constant 1536 : i32
      %dma_wait3A_189 = tpu.memref_slice %arg9[%dma_wait3A_188] : memref<1664xi32, #tpu.memory_space<vmem>> -> memref<128xi32, #tpu.memory_space<vmem>>
      %dma_wait3A_190 = arith.constant 0 : i32
      %dma_wait3A_191 = arith.constant 0 : i32
      %dma_wait3A_192 = tpu.memref_slice %arg12[%dma_wait3A_190, %dma_wait3A_191] : memref<10000x128xf32, #tpu.memory_space<vmem_shared>> -> memref<10000x128xf32, #tpu.memory_space<vmem_shared>>
      tpu.wait_indirect_dma semaphore(%run_scoped3A_182 : memref<!tpu.dma_semaphore, #tpu.memory_space<semaphore_mem>>) src(%arg10 : memref<128x128xf32, #tpu.memory_space<vmem>>) dst(%dma_wait3A_192 : memref<10000x128xf32, #tpu.memory_space<vmem_shared>>)
      tpu.yield
    }) : () -> ()
    %dma_start3A_54 = arith.constant 1536 : i32
    %dma_start3A_55 = tpu.memref_slice %arg9[%dma_start3A_54] : memref<1664xi32, #tpu.memory_space<vmem>> -> memref<128xi32, #tpu.memory_space<vmem>>
    %dma_start3A_56 = arith.constant 0 : i32
    %dma_start3A_57 = arith.constant 0 : i32
    %dma_start3A_58 = tpu.memref_slice %arg16[%dma_start3A_56, %dma_start3A_57] : memref<10000x16xf32, #tpu.memory_space<vmem_shared>> -> memref<10000x16xf32, #tpu.memory_space<vmem_shared>>
    tpu.enqueue_indirect_dma source(%arg15 : memref<128x16xf32, #tpu.memory_space<vmem>>) target(%dma_start3A_58 : memref<10000x16xf32, #tpu.memory_space<vmem_shared>>) offsets(%dma_start3A_55 : memref<128xi32, #tpu.memory_space<vmem>>) semaphore(%arg17 : memref<!tpu.dma_semaphore, #tpu.memory_space<semaphore_mem>>) {add = true}
    %mul3A_59 = arith.constant 9984 : i32
    %mul3A_60 = arith.muli %add3A, %mul3A_59 : i32
    %add3A_61 = arith.constant 3328 : i32
    %add3A_62 = arith.addi %mul3A_60, %add3A_61 : i32
    %run_scoped3A_63 = arith.constant 0 : i32
    "tpu.region"() ({
      %run_scoped3A_182 = tpu.sem_alloc : memref<!tpu.dma_semaphore, #tpu.memory_space<semaphore_mem>>
      %dma_start3A_183 = tpu.memref_slice %arg3[%run_scoped3A_63, %add3A_62] : memref<2x320000xi32, #tpu.memory_space<hbm>> -> memref<1x1664xi32, #tpu.memory_space<hbm>>
      %dma_start3A_184 = tpu.memref_squeeze %dma_start3A_183 : memref<1x1664xi32, #tpu.memory_space<hbm>> -> memref<1664xi32, #tpu.memory_space<hbm>>
      %dma_start3A_185 = tpu.memref_slice %arg3[%run_scoped3A_63, %add3A_62] : memref<2x320000xi32, #tpu.memory_space<hbm>> -> memref<1x1664xi32, #tpu.memory_space<hbm>>
      %dma_start3A_186 = tpu.memref_squeeze %dma_start3A_185 : memref<1x1664xi32, #tpu.memory_space<hbm>> -> memref<1664xi32, #tpu.memory_space<hbm>>
      tpu.enqueue_dma source(%dma_start3A_186 : memref<1664xi32, #tpu.memory_space<hbm>>) target(%arg8 : memref<1664xi32, #tpu.memory_space<vmem>>) target_semaphore(%run_scoped3A_182 : memref<!tpu.dma_semaphore, #tpu.memory_space<semaphore_mem>>)
      %dma_wait3A_187 = tpu.memref_slice %arg3[%run_scoped3A_63, %add3A_62] : memref<2x320000xi32, #tpu.memory_space<hbm>> -> memref<1x1664xi32, #tpu.memory_space<hbm>>
      %dma_wait3A_188 = tpu.memref_squeeze %dma_wait3A_187 : memref<1x1664xi32, #tpu.memory_space<hbm>> -> memref<1664xi32, #tpu.memory_space<hbm>>
      %dma_wait3A_189 = tpu.memref_slice %arg3[%run_scoped3A_63, %add3A_62] : memref<2x320000xi32, #tpu.memory_space<hbm>> -> memref<1x1664xi32, #tpu.memory_space<hbm>>
      %dma_wait3A_190 = tpu.memref_squeeze %dma_wait3A_189 : memref<1x1664xi32, #tpu.memory_space<hbm>> -> memref<1664xi32, #tpu.memory_space<hbm>>
      tpu.wait_dma2 semaphore(%run_scoped3A_182 : memref<!tpu.dma_semaphore, #tpu.memory_space<semaphore_mem>>) src(%dma_wait3A_190 : memref<1664xi32, #tpu.memory_space<hbm>>) dst(%arg8 : memref<1664xi32, #tpu.memory_space<vmem>>)
      tpu.yield
    }) : () -> ()
    %run_scoped3A_64 = arith.constant 1 : i32
    "tpu.region"() ({
      %run_scoped3A_182 = tpu.sem_alloc : memref<!tpu.dma_semaphore, #tpu.memory_space<semaphore_mem>>
      %dma_start3A_183 = tpu.memref_slice %arg3[%run_scoped3A_64, %add3A_62] : memref<2x320000xi32, #tpu.memory_space<hbm>> -> memref<1x1664xi32, #tpu.memory_space<hbm>>
      %dma_start3A_184 = tpu.memref_squeeze %dma_start3A_183 : memref<1x1664xi32, #tpu.memory_space<hbm>> -> memref<1664xi32, #tpu.memory_space<hbm>>
      %dma_start3A_185 = tpu.memref_slice %arg3[%run_scoped3A_64, %add3A_62] : memref<2x320000xi32, #tpu.memory_space<hbm>> -> memref<1x1664xi32, #tpu.memory_space<hbm>>
      %dma_start3A_186 = tpu.memref_squeeze %dma_start3A_185 : memref<1x1664xi32, #tpu.memory_space<hbm>> -> memref<1664xi32, #tpu.memory_space<hbm>>
      tpu.enqueue_dma source(%dma_start3A_186 : memref<1664xi32, #tpu.memory_space<hbm>>) target(%arg9 : memref<1664xi32, #tpu.memory_space<vmem>>) target_semaphore(%run_scoped3A_182 : memref<!tpu.dma_semaphore, #tpu.memory_space<semaphore_mem>>)
      %dma_wait3A_187 = tpu.memref_slice %arg3[%run_scoped3A_64, %add3A_62] : memref<2x320000xi32, #tpu.memory_space<hbm>> -> memref<1x1664xi32, #tpu.memory_space<hbm>>
      %dma_wait3A_188 = tpu.memref_squeeze %dma_wait3A_187 : memref<1x1664xi32, #tpu.memory_space<hbm>> -> memref<1664xi32, #tpu.memory_space<hbm>>
      %dma_wait3A_189 = tpu.memref_slice %arg3[%run_scoped3A_64, %add3A_62] : memref<2x320000xi32, #tpu.memory_space<hbm>> -> memref<1x1664xi32, #tpu.memory_space<hbm>>
      %dma_wait3A_190 = tpu.memref_squeeze %dma_wait3A_189 : memref<1x1664xi32, #tpu.memory_space<hbm>> -> memref<1664xi32, #tpu.memory_space<hbm>>
      tpu.wait_dma2 semaphore(%run_scoped3A_182 : memref<!tpu.dma_semaphore, #tpu.memory_space<semaphore_mem>>) src(%dma_wait3A_190 : memref<1664xi32, #tpu.memory_space<hbm>>) dst(%arg9 : memref<1664xi32, #tpu.memory_space<vmem>>)
      tpu.yield
    }) : () -> ()
    %dma_start3A_65 = arith.constant 0 : i32
    %dma_start3A_66 = tpu.memref_slice %arg8[%dma_start3A_65] : memref<1664xi32, #tpu.memory_space<vmem>> -> memref<128xi32, #tpu.memory_space<vmem>>
    %dma_start3A_67 = arith.constant 0 : i32
    %dma_start3A_68 = arith.constant 0 : i32
    %dma_start3A_69 = tpu.memref_slice %arg2[%dma_start3A_67, %dma_start3A_68] : memref<10000x128xf32, #tpu.memory_space<hbm>> -> memref<10000x128xf32, #tpu.memory_space<hbm>>
    tpu.enqueue_indirect_dma source(%dma_start3A_69 : memref<10000x128xf32, #tpu.memory_space<hbm>>) target(%arg10 : memref<128x128xf32, #tpu.memory_space<vmem>>) offsets(%dma_start3A_66 : memref<128xi32, #tpu.memory_space<vmem>>) semaphore(%arg13 : memref<!tpu.dma_semaphore, #tpu.memory_space<semaphore_mem>>)
    %scan3A_70 = arith.constant 0 : i32
    %scan3A_71 = arith.constant 0 : i32
    %scan3A_72 = arith.constant 6 : i32
    %scan3A_73 = arith.addi %scan3A_71, %scan3A_72 : i32
    %scan3A_74 = arith.constant 1 : i32
    scf.for %scan3A_182 = %scan3A_71 to %scan3A_73 step %scan3A_74  : i32 {
      %mul3A_183 = arith.constant 2 : i32
      %mul3A_184 = arith.muli %mul3A_183, %scan3A_182 : i32
      %add3A_185 = arith.constant 1 : i32
      %add3A_186 = arith.addi %mul3A_184, %add3A_185 : i32
      %mul3A_187 = arith.constant 128 : i32
      %mul3A_188 = arith.muli %add3A_186, %mul3A_187 : i32
      %dma_start3A_189 = tpu.memref_slice %arg8[%mul3A_188] : memref<1664xi32, #tpu.memory_space<vmem>> -> memref<128xi32, #tpu.memory_space<vmem>>
      %dma_start3A_190 = arith.constant 0 : i32
      %dma_start3A_191 = arith.constant 0 : i32
      %dma_start3A_192 = tpu.memref_slice %arg2[%dma_start3A_190, %dma_start3A_191] : memref<10000x128xf32, #tpu.memory_space<hbm>> -> memref<10000x128xf32, #tpu.memory_space<hbm>>
      tpu.enqueue_indirect_dma source(%dma_start3A_192 : memref<10000x128xf32, #tpu.memory_space<hbm>>) target(%arg11 : memref<128x128xf32, #tpu.memory_space<vmem>>) offsets(%dma_start3A_189 : memref<128xi32, #tpu.memory_space<vmem>>) semaphore(%arg14 : memref<!tpu.dma_semaphore, #tpu.memory_space<semaphore_mem>>)
      %dma_wait3A_193 = arith.constant 0 : i32
      %dma_wait3A_194 = tpu.memref_slice %arg8[%dma_wait3A_193] : memref<1664xi32, #tpu.memory_space<vmem>> -> memref<128xi32, #tpu.memory_space<vmem>>
      %dma_wait3A_195 = arith.constant 0 : i32
      %dma_wait3A_196 = arith.constant 0 : i32
      %dma_wait3A_197 = tpu.memref_slice %arg2[%dma_wait3A_195, %dma_wait3A_196] : memref<10000x128xf32, #tpu.memory_space<hbm>> -> memref<10000x128xf32, #tpu.memory_space<hbm>>
      tpu.wait_indirect_dma semaphore(%arg13 : memref<!tpu.dma_semaphore, #tpu.memory_space<semaphore_mem>>) src(%dma_wait3A_197 : memref<10000x128xf32, #tpu.memory_space<hbm>>) dst(%arg10 : memref<128x128xf32, #tpu.memory_space<vmem>>)
      %mul3A_198 = arith.constant 128 : i32
      %mul3A_199 = arith.muli %mul3A_184, %mul3A_198 : i32
      "tpu.region"() ({
        %run_scoped3A_230 = tpu.sem_alloc : memref<!tpu.dma_semaphore, #tpu.memory_space<semaphore_mem>>
        %dma_start3A_231 = tpu.memref_slice %arg9[%mul3A_199] : memref<1664xi32, #tpu.memory_space<vmem>> -> memref<128xi32, #tpu.memory_space<vmem>>
        %dma_start3A_232 = arith.constant 0 : i32
        %dma_start3A_233 = arith.constant 0 : i32
        %dma_start3A_234 = tpu.memref_slice %arg12[%dma_start3A_232, %dma_start3A_233] : memref<10000x128xf32, #tpu.memory_space<vmem_shared>> -> memref<10000x128xf32, #tpu.memory_space<vmem_shared>>
        tpu.enqueue_indirect_dma source(%arg10 : memref<128x128xf32, #tpu.memory_space<vmem>>) target(%dma_start3A_234 : memref<10000x128xf32, #tpu.memory_space<vmem_shared>>) offsets(%dma_start3A_231 : memref<128xi32, #tpu.memory_space<vmem>>) semaphore(%run_scoped3A_230 : memref<!tpu.dma_semaphore, #tpu.memory_space<semaphore_mem>>) {add = true}
        %dma_wait3A_235 = tpu.memref_slice %arg9[%mul3A_199] : memref<1664xi32, #tpu.memory_space<vmem>> -> memref<128xi32, #tpu.memory_space<vmem>>
        %dma_wait3A_236 = arith.constant 0 : i32
        %dma_wait3A_237 = arith.constant 0 : i32
        %dma_wait3A_238 = tpu.memref_slice %arg12[%dma_wait3A_236, %dma_wait3A_237] : memref<10000x128xf32, #tpu.memory_space<vmem_shared>> -> memref<10000x128xf32, #tpu.memory_space<vmem_shared>>
        tpu.wait_indirect_dma semaphore(%run_scoped3A_230 : memref<!tpu.dma_semaphore, #tpu.memory_space<semaphore_mem>>) src(%arg10 : memref<128x128xf32, #tpu.memory_space<vmem>>) dst(%dma_wait3A_238 : memref<10000x128xf32, #tpu.memory_space<vmem_shared>>)
        tpu.yield
      }) : () -> ()
      %mul3A_200 = arith.constant 128 : i32
      %mul3A_201 = arith.muli %mul3A_184, %mul3A_200 : i32
      %dma_start3A_202 = tpu.memref_slice %arg9[%mul3A_201] : memref<1664xi32, #tpu.memory_space<vmem>> -> memref<128xi32, #tpu.memory_space<vmem>>
      %dma_start3A_203 = arith.constant 0 : i32
      %dma_start3A_204 = arith.constant 0 : i32
      %dma_start3A_205 = tpu.memref_slice %arg16[%dma_start3A_203, %dma_start3A_204] : memref<10000x16xf32, #tpu.memory_space<vmem_shared>> -> memref<10000x16xf32, #tpu.memory_space<vmem_shared>>
      tpu.enqueue_indirect_dma source(%arg15 : memref<128x16xf32, #tpu.memory_space<vmem>>) target(%dma_start3A_205 : memref<10000x16xf32, #tpu.memory_space<vmem_shared>>) offsets(%dma_start3A_202 : memref<128xi32, #tpu.memory_space<vmem>>) semaphore(%arg17 : memref<!tpu.dma_semaphore, #tpu.memory_space<semaphore_mem>>) {add = true}
      %add3A_206 = arith.constant 2 : i32
      %add3A_207 = arith.addi %mul3A_184, %add3A_206 : i32
      %min3A = arith.constant 12 : i32
      %min3A_208 = arith.minsi %add3A_207, %min3A : i32
      %mul3A_209 = arith.constant 128 : i32
      %mul3A_210 = arith.muli %min3A_208, %mul3A_209 : i32
      %dma_start3A_211 = tpu.memref_slice %arg8[%mul3A_210] : memref<1664xi32, #tpu.memory_space<vmem>> -> memref<128xi32, #tpu.memory_space<vmem>>
      %dma_start3A_212 = arith.constant 0 : i32
      %dma_start3A_213 = arith.constant 0 : i32
      %dma_start3A_214 = tpu.memref_slice %arg2[%dma_start3A_212, %dma_start3A_213] : memref<10000x128xf32, #tpu.memory_space<hbm>> -> memref<10000x128xf32, #tpu.memory_space<hbm>>
      tpu.enqueue_indirect_dma source(%dma_start3A_214 : memref<10000x128xf32, #tpu.memory_space<hbm>>) target(%arg10 : memref<128x128xf32, #tpu.memory_space<vmem>>) offsets(%dma_start3A_211 : memref<128xi32, #tpu.memory_space<vmem>>) semaphore(%arg13 : memref<!tpu.dma_semaphore, #tpu.memory_space<semaphore_mem>>)
      %dma_wait3A_215 = arith.constant 0 : i32
      %dma_wait3A_216 = tpu.memref_slice %arg8[%dma_wait3A_215] : memref<1664xi32, #tpu.memory_space<vmem>> -> memref<128xi32, #tpu.memory_space<vmem>>
      %dma_wait3A_217 = arith.constant 0 : i32
      %dma_wait3A_218 = arith.constant 0 : i32
      %dma_wait3A_219 = tpu.memref_slice %arg2[%dma_wait3A_217, %dma_wait3A_218] : memref<10000x128xf32, #tpu.memory_space<hbm>> -> memref<10000x128xf32, #tpu.memory_space<hbm>>
      tpu.wait_indirect_dma semaphore(%arg14 : memref<!tpu.dma_semaphore, #tpu.memory_space<semaphore_mem>>) src(%dma_wait3A_219 : memref<10000x128xf32, #tpu.memory_space<hbm>>) dst(%arg11 : memref<128x128xf32, #tpu.memory_space<vmem>>)
      %add3A_220 = arith.constant 1 : i32
      %add3A_221 = arith.addi %mul3A_184, %add3A_220 : i32
      %mul3A_222 = arith.constant 128 : i32
      %mul3A_223 = arith.muli %add3A_221, %mul3A_222 : i32
      "tpu.region"() ({
        %run_scoped3A_230 = tpu.sem_alloc : memref<!tpu.dma_semaphore, #tpu.memory_space<semaphore_mem>>
        %dma_start3A_231 = tpu.memref_slice %arg9[%mul3A_223] : memref<1664xi32, #tpu.memory_space<vmem>> -> memref<128xi32, #tpu.memory_space<vmem>>
        %dma_start3A_232 = arith.constant 0 : i32
        %dma_start3A_233 = arith.constant 0 : i32
        %dma_start3A_234 = tpu.memref_slice %arg12[%dma_start3A_232, %dma_start3A_233] : memref<10000x128xf32, #tpu.memory_space<vmem_shared>> -> memref<10000x128xf32, #tpu.memory_space<vmem_shared>>
        tpu.enqueue_indirect_dma source(%arg11 : memref<128x128xf32, #tpu.memory_space<vmem>>) target(%dma_start3A_234 : memref<10000x128xf32, #tpu.memory_space<vmem_shared>>) offsets(%dma_start3A_231 : memref<128xi32, #tpu.memory_space<vmem>>) semaphore(%run_scoped3A_230 : memref<!tpu.dma_semaphore, #tpu.memory_space<semaphore_mem>>) {add = true}
        %dma_wait3A_235 = tpu.memref_slice %arg9[%mul3A_223] : memref<1664xi32, #tpu.memory_space<vmem>> -> memref<128xi32, #tpu.memory_space<vmem>>
        %dma_wait3A_236 = arith.constant 0 : i32
        %dma_wait3A_237 = arith.constant 0 : i32
        %dma_wait3A_238 = tpu.memref_slice %arg12[%dma_wait3A_236, %dma_wait3A_237] : memref<10000x128xf32, #tpu.memory_space<vmem_shared>> -> memref<10000x128xf32, #tpu.memory_space<vmem_shared>>
        tpu.wait_indirect_dma semaphore(%run_scoped3A_230 : memref<!tpu.dma_semaphore, #tpu.memory_space<semaphore_mem>>) src(%arg11 : memref<128x128xf32, #tpu.memory_space<vmem>>) dst(%dma_wait3A_238 : memref<10000x128xf32, #tpu.memory_space<vmem_shared>>)
        tpu.yield
      }) : () -> ()
      %mul3A_224 = arith.constant 128 : i32
      %mul3A_225 = arith.muli %add3A_221, %mul3A_224 : i32
      %dma_start3A_226 = tpu.memref_slice %arg9[%mul3A_225] : memref<1664xi32, #tpu.memory_space<vmem>> -> memref<128xi32, #tpu.memory_space<vmem>>
      %dma_start3A_227 = arith.constant 0 : i32
      %dma_start3A_228 = arith.constant 0 : i32
      %dma_start3A_229 = tpu.memref_slice %arg16[%dma_start3A_227, %dma_start3A_228] : memref<10000x16xf32, #tpu.memory_space<vmem_shared>> -> memref<10000x16xf32, #tpu.memory_space<vmem_shared>>
      tpu.enqueue_indirect_dma source(%arg15 : memref<128x16xf32, #tpu.memory_space<vmem>>) target(%dma_start3A_229 : memref<10000x16xf32, #tpu.memory_space<vmem_shared>>) offsets(%dma_start3A_226 : memref<128xi32, #tpu.memory_space<vmem>>) semaphore(%arg17 : memref<!tpu.dma_semaphore, #tpu.memory_space<semaphore_mem>>) {add = true}
    }
    %scan3A_75 = arith.constant 6 : i32
    %dma_wait3A_76 = arith.constant 0 : i32
    %dma_wait3A_77 = tpu.memref_slice %arg8[%dma_wait3A_76] : memref<1664xi32, #tpu.memory_space<vmem>> -> memref<128xi32, #tpu.memory_space<vmem>>
    %dma_wait3A_78 = arith.constant 0 : i32
    %dma_wait3A_79 = arith.constant 0 : i32
    %dma_wait3A_80 = tpu.memref_slice %arg2[%dma_wait3A_78, %dma_wait3A_79] : memref<10000x128xf32, #tpu.memory_space<hbm>> -> memref<10000x128xf32, #tpu.memory_space<hbm>>
    tpu.wait_indirect_dma semaphore(%arg13 : memref<!tpu.dma_semaphore, #tpu.memory_space<semaphore_mem>>) src(%dma_wait3A_80 : memref<10000x128xf32, #tpu.memory_space<hbm>>) dst(%arg10 : memref<128x128xf32, #tpu.memory_space<vmem>>)
    "tpu.region"() ({
      %run_scoped3A_182 = tpu.sem_alloc : memref<!tpu.dma_semaphore, #tpu.memory_space<semaphore_mem>>
      %dma_start3A_183 = arith.constant 1536 : i32
      %dma_start3A_184 = tpu.memref_slice %arg9[%dma_start3A_183] : memref<1664xi32, #tpu.memory_space<vmem>> -> memref<128xi32, #tpu.memory_space<vmem>>
      %dma_start3A_185 = arith.constant 0 : i32
      %dma_start3A_186 = arith.constant 0 : i32
      %dma_start3A_187 = tpu.memref_slice %arg12[%dma_start3A_185, %dma_start3A_186] : memref<10000x128xf32, #tpu.memory_space<vmem_shared>> -> memref<10000x128xf32, #tpu.memory_space<vmem_shared>>
      tpu.enqueue_indirect_dma source(%arg10 : memref<128x128xf32, #tpu.memory_space<vmem>>) target(%dma_start3A_187 : memref<10000x128xf32, #tpu.memory_space<vmem_shared>>) offsets(%dma_start3A_184 : memref<128xi32, #tpu.memory_space<vmem>>) semaphore(%run_scoped3A_182 : memref<!tpu.dma_semaphore, #tpu.memory_space<semaphore_mem>>) {add = true}
      %dma_wait3A_188 = arith.constant 1536 : i32
      %dma_wait3A_189 = tpu.memref_slice %arg9[%dma_wait3A_188] : memref<1664xi32, #tpu.memory_space<vmem>> -> memref<128xi32, #tpu.memory_space<vmem>>
      %dma_wait3A_190 = arith.constant 0 : i32
      %dma_wait3A_191 = arith.constant 0 : i32
      %dma_wait3A_192 = tpu.memref_slice %arg12[%dma_wait3A_190, %dma_wait3A_191] : memref<10000x128xf32, #tpu.memory_space<vmem_shared>> -> memref<10000x128xf32, #tpu.memory_space<vmem_shared>>
      tpu.wait_indirect_dma semaphore(%run_scoped3A_182 : memref<!tpu.dma_semaphore, #tpu.memory_space<semaphore_mem>>) src(%arg10 : memref<128x128xf32, #tpu.memory_space<vmem>>) dst(%dma_wait3A_192 : memref<10000x128xf32, #tpu.memory_space<vmem_shared>>)
      tpu.yield
    }) : () -> ()
    %dma_start3A_81 = arith.constant 1536 : i32
    %dma_start3A_82 = tpu.memref_slice %arg9[%dma_start3A_81] : memref<1664xi32, #tpu.memory_space<vmem>> -> memref<128xi32, #tpu.memory_space<vmem>>
    %dma_start3A_83 = arith.constant 0 : i32
    %dma_start3A_84 = arith.constant 0 : i32
    %dma_start3A_85 = tpu.memref_slice %arg16[%dma_start3A_83, %dma_start3A_84] : memref<10000x16xf32, #tpu.memory_space<vmem_shared>> -> memref<10000x16xf32, #tpu.memory_space<vmem_shared>>
    tpu.enqueue_indirect_dma source(%arg15 : memref<128x16xf32, #tpu.memory_space<vmem>>) target(%dma_start3A_85 : memref<10000x16xf32, #tpu.memory_space<vmem_shared>>) offsets(%dma_start3A_82 : memref<128xi32, #tpu.memory_space<vmem>>) semaphore(%arg17 : memref<!tpu.dma_semaphore, #tpu.memory_space<semaphore_mem>>) {add = true}
    %mul3A_86 = arith.constant 9984 : i32
    %mul3A_87 = arith.muli %add3A, %mul3A_86 : i32
    %add3A_88 = arith.constant 4992 : i32
    %add3A_89 = arith.addi %mul3A_87, %add3A_88 : i32
    %run_scoped3A_90 = arith.constant 0 : i32
    "tpu.region"() ({
      %run_scoped3A_182 = tpu.sem_alloc : memref<!tpu.dma_semaphore, #tpu.memory_space<semaphore_mem>>
      %dma_start3A_183 = tpu.memref_slice %arg3[%run_scoped3A_90, %add3A_89] : memref<2x320000xi32, #tpu.memory_space<hbm>> -> memref<1x1664xi32, #tpu.memory_space<hbm>>
      %dma_start3A_184 = tpu.memref_squeeze %dma_start3A_183 : memref<1x1664xi32, #tpu.memory_space<hbm>> -> memref<1664xi32, #tpu.memory_space<hbm>>
      %dma_start3A_185 = tpu.memref_slice %arg3[%run_scoped3A_90, %add3A_89] : memref<2x320000xi32, #tpu.memory_space<hbm>> -> memref<1x1664xi32, #tpu.memory_space<hbm>>
      %dma_start3A_186 = tpu.memref_squeeze %dma_start3A_185 : memref<1x1664xi32, #tpu.memory_space<hbm>> -> memref<1664xi32, #tpu.memory_space<hbm>>
      tpu.enqueue_dma source(%dma_start3A_186 : memref<1664xi32, #tpu.memory_space<hbm>>) target(%arg8 : memref<1664xi32, #tpu.memory_space<vmem>>) target_semaphore(%run_scoped3A_182 : memref<!tpu.dma_semaphore, #tpu.memory_space<semaphore_mem>>)
      %dma_wait3A_187 = tpu.memref_slice %arg3[%run_scoped3A_90, %add3A_89] : memref<2x320000xi32, #tpu.memory_space<hbm>> -> memref<1x1664xi32, #tpu.memory_space<hbm>>
      %dma_wait3A_188 = tpu.memref_squeeze %dma_wait3A_187 : memref<1x1664xi32, #tpu.memory_space<hbm>> -> memref<1664xi32, #tpu.memory_space<hbm>>
      %dma_wait3A_189 = tpu.memref_slice %arg3[%run_scoped3A_90, %add3A_89] : memref<2x320000xi32, #tpu.memory_space<hbm>> -> memref<1x1664xi32, #tpu.memory_space<hbm>>
      %dma_wait3A_190 = tpu.memref_squeeze %dma_wait3A_189 : memref<1x1664xi32, #tpu.memory_space<hbm>> -> memref<1664xi32, #tpu.memory_space<hbm>>
      tpu.wait_dma2 semaphore(%run_scoped3A_182 : memref<!tpu.dma_semaphore, #tpu.memory_space<semaphore_mem>>) src(%dma_wait3A_190 : memref<1664xi32, #tpu.memory_space<hbm>>) dst(%arg8 : memref<1664xi32, #tpu.memory_space<vmem>>)
      tpu.yield
    }) : () -> ()
    %run_scoped3A_91 = arith.constant 1 : i32
    "tpu.region"() ({
      %run_scoped3A_182 = tpu.sem_alloc : memref<!tpu.dma_semaphore, #tpu.memory_space<semaphore_mem>>
      %dma_start3A_183 = tpu.memref_slice %arg3[%run_scoped3A_91, %add3A_89] : memref<2x320000xi32, #tpu.memory_space<hbm>> -> memref<1x1664xi32, #tpu.memory_space<hbm>>
      %dma_start3A_184 = tpu.memref_squeeze %dma_start3A_183 : memref<1x1664xi32, #tpu.memory_space<hbm>> -> memref<1664xi32, #tpu.memory_space<hbm>>
      %dma_start3A_185 = tpu.memref_slice %arg3[%run_scoped3A_91, %add3A_89] : memref<2x320000xi32, #tpu.memory_space<hbm>> -> memref<1x1664xi32, #tpu.memory_space<hbm>>
      %dma_start3A_186 = tpu.memref_squeeze %dma_start3A_185 : memref<1x1664xi32, #tpu.memory_space<hbm>> -> memref<1664xi32, #tpu.memory_space<hbm>>
      tpu.enqueue_dma source(%dma_start3A_186 : memref<1664xi32, #tpu.memory_space<hbm>>) target(%arg9 : memref<1664xi32, #tpu.memory_space<vmem>>) target_semaphore(%run_scoped3A_182 : memref<!tpu.dma_semaphore, #tpu.memory_space<semaphore_mem>>)
      %dma_wait3A_187 = tpu.memref_slice %arg3[%run_scoped3A_91, %add3A_89] : memref<2x320000xi32, #tpu.memory_space<hbm>> -> memref<1x1664xi32, #tpu.memory_space<hbm>>
      %dma_wait3A_188 = tpu.memref_squeeze %dma_wait3A_187 : memref<1x1664xi32, #tpu.memory_space<hbm>> -> memref<1664xi32, #tpu.memory_space<hbm>>
      %dma_wait3A_189 = tpu.memref_slice %arg3[%run_scoped3A_91, %add3A_89] : memref<2x320000xi32, #tpu.memory_space<hbm>> -> memref<1x1664xi32, #tpu.memory_space<hbm>>
      %dma_wait3A_190 = tpu.memref_squeeze %dma_wait3A_189 : memref<1x1664xi32, #tpu.memory_space<hbm>> -> memref<1664xi32, #tpu.memory_space<hbm>>
      tpu.wait_dma2 semaphore(%run_scoped3A_182 : memref<!tpu.dma_semaphore, #tpu.memory_space<semaphore_mem>>) src(%dma_wait3A_190 : memref<1664xi32, #tpu.memory_space<hbm>>) dst(%arg9 : memref<1664xi32, #tpu.memory_space<vmem>>)
      tpu.yield
    }) : () -> ()
    %dma_start3A_92 = arith.constant 0 : i32
    %dma_start3A_93 = tpu.memref_slice %arg8[%dma_start3A_92] : memref<1664xi32, #tpu.memory_space<vmem>> -> memref<128xi32, #tpu.memory_space<vmem>>
    %dma_start3A_94 = arith.constant 0 : i32
    %dma_start3A_95 = arith.constant 0 : i32
    %dma_start3A_96 = tpu.memref_slice %arg2[%dma_start3A_94, %dma_start3A_95] : memref<10000x128xf32, #tpu.memory_space<hbm>> -> memref<10000x128xf32, #tpu.memory_space<hbm>>
    tpu.enqueue_indirect_dma source(%dma_start3A_96 : memref<10000x128xf32, #tpu.memory_space<hbm>>) target(%arg10 : memref<128x128xf32, #tpu.memory_space<vmem>>) offsets(%dma_start3A_93 : memref<128xi32, #tpu.memory_space<vmem>>) semaphore(%arg13 : memref<!tpu.dma_semaphore, #tpu.memory_space<semaphore_mem>>)
    %scan3A_97 = arith.constant 0 : i32
    %scan3A_98 = arith.constant 0 : i32
    %scan3A_99 = arith.constant 6 : i32
    %scan3A_100 = arith.addi %scan3A_98, %scan3A_99 : i32
    %scan3A_101 = arith.constant 1 : i32
    scf.for %scan3A_182 = %scan3A_98 to %scan3A_100 step %scan3A_101  : i32 {
      %mul3A_183 = arith.constant 2 : i32
      %mul3A_184 = arith.muli %mul3A_183, %scan3A_182 : i32
      %add3A_185 = arith.constant 1 : i32
      %add3A_186 = arith.addi %mul3A_184, %add3A_185 : i32
      %mul3A_187 = arith.constant 128 : i32
      %mul3A_188 = arith.muli %add3A_186, %mul3A_187 : i32
      %dma_start3A_189 = tpu.memref_slice %arg8[%mul3A_188] : memref<1664xi32, #tpu.memory_space<vmem>> -> memref<128xi32, #tpu.memory_space<vmem>>
      %dma_start3A_190 = arith.constant 0 : i32
      %dma_start3A_191 = arith.constant 0 : i32
      %dma_start3A_192 = tpu.memref_slice %arg2[%dma_start3A_190, %dma_start3A_191] : memref<10000x128xf32, #tpu.memory_space<hbm>> -> memref<10000x128xf32, #tpu.memory_space<hbm>>
      tpu.enqueue_indirect_dma source(%dma_start3A_192 : memref<10000x128xf32, #tpu.memory_space<hbm>>) target(%arg11 : memref<128x128xf32, #tpu.memory_space<vmem>>) offsets(%dma_start3A_189 : memref<128xi32, #tpu.memory_space<vmem>>) semaphore(%arg14 : memref<!tpu.dma_semaphore, #tpu.memory_space<semaphore_mem>>)
      %dma_wait3A_193 = arith.constant 0 : i32
      %dma_wait3A_194 = tpu.memref_slice %arg8[%dma_wait3A_193] : memref<1664xi32, #tpu.memory_space<vmem>> -> memref<128xi32, #tpu.memory_space<vmem>>
      %dma_wait3A_195 = arith.constant 0 : i32
      %dma_wait3A_196 = arith.constant 0 : i32
      %dma_wait3A_197 = tpu.memref_slice %arg2[%dma_wait3A_195, %dma_wait3A_196] : memref<10000x128xf32, #tpu.memory_space<hbm>> -> memref<10000x128xf32, #tpu.memory_space<hbm>>
      tpu.wait_indirect_dma semaphore(%arg13 : memref<!tpu.dma_semaphore, #tpu.memory_space<semaphore_mem>>) src(%dma_wait3A_197 : memref<10000x128xf32, #tpu.memory_space<hbm>>) dst(%arg10 : memref<128x128xf32, #tpu.memory_space<vmem>>)
      %mul3A_198 = arith.constant 128 : i32
      %mul3A_199 = arith.muli %mul3A_184, %mul3A_198 : i32
      "tpu.region"() ({
        %run_scoped3A_230 = tpu.sem_alloc : memref<!tpu.dma_semaphore, #tpu.memory_space<semaphore_mem>>
        %dma_start3A_231 = tpu.memref_slice %arg9[%mul3A_199] : memref<1664xi32, #tpu.memory_space<vmem>> -> memref<128xi32, #tpu.memory_space<vmem>>
        %dma_start3A_232 = arith.constant 0 : i32
        %dma_start3A_233 = arith.constant 0 : i32
        %dma_start3A_234 = tpu.memref_slice %arg12[%dma_start3A_232, %dma_start3A_233] : memref<10000x128xf32, #tpu.memory_space<vmem_shared>> -> memref<10000x128xf32, #tpu.memory_space<vmem_shared>>
        tpu.enqueue_indirect_dma source(%arg10 : memref<128x128xf32, #tpu.memory_space<vmem>>) target(%dma_start3A_234 : memref<10000x128xf32, #tpu.memory_space<vmem_shared>>) offsets(%dma_start3A_231 : memref<128xi32, #tpu.memory_space<vmem>>) semaphore(%run_scoped3A_230 : memref<!tpu.dma_semaphore, #tpu.memory_space<semaphore_mem>>) {add = true}
        %dma_wait3A_235 = tpu.memref_slice %arg9[%mul3A_199] : memref<1664xi32, #tpu.memory_space<vmem>> -> memref<128xi32, #tpu.memory_space<vmem>>
        %dma_wait3A_236 = arith.constant 0 : i32
        %dma_wait3A_237 = arith.constant 0 : i32
        %dma_wait3A_238 = tpu.memref_slice %arg12[%dma_wait3A_236, %dma_wait3A_237] : memref<10000x128xf32, #tpu.memory_space<vmem_shared>> -> memref<10000x128xf32, #tpu.memory_space<vmem_shared>>
        tpu.wait_indirect_dma semaphore(%run_scoped3A_230 : memref<!tpu.dma_semaphore, #tpu.memory_space<semaphore_mem>>) src(%arg10 : memref<128x128xf32, #tpu.memory_space<vmem>>) dst(%dma_wait3A_238 : memref<10000x128xf32, #tpu.memory_space<vmem_shared>>)
        tpu.yield
      }) : () -> ()
      %mul3A_200 = arith.constant 128 : i32
      %mul3A_201 = arith.muli %mul3A_184, %mul3A_200 : i32
      %dma_start3A_202 = tpu.memref_slice %arg9[%mul3A_201] : memref<1664xi32, #tpu.memory_space<vmem>> -> memref<128xi32, #tpu.memory_space<vmem>>
      %dma_start3A_203 = arith.constant 0 : i32
      %dma_start3A_204 = arith.constant 0 : i32
      %dma_start3A_205 = tpu.memref_slice %arg16[%dma_start3A_203, %dma_start3A_204] : memref<10000x16xf32, #tpu.memory_space<vmem_shared>> -> memref<10000x16xf32, #tpu.memory_space<vmem_shared>>
      tpu.enqueue_indirect_dma source(%arg15 : memref<128x16xf32, #tpu.memory_space<vmem>>) target(%dma_start3A_205 : memref<10000x16xf32, #tpu.memory_space<vmem_shared>>) offsets(%dma_start3A_202 : memref<128xi32, #tpu.memory_space<vmem>>) semaphore(%arg17 : memref<!tpu.dma_semaphore, #tpu.memory_space<semaphore_mem>>) {add = true}
      %add3A_206 = arith.constant 2 : i32
      %add3A_207 = arith.addi %mul3A_184, %add3A_206 : i32
      %min3A = arith.constant 12 : i32
      %min3A_208 = arith.minsi %add3A_207, %min3A : i32
      %mul3A_209 = arith.constant 128 : i32
      %mul3A_210 = arith.muli %min3A_208, %mul3A_209 : i32
      %dma_start3A_211 = tpu.memref_slice %arg8[%mul3A_210] : memref<1664xi32, #tpu.memory_space<vmem>> -> memref<128xi32, #tpu.memory_space<vmem>>
      %dma_start3A_212 = arith.constant 0 : i32
      %dma_start3A_213 = arith.constant 0 : i32
      %dma_start3A_214 = tpu.memref_slice %arg2[%dma_start3A_212, %dma_start3A_213] : memref<10000x128xf32, #tpu.memory_space<hbm>> -> memref<10000x128xf32, #tpu.memory_space<hbm>>
      tpu.enqueue_indirect_dma source(%dma_start3A_214 : memref<10000x128xf32, #tpu.memory_space<hbm>>) target(%arg10 : memref<128x128xf32, #tpu.memory_space<vmem>>) offsets(%dma_start3A_211 : memref<128xi32, #tpu.memory_space<vmem>>) semaphore(%arg13 : memref<!tpu.dma_semaphore, #tpu.memory_space<semaphore_mem>>)
      %dma_wait3A_215 = arith.constant 0 : i32
      %dma_wait3A_216 = tpu.memref_slice %arg8[%dma_wait3A_215] : memref<1664xi32, #tpu.memory_space<vmem>> -> memref<128xi32, #tpu.memory_space<vmem>>
      %dma_wait3A_217 = arith.constant 0 : i32
      %dma_wait3A_218 = arith.constant 0 : i32
      %dma_wait3A_219 = tpu.memref_slice %arg2[%dma_wait3A_217, %dma_wait3A_218] : memref<10000x128xf32, #tpu.memory_space<hbm>> -> memref<10000x128xf32, #tpu.memory_space<hbm>>
      tpu.wait_indirect_dma semaphore(%arg14 : memref<!tpu.dma_semaphore, #tpu.memory_space<semaphore_mem>>) src(%dma_wait3A_219 : memref<10000x128xf32, #tpu.memory_space<hbm>>) dst(%arg11 : memref<128x128xf32, #tpu.memory_space<vmem>>)
      %add3A_220 = arith.constant 1 : i32
      %add3A_221 = arith.addi %mul3A_184, %add3A_220 : i32
      %mul3A_222 = arith.constant 128 : i32
      %mul3A_223 = arith.muli %add3A_221, %mul3A_222 : i32
      "tpu.region"() ({
        %run_scoped3A_230 = tpu.sem_alloc : memref<!tpu.dma_semaphore, #tpu.memory_space<semaphore_mem>>
        %dma_start3A_231 = tpu.memref_slice %arg9[%mul3A_223] : memref<1664xi32, #tpu.memory_space<vmem>> -> memref<128xi32, #tpu.memory_space<vmem>>
        %dma_start3A_232 = arith.constant 0 : i32
        %dma_start3A_233 = arith.constant 0 : i32
        %dma_start3A_234 = tpu.memref_slice %arg12[%dma_start3A_232, %dma_start3A_233] : memref<10000x128xf32, #tpu.memory_space<vmem_shared>> -> memref<10000x128xf32, #tpu.memory_space<vmem_shared>>
        tpu.enqueue_indirect_dma source(%arg11 : memref<128x128xf32, #tpu.memory_space<vmem>>) target(%dma_start3A_234 : memref<10000x128xf32, #tpu.memory_space<vmem_shared>>) offsets(%dma_start3A_231 : memref<128xi32, #tpu.memory_space<vmem>>) semaphore(%run_scoped3A_230 : memref<!tpu.dma_semaphore, #tpu.memory_space<semaphore_mem>>) {add = true}
        %dma_wait3A_235 = tpu.memref_slice %arg9[%mul3A_223] : memref<1664xi32, #tpu.memory_space<vmem>> -> memref<128xi32, #tpu.memory_space<vmem>>
        %dma_wait3A_236 = arith.constant 0 : i32
        %dma_wait3A_237 = arith.constant 0 : i32
        %dma_wait3A_238 = tpu.memref_slice %arg12[%dma_wait3A_236, %dma_wait3A_237] : memref<10000x128xf32, #tpu.memory_space<vmem_shared>> -> memref<10000x128xf32, #tpu.memory_space<vmem_shared>>
        tpu.wait_indirect_dma semaphore(%run_scoped3A_230 : memref<!tpu.dma_semaphore, #tpu.memory_space<semaphore_mem>>) src(%arg11 : memref<128x128xf32, #tpu.memory_space<vmem>>) dst(%dma_wait3A_238 : memref<10000x128xf32, #tpu.memory_space<vmem_shared>>)
        tpu.yield
      }) : () -> ()
      %mul3A_224 = arith.constant 128 : i32
      %mul3A_225 = arith.muli %add3A_221, %mul3A_224 : i32
      %dma_start3A_226 = tpu.memref_slice %arg9[%mul3A_225] : memref<1664xi32, #tpu.memory_space<vmem>> -> memref<128xi32, #tpu.memory_space<vmem>>
      %dma_start3A_227 = arith.constant 0 : i32
      %dma_start3A_228 = arith.constant 0 : i32
      %dma_start3A_229 = tpu.memref_slice %arg16[%dma_start3A_227, %dma_start3A_228] : memref<10000x16xf32, #tpu.memory_space<vmem_shared>> -> memref<10000x16xf32, #tpu.memory_space<vmem_shared>>
      tpu.enqueue_indirect_dma source(%arg15 : memref<128x16xf32, #tpu.memory_space<vmem>>) target(%dma_start3A_229 : memref<10000x16xf32, #tpu.memory_space<vmem_shared>>) offsets(%dma_start3A_226 : memref<128xi32, #tpu.memory_space<vmem>>) semaphore(%arg17 : memref<!tpu.dma_semaphore, #tpu.memory_space<semaphore_mem>>) {add = true}
    }
    %scan3A_102 = arith.constant 6 : i32
    %dma_wait3A_103 = arith.constant 0 : i32
    %dma_wait3A_104 = tpu.memref_slice %arg8[%dma_wait3A_103] : memref<1664xi32, #tpu.memory_space<vmem>> -> memref<128xi32, #tpu.memory_space<vmem>>
    %dma_wait3A_105 = arith.constant 0 : i32
    %dma_wait3A_106 = arith.constant 0 : i32
    %dma_wait3A_107 = tpu.memref_slice %arg2[%dma_wait3A_105, %dma_wait3A_106] : memref<10000x128xf32, #tpu.memory_space<hbm>> -> memref<10000x128xf32, #tpu.memory_space<hbm>>
    tpu.wait_indirect_dma semaphore(%arg13 : memref<!tpu.dma_semaphore, #tpu.memory_space<semaphore_mem>>) src(%dma_wait3A_107 : memref<10000x128xf32, #tpu.memory_space<hbm>>) dst(%arg10 : memref<128x128xf32, #tpu.memory_space<vmem>>)
    "tpu.region"() ({
      %run_scoped3A_182 = tpu.sem_alloc : memref<!tpu.dma_semaphore, #tpu.memory_space<semaphore_mem>>
      %dma_start3A_183 = arith.constant 1536 : i32
      %dma_start3A_184 = tpu.memref_slice %arg9[%dma_start3A_183] : memref<1664xi32, #tpu.memory_space<vmem>> -> memref<128xi32, #tpu.memory_space<vmem>>
      %dma_start3A_185 = arith.constant 0 : i32
      %dma_start3A_186 = arith.constant 0 : i32
      %dma_start3A_187 = tpu.memref_slice %arg12[%dma_start3A_185, %dma_start3A_186] : memref<10000x128xf32, #tpu.memory_space<vmem_shared>> -> memref<10000x128xf32, #tpu.memory_space<vmem_shared>>
      tpu.enqueue_indirect_dma source(%arg10 : memref<128x128xf32, #tpu.memory_space<vmem>>) target(%dma_start3A_187 : memref<10000x128xf32, #tpu.memory_space<vmem_shared>>) offsets(%dma_start3A_184 : memref<128xi32, #tpu.memory_space<vmem>>) semaphore(%run_scoped3A_182 : memref<!tpu.dma_semaphore, #tpu.memory_space<semaphore_mem>>) {add = true}
      %dma_wait3A_188 = arith.constant 1536 : i32
      %dma_wait3A_189 = tpu.memref_slice %arg9[%dma_wait3A_188] : memref<1664xi32, #tpu.memory_space<vmem>> -> memref<128xi32, #tpu.memory_space<vmem>>
      %dma_wait3A_190 = arith.constant 0 : i32
      %dma_wait3A_191 = arith.constant 0 : i32
      %dma_wait3A_192 = tpu.memref_slice %arg12[%dma_wait3A_190, %dma_wait3A_191] : memref<10000x128xf32, #tpu.memory_space<vmem_shared>> -> memref<10000x128xf32, #tpu.memory_space<vmem_shared>>
      tpu.wait_indirect_dma semaphore(%run_scoped3A_182 : memref<!tpu.dma_semaphore, #tpu.memory_space<semaphore_mem>>) src(%arg10 : memref<128x128xf32, #tpu.memory_space<vmem>>) dst(%dma_wait3A_192 : memref<10000x128xf32, #tpu.memory_space<vmem_shared>>)
      tpu.yield
    }) : () -> ()
    %dma_start3A_108 = arith.constant 1536 : i32
    %dma_start3A_109 = tpu.memref_slice %arg9[%dma_start3A_108] : memref<1664xi32, #tpu.memory_space<vmem>> -> memref<128xi32, #tpu.memory_space<vmem>>
    %dma_start3A_110 = arith.constant 0 : i32
    %dma_start3A_111 = arith.constant 0 : i32
    %dma_start3A_112 = tpu.memref_slice %arg16[%dma_start3A_110, %dma_start3A_111] : memref<10000x16xf32, #tpu.memory_space<vmem_shared>> -> memref<10000x16xf32, #tpu.memory_space<vmem_shared>>
    tpu.enqueue_indirect_dma source(%arg15 : memref<128x16xf32, #tpu.memory_space<vmem>>) target(%dma_start3A_112 : memref<10000x16xf32, #tpu.memory_space<vmem_shared>>) offsets(%dma_start3A_109 : memref<128xi32, #tpu.memory_space<vmem>>) semaphore(%arg17 : memref<!tpu.dma_semaphore, #tpu.memory_space<semaphore_mem>>) {add = true}
    %mul3A_113 = arith.constant 9984 : i32
    %mul3A_114 = arith.muli %add3A, %mul3A_113 : i32
    %add3A_115 = arith.constant 6656 : i32
    %add3A_116 = arith.addi %mul3A_114, %add3A_115 : i32
    %run_scoped3A_117 = arith.constant 0 : i32
    "tpu.region"() ({
      %run_scoped3A_182 = tpu.sem_alloc : memref<!tpu.dma_semaphore, #tpu.memory_space<semaphore_mem>>
      %dma_start3A_183 = tpu.memref_slice %arg3[%run_scoped3A_117, %add3A_116] : memref<2x320000xi32, #tpu.memory_space<hbm>> -> memref<1x1664xi32, #tpu.memory_space<hbm>>
      %dma_start3A_184 = tpu.memref_squeeze %dma_start3A_183 : memref<1x1664xi32, #tpu.memory_space<hbm>> -> memref<1664xi32, #tpu.memory_space<hbm>>
      %dma_start3A_185 = tpu.memref_slice %arg3[%run_scoped3A_117, %add3A_116] : memref<2x320000xi32, #tpu.memory_space<hbm>> -> memref<1x1664xi32, #tpu.memory_space<hbm>>
      %dma_start3A_186 = tpu.memref_squeeze %dma_start3A_185 : memref<1x1664xi32, #tpu.memory_space<hbm>> -> memref<1664xi32, #tpu.memory_space<hbm>>
      tpu.enqueue_dma source(%dma_start3A_186 : memref<1664xi32, #tpu.memory_space<hbm>>) target(%arg8 : memref<1664xi32, #tpu.memory_space<vmem>>) target_semaphore(%run_scoped3A_182 : memref<!tpu.dma_semaphore, #tpu.memory_space<semaphore_mem>>)
      %dma_wait3A_187 = tpu.memref_slice %arg3[%run_scoped3A_117, %add3A_116] : memref<2x320000xi32, #tpu.memory_space<hbm>> -> memref<1x1664xi32, #tpu.memory_space<hbm>>
      %dma_wait3A_188 = tpu.memref_squeeze %dma_wait3A_187 : memref<1x1664xi32, #tpu.memory_space<hbm>> -> memref<1664xi32, #tpu.memory_space<hbm>>
      %dma_wait3A_189 = tpu.memref_slice %arg3[%run_scoped3A_117, %add3A_116] : memref<2x320000xi32, #tpu.memory_space<hbm>> -> memref<1x1664xi32, #tpu.memory_space<hbm>>
      %dma_wait3A_190 = tpu.memref_squeeze %dma_wait3A_189 : memref<1x1664xi32, #tpu.memory_space<hbm>> -> memref<1664xi32, #tpu.memory_space<hbm>>
      tpu.wait_dma2 semaphore(%run_scoped3A_182 : memref<!tpu.dma_semaphore, #tpu.memory_space<semaphore_mem>>) src(%dma_wait3A_190 : memref<1664xi32, #tpu.memory_space<hbm>>) dst(%arg8 : memref<1664xi32, #tpu.memory_space<vmem>>)
      tpu.yield
    }) : () -> ()
    %run_scoped3A_118 = arith.constant 1 : i32
    "tpu.region"() ({
      %run_scoped3A_182 = tpu.sem_alloc : memref<!tpu.dma_semaphore, #tpu.memory_space<semaphore_mem>>
      %dma_start3A_183 = tpu.memref_slice %arg3[%run_scoped3A_118, %add3A_116] : memref<2x320000xi32, #tpu.memory_space<hbm>> -> memref<1x1664xi32, #tpu.memory_space<hbm>>
      %dma_start3A_184 = tpu.memref_squeeze %dma_start3A_183 : memref<1x1664xi32, #tpu.memory_space<hbm>> -> memref<1664xi32, #tpu.memory_space<hbm>>
      %dma_start3A_185 = tpu.memref_slice %arg3[%run_scoped3A_118, %add3A_116] : memref<2x320000xi32, #tpu.memory_space<hbm>> -> memref<1x1664xi32, #tpu.memory_space<hbm>>
      %dma_start3A_186 = tpu.memref_squeeze %dma_start3A_185 : memref<1x1664xi32, #tpu.memory_space<hbm>> -> memref<1664xi32, #tpu.memory_space<hbm>>
      tpu.enqueue_dma source(%dma_start3A_186 : memref<1664xi32, #tpu.memory_space<hbm>>) target(%arg9 : memref<1664xi32, #tpu.memory_space<vmem>>) target_semaphore(%run_scoped3A_182 : memref<!tpu.dma_semaphore, #tpu.memory_space<semaphore_mem>>)
      %dma_wait3A_187 = tpu.memref_slice %arg3[%run_scoped3A_118, %add3A_116] : memref<2x320000xi32, #tpu.memory_space<hbm>> -> memref<1x1664xi32, #tpu.memory_space<hbm>>
      %dma_wait3A_188 = tpu.memref_squeeze %dma_wait3A_187 : memref<1x1664xi32, #tpu.memory_space<hbm>> -> memref<1664xi32, #tpu.memory_space<hbm>>
      %dma_wait3A_189 = tpu.memref_slice %arg3[%run_scoped3A_118, %add3A_116] : memref<2x320000xi32, #tpu.memory_space<hbm>> -> memref<1x1664xi32, #tpu.memory_space<hbm>>
      %dma_wait3A_190 = tpu.memref_squeeze %dma_wait3A_189 : memref<1x1664xi32, #tpu.memory_space<hbm>> -> memref<1664xi32, #tpu.memory_space<hbm>>
      tpu.wait_dma2 semaphore(%run_scoped3A_182 : memref<!tpu.dma_semaphore, #tpu.memory_space<semaphore_mem>>) src(%dma_wait3A_190 : memref<1664xi32, #tpu.memory_space<hbm>>) dst(%arg9 : memref<1664xi32, #tpu.memory_space<vmem>>)
      tpu.yield
    }) : () -> ()
    %dma_start3A_119 = arith.constant 0 : i32
    %dma_start3A_120 = tpu.memref_slice %arg8[%dma_start3A_119] : memref<1664xi32, #tpu.memory_space<vmem>> -> memref<128xi32, #tpu.memory_space<vmem>>
    %dma_start3A_121 = arith.constant 0 : i32
    %dma_start3A_122 = arith.constant 0 : i32
    %dma_start3A_123 = tpu.memref_slice %arg2[%dma_start3A_121, %dma_start3A_122] : memref<10000x128xf32, #tpu.memory_space<hbm>> -> memref<10000x128xf32, #tpu.memory_space<hbm>>
    tpu.enqueue_indirect_dma source(%dma_start3A_123 : memref<10000x128xf32, #tpu.memory_space<hbm>>) target(%arg10 : memref<128x128xf32, #tpu.memory_space<vmem>>) offsets(%dma_start3A_120 : memref<128xi32, #tpu.memory_space<vmem>>) semaphore(%arg13 : memref<!tpu.dma_semaphore, #tpu.memory_space<semaphore_mem>>)
    %scan3A_124 = arith.constant 0 : i32
    %scan3A_125 = arith.constant 0 : i32
    %scan3A_126 = arith.constant 6 : i32
    %scan3A_127 = arith.addi %scan3A_125, %scan3A_126 : i32
    %scan3A_128 = arith.constant 1 : i32
    scf.for %scan3A_182 = %scan3A_125 to %scan3A_127 step %scan3A_128  : i32 {
      %mul3A_183 = arith.constant 2 : i32
      %mul3A_184 = arith.muli %mul3A_183, %scan3A_182 : i32
      %add3A_185 = arith.constant 1 : i32
      %add3A_186 = arith.addi %mul3A_184, %add3A_185 : i32
      %mul3A_187 = arith.constant 128 : i32
      %mul3A_188 = arith.muli %add3A_186, %mul3A_187 : i32
      %dma_start3A_189 = tpu.memref_slice %arg8[%mul3A_188] : memref<1664xi32, #tpu.memory_space<vmem>> -> memref<128xi32, #tpu.memory_space<vmem>>
      %dma_start3A_190 = arith.constant 0 : i32
      %dma_start3A_191 = arith.constant 0 : i32
      %dma_start3A_192 = tpu.memref_slice %arg2[%dma_start3A_190, %dma_start3A_191] : memref<10000x128xf32, #tpu.memory_space<hbm>> -> memref<10000x128xf32, #tpu.memory_space<hbm>>
      tpu.enqueue_indirect_dma source(%dma_start3A_192 : memref<10000x128xf32, #tpu.memory_space<hbm>>) target(%arg11 : memref<128x128xf32, #tpu.memory_space<vmem>>) offsets(%dma_start3A_189 : memref<128xi32, #tpu.memory_space<vmem>>) semaphore(%arg14 : memref<!tpu.dma_semaphore, #tpu.memory_space<semaphore_mem>>)
      %dma_wait3A_193 = arith.constant 0 : i32
      %dma_wait3A_194 = tpu.memref_slice %arg8[%dma_wait3A_193] : memref<1664xi32, #tpu.memory_space<vmem>> -> memref<128xi32, #tpu.memory_space<vmem>>
      %dma_wait3A_195 = arith.constant 0 : i32
      %dma_wait3A_196 = arith.constant 0 : i32
      %dma_wait3A_197 = tpu.memref_slice %arg2[%dma_wait3A_195, %dma_wait3A_196] : memref<10000x128xf32, #tpu.memory_space<hbm>> -> memref<10000x128xf32, #tpu.memory_space<hbm>>
      tpu.wait_indirect_dma semaphore(%arg13 : memref<!tpu.dma_semaphore, #tpu.memory_space<semaphore_mem>>) src(%dma_wait3A_197 : memref<10000x128xf32, #tpu.memory_space<hbm>>) dst(%arg10 : memref<128x128xf32, #tpu.memory_space<vmem>>)
      %mul3A_198 = arith.constant 128 : i32
      %mul3A_199 = arith.muli %mul3A_184, %mul3A_198 : i32
      "tpu.region"() ({
        %run_scoped3A_230 = tpu.sem_alloc : memref<!tpu.dma_semaphore, #tpu.memory_space<semaphore_mem>>
        %dma_start3A_231 = tpu.memref_slice %arg9[%mul3A_199] : memref<1664xi32, #tpu.memory_space<vmem>> -> memref<128xi32, #tpu.memory_space<vmem>>
        %dma_start3A_232 = arith.constant 0 : i32
        %dma_start3A_233 = arith.constant 0 : i32
        %dma_start3A_234 = tpu.memref_slice %arg12[%dma_start3A_232, %dma_start3A_233] : memref<10000x128xf32, #tpu.memory_space<vmem_shared>> -> memref<10000x128xf32, #tpu.memory_space<vmem_shared>>
        tpu.enqueue_indirect_dma source(%arg10 : memref<128x128xf32, #tpu.memory_space<vmem>>) target(%dma_start3A_234 : memref<10000x128xf32, #tpu.memory_space<vmem_shared>>) offsets(%dma_start3A_231 : memref<128xi32, #tpu.memory_space<vmem>>) semaphore(%run_scoped3A_230 : memref<!tpu.dma_semaphore, #tpu.memory_space<semaphore_mem>>) {add = true}
        %dma_wait3A_235 = tpu.memref_slice %arg9[%mul3A_199] : memref<1664xi32, #tpu.memory_space<vmem>> -> memref<128xi32, #tpu.memory_space<vmem>>
        %dma_wait3A_236 = arith.constant 0 : i32
        %dma_wait3A_237 = arith.constant 0 : i32
        %dma_wait3A_238 = tpu.memref_slice %arg12[%dma_wait3A_236, %dma_wait3A_237] : memref<10000x128xf32, #tpu.memory_space<vmem_shared>> -> memref<10000x128xf32, #tpu.memory_space<vmem_shared>>
        tpu.wait_indirect_dma semaphore(%run_scoped3A_230 : memref<!tpu.dma_semaphore, #tpu.memory_space<semaphore_mem>>) src(%arg10 : memref<128x128xf32, #tpu.memory_space<vmem>>) dst(%dma_wait3A_238 : memref<10000x128xf32, #tpu.memory_space<vmem_shared>>)
        tpu.yield
      }) : () -> ()
      %mul3A_200 = arith.constant 128 : i32
      %mul3A_201 = arith.muli %mul3A_184, %mul3A_200 : i32
      %dma_start3A_202 = tpu.memref_slice %arg9[%mul3A_201] : memref<1664xi32, #tpu.memory_space<vmem>> -> memref<128xi32, #tpu.memory_space<vmem>>
      %dma_start3A_203 = arith.constant 0 : i32
      %dma_start3A_204 = arith.constant 0 : i32
      %dma_start3A_205 = tpu.memref_slice %arg16[%dma_start3A_203, %dma_start3A_204] : memref<10000x16xf32, #tpu.memory_space<vmem_shared>> -> memref<10000x16xf32, #tpu.memory_space<vmem_shared>>
      tpu.enqueue_indirect_dma source(%arg15 : memref<128x16xf32, #tpu.memory_space<vmem>>) target(%dma_start3A_205 : memref<10000x16xf32, #tpu.memory_space<vmem_shared>>) offsets(%dma_start3A_202 : memref<128xi32, #tpu.memory_space<vmem>>) semaphore(%arg17 : memref<!tpu.dma_semaphore, #tpu.memory_space<semaphore_mem>>) {add = true}
      %add3A_206 = arith.constant 2 : i32
      %add3A_207 = arith.addi %mul3A_184, %add3A_206 : i32
      %min3A = arith.constant 12 : i32
      %min3A_208 = arith.minsi %add3A_207, %min3A : i32
      %mul3A_209 = arith.constant 128 : i32
      %mul3A_210 = arith.muli %min3A_208, %mul3A_209 : i32
      %dma_start3A_211 = tpu.memref_slice %arg8[%mul3A_210] : memref<1664xi32, #tpu.memory_space<vmem>> -> memref<128xi32, #tpu.memory_space<vmem>>
      %dma_start3A_212 = arith.constant 0 : i32
      %dma_start3A_213 = arith.constant 0 : i32
      %dma_start3A_214 = tpu.memref_slice %arg2[%dma_start3A_212, %dma_start3A_213] : memref<10000x128xf32, #tpu.memory_space<hbm>> -> memref<10000x128xf32, #tpu.memory_space<hbm>>
      tpu.enqueue_indirect_dma source(%dma_start3A_214 : memref<10000x128xf32, #tpu.memory_space<hbm>>) target(%arg10 : memref<128x128xf32, #tpu.memory_space<vmem>>) offsets(%dma_start3A_211 : memref<128xi32, #tpu.memory_space<vmem>>) semaphore(%arg13 : memref<!tpu.dma_semaphore, #tpu.memory_space<semaphore_mem>>)
      %dma_wait3A_215 = arith.constant 0 : i32
      %dma_wait3A_216 = tpu.memref_slice %arg8[%dma_wait3A_215] : memref<1664xi32, #tpu.memory_space<vmem>> -> memref<128xi32, #tpu.memory_space<vmem>>
      %dma_wait3A_217 = arith.constant 0 : i32
      %dma_wait3A_218 = arith.constant 0 : i32
      %dma_wait3A_219 = tpu.memref_slice %arg2[%dma_wait3A_217, %dma_wait3A_218] : memref<10000x128xf32, #tpu.memory_space<hbm>> -> memref<10000x128xf32, #tpu.memory_space<hbm>>
      tpu.wait_indirect_dma semaphore(%arg14 : memref<!tpu.dma_semaphore, #tpu.memory_space<semaphore_mem>>) src(%dma_wait3A_219 : memref<10000x128xf32, #tpu.memory_space<hbm>>) dst(%arg11 : memref<128x128xf32, #tpu.memory_space<vmem>>)
      %add3A_220 = arith.constant 1 : i32
      %add3A_221 = arith.addi %mul3A_184, %add3A_220 : i32
      %mul3A_222 = arith.constant 128 : i32
      %mul3A_223 = arith.muli %add3A_221, %mul3A_222 : i32
      "tpu.region"() ({
        %run_scoped3A_230 = tpu.sem_alloc : memref<!tpu.dma_semaphore, #tpu.memory_space<semaphore_mem>>
        %dma_start3A_231 = tpu.memref_slice %arg9[%mul3A_223] : memref<1664xi32, #tpu.memory_space<vmem>> -> memref<128xi32, #tpu.memory_space<vmem>>
        %dma_start3A_232 = arith.constant 0 : i32
        %dma_start3A_233 = arith.constant 0 : i32
        %dma_start3A_234 = tpu.memref_slice %arg12[%dma_start3A_232, %dma_start3A_233] : memref<10000x128xf32, #tpu.memory_space<vmem_shared>> -> memref<10000x128xf32, #tpu.memory_space<vmem_shared>>
        tpu.enqueue_indirect_dma source(%arg11 : memref<128x128xf32, #tpu.memory_space<vmem>>) target(%dma_start3A_234 : memref<10000x128xf32, #tpu.memory_space<vmem_shared>>) offsets(%dma_start3A_231 : memref<128xi32, #tpu.memory_space<vmem>>) semaphore(%run_scoped3A_230 : memref<!tpu.dma_semaphore, #tpu.memory_space<semaphore_mem>>) {add = true}
        %dma_wait3A_235 = tpu.memref_slice %arg9[%mul3A_223] : memref<1664xi32, #tpu.memory_space<vmem>> -> memref<128xi32, #tpu.memory_space<vmem>>
        %dma_wait3A_236 = arith.constant 0 : i32
        %dma_wait3A_237 = arith.constant 0 : i32
        %dma_wait3A_238 = tpu.memref_slice %arg12[%dma_wait3A_236, %dma_wait3A_237] : memref<10000x128xf32, #tpu.memory_space<vmem_shared>> -> memref<10000x128xf32, #tpu.memory_space<vmem_shared>>
        tpu.wait_indirect_dma semaphore(%run_scoped3A_230 : memref<!tpu.dma_semaphore, #tpu.memory_space<semaphore_mem>>) src(%arg11 : memref<128x128xf32, #tpu.memory_space<vmem>>) dst(%dma_wait3A_238 : memref<10000x128xf32, #tpu.memory_space<vmem_shared>>)
        tpu.yield
      }) : () -> ()
      %mul3A_224 = arith.constant 128 : i32
      %mul3A_225 = arith.muli %add3A_221, %mul3A_224 : i32
      %dma_start3A_226 = tpu.memref_slice %arg9[%mul3A_225] : memref<1664xi32, #tpu.memory_space<vmem>> -> memref<128xi32, #tpu.memory_space<vmem>>
      %dma_start3A_227 = arith.constant 0 : i32
      %dma_start3A_228 = arith.constant 0 : i32
      %dma_start3A_229 = tpu.memref_slice %arg16[%dma_start3A_227, %dma_start3A_228] : memref<10000x16xf32, #tpu.memory_space<vmem_shared>> -> memref<10000x16xf32, #tpu.memory_space<vmem_shared>>
      tpu.enqueue_indirect_dma source(%arg15 : memref<128x16xf32, #tpu.memory_space<vmem>>) target(%dma_start3A_229 : memref<10000x16xf32, #tpu.memory_space<vmem_shared>>) offsets(%dma_start3A_226 : memref<128xi32, #tpu.memory_space<vmem>>) semaphore(%arg17 : memref<!tpu.dma_semaphore, #tpu.memory_space<semaphore_mem>>) {add = true}
    }
    %scan3A_129 = arith.constant 6 : i32
    %dma_wait3A_130 = arith.constant 0 : i32
    %dma_wait3A_131 = tpu.memref_slice %arg8[%dma_wait3A_130] : memref<1664xi32, #tpu.memory_space<vmem>> -> memref<128xi32, #tpu.memory_space<vmem>>
    %dma_wait3A_132 = arith.constant 0 : i32
    %dma_wait3A_133 = arith.constant 0 : i32
    %dma_wait3A_134 = tpu.memref_slice %arg2[%dma_wait3A_132, %dma_wait3A_133] : memref<10000x128xf32, #tpu.memory_space<hbm>> -> memref<10000x128xf32, #tpu.memory_space<hbm>>
    tpu.wait_indirect_dma semaphore(%arg13 : memref<!tpu.dma_semaphore, #tpu.memory_space<semaphore_mem>>) src(%dma_wait3A_134 : memref<10000x128xf32, #tpu.memory_space<hbm>>) dst(%arg10 : memref<128x128xf32, #tpu.memory_space<vmem>>)
    "tpu.region"() ({
      %run_scoped3A_182 = tpu.sem_alloc : memref<!tpu.dma_semaphore, #tpu.memory_space<semaphore_mem>>
      %dma_start3A_183 = arith.constant 1536 : i32
      %dma_start3A_184 = tpu.memref_slice %arg9[%dma_start3A_183] : memref<1664xi32, #tpu.memory_space<vmem>> -> memref<128xi32, #tpu.memory_space<vmem>>
      %dma_start3A_185 = arith.constant 0 : i32
      %dma_start3A_186 = arith.constant 0 : i32
      %dma_start3A_187 = tpu.memref_slice %arg12[%dma_start3A_185, %dma_start3A_186] : memref<10000x128xf32, #tpu.memory_space<vmem_shared>> -> memref<10000x128xf32, #tpu.memory_space<vmem_shared>>
      tpu.enqueue_indirect_dma source(%arg10 : memref<128x128xf32, #tpu.memory_space<vmem>>) target(%dma_start3A_187 : memref<10000x128xf32, #tpu.memory_space<vmem_shared>>) offsets(%dma_start3A_184 : memref<128xi32, #tpu.memory_space<vmem>>) semaphore(%run_scoped3A_182 : memref<!tpu.dma_semaphore, #tpu.memory_space<semaphore_mem>>) {add = true}
      %dma_wait3A_188 = arith.constant 1536 : i32
      %dma_wait3A_189 = tpu.memref_slice %arg9[%dma_wait3A_188] : memref<1664xi32, #tpu.memory_space<vmem>> -> memref<128xi32, #tpu.memory_space<vmem>>
      %dma_wait3A_190 = arith.constant 0 : i32
      %dma_wait3A_191 = arith.constant 0 : i32
      %dma_wait3A_192 = tpu.memref_slice %arg12[%dma_wait3A_190, %dma_wait3A_191] : memref<10000x128xf32, #tpu.memory_space<vmem_shared>> -> memref<10000x128xf32, #tpu.memory_space<vmem_shared>>
      tpu.wait_indirect_dma semaphore(%run_scoped3A_182 : memref<!tpu.dma_semaphore, #tpu.memory_space<semaphore_mem>>) src(%arg10 : memref<128x128xf32, #tpu.memory_space<vmem>>) dst(%dma_wait3A_192 : memref<10000x128xf32, #tpu.memory_space<vmem_shared>>)
      tpu.yield
    }) : () -> ()
    %dma_start3A_135 = arith.constant 1536 : i32
    %dma_start3A_136 = tpu.memref_slice %arg9[%dma_start3A_135] : memref<1664xi32, #tpu.memory_space<vmem>> -> memref<128xi32, #tpu.memory_space<vmem>>
    %dma_start3A_137 = arith.constant 0 : i32
    %dma_start3A_138 = arith.constant 0 : i32
    %dma_start3A_139 = tpu.memref_slice %arg16[%dma_start3A_137, %dma_start3A_138] : memref<10000x16xf32, #tpu.memory_space<vmem_shared>> -> memref<10000x16xf32, #tpu.memory_space<vmem_shared>>
    tpu.enqueue_indirect_dma source(%arg15 : memref<128x16xf32, #tpu.memory_space<vmem>>) target(%dma_start3A_139 : memref<10000x16xf32, #tpu.memory_space<vmem_shared>>) offsets(%dma_start3A_136 : memref<128xi32, #tpu.memory_space<vmem>>) semaphore(%arg17 : memref<!tpu.dma_semaphore, #tpu.memory_space<semaphore_mem>>) {add = true}
    %mul3A_140 = arith.constant 9984 : i32
    %mul3A_141 = arith.muli %add3A, %mul3A_140 : i32
    %add3A_142 = arith.constant 8320 : i32
    %add3A_143 = arith.addi %mul3A_141, %add3A_142 : i32
    %run_scoped3A_144 = arith.constant 0 : i32
    "tpu.region"() ({
      %run_scoped3A_182 = tpu.sem_alloc : memref<!tpu.dma_semaphore, #tpu.memory_space<semaphore_mem>>
      %dma_start3A_183 = tpu.memref_slice %arg3[%run_scoped3A_144, %add3A_143] : memref<2x320000xi32, #tpu.memory_space<hbm>> -> memref<1x1664xi32, #tpu.memory_space<hbm>>
      %dma_start3A_184 = tpu.memref_squeeze %dma_start3A_183 : memref<1x1664xi32, #tpu.memory_space<hbm>> -> memref<1664xi32, #tpu.memory_space<hbm>>
      %dma_start3A_185 = tpu.memref_slice %arg3[%run_scoped3A_144, %add3A_143] : memref<2x320000xi32, #tpu.memory_space<hbm>> -> memref<1x1664xi32, #tpu.memory_space<hbm>>
      %dma_start3A_186 = tpu.memref_squeeze %dma_start3A_185 : memref<1x1664xi32, #tpu.memory_space<hbm>> -> memref<1664xi32, #tpu.memory_space<hbm>>
      tpu.enqueue_dma source(%dma_start3A_186 : memref<1664xi32, #tpu.memory_space<hbm>>) target(%arg8 : memref<1664xi32, #tpu.memory_space<vmem>>) target_semaphore(%run_scoped3A_182 : memref<!tpu.dma_semaphore, #tpu.memory_space<semaphore_mem>>)
      %dma_wait3A_187 = tpu.memref_slice %arg3[%run_scoped3A_144, %add3A_143] : memref<2x320000xi32, #tpu.memory_space<hbm>> -> memref<1x1664xi32, #tpu.memory_space<hbm>>
      %dma_wait3A_188 = tpu.memref_squeeze %dma_wait3A_187 : memref<1x1664xi32, #tpu.memory_space<hbm>> -> memref<1664xi32, #tpu.memory_space<hbm>>
      %dma_wait3A_189 = tpu.memref_slice %arg3[%run_scoped3A_144, %add3A_143] : memref<2x320000xi32, #tpu.memory_space<hbm>> -> memref<1x1664xi32, #tpu.memory_space<hbm>>
      %dma_wait3A_190 = tpu.memref_squeeze %dma_wait3A_189 : memref<1x1664xi32, #tpu.memory_space<hbm>> -> memref<1664xi32, #tpu.memory_space<hbm>>
      tpu.wait_dma2 semaphore(%run_scoped3A_182 : memref<!tpu.dma_semaphore, #tpu.memory_space<semaphore_mem>>) src(%dma_wait3A_190 : memref<1664xi32, #tpu.memory_space<hbm>>) dst(%arg8 : memref<1664xi32, #tpu.memory_space<vmem>>)
      tpu.yield
    }) : () -> ()
    %run_scoped3A_145 = arith.constant 1 : i32
    "tpu.region"() ({
      %run_scoped3A_182 = tpu.sem_alloc : memref<!tpu.dma_semaphore, #tpu.memory_space<semaphore_mem>>
      %dma_start3A_183 = tpu.memref_slice %arg3[%run_scoped3A_145, %add3A_143] : memref<2x320000xi32, #tpu.memory_space<hbm>> -> memref<1x1664xi32, #tpu.memory_space<hbm>>
      %dma_start3A_184 = tpu.memref_squeeze %dma_start3A_183 : memref<1x1664xi32, #tpu.memory_space<hbm>> -> memref<1664xi32, #tpu.memory_space<hbm>>
      %dma_start3A_185 = tpu.memref_slice %arg3[%run_scoped3A_145, %add3A_143] : memref<2x320000xi32, #tpu.memory_space<hbm>> -> memref<1x1664xi32, #tpu.memory_space<hbm>>
      %dma_start3A_186 = tpu.memref_squeeze %dma_start3A_185 : memref<1x1664xi32, #tpu.memory_space<hbm>> -> memref<1664xi32, #tpu.memory_space<hbm>>
      tpu.enqueue_dma source(%dma_start3A_186 : memref<1664xi32, #tpu.memory_space<hbm>>) target(%arg9 : memref<1664xi32, #tpu.memory_space<vmem>>) target_semaphore(%run_scoped3A_182 : memref<!tpu.dma_semaphore, #tpu.memory_space<semaphore_mem>>)
      %dma_wait3A_187 = tpu.memref_slice %arg3[%run_scoped3A_145, %add3A_143] : memref<2x320000xi32, #tpu.memory_space<hbm>> -> memref<1x1664xi32, #tpu.memory_space<hbm>>
      %dma_wait3A_188 = tpu.memref_squeeze %dma_wait3A_187 : memref<1x1664xi32, #tpu.memory_space<hbm>> -> memref<1664xi32, #tpu.memory_space<hbm>>
      %dma_wait3A_189 = tpu.memref_slice %arg3[%run_scoped3A_145, %add3A_143] : memref<2x320000xi32, #tpu.memory_space<hbm>> -> memref<1x1664xi32, #tpu.memory_space<hbm>>
      %dma_wait3A_190 = tpu.memref_squeeze %dma_wait3A_189 : memref<1x1664xi32, #tpu.memory_space<hbm>> -> memref<1664xi32, #tpu.memory_space<hbm>>
      tpu.wait_dma2 semaphore(%run_scoped3A_182 : memref<!tpu.dma_semaphore, #tpu.memory_space<semaphore_mem>>) src(%dma_wait3A_190 : memref<1664xi32, #tpu.memory_space<hbm>>) dst(%arg9 : memref<1664xi32, #tpu.memory_space<vmem>>)
      tpu.yield
    }) : () -> ()
    %dma_start3A_146 = arith.constant 0 : i32
    %dma_start3A_147 = tpu.memref_slice %arg8[%dma_start3A_146] : memref<1664xi32, #tpu.memory_space<vmem>> -> memref<128xi32, #tpu.memory_space<vmem>>
    %dma_start3A_148 = arith.constant 0 : i32
    %dma_start3A_149 = arith.constant 0 : i32
    %dma_start3A_150 = tpu.memref_slice %arg2[%dma_start3A_148, %dma_start3A_149] : memref<10000x128xf32, #tpu.memory_space<hbm>> -> memref<10000x128xf32, #tpu.memory_space<hbm>>
    tpu.enqueue_indirect_dma source(%dma_start3A_150 : memref<10000x128xf32, #tpu.memory_space<hbm>>) target(%arg10 : memref<128x128xf32, #tpu.memory_space<vmem>>) offsets(%dma_start3A_147 : memref<128xi32, #tpu.memory_space<vmem>>) semaphore(%arg13 : memref<!tpu.dma_semaphore, #tpu.memory_space<semaphore_mem>>)
    %scan3A_151 = arith.constant 0 : i32
    %scan3A_152 = arith.constant 0 : i32
    %scan3A_153 = arith.constant 6 : i32
    %scan3A_154 = arith.addi %scan3A_152, %scan3A_153 : i32
    %scan3A_155 = arith.constant 1 : i32
    scf.for %scan3A_182 = %scan3A_152 to %scan3A_154 step %scan3A_155  : i32 {
      %mul3A_183 = arith.constant 2 : i32
      %mul3A_184 = arith.muli %mul3A_183, %scan3A_182 : i32
      %add3A_185 = arith.constant 1 : i32
      %add3A_186 = arith.addi %mul3A_184, %add3A_185 : i32
      %mul3A_187 = arith.constant 128 : i32
      %mul3A_188 = arith.muli %add3A_186, %mul3A_187 : i32
      %dma_start3A_189 = tpu.memref_slice %arg8[%mul3A_188] : memref<1664xi32, #tpu.memory_space<vmem>> -> memref<128xi32, #tpu.memory_space<vmem>>
      %dma_start3A_190 = arith.constant 0 : i32
      %dma_start3A_191 = arith.constant 0 : i32
      %dma_start3A_192 = tpu.memref_slice %arg2[%dma_start3A_190, %dma_start3A_191] : memref<10000x128xf32, #tpu.memory_space<hbm>> -> memref<10000x128xf32, #tpu.memory_space<hbm>>
      tpu.enqueue_indirect_dma source(%dma_start3A_192 : memref<10000x128xf32, #tpu.memory_space<hbm>>) target(%arg11 : memref<128x128xf32, #tpu.memory_space<vmem>>) offsets(%dma_start3A_189 : memref<128xi32, #tpu.memory_space<vmem>>) semaphore(%arg14 : memref<!tpu.dma_semaphore, #tpu.memory_space<semaphore_mem>>)
      %dma_wait3A_193 = arith.constant 0 : i32
      %dma_wait3A_194 = tpu.memref_slice %arg8[%dma_wait3A_193] : memref<1664xi32, #tpu.memory_space<vmem>> -> memref<128xi32, #tpu.memory_space<vmem>>
      %dma_wait3A_195 = arith.constant 0 : i32
      %dma_wait3A_196 = arith.constant 0 : i32
      %dma_wait3A_197 = tpu.memref_slice %arg2[%dma_wait3A_195, %dma_wait3A_196] : memref<10000x128xf32, #tpu.memory_space<hbm>> -> memref<10000x128xf32, #tpu.memory_space<hbm>>
      tpu.wait_indirect_dma semaphore(%arg13 : memref<!tpu.dma_semaphore, #tpu.memory_space<semaphore_mem>>) src(%dma_wait3A_197 : memref<10000x128xf32, #tpu.memory_space<hbm>>) dst(%arg10 : memref<128x128xf32, #tpu.memory_space<vmem>>)
      %mul3A_198 = arith.constant 128 : i32
      %mul3A_199 = arith.muli %mul3A_184, %mul3A_198 : i32
      "tpu.region"() ({
        %run_scoped3A_230 = tpu.sem_alloc : memref<!tpu.dma_semaphore, #tpu.memory_space<semaphore_mem>>
        %dma_start3A_231 = tpu.memref_slice %arg9[%mul3A_199] : memref<1664xi32, #tpu.memory_space<vmem>> -> memref<128xi32, #tpu.memory_space<vmem>>
        %dma_start3A_232 = arith.constant 0 : i32
        %dma_start3A_233 = arith.constant 0 : i32
        %dma_start3A_234 = tpu.memref_slice %arg12[%dma_start3A_232, %dma_start3A_233] : memref<10000x128xf32, #tpu.memory_space<vmem_shared>> -> memref<10000x128xf32, #tpu.memory_space<vmem_shared>>
        tpu.enqueue_indirect_dma source(%arg10 : memref<128x128xf32, #tpu.memory_space<vmem>>) target(%dma_start3A_234 : memref<10000x128xf32, #tpu.memory_space<vmem_shared>>) offsets(%dma_start3A_231 : memref<128xi32, #tpu.memory_space<vmem>>) semaphore(%run_scoped3A_230 : memref<!tpu.dma_semaphore, #tpu.memory_space<semaphore_mem>>) {add = true}
        %dma_wait3A_235 = tpu.memref_slice %arg9[%mul3A_199] : memref<1664xi32, #tpu.memory_space<vmem>> -> memref<128xi32, #tpu.memory_space<vmem>>
        %dma_wait3A_236 = arith.constant 0 : i32
        %dma_wait3A_237 = arith.constant 0 : i32
        %dma_wait3A_238 = tpu.memref_slice %arg12[%dma_wait3A_236, %dma_wait3A_237] : memref<10000x128xf32, #tpu.memory_space<vmem_shared>> -> memref<10000x128xf32, #tpu.memory_space<vmem_shared>>
        tpu.wait_indirect_dma semaphore(%run_scoped3A_230 : memref<!tpu.dma_semaphore, #tpu.memory_space<semaphore_mem>>) src(%arg10 : memref<128x128xf32, #tpu.memory_space<vmem>>) dst(%dma_wait3A_238 : memref<10000x128xf32, #tpu.memory_space<vmem_shared>>)
        tpu.yield
      }) : () -> ()
      %mul3A_200 = arith.constant 128 : i32
      %mul3A_201 = arith.muli %mul3A_184, %mul3A_200 : i32
      %dma_start3A_202 = tpu.memref_slice %arg9[%mul3A_201] : memref<1664xi32, #tpu.memory_space<vmem>> -> memref<128xi32, #tpu.memory_space<vmem>>
      %dma_start3A_203 = arith.constant 0 : i32
      %dma_start3A_204 = arith.constant 0 : i32
      %dma_start3A_205 = tpu.memref_slice %arg16[%dma_start3A_203, %dma_start3A_204] : memref<10000x16xf32, #tpu.memory_space<vmem_shared>> -> memref<10000x16xf32, #tpu.memory_space<vmem_shared>>
      tpu.enqueue_indirect_dma source(%arg15 : memref<128x16xf32, #tpu.memory_space<vmem>>) target(%dma_start3A_205 : memref<10000x16xf32, #tpu.memory_space<vmem_shared>>) offsets(%dma_start3A_202 : memref<128xi32, #tpu.memory_space<vmem>>) semaphore(%arg17 : memref<!tpu.dma_semaphore, #tpu.memory_space<semaphore_mem>>) {add = true}
      %add3A_206 = arith.constant 2 : i32
      %add3A_207 = arith.addi %mul3A_184, %add3A_206 : i32
      %min3A = arith.constant 12 : i32
      %min3A_208 = arith.minsi %add3A_207, %min3A : i32
      %mul3A_209 = arith.constant 128 : i32
      %mul3A_210 = arith.muli %min3A_208, %mul3A_209 : i32
      %dma_start3A_211 = tpu.memref_slice %arg8[%mul3A_210] : memref<1664xi32, #tpu.memory_space<vmem>> -> memref<128xi32, #tpu.memory_space<vmem>>
      %dma_start3A_212 = arith.constant 0 : i32
      %dma_start3A_213 = arith.constant 0 : i32
      %dma_start3A_214 = tpu.memref_slice %arg2[%dma_start3A_212, %dma_start3A_213] : memref<10000x128xf32, #tpu.memory_space<hbm>> -> memref<10000x128xf32, #tpu.memory_space<hbm>>
      tpu.enqueue_indirect_dma source(%dma_start3A_214 : memref<10000x128xf32, #tpu.memory_space<hbm>>) target(%arg10 : memref<128x128xf32, #tpu.memory_space<vmem>>) offsets(%dma_start3A_211 : memref<128xi32, #tpu.memory_space<vmem>>) semaphore(%arg13 : memref<!tpu.dma_semaphore, #tpu.memory_space<semaphore_mem>>)
      %dma_wait3A_215 = arith.constant 0 : i32
      %dma_wait3A_216 = tpu.memref_slice %arg8[%dma_wait3A_215] : memref<1664xi32, #tpu.memory_space<vmem>> -> memref<128xi32, #tpu.memory_space<vmem>>
      %dma_wait3A_217 = arith.constant 0 : i32
      %dma_wait3A_218 = arith.constant 0 : i32
      %dma_wait3A_219 = tpu.memref_slice %arg2[%dma_wait3A_217, %dma_wait3A_218] : memref<10000x128xf32, #tpu.memory_space<hbm>> -> memref<10000x128xf32, #tpu.memory_space<hbm>>
      tpu.wait_indirect_dma semaphore(%arg14 : memref<!tpu.dma_semaphore, #tpu.memory_space<semaphore_mem>>) src(%dma_wait3A_219 : memref<10000x128xf32, #tpu.memory_space<hbm>>) dst(%arg11 : memref<128x128xf32, #tpu.memory_space<vmem>>)
      %add3A_220 = arith.constant 1 : i32
      %add3A_221 = arith.addi %mul3A_184, %add3A_220 : i32
      %mul3A_222 = arith.constant 128 : i32
      %mul3A_223 = arith.muli %add3A_221, %mul3A_222 : i32
      "tpu.region"() ({
        %run_scoped3A_230 = tpu.sem_alloc : memref<!tpu.dma_semaphore, #tpu.memory_space<semaphore_mem>>
        %dma_start3A_231 = tpu.memref_slice %arg9[%mul3A_223] : memref<1664xi32, #tpu.memory_space<vmem>> -> memref<128xi32, #tpu.memory_space<vmem>>
        %dma_start3A_232 = arith.constant 0 : i32
        %dma_start3A_233 = arith.constant 0 : i32
        %dma_start3A_234 = tpu.memref_slice %arg12[%dma_start3A_232, %dma_start3A_233] : memref<10000x128xf32, #tpu.memory_space<vmem_shared>> -> memref<10000x128xf32, #tpu.memory_space<vmem_shared>>
        tpu.enqueue_indirect_dma source(%arg11 : memref<128x128xf32, #tpu.memory_space<vmem>>) target(%dma_start3A_234 : memref<10000x128xf32, #tpu.memory_space<vmem_shared>>) offsets(%dma_start3A_231 : memref<128xi32, #tpu.memory_space<vmem>>) semaphore(%run_scoped3A_230 : memref<!tpu.dma_semaphore, #tpu.memory_space<semaphore_mem>>) {add = true}
        %dma_wait3A_235 = tpu.memref_slice %arg9[%mul3A_223] : memref<1664xi32, #tpu.memory_space<vmem>> -> memref<128xi32, #tpu.memory_space<vmem>>
        %dma_wait3A_236 = arith.constant 0 : i32
        %dma_wait3A_237 = arith.constant 0 : i32
        %dma_wait3A_238 = tpu.memref_slice %arg12[%dma_wait3A_236, %dma_wait3A_237] : memref<10000x128xf32, #tpu.memory_space<vmem_shared>> -> memref<10000x128xf32, #tpu.memory_space<vmem_shared>>
        tpu.wait_indirect_dma semaphore(%run_scoped3A_230 : memref<!tpu.dma_semaphore, #tpu.memory_space<semaphore_mem>>) src(%arg11 : memref<128x128xf32, #tpu.memory_space<vmem>>) dst(%dma_wait3A_238 : memref<10000x128xf32, #tpu.memory_space<vmem_shared>>)
        tpu.yield
      }) : () -> ()
      %mul3A_224 = arith.constant 128 : i32
      %mul3A_225 = arith.muli %add3A_221, %mul3A_224 : i32
      %dma_start3A_226 = tpu.memref_slice %arg9[%mul3A_225] : memref<1664xi32, #tpu.memory_space<vmem>> -> memref<128xi32, #tpu.memory_space<vmem>>
      %dma_start3A_227 = arith.constant 0 : i32
      %dma_start3A_228 = arith.constant 0 : i32
      %dma_start3A_229 = tpu.memref_slice %arg16[%dma_start3A_227, %dma_start3A_228] : memref<10000x16xf32, #tpu.memory_space<vmem_shared>> -> memref<10000x16xf32, #tpu.memory_space<vmem_shared>>
      tpu.enqueue_indirect_dma source(%arg15 : memref<128x16xf32, #tpu.memory_space<vmem>>) target(%dma_start3A_229 : memref<10000x16xf32, #tpu.memory_space<vmem_shared>>) offsets(%dma_start3A_226 : memref<128xi32, #tpu.memory_space<vmem>>) semaphore(%arg17 : memref<!tpu.dma_semaphore, #tpu.memory_space<semaphore_mem>>) {add = true}
    }
    %scan3A_156 = arith.constant 6 : i32
    %dma_wait3A_157 = arith.constant 0 : i32
    %dma_wait3A_158 = tpu.memref_slice %arg8[%dma_wait3A_157] : memref<1664xi32, #tpu.memory_space<vmem>> -> memref<128xi32, #tpu.memory_space<vmem>>
    %dma_wait3A_159 = arith.constant 0 : i32
    %dma_wait3A_160 = arith.constant 0 : i32
    %dma_wait3A_161 = tpu.memref_slice %arg2[%dma_wait3A_159, %dma_wait3A_160] : memref<10000x128xf32, #tpu.memory_space<hbm>> -> memref<10000x128xf32, #tpu.memory_space<hbm>>
    tpu.wait_indirect_dma semaphore(%arg13 : memref<!tpu.dma_semaphore, #tpu.memory_space<semaphore_mem>>) src(%dma_wait3A_161 : memref<10000x128xf32, #tpu.memory_space<hbm>>) dst(%arg10 : memref<128x128xf32, #tpu.memory_space<vmem>>)
    "tpu.region"() ({
      %run_scoped3A_182 = tpu.sem_alloc : memref<!tpu.dma_semaphore, #tpu.memory_space<semaphore_mem>>
      %dma_start3A_183 = arith.constant 1536 : i32
      %dma_start3A_184 = tpu.memref_slice %arg9[%dma_start3A_183] : memref<1664xi32, #tpu.memory_space<vmem>> -> memref<128xi32, #tpu.memory_space<vmem>>
      %dma_start3A_185 = arith.constant 0 : i32
      %dma_start3A_186 = arith.constant 0 : i32
      %dma_start3A_187 = tpu.memref_slice %arg12[%dma_start3A_185, %dma_start3A_186] : memref<10000x128xf32, #tpu.memory_space<vmem_shared>> -> memref<10000x128xf32, #tpu.memory_space<vmem_shared>>
      tpu.enqueue_indirect_dma source(%arg10 : memref<128x128xf32, #tpu.memory_space<vmem>>) target(%dma_start3A_187 : memref<10000x128xf32, #tpu.memory_space<vmem_shared>>) offsets(%dma_start3A_184 : memref<128xi32, #tpu.memory_space<vmem>>) semaphore(%run_scoped3A_182 : memref<!tpu.dma_semaphore, #tpu.memory_space<semaphore_mem>>) {add = true}
      %dma_wait3A_188 = arith.constant 1536 : i32
      %dma_wait3A_189 = tpu.memref_slice %arg9[%dma_wait3A_188] : memref<1664xi32, #tpu.memory_space<vmem>> -> memref<128xi32, #tpu.memory_space<vmem>>
      %dma_wait3A_190 = arith.constant 0 : i32
      %dma_wait3A_191 = arith.constant 0 : i32
      %dma_wait3A_192 = tpu.memref_slice %arg12[%dma_wait3A_190, %dma_wait3A_191] : memref<10000x128xf32, #tpu.memory_space<vmem_shared>> -> memref<10000x128xf32, #tpu.memory_space<vmem_shared>>
      tpu.wait_indirect_dma semaphore(%run_scoped3A_182 : memref<!tpu.dma_semaphore, #tpu.memory_space<semaphore_mem>>) src(%arg10 : memref<128x128xf32, #tpu.memory_space<vmem>>) dst(%dma_wait3A_192 : memref<10000x128xf32, #tpu.memory_space<vmem_shared>>)
      tpu.yield
    }) : () -> ()
    %dma_start3A_162 = arith.constant 1536 : i32
    %dma_start3A_163 = tpu.memref_slice %arg9[%dma_start3A_162] : memref<1664xi32, #tpu.memory_space<vmem>> -> memref<128xi32, #tpu.memory_space<vmem>>
    %dma_start3A_164 = arith.constant 0 : i32
    %dma_start3A_165 = arith.constant 0 : i32
    %dma_start3A_166 = tpu.memref_slice %arg16[%dma_start3A_164, %dma_start3A_165] : memref<10000x16xf32, #tpu.memory_space<vmem_shared>> -> memref<10000x16xf32, #tpu.memory_space<vmem_shared>>
    tpu.enqueue_indirect_dma source(%arg15 : memref<128x16xf32, #tpu.memory_space<vmem>>) target(%dma_start3A_166 : memref<10000x16xf32, #tpu.memory_space<vmem_shared>>) offsets(%dma_start3A_163 : memref<128xi32, #tpu.memory_space<vmem>>) semaphore(%arg17 : memref<!tpu.dma_semaphore, #tpu.memory_space<semaphore_mem>>) {add = true}
    %lt3A = arith.constant 4 : i32
    %lt3A_167 = arith.cmpi slt, %add3A, %lt3A : i32
    %convert_element_type3A = arith.extui %lt3A_167 : i1 to i32
    %cond3A = arith.constant 0 : i32
    %cond3A_168 = arith.cmpi ne, %convert_element_type3A, %cond3A : i32
    scf.if %cond3A_168 {
      %mul3A_182 = arith.constant 128 : i32
      %mul3A_183 = arith.muli %add3A, %mul3A_182 : i32
      %add3A_184 = arith.constant 319488 : i32
      %add3A_185 = arith.addi %add3A_184, %mul3A_183 : i32
      %run_scoped3A_186 = arith.constant 0 : i32
      "tpu.region"() ({
        %run_scoped3A_208 = tpu.sem_alloc : memref<!tpu.dma_semaphore, #tpu.memory_space<semaphore_mem>>
        %dma_start3A_209 = arith.constant 0 : i32
        %dma_start3A_210 = tpu.memref_slice %arg8[%dma_start3A_209] : memref<1664xi32, #tpu.memory_space<vmem>> -> memref<128xi32, #tpu.memory_space<vmem>>
        %dma_start3A_211 = tpu.memref_slice %arg3[%run_scoped3A_186, %add3A_185] : memref<2x320000xi32, #tpu.memory_space<hbm>> -> memref<1x128xi32, #tpu.memory_space<hbm>>
        %dma_start3A_212 = tpu.memref_squeeze %dma_start3A_211 : memref<1x128xi32, #tpu.memory_space<hbm>> -> memref<128xi32, #tpu.memory_space<hbm>>
        %dma_start3A_213 = arith.constant 0 : i32
        %dma_start3A_214 = tpu.memref_slice %arg8[%dma_start3A_213] : memref<1664xi32, #tpu.memory_space<vmem>> -> memref<128xi32, #tpu.memory_space<vmem>>
        %dma_start3A_215 = tpu.memref_slice %arg3[%run_scoped3A_186, %add3A_185] : memref<2x320000xi32, #tpu.memory_space<hbm>> -> memref<1x128xi32, #tpu.memory_space<hbm>>
        %dma_start3A_216 = tpu.memref_squeeze %dma_start3A_215 : memref<1x128xi32, #tpu.memory_space<hbm>> -> memref<128xi32, #tpu.memory_space<hbm>>
        tpu.enqueue_dma source(%dma_start3A_216 : memref<128xi32, #tpu.memory_space<hbm>>) target(%dma_start3A_214 : memref<128xi32, #tpu.memory_space<vmem>>) target_semaphore(%run_scoped3A_208 : memref<!tpu.dma_semaphore, #tpu.memory_space<semaphore_mem>>)
        %dma_wait3A_217 = arith.constant 0 : i32
        %dma_wait3A_218 = tpu.memref_slice %arg8[%dma_wait3A_217] : memref<1664xi32, #tpu.memory_space<vmem>> -> memref<128xi32, #tpu.memory_space<vmem>>
        %dma_wait3A_219 = tpu.memref_slice %arg3[%run_scoped3A_186, %add3A_185] : memref<2x320000xi32, #tpu.memory_space<hbm>> -> memref<1x128xi32, #tpu.memory_space<hbm>>
        %dma_wait3A_220 = tpu.memref_squeeze %dma_wait3A_219 : memref<1x128xi32, #tpu.memory_space<hbm>> -> memref<128xi32, #tpu.memory_space<hbm>>
        %dma_wait3A_221 = arith.constant 0 : i32
        %dma_wait3A_222 = tpu.memref_slice %arg8[%dma_wait3A_221] : memref<1664xi32, #tpu.memory_space<vmem>> -> memref<128xi32, #tpu.memory_space<vmem>>
        %dma_wait3A_223 = tpu.memref_slice %arg3[%run_scoped3A_186, %add3A_185] : memref<2x320000xi32, #tpu.memory_space<hbm>> -> memref<1x128xi32, #tpu.memory_space<hbm>>
        %dma_wait3A_224 = tpu.memref_squeeze %dma_wait3A_223 : memref<1x128xi32, #tpu.memory_space<hbm>> -> memref<128xi32, #tpu.memory_space<hbm>>
        tpu.wait_dma2 semaphore(%run_scoped3A_208 : memref<!tpu.dma_semaphore, #tpu.memory_space<semaphore_mem>>) src(%dma_wait3A_224 : memref<128xi32, #tpu.memory_space<hbm>>) dst(%dma_wait3A_222 : memref<128xi32, #tpu.memory_space<vmem>>)
        tpu.yield
      }) : () -> ()
      %run_scoped3A_187 = arith.constant 1 : i32
      "tpu.region"() ({
        %run_scoped3A_208 = tpu.sem_alloc : memref<!tpu.dma_semaphore, #tpu.memory_space<semaphore_mem>>
        %dma_start3A_209 = arith.constant 0 : i32
        %dma_start3A_210 = tpu.memref_slice %arg9[%dma_start3A_209] : memref<1664xi32, #tpu.memory_space<vmem>> -> memref<128xi32, #tpu.memory_space<vmem>>
        %dma_start3A_211 = tpu.memref_slice %arg3[%run_scoped3A_187, %add3A_185] : memref<2x320000xi32, #tpu.memory_space<hbm>> -> memref<1x128xi32, #tpu.memory_space<hbm>>
        %dma_start3A_212 = tpu.memref_squeeze %dma_start3A_211 : memref<1x128xi32, #tpu.memory_space<hbm>> -> memref<128xi32, #tpu.memory_space<hbm>>
        %dma_start3A_213 = arith.constant 0 : i32
        %dma_start3A_214 = tpu.memref_slice %arg9[%dma_start3A_213] : memref<1664xi32, #tpu.memory_space<vmem>> -> memref<128xi32, #tpu.memory_space<vmem>>
        %dma_start3A_215 = tpu.memref_slice %arg3[%run_scoped3A_187, %add3A_185] : memref<2x320000xi32, #tpu.memory_space<hbm>> -> memref<1x128xi32, #tpu.memory_space<hbm>>
        %dma_start3A_216 = tpu.memref_squeeze %dma_start3A_215 : memref<1x128xi32, #tpu.memory_space<hbm>> -> memref<128xi32, #tpu.memory_space<hbm>>
        tpu.enqueue_dma source(%dma_start3A_216 : memref<128xi32, #tpu.memory_space<hbm>>) target(%dma_start3A_214 : memref<128xi32, #tpu.memory_space<vmem>>) target_semaphore(%run_scoped3A_208 : memref<!tpu.dma_semaphore, #tpu.memory_space<semaphore_mem>>)
        %dma_wait3A_217 = arith.constant 0 : i32
        %dma_wait3A_218 = tpu.memref_slice %arg9[%dma_wait3A_217] : memref<1664xi32, #tpu.memory_space<vmem>> -> memref<128xi32, #tpu.memory_space<vmem>>
        %dma_wait3A_219 = tpu.memref_slice %arg3[%run_scoped3A_187, %add3A_185] : memref<2x320000xi32, #tpu.memory_space<hbm>> -> memref<1x128xi32, #tpu.memory_space<hbm>>
        %dma_wait3A_220 = tpu.memref_squeeze %dma_wait3A_219 : memref<1x128xi32, #tpu.memory_space<hbm>> -> memref<128xi32, #tpu.memory_space<hbm>>
        %dma_wait3A_221 = arith.constant 0 : i32
        %dma_wait3A_222 = tpu.memref_slice %arg9[%dma_wait3A_221] : memref<1664xi32, #tpu.memory_space<vmem>> -> memref<128xi32, #tpu.memory_space<vmem>>
        %dma_wait3A_223 = tpu.memref_slice %arg3[%run_scoped3A_187, %add3A_185] : memref<2x320000xi32, #tpu.memory_space<hbm>> -> memref<1x128xi32, #tpu.memory_space<hbm>>
        %dma_wait3A_224 = tpu.memref_squeeze %dma_wait3A_223 : memref<1x128xi32, #tpu.memory_space<hbm>> -> memref<128xi32, #tpu.memory_space<hbm>>
        tpu.wait_dma2 semaphore(%run_scoped3A_208 : memref<!tpu.dma_semaphore, #tpu.memory_space<semaphore_mem>>) src(%dma_wait3A_224 : memref<128xi32, #tpu.memory_space<hbm>>) dst(%dma_wait3A_222 : memref<128xi32, #tpu.memory_space<vmem>>)
        tpu.yield
      }) : () -> ()
      %dma_start3A_188 = arith.constant 0 : i32
      %dma_start3A_189 = tpu.memref_slice %arg8[%dma_start3A_188] : memref<1664xi32, #tpu.memory_space<vmem>> -> memref<128xi32, #tpu.memory_space<vmem>>
      %dma_start3A_190 = arith.constant 0 : i32
      %dma_start3A_191 = arith.constant 0 : i32
      %dma_start3A_192 = tpu.memref_slice %arg2[%dma_start3A_190, %dma_start3A_191] : memref<10000x128xf32, #tpu.memory_space<hbm>> -> memref<10000x128xf32, #tpu.memory_space<hbm>>
      tpu.enqueue_indirect_dma source(%dma_start3A_192 : memref<10000x128xf32, #tpu.memory_space<hbm>>) target(%arg10 : memref<128x128xf32, #tpu.memory_space<vmem>>) offsets(%dma_start3A_189 : memref<128xi32, #tpu.memory_space<vmem>>) semaphore(%arg13 : memref<!tpu.dma_semaphore, #tpu.memory_space<semaphore_mem>>)
      %dma_wait3A_193 = arith.constant 0 : i32
      %dma_wait3A_194 = tpu.memref_slice %arg8[%dma_wait3A_193] : memref<1664xi32, #tpu.memory_space<vmem>> -> memref<128xi32, #tpu.memory_space<vmem>>
      %dma_wait3A_195 = arith.constant 0 : i32
      %dma_wait3A_196 = arith.constant 0 : i32
      %dma_wait3A_197 = tpu.memref_slice %arg2[%dma_wait3A_195, %dma_wait3A_196] : memref<10000x128xf32, #tpu.memory_space<hbm>> -> memref<10000x128xf32, #tpu.memory_space<hbm>>
      tpu.wait_indirect_dma semaphore(%arg13 : memref<!tpu.dma_semaphore, #tpu.memory_space<semaphore_mem>>) src(%dma_wait3A_197 : memref<10000x128xf32, #tpu.memory_space<hbm>>) dst(%arg10 : memref<128x128xf32, #tpu.memory_space<vmem>>)
      "tpu.region"() ({
        %run_scoped3A_208 = tpu.sem_alloc : memref<!tpu.dma_semaphore, #tpu.memory_space<semaphore_mem>>
        %dma_start3A_209 = arith.constant 0 : i32
        %dma_start3A_210 = tpu.memref_slice %arg9[%dma_start3A_209] : memref<1664xi32, #tpu.memory_space<vmem>> -> memref<128xi32, #tpu.memory_space<vmem>>
        %dma_start3A_211 = arith.constant 0 : i32
        %dma_start3A_212 = arith.constant 0 : i32
        %dma_start3A_213 = tpu.memref_slice %arg12[%dma_start3A_211, %dma_start3A_212] : memref<10000x128xf32, #tpu.memory_space<vmem_shared>> -> memref<10000x128xf32, #tpu.memory_space<vmem_shared>>
        tpu.enqueue_indirect_dma source(%arg10 : memref<128x128xf32, #tpu.memory_space<vmem>>) target(%dma_start3A_213 : memref<10000x128xf32, #tpu.memory_space<vmem_shared>>) offsets(%dma_start3A_210 : memref<128xi32, #tpu.memory_space<vmem>>) semaphore(%run_scoped3A_208 : memref<!tpu.dma_semaphore, #tpu.memory_space<semaphore_mem>>) {add = true}
        %dma_wait3A_214 = arith.constant 0 : i32
        %dma_wait3A_215 = tpu.memref_slice %arg9[%dma_wait3A_214] : memref<1664xi32, #tpu.memory_space<vmem>> -> memref<128xi32, #tpu.memory_space<vmem>>
        %dma_wait3A_216 = arith.constant 0 : i32
        %dma_wait3A_217 = arith.constant 0 : i32
        %dma_wait3A_218 = tpu.memref_slice %arg12[%dma_wait3A_216, %dma_wait3A_217] : memref<10000x128xf32, #tpu.memory_space<vmem_shared>> -> memref<10000x128xf32, #tpu.memory_space<vmem_shared>>
        tpu.wait_indirect_dma semaphore(%run_scoped3A_208 : memref<!tpu.dma_semaphore, #tpu.memory_space<semaphore_mem>>) src(%arg10 : memref<128x128xf32, #tpu.memory_space<vmem>>) dst(%dma_wait3A_218 : memref<10000x128xf32, #tpu.memory_space<vmem_shared>>)
        tpu.yield
      }) : () -> ()
      %dma_start3A_198 = arith.constant 0 : i32
      %dma_start3A_199 = tpu.memref_slice %arg9[%dma_start3A_198] : memref<1664xi32, #tpu.memory_space<vmem>> -> memref<128xi32, #tpu.memory_space<vmem>>
      %dma_start3A_200 = arith.constant 0 : i32
      %dma_start3A_201 = arith.constant 0 : i32
      %dma_start3A_202 = tpu.memref_slice %arg16[%dma_start3A_200, %dma_start3A_201] : memref<10000x16xf32, #tpu.memory_space<vmem_shared>> -> memref<10000x16xf32, #tpu.memory_space<vmem_shared>>
      tpu.enqueue_indirect_dma source(%arg15 : memref<128x16xf32, #tpu.memory_space<vmem>>) target(%dma_start3A_202 : memref<10000x16xf32, #tpu.memory_space<vmem_shared>>) offsets(%dma_start3A_199 : memref<128xi32, #tpu.memory_space<vmem>>) semaphore(%arg17 : memref<!tpu.dma_semaphore, #tpu.memory_space<semaphore_mem>>) {add = true}
      %dma_wait3A_203 = arith.constant 0 : i32
      %dma_wait3A_204 = tpu.memref_slice %arg9[%dma_wait3A_203] : memref<1664xi32, #tpu.memory_space<vmem>> -> memref<128xi32, #tpu.memory_space<vmem>>
      %dma_wait3A_205 = arith.constant 0 : i32
      %dma_wait3A_206 = arith.constant 0 : i32
      %dma_wait3A_207 = tpu.memref_slice %arg16[%dma_wait3A_205, %dma_wait3A_206] : memref<10000x16xf32, #tpu.memory_space<vmem_shared>> -> memref<10000x16xf32, #tpu.memory_space<vmem_shared>>
      tpu.wait_indirect_dma semaphore(%arg17 : memref<!tpu.dma_semaphore, #tpu.memory_space<semaphore_mem>>) src(%arg15 : memref<128x16xf32, #tpu.memory_space<vmem>>) dst(%dma_wait3A_207 : memref<10000x16xf32, #tpu.memory_space<vmem_shared>>)
    } else {
    }
    %scan3A_169 = arith.constant 0 : i32
    %scan3A_170 = arith.constant 0 : i32
    %scan3A_171 = arith.constant 78 : i32
    %scan3A_172 = arith.addi %scan3A_170, %scan3A_171 : i32
    %scan3A_173 = arith.constant 1 : i32
    scf.for %scan3A_182 = %scan3A_170 to %scan3A_172 step %scan3A_173  : i32 {
      %dma_wait3A_183 = arith.constant 0 : i32
      %dma_wait3A_184 = tpu.memref_slice %arg9[%dma_wait3A_183] : memref<1664xi32, #tpu.memory_space<vmem>> -> memref<128xi32, #tpu.memory_space<vmem>>
      %dma_wait3A_185 = arith.constant 0 : i32
      %dma_wait3A_186 = arith.constant 0 : i32
      %dma_wait3A_187 = tpu.memref_slice %arg16[%dma_wait3A_185, %dma_wait3A_186] : memref<10000x16xf32, #tpu.memory_space<vmem_shared>> -> memref<10000x16xf32, #tpu.memory_space<vmem_shared>>
      tpu.wait_indirect_dma semaphore(%arg17 : memref<!tpu.dma_semaphore, #tpu.memory_space<semaphore_mem>>) src(%arg15 : memref<128x16xf32, #tpu.memory_space<vmem>>) dst(%dma_wait3A_187 : memref<10000x16xf32, #tpu.memory_space<vmem_shared>>)
    }
    %scan3A_174 = arith.constant 78 : i32
    %barrier3A_175 = arith.constant 0 : index
    tpu.barrier barrier_id(%barrier3A_175)
    %scan3A_176 = arith.constant 0 : i32
    %scan3A_177 = arith.constant 0 : i32
    %scan3A_178 = arith.constant 5 : i32
    %scan3A_179 = arith.addi %scan3A_177, %scan3A_178 : i32
    %scan3A_180 = arith.constant 1 : i32
    scf.for %scan3A_182 = %scan3A_177 to %scan3A_179 step %scan3A_180  : i32 {
      %mul3A_183 = arith.constant 125 : i32
      %mul3A_184 = arith.muli %scan3A_182, %mul3A_183 : i32
      %add3A_185 = arith.addi %mul3A_2, %mul3A_184 : i32
      "tpu.region"() ({
        %run_scoped3A_186 = tpu.sem_alloc : memref<!tpu.dma_semaphore, #tpu.memory_space<semaphore_mem>>
        %dma_start3A_187 = arith.constant 0 : i32
        %dma_start3A_188 = tpu.memref_slice %arg6[%arg0, %add3A_185, %dma_start3A_187] : memref<2x10000x128xf32, #tpu.memory_space<hbm>> -> memref<1x125x128xf32, #tpu.memory_space<hbm>>
        %dma_start3A_189 = tpu.memref_squeeze %dma_start3A_188 : memref<1x125x128xf32, #tpu.memory_space<hbm>> -> memref<125x128xf32, #tpu.memory_space<hbm>>
        %dma_start3A_190 = arith.constant 0 : i32
        %dma_start3A_191 = tpu.memref_slice %arg12[%add3A_185, %dma_start3A_190] : memref<10000x128xf32, #tpu.memory_space<vmem_shared>> -> memref<125x128xf32, #tpu.memory_space<vmem_shared>>
        tpu.enqueue_dma source(%dma_start3A_191 : memref<125x128xf32, #tpu.memory_space<vmem_shared>>) target(%dma_start3A_189 : memref<125x128xf32, #tpu.memory_space<hbm>>) target_semaphore(%run_scoped3A_186 : memref<!tpu.dma_semaphore, #tpu.memory_space<semaphore_mem>>)
        %dma_wait3A_192 = arith.constant 0 : i32
        %dma_wait3A_193 = tpu.memref_slice %arg6[%arg0, %add3A_185, %dma_wait3A_192] : memref<2x10000x128xf32, #tpu.memory_space<hbm>> -> memref<1x125x128xf32, #tpu.memory_space<hbm>>
        %dma_wait3A_194 = tpu.memref_squeeze %dma_wait3A_193 : memref<1x125x128xf32, #tpu.memory_space<hbm>> -> memref<125x128xf32, #tpu.memory_space<hbm>>
        %dma_wait3A_195 = arith.constant 0 : i32
        %dma_wait3A_196 = tpu.memref_slice %arg12[%add3A_185, %dma_wait3A_195] : memref<10000x128xf32, #tpu.memory_space<vmem_shared>> -> memref<125x128xf32, #tpu.memory_space<vmem_shared>>
        tpu.wait_dma2 semaphore(%run_scoped3A_186 : memref<!tpu.dma_semaphore, #tpu.memory_space<semaphore_mem>>) src(%dma_wait3A_196 : memref<125x128xf32, #tpu.memory_space<vmem_shared>>) dst(%dma_wait3A_194 : memref<125x128xf32, #tpu.memory_space<hbm>>)
        tpu.yield
      }) : () -> ()
      "tpu.region"() ({
        %run_scoped3A_186 = tpu.sem_alloc : memref<!tpu.dma_semaphore, #tpu.memory_space<semaphore_mem>>
        %dma_start3A_187 = arith.constant 0 : i32
        %dma_start3A_188 = tpu.memref_slice %arg7[%arg0, %add3A_185, %dma_start3A_187] : memref<2x10000x16xf32, #tpu.memory_space<hbm>> -> memref<1x125x16xf32, #tpu.memory_space<hbm>>
        %dma_start3A_189 = tpu.memref_squeeze %dma_start3A_188 : memref<1x125x16xf32, #tpu.memory_space<hbm>> -> memref<125x16xf32, #tpu.memory_space<hbm>>
        %dma_start3A_190 = arith.constant 0 : i32
        %dma_start3A_191 = tpu.memref_slice %arg16[%add3A_185, %dma_start3A_190] : memref<10000x16xf32, #tpu.memory_space<vmem_shared>> -> memref<125x16xf32, #tpu.memory_space<vmem_shared>>
        tpu.enqueue_dma source(%dma_start3A_191 : memref<125x16xf32, #tpu.memory_space<vmem_shared>>) target(%dma_start3A_189 : memref<125x16xf32, #tpu.memory_space<hbm>>) target_semaphore(%run_scoped3A_186 : memref<!tpu.dma_semaphore, #tpu.memory_space<semaphore_mem>>)
        %dma_wait3A_192 = arith.constant 0 : i32
        %dma_wait3A_193 = tpu.memref_slice %arg7[%arg0, %add3A_185, %dma_wait3A_192] : memref<2x10000x16xf32, #tpu.memory_space<hbm>> -> memref<1x125x16xf32, #tpu.memory_space<hbm>>
        %dma_wait3A_194 = tpu.memref_squeeze %dma_wait3A_193 : memref<1x125x16xf32, #tpu.memory_space<hbm>> -> memref<125x16xf32, #tpu.memory_space<hbm>>
        %dma_wait3A_195 = arith.constant 0 : i32
        %dma_wait3A_196 = tpu.memref_slice %arg16[%add3A_185, %dma_wait3A_195] : memref<10000x16xf32, #tpu.memory_space<vmem_shared>> -> memref<125x16xf32, #tpu.memory_space<vmem_shared>>
        tpu.wait_dma2 semaphore(%run_scoped3A_186 : memref<!tpu.dma_semaphore, #tpu.memory_space<semaphore_mem>>) src(%dma_wait3A_196 : memref<125x16xf32, #tpu.memory_space<vmem_shared>>) dst(%dma_wait3A_194 : memref<125x16xf32, #tpu.memory_space<hbm>>)
        tpu.yield
      }) : () -> ()
    }
    %scan3A_181 = arith.constant 5 : i32
    return
  }
}

#map = affine_map<(d0, d1) -> (0, 0)>
#map1 = affine_map<(d0, d1) -> (0, 0, 0)>
module attributes {stable_mosaic.version = 14 : i64} {
  func.func @seg(%arg0: i32, %arg1: i32, %arg2: memref<10000x64xf32, #tpu.memory_space<hbm>>, %arg3: memref<2x320000xi32, #tpu.memory_space<hbm>>, %arg4: memref<125x64xf32, #tpu.memory_space<hbm>>, %arg5: memref<2x10000x64xf32, #tpu.memory_space<hbm>>, %arg6: memref<1664xi32, #tpu.memory_space<vmem>>, %arg7: memref<1664xi32, #tpu.memory_space<vmem>>, %arg8: memref<128x64xf32, #tpu.memory_space<vmem>>, %arg9: memref<128x64xf32, #tpu.memory_space<vmem>>, %arg10: memref<10000x64xf32, #tpu.memory_space<vmem_shared>>, %arg11: memref<!tpu.dma_semaphore, #tpu.memory_space<semaphore_mem>>, %arg12: memref<!tpu.dma_semaphore, #tpu.memory_space<semaphore_mem>>) attributes {dimension_semantics = [#tpu.dimension_semantics<core_parallel>, #tpu.dimension_semantics<subcore_parallel>], iteration_bounds = array<i64: 2, 16>, scalar_prefetch = 0 : i64, scratch_operands = 7 : i64, tpu.core_type = #tpu.core_type<sc_vector_subcore>, window_params = [{transform_indices = #map}, {transform_indices = #map}, {transform_indices = #map}, {transform_indices = #map1}]} {
    %mul3A = arith.constant 16 : i32
    %mul3A_0 = arith.muli %arg0, %mul3A : i32
    %add3A = arith.addi %mul3A_0, %arg1 : i32
    %mul3A_1 = arith.constant 625 : i32
    %mul3A_2 = arith.muli %arg1, %mul3A_1 : i32
    %scan3A = arith.constant 0 : i32
    %scan3A_3 = arith.constant 0 : i32
    %scan3A_4 = arith.constant 5 : i32
    %scan3A_5 = arith.addi %scan3A_3, %scan3A_4 : i32
    %scan3A_6 = arith.constant 1 : i32
    scf.for %scan3A_146 = %scan3A_3 to %scan3A_5 step %scan3A_6  : i32 {
      %mul3A_147 = arith.constant 125 : i32
      %mul3A_148 = arith.muli %scan3A_146, %mul3A_147 : i32
      %add3A_149 = arith.addi %mul3A_2, %mul3A_148 : i32
      "tpu.region"() ({
        %run_scoped3A_150 = tpu.sem_alloc : memref<!tpu.dma_semaphore, #tpu.memory_space<semaphore_mem>>
        %dma_start3A_151 = arith.constant 0 : i32
        %dma_start3A_152 = tpu.memref_slice %arg10[%add3A_149, %dma_start3A_151] : memref<10000x64xf32, #tpu.memory_space<vmem_shared>> -> memref<125x64xf32, #tpu.memory_space<vmem_shared>>
        tpu.enqueue_dma source(%arg4 : memref<125x64xf32, #tpu.memory_space<hbm>>) target(%dma_start3A_152 : memref<125x64xf32, #tpu.memory_space<vmem_shared>>) target_semaphore(%run_scoped3A_150 : memref<!tpu.dma_semaphore, #tpu.memory_space<semaphore_mem>>)
        %dma_wait3A_153 = arith.constant 0 : i32
        %dma_wait3A_154 = tpu.memref_slice %arg10[%add3A_149, %dma_wait3A_153] : memref<10000x64xf32, #tpu.memory_space<vmem_shared>> -> memref<125x64xf32, #tpu.memory_space<vmem_shared>>
        tpu.wait_dma2 semaphore(%run_scoped3A_150 : memref<!tpu.dma_semaphore, #tpu.memory_space<semaphore_mem>>) src(%arg4 : memref<125x64xf32, #tpu.memory_space<hbm>>) dst(%dma_wait3A_154 : memref<125x64xf32, #tpu.memory_space<vmem_shared>>)
        tpu.yield
      }) : () -> ()
    }
    %scan3A_7 = arith.constant 5 : i32
    %barrier3A = arith.constant 0 : index
    tpu.barrier barrier_id(%barrier3A)
    %mul3A_8 = arith.constant 9984 : i32
    %mul3A_9 = arith.muli %add3A, %mul3A_8 : i32
    %add3A_10 = arith.constant 0 : i32
    %add3A_11 = arith.addi %mul3A_9, %add3A_10 : i32
    %run_scoped3A = arith.constant 0 : i32
    "tpu.region"() ({
      %run_scoped3A_146 = tpu.sem_alloc : memref<!tpu.dma_semaphore, #tpu.memory_space<semaphore_mem>>
      %dma_start3A_147 = tpu.memref_slice %arg3[%run_scoped3A, %add3A_11] : memref<2x320000xi32, #tpu.memory_space<hbm>> -> memref<1x1664xi32, #tpu.memory_space<hbm>>
      %dma_start3A_148 = tpu.memref_squeeze %dma_start3A_147 : memref<1x1664xi32, #tpu.memory_space<hbm>> -> memref<1664xi32, #tpu.memory_space<hbm>>
      %dma_start3A_149 = tpu.memref_slice %arg3[%run_scoped3A, %add3A_11] : memref<2x320000xi32, #tpu.memory_space<hbm>> -> memref<1x1664xi32, #tpu.memory_space<hbm>>
      %dma_start3A_150 = tpu.memref_squeeze %dma_start3A_149 : memref<1x1664xi32, #tpu.memory_space<hbm>> -> memref<1664xi32, #tpu.memory_space<hbm>>
      tpu.enqueue_dma source(%dma_start3A_150 : memref<1664xi32, #tpu.memory_space<hbm>>) target(%arg6 : memref<1664xi32, #tpu.memory_space<vmem>>) target_semaphore(%run_scoped3A_146 : memref<!tpu.dma_semaphore, #tpu.memory_space<semaphore_mem>>)
      %dma_wait3A_151 = tpu.memref_slice %arg3[%run_scoped3A, %add3A_11] : memref<2x320000xi32, #tpu.memory_space<hbm>> -> memref<1x1664xi32, #tpu.memory_space<hbm>>
      %dma_wait3A_152 = tpu.memref_squeeze %dma_wait3A_151 : memref<1x1664xi32, #tpu.memory_space<hbm>> -> memref<1664xi32, #tpu.memory_space<hbm>>
      %dma_wait3A_153 = tpu.memref_slice %arg3[%run_scoped3A, %add3A_11] : memref<2x320000xi32, #tpu.memory_space<hbm>> -> memref<1x1664xi32, #tpu.memory_space<hbm>>
      %dma_wait3A_154 = tpu.memref_squeeze %dma_wait3A_153 : memref<1x1664xi32, #tpu.memory_space<hbm>> -> memref<1664xi32, #tpu.memory_space<hbm>>
      tpu.wait_dma2 semaphore(%run_scoped3A_146 : memref<!tpu.dma_semaphore, #tpu.memory_space<semaphore_mem>>) src(%dma_wait3A_154 : memref<1664xi32, #tpu.memory_space<hbm>>) dst(%arg6 : memref<1664xi32, #tpu.memory_space<vmem>>)
      tpu.yield
    }) : () -> ()
    %run_scoped3A_12 = arith.constant 1 : i32
    "tpu.region"() ({
      %run_scoped3A_146 = tpu.sem_alloc : memref<!tpu.dma_semaphore, #tpu.memory_space<semaphore_mem>>
      %dma_start3A_147 = tpu.memref_slice %arg3[%run_scoped3A_12, %add3A_11] : memref<2x320000xi32, #tpu.memory_space<hbm>> -> memref<1x1664xi32, #tpu.memory_space<hbm>>
      %dma_start3A_148 = tpu.memref_squeeze %dma_start3A_147 : memref<1x1664xi32, #tpu.memory_space<hbm>> -> memref<1664xi32, #tpu.memory_space<hbm>>
      %dma_start3A_149 = tpu.memref_slice %arg3[%run_scoped3A_12, %add3A_11] : memref<2x320000xi32, #tpu.memory_space<hbm>> -> memref<1x1664xi32, #tpu.memory_space<hbm>>
      %dma_start3A_150 = tpu.memref_squeeze %dma_start3A_149 : memref<1x1664xi32, #tpu.memory_space<hbm>> -> memref<1664xi32, #tpu.memory_space<hbm>>
      tpu.enqueue_dma source(%dma_start3A_150 : memref<1664xi32, #tpu.memory_space<hbm>>) target(%arg7 : memref<1664xi32, #tpu.memory_space<vmem>>) target_semaphore(%run_scoped3A_146 : memref<!tpu.dma_semaphore, #tpu.memory_space<semaphore_mem>>)
      %dma_wait3A_151 = tpu.memref_slice %arg3[%run_scoped3A_12, %add3A_11] : memref<2x320000xi32, #tpu.memory_space<hbm>> -> memref<1x1664xi32, #tpu.memory_space<hbm>>
      %dma_wait3A_152 = tpu.memref_squeeze %dma_wait3A_151 : memref<1x1664xi32, #tpu.memory_space<hbm>> -> memref<1664xi32, #tpu.memory_space<hbm>>
      %dma_wait3A_153 = tpu.memref_slice %arg3[%run_scoped3A_12, %add3A_11] : memref<2x320000xi32, #tpu.memory_space<hbm>> -> memref<1x1664xi32, #tpu.memory_space<hbm>>
      %dma_wait3A_154 = tpu.memref_squeeze %dma_wait3A_153 : memref<1x1664xi32, #tpu.memory_space<hbm>> -> memref<1664xi32, #tpu.memory_space<hbm>>
      tpu.wait_dma2 semaphore(%run_scoped3A_146 : memref<!tpu.dma_semaphore, #tpu.memory_space<semaphore_mem>>) src(%dma_wait3A_154 : memref<1664xi32, #tpu.memory_space<hbm>>) dst(%arg7 : memref<1664xi32, #tpu.memory_space<vmem>>)
      tpu.yield
    }) : () -> ()
    %dma_start3A = arith.constant 0 : i32
    %dma_start3A_13 = tpu.memref_slice %arg6[%dma_start3A] : memref<1664xi32, #tpu.memory_space<vmem>> -> memref<128xi32, #tpu.memory_space<vmem>>
    %dma_start3A_14 = arith.constant 0 : i32
    %dma_start3A_15 = arith.constant 0 : i32
    %dma_start3A_16 = tpu.memref_slice %arg2[%dma_start3A_14, %dma_start3A_15] : memref<10000x64xf32, #tpu.memory_space<hbm>> -> memref<10000x64xf32, #tpu.memory_space<hbm>>
    tpu.enqueue_indirect_dma source(%dma_start3A_16 : memref<10000x64xf32, #tpu.memory_space<hbm>>) target(%arg8 : memref<128x64xf32, #tpu.memory_space<vmem>>) offsets(%dma_start3A_13 : memref<128xi32, #tpu.memory_space<vmem>>) semaphore(%arg11 : memref<!tpu.dma_semaphore, #tpu.memory_space<semaphore_mem>>)
    %scan3A_17 = arith.constant 0 : i32
    %scan3A_18 = arith.constant 0 : i32
    %scan3A_19 = arith.constant 6 : i32
    %scan3A_20 = arith.addi %scan3A_18, %scan3A_19 : i32
    %scan3A_21 = arith.constant 1 : i32
    scf.for %scan3A_146 = %scan3A_18 to %scan3A_20 step %scan3A_21  : i32 {
      %mul3A_147 = arith.constant 2 : i32
      %mul3A_148 = arith.muli %mul3A_147, %scan3A_146 : i32
      %add3A_149 = arith.constant 1 : i32
      %add3A_150 = arith.addi %mul3A_148, %add3A_149 : i32
      %mul3A_151 = arith.constant 128 : i32
      %mul3A_152 = arith.muli %add3A_150, %mul3A_151 : i32
      %dma_start3A_153 = tpu.memref_slice %arg6[%mul3A_152] : memref<1664xi32, #tpu.memory_space<vmem>> -> memref<128xi32, #tpu.memory_space<vmem>>
      %dma_start3A_154 = arith.constant 0 : i32
      %dma_start3A_155 = arith.constant 0 : i32
      %dma_start3A_156 = tpu.memref_slice %arg2[%dma_start3A_154, %dma_start3A_155] : memref<10000x64xf32, #tpu.memory_space<hbm>> -> memref<10000x64xf32, #tpu.memory_space<hbm>>
      tpu.enqueue_indirect_dma source(%dma_start3A_156 : memref<10000x64xf32, #tpu.memory_space<hbm>>) target(%arg9 : memref<128x64xf32, #tpu.memory_space<vmem>>) offsets(%dma_start3A_153 : memref<128xi32, #tpu.memory_space<vmem>>) semaphore(%arg12 : memref<!tpu.dma_semaphore, #tpu.memory_space<semaphore_mem>>)
      %dma_wait3A_157 = arith.constant 0 : i32
      %dma_wait3A_158 = tpu.memref_slice %arg6[%dma_wait3A_157] : memref<1664xi32, #tpu.memory_space<vmem>> -> memref<128xi32, #tpu.memory_space<vmem>>
      %dma_wait3A_159 = arith.constant 0 : i32
      %dma_wait3A_160 = arith.constant 0 : i32
      %dma_wait3A_161 = tpu.memref_slice %arg2[%dma_wait3A_159, %dma_wait3A_160] : memref<10000x64xf32, #tpu.memory_space<hbm>> -> memref<10000x64xf32, #tpu.memory_space<hbm>>
      tpu.wait_indirect_dma semaphore(%arg11 : memref<!tpu.dma_semaphore, #tpu.memory_space<semaphore_mem>>) src(%dma_wait3A_161 : memref<10000x64xf32, #tpu.memory_space<hbm>>) dst(%arg8 : memref<128x64xf32, #tpu.memory_space<vmem>>)
      %mul3A_162 = arith.constant 128 : i32
      %mul3A_163 = arith.muli %mul3A_148, %mul3A_162 : i32
      "tpu.region"() ({
        %run_scoped3A_182 = tpu.sem_alloc : memref<!tpu.dma_semaphore, #tpu.memory_space<semaphore_mem>>
        %dma_start3A_183 = tpu.memref_slice %arg7[%mul3A_163] : memref<1664xi32, #tpu.memory_space<vmem>> -> memref<128xi32, #tpu.memory_space<vmem>>
        %dma_start3A_184 = arith.constant 0 : i32
        %dma_start3A_185 = arith.constant 0 : i32
        %dma_start3A_186 = tpu.memref_slice %arg10[%dma_start3A_184, %dma_start3A_185] : memref<10000x64xf32, #tpu.memory_space<vmem_shared>> -> memref<10000x64xf32, #tpu.memory_space<vmem_shared>>
        tpu.enqueue_indirect_dma source(%arg8 : memref<128x64xf32, #tpu.memory_space<vmem>>) target(%dma_start3A_186 : memref<10000x64xf32, #tpu.memory_space<vmem_shared>>) offsets(%dma_start3A_183 : memref<128xi32, #tpu.memory_space<vmem>>) semaphore(%run_scoped3A_182 : memref<!tpu.dma_semaphore, #tpu.memory_space<semaphore_mem>>) {add = true}
        %dma_wait3A_187 = tpu.memref_slice %arg7[%mul3A_163] : memref<1664xi32, #tpu.memory_space<vmem>> -> memref<128xi32, #tpu.memory_space<vmem>>
        %dma_wait3A_188 = arith.constant 0 : i32
        %dma_wait3A_189 = arith.constant 0 : i32
        %dma_wait3A_190 = tpu.memref_slice %arg10[%dma_wait3A_188, %dma_wait3A_189] : memref<10000x64xf32, #tpu.memory_space<vmem_shared>> -> memref<10000x64xf32, #tpu.memory_space<vmem_shared>>
        tpu.wait_indirect_dma semaphore(%run_scoped3A_182 : memref<!tpu.dma_semaphore, #tpu.memory_space<semaphore_mem>>) src(%arg8 : memref<128x64xf32, #tpu.memory_space<vmem>>) dst(%dma_wait3A_190 : memref<10000x64xf32, #tpu.memory_space<vmem_shared>>)
        tpu.yield
      }) : () -> ()
      %add3A_164 = arith.constant 2 : i32
      %add3A_165 = arith.addi %mul3A_148, %add3A_164 : i32
      %min3A = arith.constant 12 : i32
      %min3A_166 = arith.minsi %add3A_165, %min3A : i32
      %mul3A_167 = arith.constant 128 : i32
      %mul3A_168 = arith.muli %min3A_166, %mul3A_167 : i32
      %dma_start3A_169 = tpu.memref_slice %arg6[%mul3A_168] : memref<1664xi32, #tpu.memory_space<vmem>> -> memref<128xi32, #tpu.memory_space<vmem>>
      %dma_start3A_170 = arith.constant 0 : i32
      %dma_start3A_171 = arith.constant 0 : i32
      %dma_start3A_172 = tpu.memref_slice %arg2[%dma_start3A_170, %dma_start3A_171] : memref<10000x64xf32, #tpu.memory_space<hbm>> -> memref<10000x64xf32, #tpu.memory_space<hbm>>
      tpu.enqueue_indirect_dma source(%dma_start3A_172 : memref<10000x64xf32, #tpu.memory_space<hbm>>) target(%arg8 : memref<128x64xf32, #tpu.memory_space<vmem>>) offsets(%dma_start3A_169 : memref<128xi32, #tpu.memory_space<vmem>>) semaphore(%arg11 : memref<!tpu.dma_semaphore, #tpu.memory_space<semaphore_mem>>)
      %dma_wait3A_173 = arith.constant 0 : i32
      %dma_wait3A_174 = tpu.memref_slice %arg6[%dma_wait3A_173] : memref<1664xi32, #tpu.memory_space<vmem>> -> memref<128xi32, #tpu.memory_space<vmem>>
      %dma_wait3A_175 = arith.constant 0 : i32
      %dma_wait3A_176 = arith.constant 0 : i32
      %dma_wait3A_177 = tpu.memref_slice %arg2[%dma_wait3A_175, %dma_wait3A_176] : memref<10000x64xf32, #tpu.memory_space<hbm>> -> memref<10000x64xf32, #tpu.memory_space<hbm>>
      tpu.wait_indirect_dma semaphore(%arg12 : memref<!tpu.dma_semaphore, #tpu.memory_space<semaphore_mem>>) src(%dma_wait3A_177 : memref<10000x64xf32, #tpu.memory_space<hbm>>) dst(%arg9 : memref<128x64xf32, #tpu.memory_space<vmem>>)
      %add3A_178 = arith.constant 1 : i32
      %add3A_179 = arith.addi %mul3A_148, %add3A_178 : i32
      %mul3A_180 = arith.constant 128 : i32
      %mul3A_181 = arith.muli %add3A_179, %mul3A_180 : i32
      "tpu.region"() ({
        %run_scoped3A_182 = tpu.sem_alloc : memref<!tpu.dma_semaphore, #tpu.memory_space<semaphore_mem>>
        %dma_start3A_183 = tpu.memref_slice %arg7[%mul3A_181] : memref<1664xi32, #tpu.memory_space<vmem>> -> memref<128xi32, #tpu.memory_space<vmem>>
        %dma_start3A_184 = arith.constant 0 : i32
        %dma_start3A_185 = arith.constant 0 : i32
        %dma_start3A_186 = tpu.memref_slice %arg10[%dma_start3A_184, %dma_start3A_185] : memref<10000x64xf32, #tpu.memory_space<vmem_shared>> -> memref<10000x64xf32, #tpu.memory_space<vmem_shared>>
        tpu.enqueue_indirect_dma source(%arg9 : memref<128x64xf32, #tpu.memory_space<vmem>>) target(%dma_start3A_186 : memref<10000x64xf32, #tpu.memory_space<vmem_shared>>) offsets(%dma_start3A_183 : memref<128xi32, #tpu.memory_space<vmem>>) semaphore(%run_scoped3A_182 : memref<!tpu.dma_semaphore, #tpu.memory_space<semaphore_mem>>) {add = true}
        %dma_wait3A_187 = tpu.memref_slice %arg7[%mul3A_181] : memref<1664xi32, #tpu.memory_space<vmem>> -> memref<128xi32, #tpu.memory_space<vmem>>
        %dma_wait3A_188 = arith.constant 0 : i32
        %dma_wait3A_189 = arith.constant 0 : i32
        %dma_wait3A_190 = tpu.memref_slice %arg10[%dma_wait3A_188, %dma_wait3A_189] : memref<10000x64xf32, #tpu.memory_space<vmem_shared>> -> memref<10000x64xf32, #tpu.memory_space<vmem_shared>>
        tpu.wait_indirect_dma semaphore(%run_scoped3A_182 : memref<!tpu.dma_semaphore, #tpu.memory_space<semaphore_mem>>) src(%arg9 : memref<128x64xf32, #tpu.memory_space<vmem>>) dst(%dma_wait3A_190 : memref<10000x64xf32, #tpu.memory_space<vmem_shared>>)
        tpu.yield
      }) : () -> ()
    }
    %scan3A_22 = arith.constant 6 : i32
    %dma_wait3A = arith.constant 0 : i32
    %dma_wait3A_23 = tpu.memref_slice %arg6[%dma_wait3A] : memref<1664xi32, #tpu.memory_space<vmem>> -> memref<128xi32, #tpu.memory_space<vmem>>
    %dma_wait3A_24 = arith.constant 0 : i32
    %dma_wait3A_25 = arith.constant 0 : i32
    %dma_wait3A_26 = tpu.memref_slice %arg2[%dma_wait3A_24, %dma_wait3A_25] : memref<10000x64xf32, #tpu.memory_space<hbm>> -> memref<10000x64xf32, #tpu.memory_space<hbm>>
    tpu.wait_indirect_dma semaphore(%arg11 : memref<!tpu.dma_semaphore, #tpu.memory_space<semaphore_mem>>) src(%dma_wait3A_26 : memref<10000x64xf32, #tpu.memory_space<hbm>>) dst(%arg8 : memref<128x64xf32, #tpu.memory_space<vmem>>)
    "tpu.region"() ({
      %run_scoped3A_146 = tpu.sem_alloc : memref<!tpu.dma_semaphore, #tpu.memory_space<semaphore_mem>>
      %dma_start3A_147 = arith.constant 1536 : i32
      %dma_start3A_148 = tpu.memref_slice %arg7[%dma_start3A_147] : memref<1664xi32, #tpu.memory_space<vmem>> -> memref<128xi32, #tpu.memory_space<vmem>>
      %dma_start3A_149 = arith.constant 0 : i32
      %dma_start3A_150 = arith.constant 0 : i32
      %dma_start3A_151 = tpu.memref_slice %arg10[%dma_start3A_149, %dma_start3A_150] : memref<10000x64xf32, #tpu.memory_space<vmem_shared>> -> memref<10000x64xf32, #tpu.memory_space<vmem_shared>>
      tpu.enqueue_indirect_dma source(%arg8 : memref<128x64xf32, #tpu.memory_space<vmem>>) target(%dma_start3A_151 : memref<10000x64xf32, #tpu.memory_space<vmem_shared>>) offsets(%dma_start3A_148 : memref<128xi32, #tpu.memory_space<vmem>>) semaphore(%run_scoped3A_146 : memref<!tpu.dma_semaphore, #tpu.memory_space<semaphore_mem>>) {add = true}
      %dma_wait3A_152 = arith.constant 1536 : i32
      %dma_wait3A_153 = tpu.memref_slice %arg7[%dma_wait3A_152] : memref<1664xi32, #tpu.memory_space<vmem>> -> memref<128xi32, #tpu.memory_space<vmem>>
      %dma_wait3A_154 = arith.constant 0 : i32
      %dma_wait3A_155 = arith.constant 0 : i32
      %dma_wait3A_156 = tpu.memref_slice %arg10[%dma_wait3A_154, %dma_wait3A_155] : memref<10000x64xf32, #tpu.memory_space<vmem_shared>> -> memref<10000x64xf32, #tpu.memory_space<vmem_shared>>
      tpu.wait_indirect_dma semaphore(%run_scoped3A_146 : memref<!tpu.dma_semaphore, #tpu.memory_space<semaphore_mem>>) src(%arg8 : memref<128x64xf32, #tpu.memory_space<vmem>>) dst(%dma_wait3A_156 : memref<10000x64xf32, #tpu.memory_space<vmem_shared>>)
      tpu.yield
    }) : () -> ()
    %mul3A_27 = arith.constant 9984 : i32
    %mul3A_28 = arith.muli %add3A, %mul3A_27 : i32
    %add3A_29 = arith.constant 1664 : i32
    %add3A_30 = arith.addi %mul3A_28, %add3A_29 : i32
    %run_scoped3A_31 = arith.constant 0 : i32
    "tpu.region"() ({
      %run_scoped3A_146 = tpu.sem_alloc : memref<!tpu.dma_semaphore, #tpu.memory_space<semaphore_mem>>
      %dma_start3A_147 = tpu.memref_slice %arg3[%run_scoped3A_31, %add3A_30] : memref<2x320000xi32, #tpu.memory_space<hbm>> -> memref<1x1664xi32, #tpu.memory_space<hbm>>
      %dma_start3A_148 = tpu.memref_squeeze %dma_start3A_147 : memref<1x1664xi32, #tpu.memory_space<hbm>> -> memref<1664xi32, #tpu.memory_space<hbm>>
      %dma_start3A_149 = tpu.memref_slice %arg3[%run_scoped3A_31, %add3A_30] : memref<2x320000xi32, #tpu.memory_space<hbm>> -> memref<1x1664xi32, #tpu.memory_space<hbm>>
      %dma_start3A_150 = tpu.memref_squeeze %dma_start3A_149 : memref<1x1664xi32, #tpu.memory_space<hbm>> -> memref<1664xi32, #tpu.memory_space<hbm>>
      tpu.enqueue_dma source(%dma_start3A_150 : memref<1664xi32, #tpu.memory_space<hbm>>) target(%arg6 : memref<1664xi32, #tpu.memory_space<vmem>>) target_semaphore(%run_scoped3A_146 : memref<!tpu.dma_semaphore, #tpu.memory_space<semaphore_mem>>)
      %dma_wait3A_151 = tpu.memref_slice %arg3[%run_scoped3A_31, %add3A_30] : memref<2x320000xi32, #tpu.memory_space<hbm>> -> memref<1x1664xi32, #tpu.memory_space<hbm>>
      %dma_wait3A_152 = tpu.memref_squeeze %dma_wait3A_151 : memref<1x1664xi32, #tpu.memory_space<hbm>> -> memref<1664xi32, #tpu.memory_space<hbm>>
      %dma_wait3A_153 = tpu.memref_slice %arg3[%run_scoped3A_31, %add3A_30] : memref<2x320000xi32, #tpu.memory_space<hbm>> -> memref<1x1664xi32, #tpu.memory_space<hbm>>
      %dma_wait3A_154 = tpu.memref_squeeze %dma_wait3A_153 : memref<1x1664xi32, #tpu.memory_space<hbm>> -> memref<1664xi32, #tpu.memory_space<hbm>>
      tpu.wait_dma2 semaphore(%run_scoped3A_146 : memref<!tpu.dma_semaphore, #tpu.memory_space<semaphore_mem>>) src(%dma_wait3A_154 : memref<1664xi32, #tpu.memory_space<hbm>>) dst(%arg6 : memref<1664xi32, #tpu.memory_space<vmem>>)
      tpu.yield
    }) : () -> ()
    %run_scoped3A_32 = arith.constant 1 : i32
    "tpu.region"() ({
      %run_scoped3A_146 = tpu.sem_alloc : memref<!tpu.dma_semaphore, #tpu.memory_space<semaphore_mem>>
      %dma_start3A_147 = tpu.memref_slice %arg3[%run_scoped3A_32, %add3A_30] : memref<2x320000xi32, #tpu.memory_space<hbm>> -> memref<1x1664xi32, #tpu.memory_space<hbm>>
      %dma_start3A_148 = tpu.memref_squeeze %dma_start3A_147 : memref<1x1664xi32, #tpu.memory_space<hbm>> -> memref<1664xi32, #tpu.memory_space<hbm>>
      %dma_start3A_149 = tpu.memref_slice %arg3[%run_scoped3A_32, %add3A_30] : memref<2x320000xi32, #tpu.memory_space<hbm>> -> memref<1x1664xi32, #tpu.memory_space<hbm>>
      %dma_start3A_150 = tpu.memref_squeeze %dma_start3A_149 : memref<1x1664xi32, #tpu.memory_space<hbm>> -> memref<1664xi32, #tpu.memory_space<hbm>>
      tpu.enqueue_dma source(%dma_start3A_150 : memref<1664xi32, #tpu.memory_space<hbm>>) target(%arg7 : memref<1664xi32, #tpu.memory_space<vmem>>) target_semaphore(%run_scoped3A_146 : memref<!tpu.dma_semaphore, #tpu.memory_space<semaphore_mem>>)
      %dma_wait3A_151 = tpu.memref_slice %arg3[%run_scoped3A_32, %add3A_30] : memref<2x320000xi32, #tpu.memory_space<hbm>> -> memref<1x1664xi32, #tpu.memory_space<hbm>>
      %dma_wait3A_152 = tpu.memref_squeeze %dma_wait3A_151 : memref<1x1664xi32, #tpu.memory_space<hbm>> -> memref<1664xi32, #tpu.memory_space<hbm>>
      %dma_wait3A_153 = tpu.memref_slice %arg3[%run_scoped3A_32, %add3A_30] : memref<2x320000xi32, #tpu.memory_space<hbm>> -> memref<1x1664xi32, #tpu.memory_space<hbm>>
      %dma_wait3A_154 = tpu.memref_squeeze %dma_wait3A_153 : memref<1x1664xi32, #tpu.memory_space<hbm>> -> memref<1664xi32, #tpu.memory_space<hbm>>
      tpu.wait_dma2 semaphore(%run_scoped3A_146 : memref<!tpu.dma_semaphore, #tpu.memory_space<semaphore_mem>>) src(%dma_wait3A_154 : memref<1664xi32, #tpu.memory_space<hbm>>) dst(%arg7 : memref<1664xi32, #tpu.memory_space<vmem>>)
      tpu.yield
    }) : () -> ()
    %dma_start3A_33 = arith.constant 0 : i32
    %dma_start3A_34 = tpu.memref_slice %arg6[%dma_start3A_33] : memref<1664xi32, #tpu.memory_space<vmem>> -> memref<128xi32, #tpu.memory_space<vmem>>
    %dma_start3A_35 = arith.constant 0 : i32
    %dma_start3A_36 = arith.constant 0 : i32
    %dma_start3A_37 = tpu.memref_slice %arg2[%dma_start3A_35, %dma_start3A_36] : memref<10000x64xf32, #tpu.memory_space<hbm>> -> memref<10000x64xf32, #tpu.memory_space<hbm>>
    tpu.enqueue_indirect_dma source(%dma_start3A_37 : memref<10000x64xf32, #tpu.memory_space<hbm>>) target(%arg8 : memref<128x64xf32, #tpu.memory_space<vmem>>) offsets(%dma_start3A_34 : memref<128xi32, #tpu.memory_space<vmem>>) semaphore(%arg11 : memref<!tpu.dma_semaphore, #tpu.memory_space<semaphore_mem>>)
    %scan3A_38 = arith.constant 0 : i32
    %scan3A_39 = arith.constant 0 : i32
    %scan3A_40 = arith.constant 6 : i32
    %scan3A_41 = arith.addi %scan3A_39, %scan3A_40 : i32
    %scan3A_42 = arith.constant 1 : i32
    scf.for %scan3A_146 = %scan3A_39 to %scan3A_41 step %scan3A_42  : i32 {
      %mul3A_147 = arith.constant 2 : i32
      %mul3A_148 = arith.muli %mul3A_147, %scan3A_146 : i32
      %add3A_149 = arith.constant 1 : i32
      %add3A_150 = arith.addi %mul3A_148, %add3A_149 : i32
      %mul3A_151 = arith.constant 128 : i32
      %mul3A_152 = arith.muli %add3A_150, %mul3A_151 : i32
      %dma_start3A_153 = tpu.memref_slice %arg6[%mul3A_152] : memref<1664xi32, #tpu.memory_space<vmem>> -> memref<128xi32, #tpu.memory_space<vmem>>
      %dma_start3A_154 = arith.constant 0 : i32
      %dma_start3A_155 = arith.constant 0 : i32
      %dma_start3A_156 = tpu.memref_slice %arg2[%dma_start3A_154, %dma_start3A_155] : memref<10000x64xf32, #tpu.memory_space<hbm>> -> memref<10000x64xf32, #tpu.memory_space<hbm>>
      tpu.enqueue_indirect_dma source(%dma_start3A_156 : memref<10000x64xf32, #tpu.memory_space<hbm>>) target(%arg9 : memref<128x64xf32, #tpu.memory_space<vmem>>) offsets(%dma_start3A_153 : memref<128xi32, #tpu.memory_space<vmem>>) semaphore(%arg12 : memref<!tpu.dma_semaphore, #tpu.memory_space<semaphore_mem>>)
      %dma_wait3A_157 = arith.constant 0 : i32
      %dma_wait3A_158 = tpu.memref_slice %arg6[%dma_wait3A_157] : memref<1664xi32, #tpu.memory_space<vmem>> -> memref<128xi32, #tpu.memory_space<vmem>>
      %dma_wait3A_159 = arith.constant 0 : i32
      %dma_wait3A_160 = arith.constant 0 : i32
      %dma_wait3A_161 = tpu.memref_slice %arg2[%dma_wait3A_159, %dma_wait3A_160] : memref<10000x64xf32, #tpu.memory_space<hbm>> -> memref<10000x64xf32, #tpu.memory_space<hbm>>
      tpu.wait_indirect_dma semaphore(%arg11 : memref<!tpu.dma_semaphore, #tpu.memory_space<semaphore_mem>>) src(%dma_wait3A_161 : memref<10000x64xf32, #tpu.memory_space<hbm>>) dst(%arg8 : memref<128x64xf32, #tpu.memory_space<vmem>>)
      %mul3A_162 = arith.constant 128 : i32
      %mul3A_163 = arith.muli %mul3A_148, %mul3A_162 : i32
      "tpu.region"() ({
        %run_scoped3A_182 = tpu.sem_alloc : memref<!tpu.dma_semaphore, #tpu.memory_space<semaphore_mem>>
        %dma_start3A_183 = tpu.memref_slice %arg7[%mul3A_163] : memref<1664xi32, #tpu.memory_space<vmem>> -> memref<128xi32, #tpu.memory_space<vmem>>
        %dma_start3A_184 = arith.constant 0 : i32
        %dma_start3A_185 = arith.constant 0 : i32
        %dma_start3A_186 = tpu.memref_slice %arg10[%dma_start3A_184, %dma_start3A_185] : memref<10000x64xf32, #tpu.memory_space<vmem_shared>> -> memref<10000x64xf32, #tpu.memory_space<vmem_shared>>
        tpu.enqueue_indirect_dma source(%arg8 : memref<128x64xf32, #tpu.memory_space<vmem>>) target(%dma_start3A_186 : memref<10000x64xf32, #tpu.memory_space<vmem_shared>>) offsets(%dma_start3A_183 : memref<128xi32, #tpu.memory_space<vmem>>) semaphore(%run_scoped3A_182 : memref<!tpu.dma_semaphore, #tpu.memory_space<semaphore_mem>>) {add = true}
        %dma_wait3A_187 = tpu.memref_slice %arg7[%mul3A_163] : memref<1664xi32, #tpu.memory_space<vmem>> -> memref<128xi32, #tpu.memory_space<vmem>>
        %dma_wait3A_188 = arith.constant 0 : i32
        %dma_wait3A_189 = arith.constant 0 : i32
        %dma_wait3A_190 = tpu.memref_slice %arg10[%dma_wait3A_188, %dma_wait3A_189] : memref<10000x64xf32, #tpu.memory_space<vmem_shared>> -> memref<10000x64xf32, #tpu.memory_space<vmem_shared>>
        tpu.wait_indirect_dma semaphore(%run_scoped3A_182 : memref<!tpu.dma_semaphore, #tpu.memory_space<semaphore_mem>>) src(%arg8 : memref<128x64xf32, #tpu.memory_space<vmem>>) dst(%dma_wait3A_190 : memref<10000x64xf32, #tpu.memory_space<vmem_shared>>)
        tpu.yield
      }) : () -> ()
      %add3A_164 = arith.constant 2 : i32
      %add3A_165 = arith.addi %mul3A_148, %add3A_164 : i32
      %min3A = arith.constant 12 : i32
      %min3A_166 = arith.minsi %add3A_165, %min3A : i32
      %mul3A_167 = arith.constant 128 : i32
      %mul3A_168 = arith.muli %min3A_166, %mul3A_167 : i32
      %dma_start3A_169 = tpu.memref_slice %arg6[%mul3A_168] : memref<1664xi32, #tpu.memory_space<vmem>> -> memref<128xi32, #tpu.memory_space<vmem>>
      %dma_start3A_170 = arith.constant 0 : i32
      %dma_start3A_171 = arith.constant 0 : i32
      %dma_start3A_172 = tpu.memref_slice %arg2[%dma_start3A_170, %dma_start3A_171] : memref<10000x64xf32, #tpu.memory_space<hbm>> -> memref<10000x64xf32, #tpu.memory_space<hbm>>
      tpu.enqueue_indirect_dma source(%dma_start3A_172 : memref<10000x64xf32, #tpu.memory_space<hbm>>) target(%arg8 : memref<128x64xf32, #tpu.memory_space<vmem>>) offsets(%dma_start3A_169 : memref<128xi32, #tpu.memory_space<vmem>>) semaphore(%arg11 : memref<!tpu.dma_semaphore, #tpu.memory_space<semaphore_mem>>)
      %dma_wait3A_173 = arith.constant 0 : i32
      %dma_wait3A_174 = tpu.memref_slice %arg6[%dma_wait3A_173] : memref<1664xi32, #tpu.memory_space<vmem>> -> memref<128xi32, #tpu.memory_space<vmem>>
      %dma_wait3A_175 = arith.constant 0 : i32
      %dma_wait3A_176 = arith.constant 0 : i32
      %dma_wait3A_177 = tpu.memref_slice %arg2[%dma_wait3A_175, %dma_wait3A_176] : memref<10000x64xf32, #tpu.memory_space<hbm>> -> memref<10000x64xf32, #tpu.memory_space<hbm>>
      tpu.wait_indirect_dma semaphore(%arg12 : memref<!tpu.dma_semaphore, #tpu.memory_space<semaphore_mem>>) src(%dma_wait3A_177 : memref<10000x64xf32, #tpu.memory_space<hbm>>) dst(%arg9 : memref<128x64xf32, #tpu.memory_space<vmem>>)
      %add3A_178 = arith.constant 1 : i32
      %add3A_179 = arith.addi %mul3A_148, %add3A_178 : i32
      %mul3A_180 = arith.constant 128 : i32
      %mul3A_181 = arith.muli %add3A_179, %mul3A_180 : i32
      "tpu.region"() ({
        %run_scoped3A_182 = tpu.sem_alloc : memref<!tpu.dma_semaphore, #tpu.memory_space<semaphore_mem>>
        %dma_start3A_183 = tpu.memref_slice %arg7[%mul3A_181] : memref<1664xi32, #tpu.memory_space<vmem>> -> memref<128xi32, #tpu.memory_space<vmem>>
        %dma_start3A_184 = arith.constant 0 : i32
        %dma_start3A_185 = arith.constant 0 : i32
        %dma_start3A_186 = tpu.memref_slice %arg10[%dma_start3A_184, %dma_start3A_185] : memref<10000x64xf32, #tpu.memory_space<vmem_shared>> -> memref<10000x64xf32, #tpu.memory_space<vmem_shared>>
        tpu.enqueue_indirect_dma source(%arg9 : memref<128x64xf32, #tpu.memory_space<vmem>>) target(%dma_start3A_186 : memref<10000x64xf32, #tpu.memory_space<vmem_shared>>) offsets(%dma_start3A_183 : memref<128xi32, #tpu.memory_space<vmem>>) semaphore(%run_scoped3A_182 : memref<!tpu.dma_semaphore, #tpu.memory_space<semaphore_mem>>) {add = true}
        %dma_wait3A_187 = tpu.memref_slice %arg7[%mul3A_181] : memref<1664xi32, #tpu.memory_space<vmem>> -> memref<128xi32, #tpu.memory_space<vmem>>
        %dma_wait3A_188 = arith.constant 0 : i32
        %dma_wait3A_189 = arith.constant 0 : i32
        %dma_wait3A_190 = tpu.memref_slice %arg10[%dma_wait3A_188, %dma_wait3A_189] : memref<10000x64xf32, #tpu.memory_space<vmem_shared>> -> memref<10000x64xf32, #tpu.memory_space<vmem_shared>>
        tpu.wait_indirect_dma semaphore(%run_scoped3A_182 : memref<!tpu.dma_semaphore, #tpu.memory_space<semaphore_mem>>) src(%arg9 : memref<128x64xf32, #tpu.memory_space<vmem>>) dst(%dma_wait3A_190 : memref<10000x64xf32, #tpu.memory_space<vmem_shared>>)
        tpu.yield
      }) : () -> ()
    }
    %scan3A_43 = arith.constant 6 : i32
    %dma_wait3A_44 = arith.constant 0 : i32
    %dma_wait3A_45 = tpu.memref_slice %arg6[%dma_wait3A_44] : memref<1664xi32, #tpu.memory_space<vmem>> -> memref<128xi32, #tpu.memory_space<vmem>>
    %dma_wait3A_46 = arith.constant 0 : i32
    %dma_wait3A_47 = arith.constant 0 : i32
    %dma_wait3A_48 = tpu.memref_slice %arg2[%dma_wait3A_46, %dma_wait3A_47] : memref<10000x64xf32, #tpu.memory_space<hbm>> -> memref<10000x64xf32, #tpu.memory_space<hbm>>
    tpu.wait_indirect_dma semaphore(%arg11 : memref<!tpu.dma_semaphore, #tpu.memory_space<semaphore_mem>>) src(%dma_wait3A_48 : memref<10000x64xf32, #tpu.memory_space<hbm>>) dst(%arg8 : memref<128x64xf32, #tpu.memory_space<vmem>>)
    "tpu.region"() ({
      %run_scoped3A_146 = tpu.sem_alloc : memref<!tpu.dma_semaphore, #tpu.memory_space<semaphore_mem>>
      %dma_start3A_147 = arith.constant 1536 : i32
      %dma_start3A_148 = tpu.memref_slice %arg7[%dma_start3A_147] : memref<1664xi32, #tpu.memory_space<vmem>> -> memref<128xi32, #tpu.memory_space<vmem>>
      %dma_start3A_149 = arith.constant 0 : i32
      %dma_start3A_150 = arith.constant 0 : i32
      %dma_start3A_151 = tpu.memref_slice %arg10[%dma_start3A_149, %dma_start3A_150] : memref<10000x64xf32, #tpu.memory_space<vmem_shared>> -> memref<10000x64xf32, #tpu.memory_space<vmem_shared>>
      tpu.enqueue_indirect_dma source(%arg8 : memref<128x64xf32, #tpu.memory_space<vmem>>) target(%dma_start3A_151 : memref<10000x64xf32, #tpu.memory_space<vmem_shared>>) offsets(%dma_start3A_148 : memref<128xi32, #tpu.memory_space<vmem>>) semaphore(%run_scoped3A_146 : memref<!tpu.dma_semaphore, #tpu.memory_space<semaphore_mem>>) {add = true}
      %dma_wait3A_152 = arith.constant 1536 : i32
      %dma_wait3A_153 = tpu.memref_slice %arg7[%dma_wait3A_152] : memref<1664xi32, #tpu.memory_space<vmem>> -> memref<128xi32, #tpu.memory_space<vmem>>
      %dma_wait3A_154 = arith.constant 0 : i32
      %dma_wait3A_155 = arith.constant 0 : i32
      %dma_wait3A_156 = tpu.memref_slice %arg10[%dma_wait3A_154, %dma_wait3A_155] : memref<10000x64xf32, #tpu.memory_space<vmem_shared>> -> memref<10000x64xf32, #tpu.memory_space<vmem_shared>>
      tpu.wait_indirect_dma semaphore(%run_scoped3A_146 : memref<!tpu.dma_semaphore, #tpu.memory_space<semaphore_mem>>) src(%arg8 : memref<128x64xf32, #tpu.memory_space<vmem>>) dst(%dma_wait3A_156 : memref<10000x64xf32, #tpu.memory_space<vmem_shared>>)
      tpu.yield
    }) : () -> ()
    %mul3A_49 = arith.constant 9984 : i32
    %mul3A_50 = arith.muli %add3A, %mul3A_49 : i32
    %add3A_51 = arith.constant 3328 : i32
    %add3A_52 = arith.addi %mul3A_50, %add3A_51 : i32
    %run_scoped3A_53 = arith.constant 0 : i32
    "tpu.region"() ({
      %run_scoped3A_146 = tpu.sem_alloc : memref<!tpu.dma_semaphore, #tpu.memory_space<semaphore_mem>>
      %dma_start3A_147 = tpu.memref_slice %arg3[%run_scoped3A_53, %add3A_52] : memref<2x320000xi32, #tpu.memory_space<hbm>> -> memref<1x1664xi32, #tpu.memory_space<hbm>>
      %dma_start3A_148 = tpu.memref_squeeze %dma_start3A_147 : memref<1x1664xi32, #tpu.memory_space<hbm>> -> memref<1664xi32, #tpu.memory_space<hbm>>
      %dma_start3A_149 = tpu.memref_slice %arg3[%run_scoped3A_53, %add3A_52] : memref<2x320000xi32, #tpu.memory_space<hbm>> -> memref<1x1664xi32, #tpu.memory_space<hbm>>
      %dma_start3A_150 = tpu.memref_squeeze %dma_start3A_149 : memref<1x1664xi32, #tpu.memory_space<hbm>> -> memref<1664xi32, #tpu.memory_space<hbm>>
      tpu.enqueue_dma source(%dma_start3A_150 : memref<1664xi32, #tpu.memory_space<hbm>>) target(%arg6 : memref<1664xi32, #tpu.memory_space<vmem>>) target_semaphore(%run_scoped3A_146 : memref<!tpu.dma_semaphore, #tpu.memory_space<semaphore_mem>>)
      %dma_wait3A_151 = tpu.memref_slice %arg3[%run_scoped3A_53, %add3A_52] : memref<2x320000xi32, #tpu.memory_space<hbm>> -> memref<1x1664xi32, #tpu.memory_space<hbm>>
      %dma_wait3A_152 = tpu.memref_squeeze %dma_wait3A_151 : memref<1x1664xi32, #tpu.memory_space<hbm>> -> memref<1664xi32, #tpu.memory_space<hbm>>
      %dma_wait3A_153 = tpu.memref_slice %arg3[%run_scoped3A_53, %add3A_52] : memref<2x320000xi32, #tpu.memory_space<hbm>> -> memref<1x1664xi32, #tpu.memory_space<hbm>>
      %dma_wait3A_154 = tpu.memref_squeeze %dma_wait3A_153 : memref<1x1664xi32, #tpu.memory_space<hbm>> -> memref<1664xi32, #tpu.memory_space<hbm>>
      tpu.wait_dma2 semaphore(%run_scoped3A_146 : memref<!tpu.dma_semaphore, #tpu.memory_space<semaphore_mem>>) src(%dma_wait3A_154 : memref<1664xi32, #tpu.memory_space<hbm>>) dst(%arg6 : memref<1664xi32, #tpu.memory_space<vmem>>)
      tpu.yield
    }) : () -> ()
    %run_scoped3A_54 = arith.constant 1 : i32
    "tpu.region"() ({
      %run_scoped3A_146 = tpu.sem_alloc : memref<!tpu.dma_semaphore, #tpu.memory_space<semaphore_mem>>
      %dma_start3A_147 = tpu.memref_slice %arg3[%run_scoped3A_54, %add3A_52] : memref<2x320000xi32, #tpu.memory_space<hbm>> -> memref<1x1664xi32, #tpu.memory_space<hbm>>
      %dma_start3A_148 = tpu.memref_squeeze %dma_start3A_147 : memref<1x1664xi32, #tpu.memory_space<hbm>> -> memref<1664xi32, #tpu.memory_space<hbm>>
      %dma_start3A_149 = tpu.memref_slice %arg3[%run_scoped3A_54, %add3A_52] : memref<2x320000xi32, #tpu.memory_space<hbm>> -> memref<1x1664xi32, #tpu.memory_space<hbm>>
      %dma_start3A_150 = tpu.memref_squeeze %dma_start3A_149 : memref<1x1664xi32, #tpu.memory_space<hbm>> -> memref<1664xi32, #tpu.memory_space<hbm>>
      tpu.enqueue_dma source(%dma_start3A_150 : memref<1664xi32, #tpu.memory_space<hbm>>) target(%arg7 : memref<1664xi32, #tpu.memory_space<vmem>>) target_semaphore(%run_scoped3A_146 : memref<!tpu.dma_semaphore, #tpu.memory_space<semaphore_mem>>)
      %dma_wait3A_151 = tpu.memref_slice %arg3[%run_scoped3A_54, %add3A_52] : memref<2x320000xi32, #tpu.memory_space<hbm>> -> memref<1x1664xi32, #tpu.memory_space<hbm>>
      %dma_wait3A_152 = tpu.memref_squeeze %dma_wait3A_151 : memref<1x1664xi32, #tpu.memory_space<hbm>> -> memref<1664xi32, #tpu.memory_space<hbm>>
      %dma_wait3A_153 = tpu.memref_slice %arg3[%run_scoped3A_54, %add3A_52] : memref<2x320000xi32, #tpu.memory_space<hbm>> -> memref<1x1664xi32, #tpu.memory_space<hbm>>
      %dma_wait3A_154 = tpu.memref_squeeze %dma_wait3A_153 : memref<1x1664xi32, #tpu.memory_space<hbm>> -> memref<1664xi32, #tpu.memory_space<hbm>>
      tpu.wait_dma2 semaphore(%run_scoped3A_146 : memref<!tpu.dma_semaphore, #tpu.memory_space<semaphore_mem>>) src(%dma_wait3A_154 : memref<1664xi32, #tpu.memory_space<hbm>>) dst(%arg7 : memref<1664xi32, #tpu.memory_space<vmem>>)
      tpu.yield
    }) : () -> ()
    %dma_start3A_55 = arith.constant 0 : i32
    %dma_start3A_56 = tpu.memref_slice %arg6[%dma_start3A_55] : memref<1664xi32, #tpu.memory_space<vmem>> -> memref<128xi32, #tpu.memory_space<vmem>>
    %dma_start3A_57 = arith.constant 0 : i32
    %dma_start3A_58 = arith.constant 0 : i32
    %dma_start3A_59 = tpu.memref_slice %arg2[%dma_start3A_57, %dma_start3A_58] : memref<10000x64xf32, #tpu.memory_space<hbm>> -> memref<10000x64xf32, #tpu.memory_space<hbm>>
    tpu.enqueue_indirect_dma source(%dma_start3A_59 : memref<10000x64xf32, #tpu.memory_space<hbm>>) target(%arg8 : memref<128x64xf32, #tpu.memory_space<vmem>>) offsets(%dma_start3A_56 : memref<128xi32, #tpu.memory_space<vmem>>) semaphore(%arg11 : memref<!tpu.dma_semaphore, #tpu.memory_space<semaphore_mem>>)
    %scan3A_60 = arith.constant 0 : i32
    %scan3A_61 = arith.constant 0 : i32
    %scan3A_62 = arith.constant 6 : i32
    %scan3A_63 = arith.addi %scan3A_61, %scan3A_62 : i32
    %scan3A_64 = arith.constant 1 : i32
    scf.for %scan3A_146 = %scan3A_61 to %scan3A_63 step %scan3A_64  : i32 {
      %mul3A_147 = arith.constant 2 : i32
      %mul3A_148 = arith.muli %mul3A_147, %scan3A_146 : i32
      %add3A_149 = arith.constant 1 : i32
      %add3A_150 = arith.addi %mul3A_148, %add3A_149 : i32
      %mul3A_151 = arith.constant 128 : i32
      %mul3A_152 = arith.muli %add3A_150, %mul3A_151 : i32
      %dma_start3A_153 = tpu.memref_slice %arg6[%mul3A_152] : memref<1664xi32, #tpu.memory_space<vmem>> -> memref<128xi32, #tpu.memory_space<vmem>>
      %dma_start3A_154 = arith.constant 0 : i32
      %dma_start3A_155 = arith.constant 0 : i32
      %dma_start3A_156 = tpu.memref_slice %arg2[%dma_start3A_154, %dma_start3A_155] : memref<10000x64xf32, #tpu.memory_space<hbm>> -> memref<10000x64xf32, #tpu.memory_space<hbm>>
      tpu.enqueue_indirect_dma source(%dma_start3A_156 : memref<10000x64xf32, #tpu.memory_space<hbm>>) target(%arg9 : memref<128x64xf32, #tpu.memory_space<vmem>>) offsets(%dma_start3A_153 : memref<128xi32, #tpu.memory_space<vmem>>) semaphore(%arg12 : memref<!tpu.dma_semaphore, #tpu.memory_space<semaphore_mem>>)
      %dma_wait3A_157 = arith.constant 0 : i32
      %dma_wait3A_158 = tpu.memref_slice %arg6[%dma_wait3A_157] : memref<1664xi32, #tpu.memory_space<vmem>> -> memref<128xi32, #tpu.memory_space<vmem>>
      %dma_wait3A_159 = arith.constant 0 : i32
      %dma_wait3A_160 = arith.constant 0 : i32
      %dma_wait3A_161 = tpu.memref_slice %arg2[%dma_wait3A_159, %dma_wait3A_160] : memref<10000x64xf32, #tpu.memory_space<hbm>> -> memref<10000x64xf32, #tpu.memory_space<hbm>>
      tpu.wait_indirect_dma semaphore(%arg11 : memref<!tpu.dma_semaphore, #tpu.memory_space<semaphore_mem>>) src(%dma_wait3A_161 : memref<10000x64xf32, #tpu.memory_space<hbm>>) dst(%arg8 : memref<128x64xf32, #tpu.memory_space<vmem>>)
      %mul3A_162 = arith.constant 128 : i32
      %mul3A_163 = arith.muli %mul3A_148, %mul3A_162 : i32
      "tpu.region"() ({
        %run_scoped3A_182 = tpu.sem_alloc : memref<!tpu.dma_semaphore, #tpu.memory_space<semaphore_mem>>
        %dma_start3A_183 = tpu.memref_slice %arg7[%mul3A_163] : memref<1664xi32, #tpu.memory_space<vmem>> -> memref<128xi32, #tpu.memory_space<vmem>>
        %dma_start3A_184 = arith.constant 0 : i32
        %dma_start3A_185 = arith.constant 0 : i32
        %dma_start3A_186 = tpu.memref_slice %arg10[%dma_start3A_184, %dma_start3A_185] : memref<10000x64xf32, #tpu.memory_space<vmem_shared>> -> memref<10000x64xf32, #tpu.memory_space<vmem_shared>>
        tpu.enqueue_indirect_dma source(%arg8 : memref<128x64xf32, #tpu.memory_space<vmem>>) target(%dma_start3A_186 : memref<10000x64xf32, #tpu.memory_space<vmem_shared>>) offsets(%dma_start3A_183 : memref<128xi32, #tpu.memory_space<vmem>>) semaphore(%run_scoped3A_182 : memref<!tpu.dma_semaphore, #tpu.memory_space<semaphore_mem>>) {add = true}
        %dma_wait3A_187 = tpu.memref_slice %arg7[%mul3A_163] : memref<1664xi32, #tpu.memory_space<vmem>> -> memref<128xi32, #tpu.memory_space<vmem>>
        %dma_wait3A_188 = arith.constant 0 : i32
        %dma_wait3A_189 = arith.constant 0 : i32
        %dma_wait3A_190 = tpu.memref_slice %arg10[%dma_wait3A_188, %dma_wait3A_189] : memref<10000x64xf32, #tpu.memory_space<vmem_shared>> -> memref<10000x64xf32, #tpu.memory_space<vmem_shared>>
        tpu.wait_indirect_dma semaphore(%run_scoped3A_182 : memref<!tpu.dma_semaphore, #tpu.memory_space<semaphore_mem>>) src(%arg8 : memref<128x64xf32, #tpu.memory_space<vmem>>) dst(%dma_wait3A_190 : memref<10000x64xf32, #tpu.memory_space<vmem_shared>>)
        tpu.yield
      }) : () -> ()
      %add3A_164 = arith.constant 2 : i32
      %add3A_165 = arith.addi %mul3A_148, %add3A_164 : i32
      %min3A = arith.constant 12 : i32
      %min3A_166 = arith.minsi %add3A_165, %min3A : i32
      %mul3A_167 = arith.constant 128 : i32
      %mul3A_168 = arith.muli %min3A_166, %mul3A_167 : i32
      %dma_start3A_169 = tpu.memref_slice %arg6[%mul3A_168] : memref<1664xi32, #tpu.memory_space<vmem>> -> memref<128xi32, #tpu.memory_space<vmem>>
      %dma_start3A_170 = arith.constant 0 : i32
      %dma_start3A_171 = arith.constant 0 : i32
      %dma_start3A_172 = tpu.memref_slice %arg2[%dma_start3A_170, %dma_start3A_171] : memref<10000x64xf32, #tpu.memory_space<hbm>> -> memref<10000x64xf32, #tpu.memory_space<hbm>>
      tpu.enqueue_indirect_dma source(%dma_start3A_172 : memref<10000x64xf32, #tpu.memory_space<hbm>>) target(%arg8 : memref<128x64xf32, #tpu.memory_space<vmem>>) offsets(%dma_start3A_169 : memref<128xi32, #tpu.memory_space<vmem>>) semaphore(%arg11 : memref<!tpu.dma_semaphore, #tpu.memory_space<semaphore_mem>>)
      %dma_wait3A_173 = arith.constant 0 : i32
      %dma_wait3A_174 = tpu.memref_slice %arg6[%dma_wait3A_173] : memref<1664xi32, #tpu.memory_space<vmem>> -> memref<128xi32, #tpu.memory_space<vmem>>
      %dma_wait3A_175 = arith.constant 0 : i32
      %dma_wait3A_176 = arith.constant 0 : i32
      %dma_wait3A_177 = tpu.memref_slice %arg2[%dma_wait3A_175, %dma_wait3A_176] : memref<10000x64xf32, #tpu.memory_space<hbm>> -> memref<10000x64xf32, #tpu.memory_space<hbm>>
      tpu.wait_indirect_dma semaphore(%arg12 : memref<!tpu.dma_semaphore, #tpu.memory_space<semaphore_mem>>) src(%dma_wait3A_177 : memref<10000x64xf32, #tpu.memory_space<hbm>>) dst(%arg9 : memref<128x64xf32, #tpu.memory_space<vmem>>)
      %add3A_178 = arith.constant 1 : i32
      %add3A_179 = arith.addi %mul3A_148, %add3A_178 : i32
      %mul3A_180 = arith.constant 128 : i32
      %mul3A_181 = arith.muli %add3A_179, %mul3A_180 : i32
      "tpu.region"() ({
        %run_scoped3A_182 = tpu.sem_alloc : memref<!tpu.dma_semaphore, #tpu.memory_space<semaphore_mem>>
        %dma_start3A_183 = tpu.memref_slice %arg7[%mul3A_181] : memref<1664xi32, #tpu.memory_space<vmem>> -> memref<128xi32, #tpu.memory_space<vmem>>
        %dma_start3A_184 = arith.constant 0 : i32
        %dma_start3A_185 = arith.constant 0 : i32
        %dma_start3A_186 = tpu.memref_slice %arg10[%dma_start3A_184, %dma_start3A_185] : memref<10000x64xf32, #tpu.memory_space<vmem_shared>> -> memref<10000x64xf32, #tpu.memory_space<vmem_shared>>
        tpu.enqueue_indirect_dma source(%arg9 : memref<128x64xf32, #tpu.memory_space<vmem>>) target(%dma_start3A_186 : memref<10000x64xf32, #tpu.memory_space<vmem_shared>>) offsets(%dma_start3A_183 : memref<128xi32, #tpu.memory_space<vmem>>) semaphore(%run_scoped3A_182 : memref<!tpu.dma_semaphore, #tpu.memory_space<semaphore_mem>>) {add = true}
        %dma_wait3A_187 = tpu.memref_slice %arg7[%mul3A_181] : memref<1664xi32, #tpu.memory_space<vmem>> -> memref<128xi32, #tpu.memory_space<vmem>>
        %dma_wait3A_188 = arith.constant 0 : i32
        %dma_wait3A_189 = arith.constant 0 : i32
        %dma_wait3A_190 = tpu.memref_slice %arg10[%dma_wait3A_188, %dma_wait3A_189] : memref<10000x64xf32, #tpu.memory_space<vmem_shared>> -> memref<10000x64xf32, #tpu.memory_space<vmem_shared>>
        tpu.wait_indirect_dma semaphore(%run_scoped3A_182 : memref<!tpu.dma_semaphore, #tpu.memory_space<semaphore_mem>>) src(%arg9 : memref<128x64xf32, #tpu.memory_space<vmem>>) dst(%dma_wait3A_190 : memref<10000x64xf32, #tpu.memory_space<vmem_shared>>)
        tpu.yield
      }) : () -> ()
    }
    %scan3A_65 = arith.constant 6 : i32
    %dma_wait3A_66 = arith.constant 0 : i32
    %dma_wait3A_67 = tpu.memref_slice %arg6[%dma_wait3A_66] : memref<1664xi32, #tpu.memory_space<vmem>> -> memref<128xi32, #tpu.memory_space<vmem>>
    %dma_wait3A_68 = arith.constant 0 : i32
    %dma_wait3A_69 = arith.constant 0 : i32
    %dma_wait3A_70 = tpu.memref_slice %arg2[%dma_wait3A_68, %dma_wait3A_69] : memref<10000x64xf32, #tpu.memory_space<hbm>> -> memref<10000x64xf32, #tpu.memory_space<hbm>>
    tpu.wait_indirect_dma semaphore(%arg11 : memref<!tpu.dma_semaphore, #tpu.memory_space<semaphore_mem>>) src(%dma_wait3A_70 : memref<10000x64xf32, #tpu.memory_space<hbm>>) dst(%arg8 : memref<128x64xf32, #tpu.memory_space<vmem>>)
    "tpu.region"() ({
      %run_scoped3A_146 = tpu.sem_alloc : memref<!tpu.dma_semaphore, #tpu.memory_space<semaphore_mem>>
      %dma_start3A_147 = arith.constant 1536 : i32
      %dma_start3A_148 = tpu.memref_slice %arg7[%dma_start3A_147] : memref<1664xi32, #tpu.memory_space<vmem>> -> memref<128xi32, #tpu.memory_space<vmem>>
      %dma_start3A_149 = arith.constant 0 : i32
      %dma_start3A_150 = arith.constant 0 : i32
      %dma_start3A_151 = tpu.memref_slice %arg10[%dma_start3A_149, %dma_start3A_150] : memref<10000x64xf32, #tpu.memory_space<vmem_shared>> -> memref<10000x64xf32, #tpu.memory_space<vmem_shared>>
      tpu.enqueue_indirect_dma source(%arg8 : memref<128x64xf32, #tpu.memory_space<vmem>>) target(%dma_start3A_151 : memref<10000x64xf32, #tpu.memory_space<vmem_shared>>) offsets(%dma_start3A_148 : memref<128xi32, #tpu.memory_space<vmem>>) semaphore(%run_scoped3A_146 : memref<!tpu.dma_semaphore, #tpu.memory_space<semaphore_mem>>) {add = true}
      %dma_wait3A_152 = arith.constant 1536 : i32
      %dma_wait3A_153 = tpu.memref_slice %arg7[%dma_wait3A_152] : memref<1664xi32, #tpu.memory_space<vmem>> -> memref<128xi32, #tpu.memory_space<vmem>>
      %dma_wait3A_154 = arith.constant 0 : i32
      %dma_wait3A_155 = arith.constant 0 : i32
      %dma_wait3A_156 = tpu.memref_slice %arg10[%dma_wait3A_154, %dma_wait3A_155] : memref<10000x64xf32, #tpu.memory_space<vmem_shared>> -> memref<10000x64xf32, #tpu.memory_space<vmem_shared>>
      tpu.wait_indirect_dma semaphore(%run_scoped3A_146 : memref<!tpu.dma_semaphore, #tpu.memory_space<semaphore_mem>>) src(%arg8 : memref<128x64xf32, #tpu.memory_space<vmem>>) dst(%dma_wait3A_156 : memref<10000x64xf32, #tpu.memory_space<vmem_shared>>)
      tpu.yield
    }) : () -> ()
    %mul3A_71 = arith.constant 9984 : i32
    %mul3A_72 = arith.muli %add3A, %mul3A_71 : i32
    %add3A_73 = arith.constant 4992 : i32
    %add3A_74 = arith.addi %mul3A_72, %add3A_73 : i32
    %run_scoped3A_75 = arith.constant 0 : i32
    "tpu.region"() ({
      %run_scoped3A_146 = tpu.sem_alloc : memref<!tpu.dma_semaphore, #tpu.memory_space<semaphore_mem>>
      %dma_start3A_147 = tpu.memref_slice %arg3[%run_scoped3A_75, %add3A_74] : memref<2x320000xi32, #tpu.memory_space<hbm>> -> memref<1x1664xi32, #tpu.memory_space<hbm>>
      %dma_start3A_148 = tpu.memref_squeeze %dma_start3A_147 : memref<1x1664xi32, #tpu.memory_space<hbm>> -> memref<1664xi32, #tpu.memory_space<hbm>>
      %dma_start3A_149 = tpu.memref_slice %arg3[%run_scoped3A_75, %add3A_74] : memref<2x320000xi32, #tpu.memory_space<hbm>> -> memref<1x1664xi32, #tpu.memory_space<hbm>>
      %dma_start3A_150 = tpu.memref_squeeze %dma_start3A_149 : memref<1x1664xi32, #tpu.memory_space<hbm>> -> memref<1664xi32, #tpu.memory_space<hbm>>
      tpu.enqueue_dma source(%dma_start3A_150 : memref<1664xi32, #tpu.memory_space<hbm>>) target(%arg6 : memref<1664xi32, #tpu.memory_space<vmem>>) target_semaphore(%run_scoped3A_146 : memref<!tpu.dma_semaphore, #tpu.memory_space<semaphore_mem>>)
      %dma_wait3A_151 = tpu.memref_slice %arg3[%run_scoped3A_75, %add3A_74] : memref<2x320000xi32, #tpu.memory_space<hbm>> -> memref<1x1664xi32, #tpu.memory_space<hbm>>
      %dma_wait3A_152 = tpu.memref_squeeze %dma_wait3A_151 : memref<1x1664xi32, #tpu.memory_space<hbm>> -> memref<1664xi32, #tpu.memory_space<hbm>>
      %dma_wait3A_153 = tpu.memref_slice %arg3[%run_scoped3A_75, %add3A_74] : memref<2x320000xi32, #tpu.memory_space<hbm>> -> memref<1x1664xi32, #tpu.memory_space<hbm>>
      %dma_wait3A_154 = tpu.memref_squeeze %dma_wait3A_153 : memref<1x1664xi32, #tpu.memory_space<hbm>> -> memref<1664xi32, #tpu.memory_space<hbm>>
      tpu.wait_dma2 semaphore(%run_scoped3A_146 : memref<!tpu.dma_semaphore, #tpu.memory_space<semaphore_mem>>) src(%dma_wait3A_154 : memref<1664xi32, #tpu.memory_space<hbm>>) dst(%arg6 : memref<1664xi32, #tpu.memory_space<vmem>>)
      tpu.yield
    }) : () -> ()
    %run_scoped3A_76 = arith.constant 1 : i32
    "tpu.region"() ({
      %run_scoped3A_146 = tpu.sem_alloc : memref<!tpu.dma_semaphore, #tpu.memory_space<semaphore_mem>>
      %dma_start3A_147 = tpu.memref_slice %arg3[%run_scoped3A_76, %add3A_74] : memref<2x320000xi32, #tpu.memory_space<hbm>> -> memref<1x1664xi32, #tpu.memory_space<hbm>>
      %dma_start3A_148 = tpu.memref_squeeze %dma_start3A_147 : memref<1x1664xi32, #tpu.memory_space<hbm>> -> memref<1664xi32, #tpu.memory_space<hbm>>
      %dma_start3A_149 = tpu.memref_slice %arg3[%run_scoped3A_76, %add3A_74] : memref<2x320000xi32, #tpu.memory_space<hbm>> -> memref<1x1664xi32, #tpu.memory_space<hbm>>
      %dma_start3A_150 = tpu.memref_squeeze %dma_start3A_149 : memref<1x1664xi32, #tpu.memory_space<hbm>> -> memref<1664xi32, #tpu.memory_space<hbm>>
      tpu.enqueue_dma source(%dma_start3A_150 : memref<1664xi32, #tpu.memory_space<hbm>>) target(%arg7 : memref<1664xi32, #tpu.memory_space<vmem>>) target_semaphore(%run_scoped3A_146 : memref<!tpu.dma_semaphore, #tpu.memory_space<semaphore_mem>>)
      %dma_wait3A_151 = tpu.memref_slice %arg3[%run_scoped3A_76, %add3A_74] : memref<2x320000xi32, #tpu.memory_space<hbm>> -> memref<1x1664xi32, #tpu.memory_space<hbm>>
      %dma_wait3A_152 = tpu.memref_squeeze %dma_wait3A_151 : memref<1x1664xi32, #tpu.memory_space<hbm>> -> memref<1664xi32, #tpu.memory_space<hbm>>
      %dma_wait3A_153 = tpu.memref_slice %arg3[%run_scoped3A_76, %add3A_74] : memref<2x320000xi32, #tpu.memory_space<hbm>> -> memref<1x1664xi32, #tpu.memory_space<hbm>>
      %dma_wait3A_154 = tpu.memref_squeeze %dma_wait3A_153 : memref<1x1664xi32, #tpu.memory_space<hbm>> -> memref<1664xi32, #tpu.memory_space<hbm>>
      tpu.wait_dma2 semaphore(%run_scoped3A_146 : memref<!tpu.dma_semaphore, #tpu.memory_space<semaphore_mem>>) src(%dma_wait3A_154 : memref<1664xi32, #tpu.memory_space<hbm>>) dst(%arg7 : memref<1664xi32, #tpu.memory_space<vmem>>)
      tpu.yield
    }) : () -> ()
    %dma_start3A_77 = arith.constant 0 : i32
    %dma_start3A_78 = tpu.memref_slice %arg6[%dma_start3A_77] : memref<1664xi32, #tpu.memory_space<vmem>> -> memref<128xi32, #tpu.memory_space<vmem>>
    %dma_start3A_79 = arith.constant 0 : i32
    %dma_start3A_80 = arith.constant 0 : i32
    %dma_start3A_81 = tpu.memref_slice %arg2[%dma_start3A_79, %dma_start3A_80] : memref<10000x64xf32, #tpu.memory_space<hbm>> -> memref<10000x64xf32, #tpu.memory_space<hbm>>
    tpu.enqueue_indirect_dma source(%dma_start3A_81 : memref<10000x64xf32, #tpu.memory_space<hbm>>) target(%arg8 : memref<128x64xf32, #tpu.memory_space<vmem>>) offsets(%dma_start3A_78 : memref<128xi32, #tpu.memory_space<vmem>>) semaphore(%arg11 : memref<!tpu.dma_semaphore, #tpu.memory_space<semaphore_mem>>)
    %scan3A_82 = arith.constant 0 : i32
    %scan3A_83 = arith.constant 0 : i32
    %scan3A_84 = arith.constant 6 : i32
    %scan3A_85 = arith.addi %scan3A_83, %scan3A_84 : i32
    %scan3A_86 = arith.constant 1 : i32
    scf.for %scan3A_146 = %scan3A_83 to %scan3A_85 step %scan3A_86  : i32 {
      %mul3A_147 = arith.constant 2 : i32
      %mul3A_148 = arith.muli %mul3A_147, %scan3A_146 : i32
      %add3A_149 = arith.constant 1 : i32
      %add3A_150 = arith.addi %mul3A_148, %add3A_149 : i32
      %mul3A_151 = arith.constant 128 : i32
      %mul3A_152 = arith.muli %add3A_150, %mul3A_151 : i32
      %dma_start3A_153 = tpu.memref_slice %arg6[%mul3A_152] : memref<1664xi32, #tpu.memory_space<vmem>> -> memref<128xi32, #tpu.memory_space<vmem>>
      %dma_start3A_154 = arith.constant 0 : i32
      %dma_start3A_155 = arith.constant 0 : i32
      %dma_start3A_156 = tpu.memref_slice %arg2[%dma_start3A_154, %dma_start3A_155] : memref<10000x64xf32, #tpu.memory_space<hbm>> -> memref<10000x64xf32, #tpu.memory_space<hbm>>
      tpu.enqueue_indirect_dma source(%dma_start3A_156 : memref<10000x64xf32, #tpu.memory_space<hbm>>) target(%arg9 : memref<128x64xf32, #tpu.memory_space<vmem>>) offsets(%dma_start3A_153 : memref<128xi32, #tpu.memory_space<vmem>>) semaphore(%arg12 : memref<!tpu.dma_semaphore, #tpu.memory_space<semaphore_mem>>)
      %dma_wait3A_157 = arith.constant 0 : i32
      %dma_wait3A_158 = tpu.memref_slice %arg6[%dma_wait3A_157] : memref<1664xi32, #tpu.memory_space<vmem>> -> memref<128xi32, #tpu.memory_space<vmem>>
      %dma_wait3A_159 = arith.constant 0 : i32
      %dma_wait3A_160 = arith.constant 0 : i32
      %dma_wait3A_161 = tpu.memref_slice %arg2[%dma_wait3A_159, %dma_wait3A_160] : memref<10000x64xf32, #tpu.memory_space<hbm>> -> memref<10000x64xf32, #tpu.memory_space<hbm>>
      tpu.wait_indirect_dma semaphore(%arg11 : memref<!tpu.dma_semaphore, #tpu.memory_space<semaphore_mem>>) src(%dma_wait3A_161 : memref<10000x64xf32, #tpu.memory_space<hbm>>) dst(%arg8 : memref<128x64xf32, #tpu.memory_space<vmem>>)
      %mul3A_162 = arith.constant 128 : i32
      %mul3A_163 = arith.muli %mul3A_148, %mul3A_162 : i32
      "tpu.region"() ({
        %run_scoped3A_182 = tpu.sem_alloc : memref<!tpu.dma_semaphore, #tpu.memory_space<semaphore_mem>>
        %dma_start3A_183 = tpu.memref_slice %arg7[%mul3A_163] : memref<1664xi32, #tpu.memory_space<vmem>> -> memref<128xi32, #tpu.memory_space<vmem>>
        %dma_start3A_184 = arith.constant 0 : i32
        %dma_start3A_185 = arith.constant 0 : i32
        %dma_start3A_186 = tpu.memref_slice %arg10[%dma_start3A_184, %dma_start3A_185] : memref<10000x64xf32, #tpu.memory_space<vmem_shared>> -> memref<10000x64xf32, #tpu.memory_space<vmem_shared>>
        tpu.enqueue_indirect_dma source(%arg8 : memref<128x64xf32, #tpu.memory_space<vmem>>) target(%dma_start3A_186 : memref<10000x64xf32, #tpu.memory_space<vmem_shared>>) offsets(%dma_start3A_183 : memref<128xi32, #tpu.memory_space<vmem>>) semaphore(%run_scoped3A_182 : memref<!tpu.dma_semaphore, #tpu.memory_space<semaphore_mem>>) {add = true}
        %dma_wait3A_187 = tpu.memref_slice %arg7[%mul3A_163] : memref<1664xi32, #tpu.memory_space<vmem>> -> memref<128xi32, #tpu.memory_space<vmem>>
        %dma_wait3A_188 = arith.constant 0 : i32
        %dma_wait3A_189 = arith.constant 0 : i32
        %dma_wait3A_190 = tpu.memref_slice %arg10[%dma_wait3A_188, %dma_wait3A_189] : memref<10000x64xf32, #tpu.memory_space<vmem_shared>> -> memref<10000x64xf32, #tpu.memory_space<vmem_shared>>
        tpu.wait_indirect_dma semaphore(%run_scoped3A_182 : memref<!tpu.dma_semaphore, #tpu.memory_space<semaphore_mem>>) src(%arg8 : memref<128x64xf32, #tpu.memory_space<vmem>>) dst(%dma_wait3A_190 : memref<10000x64xf32, #tpu.memory_space<vmem_shared>>)
        tpu.yield
      }) : () -> ()
      %add3A_164 = arith.constant 2 : i32
      %add3A_165 = arith.addi %mul3A_148, %add3A_164 : i32
      %min3A = arith.constant 12 : i32
      %min3A_166 = arith.minsi %add3A_165, %min3A : i32
      %mul3A_167 = arith.constant 128 : i32
      %mul3A_168 = arith.muli %min3A_166, %mul3A_167 : i32
      %dma_start3A_169 = tpu.memref_slice %arg6[%mul3A_168] : memref<1664xi32, #tpu.memory_space<vmem>> -> memref<128xi32, #tpu.memory_space<vmem>>
      %dma_start3A_170 = arith.constant 0 : i32
      %dma_start3A_171 = arith.constant 0 : i32
      %dma_start3A_172 = tpu.memref_slice %arg2[%dma_start3A_170, %dma_start3A_171] : memref<10000x64xf32, #tpu.memory_space<hbm>> -> memref<10000x64xf32, #tpu.memory_space<hbm>>
      tpu.enqueue_indirect_dma source(%dma_start3A_172 : memref<10000x64xf32, #tpu.memory_space<hbm>>) target(%arg8 : memref<128x64xf32, #tpu.memory_space<vmem>>) offsets(%dma_start3A_169 : memref<128xi32, #tpu.memory_space<vmem>>) semaphore(%arg11 : memref<!tpu.dma_semaphore, #tpu.memory_space<semaphore_mem>>)
      %dma_wait3A_173 = arith.constant 0 : i32
      %dma_wait3A_174 = tpu.memref_slice %arg6[%dma_wait3A_173] : memref<1664xi32, #tpu.memory_space<vmem>> -> memref<128xi32, #tpu.memory_space<vmem>>
      %dma_wait3A_175 = arith.constant 0 : i32
      %dma_wait3A_176 = arith.constant 0 : i32
      %dma_wait3A_177 = tpu.memref_slice %arg2[%dma_wait3A_175, %dma_wait3A_176] : memref<10000x64xf32, #tpu.memory_space<hbm>> -> memref<10000x64xf32, #tpu.memory_space<hbm>>
      tpu.wait_indirect_dma semaphore(%arg12 : memref<!tpu.dma_semaphore, #tpu.memory_space<semaphore_mem>>) src(%dma_wait3A_177 : memref<10000x64xf32, #tpu.memory_space<hbm>>) dst(%arg9 : memref<128x64xf32, #tpu.memory_space<vmem>>)
      %add3A_178 = arith.constant 1 : i32
      %add3A_179 = arith.addi %mul3A_148, %add3A_178 : i32
      %mul3A_180 = arith.constant 128 : i32
      %mul3A_181 = arith.muli %add3A_179, %mul3A_180 : i32
      "tpu.region"() ({
        %run_scoped3A_182 = tpu.sem_alloc : memref<!tpu.dma_semaphore, #tpu.memory_space<semaphore_mem>>
        %dma_start3A_183 = tpu.memref_slice %arg7[%mul3A_181] : memref<1664xi32, #tpu.memory_space<vmem>> -> memref<128xi32, #tpu.memory_space<vmem>>
        %dma_start3A_184 = arith.constant 0 : i32
        %dma_start3A_185 = arith.constant 0 : i32
        %dma_start3A_186 = tpu.memref_slice %arg10[%dma_start3A_184, %dma_start3A_185] : memref<10000x64xf32, #tpu.memory_space<vmem_shared>> -> memref<10000x64xf32, #tpu.memory_space<vmem_shared>>
        tpu.enqueue_indirect_dma source(%arg9 : memref<128x64xf32, #tpu.memory_space<vmem>>) target(%dma_start3A_186 : memref<10000x64xf32, #tpu.memory_space<vmem_shared>>) offsets(%dma_start3A_183 : memref<128xi32, #tpu.memory_space<vmem>>) semaphore(%run_scoped3A_182 : memref<!tpu.dma_semaphore, #tpu.memory_space<semaphore_mem>>) {add = true}
        %dma_wait3A_187 = tpu.memref_slice %arg7[%mul3A_181] : memref<1664xi32, #tpu.memory_space<vmem>> -> memref<128xi32, #tpu.memory_space<vmem>>
        %dma_wait3A_188 = arith.constant 0 : i32
        %dma_wait3A_189 = arith.constant 0 : i32
        %dma_wait3A_190 = tpu.memref_slice %arg10[%dma_wait3A_188, %dma_wait3A_189] : memref<10000x64xf32, #tpu.memory_space<vmem_shared>> -> memref<10000x64xf32, #tpu.memory_space<vmem_shared>>
        tpu.wait_indirect_dma semaphore(%run_scoped3A_182 : memref<!tpu.dma_semaphore, #tpu.memory_space<semaphore_mem>>) src(%arg9 : memref<128x64xf32, #tpu.memory_space<vmem>>) dst(%dma_wait3A_190 : memref<10000x64xf32, #tpu.memory_space<vmem_shared>>)
        tpu.yield
      }) : () -> ()
    }
    %scan3A_87 = arith.constant 6 : i32
    %dma_wait3A_88 = arith.constant 0 : i32
    %dma_wait3A_89 = tpu.memref_slice %arg6[%dma_wait3A_88] : memref<1664xi32, #tpu.memory_space<vmem>> -> memref<128xi32, #tpu.memory_space<vmem>>
    %dma_wait3A_90 = arith.constant 0 : i32
    %dma_wait3A_91 = arith.constant 0 : i32
    %dma_wait3A_92 = tpu.memref_slice %arg2[%dma_wait3A_90, %dma_wait3A_91] : memref<10000x64xf32, #tpu.memory_space<hbm>> -> memref<10000x64xf32, #tpu.memory_space<hbm>>
    tpu.wait_indirect_dma semaphore(%arg11 : memref<!tpu.dma_semaphore, #tpu.memory_space<semaphore_mem>>) src(%dma_wait3A_92 : memref<10000x64xf32, #tpu.memory_space<hbm>>) dst(%arg8 : memref<128x64xf32, #tpu.memory_space<vmem>>)
    "tpu.region"() ({
      %run_scoped3A_146 = tpu.sem_alloc : memref<!tpu.dma_semaphore, #tpu.memory_space<semaphore_mem>>
      %dma_start3A_147 = arith.constant 1536 : i32
      %dma_start3A_148 = tpu.memref_slice %arg7[%dma_start3A_147] : memref<1664xi32, #tpu.memory_space<vmem>> -> memref<128xi32, #tpu.memory_space<vmem>>
      %dma_start3A_149 = arith.constant 0 : i32
      %dma_start3A_150 = arith.constant 0 : i32
      %dma_start3A_151 = tpu.memref_slice %arg10[%dma_start3A_149, %dma_start3A_150] : memref<10000x64xf32, #tpu.memory_space<vmem_shared>> -> memref<10000x64xf32, #tpu.memory_space<vmem_shared>>
      tpu.enqueue_indirect_dma source(%arg8 : memref<128x64xf32, #tpu.memory_space<vmem>>) target(%dma_start3A_151 : memref<10000x64xf32, #tpu.memory_space<vmem_shared>>) offsets(%dma_start3A_148 : memref<128xi32, #tpu.memory_space<vmem>>) semaphore(%run_scoped3A_146 : memref<!tpu.dma_semaphore, #tpu.memory_space<semaphore_mem>>) {add = true}
      %dma_wait3A_152 = arith.constant 1536 : i32
      %dma_wait3A_153 = tpu.memref_slice %arg7[%dma_wait3A_152] : memref<1664xi32, #tpu.memory_space<vmem>> -> memref<128xi32, #tpu.memory_space<vmem>>
      %dma_wait3A_154 = arith.constant 0 : i32
      %dma_wait3A_155 = arith.constant 0 : i32
      %dma_wait3A_156 = tpu.memref_slice %arg10[%dma_wait3A_154, %dma_wait3A_155] : memref<10000x64xf32, #tpu.memory_space<vmem_shared>> -> memref<10000x64xf32, #tpu.memory_space<vmem_shared>>
      tpu.wait_indirect_dma semaphore(%run_scoped3A_146 : memref<!tpu.dma_semaphore, #tpu.memory_space<semaphore_mem>>) src(%arg8 : memref<128x64xf32, #tpu.memory_space<vmem>>) dst(%dma_wait3A_156 : memref<10000x64xf32, #tpu.memory_space<vmem_shared>>)
      tpu.yield
    }) : () -> ()
    %mul3A_93 = arith.constant 9984 : i32
    %mul3A_94 = arith.muli %add3A, %mul3A_93 : i32
    %add3A_95 = arith.constant 6656 : i32
    %add3A_96 = arith.addi %mul3A_94, %add3A_95 : i32
    %run_scoped3A_97 = arith.constant 0 : i32
    "tpu.region"() ({
      %run_scoped3A_146 = tpu.sem_alloc : memref<!tpu.dma_semaphore, #tpu.memory_space<semaphore_mem>>
      %dma_start3A_147 = tpu.memref_slice %arg3[%run_scoped3A_97, %add3A_96] : memref<2x320000xi32, #tpu.memory_space<hbm>> -> memref<1x1664xi32, #tpu.memory_space<hbm>>
      %dma_start3A_148 = tpu.memref_squeeze %dma_start3A_147 : memref<1x1664xi32, #tpu.memory_space<hbm>> -> memref<1664xi32, #tpu.memory_space<hbm>>
      %dma_start3A_149 = tpu.memref_slice %arg3[%run_scoped3A_97, %add3A_96] : memref<2x320000xi32, #tpu.memory_space<hbm>> -> memref<1x1664xi32, #tpu.memory_space<hbm>>
      %dma_start3A_150 = tpu.memref_squeeze %dma_start3A_149 : memref<1x1664xi32, #tpu.memory_space<hbm>> -> memref<1664xi32, #tpu.memory_space<hbm>>
      tpu.enqueue_dma source(%dma_start3A_150 : memref<1664xi32, #tpu.memory_space<hbm>>) target(%arg6 : memref<1664xi32, #tpu.memory_space<vmem>>) target_semaphore(%run_scoped3A_146 : memref<!tpu.dma_semaphore, #tpu.memory_space<semaphore_mem>>)
      %dma_wait3A_151 = tpu.memref_slice %arg3[%run_scoped3A_97, %add3A_96] : memref<2x320000xi32, #tpu.memory_space<hbm>> -> memref<1x1664xi32, #tpu.memory_space<hbm>>
      %dma_wait3A_152 = tpu.memref_squeeze %dma_wait3A_151 : memref<1x1664xi32, #tpu.memory_space<hbm>> -> memref<1664xi32, #tpu.memory_space<hbm>>
      %dma_wait3A_153 = tpu.memref_slice %arg3[%run_scoped3A_97, %add3A_96] : memref<2x320000xi32, #tpu.memory_space<hbm>> -> memref<1x1664xi32, #tpu.memory_space<hbm>>
      %dma_wait3A_154 = tpu.memref_squeeze %dma_wait3A_153 : memref<1x1664xi32, #tpu.memory_space<hbm>> -> memref<1664xi32, #tpu.memory_space<hbm>>
      tpu.wait_dma2 semaphore(%run_scoped3A_146 : memref<!tpu.dma_semaphore, #tpu.memory_space<semaphore_mem>>) src(%dma_wait3A_154 : memref<1664xi32, #tpu.memory_space<hbm>>) dst(%arg6 : memref<1664xi32, #tpu.memory_space<vmem>>)
      tpu.yield
    }) : () -> ()
    %run_scoped3A_98 = arith.constant 1 : i32
    "tpu.region"() ({
      %run_scoped3A_146 = tpu.sem_alloc : memref<!tpu.dma_semaphore, #tpu.memory_space<semaphore_mem>>
      %dma_start3A_147 = tpu.memref_slice %arg3[%run_scoped3A_98, %add3A_96] : memref<2x320000xi32, #tpu.memory_space<hbm>> -> memref<1x1664xi32, #tpu.memory_space<hbm>>
      %dma_start3A_148 = tpu.memref_squeeze %dma_start3A_147 : memref<1x1664xi32, #tpu.memory_space<hbm>> -> memref<1664xi32, #tpu.memory_space<hbm>>
      %dma_start3A_149 = tpu.memref_slice %arg3[%run_scoped3A_98, %add3A_96] : memref<2x320000xi32, #tpu.memory_space<hbm>> -> memref<1x1664xi32, #tpu.memory_space<hbm>>
      %dma_start3A_150 = tpu.memref_squeeze %dma_start3A_149 : memref<1x1664xi32, #tpu.memory_space<hbm>> -> memref<1664xi32, #tpu.memory_space<hbm>>
      tpu.enqueue_dma source(%dma_start3A_150 : memref<1664xi32, #tpu.memory_space<hbm>>) target(%arg7 : memref<1664xi32, #tpu.memory_space<vmem>>) target_semaphore(%run_scoped3A_146 : memref<!tpu.dma_semaphore, #tpu.memory_space<semaphore_mem>>)
      %dma_wait3A_151 = tpu.memref_slice %arg3[%run_scoped3A_98, %add3A_96] : memref<2x320000xi32, #tpu.memory_space<hbm>> -> memref<1x1664xi32, #tpu.memory_space<hbm>>
      %dma_wait3A_152 = tpu.memref_squeeze %dma_wait3A_151 : memref<1x1664xi32, #tpu.memory_space<hbm>> -> memref<1664xi32, #tpu.memory_space<hbm>>
      %dma_wait3A_153 = tpu.memref_slice %arg3[%run_scoped3A_98, %add3A_96] : memref<2x320000xi32, #tpu.memory_space<hbm>> -> memref<1x1664xi32, #tpu.memory_space<hbm>>
      %dma_wait3A_154 = tpu.memref_squeeze %dma_wait3A_153 : memref<1x1664xi32, #tpu.memory_space<hbm>> -> memref<1664xi32, #tpu.memory_space<hbm>>
      tpu.wait_dma2 semaphore(%run_scoped3A_146 : memref<!tpu.dma_semaphore, #tpu.memory_space<semaphore_mem>>) src(%dma_wait3A_154 : memref<1664xi32, #tpu.memory_space<hbm>>) dst(%arg7 : memref<1664xi32, #tpu.memory_space<vmem>>)
      tpu.yield
    }) : () -> ()
    %dma_start3A_99 = arith.constant 0 : i32
    %dma_start3A_100 = tpu.memref_slice %arg6[%dma_start3A_99] : memref<1664xi32, #tpu.memory_space<vmem>> -> memref<128xi32, #tpu.memory_space<vmem>>
    %dma_start3A_101 = arith.constant 0 : i32
    %dma_start3A_102 = arith.constant 0 : i32
    %dma_start3A_103 = tpu.memref_slice %arg2[%dma_start3A_101, %dma_start3A_102] : memref<10000x64xf32, #tpu.memory_space<hbm>> -> memref<10000x64xf32, #tpu.memory_space<hbm>>
    tpu.enqueue_indirect_dma source(%dma_start3A_103 : memref<10000x64xf32, #tpu.memory_space<hbm>>) target(%arg8 : memref<128x64xf32, #tpu.memory_space<vmem>>) offsets(%dma_start3A_100 : memref<128xi32, #tpu.memory_space<vmem>>) semaphore(%arg11 : memref<!tpu.dma_semaphore, #tpu.memory_space<semaphore_mem>>)
    %scan3A_104 = arith.constant 0 : i32
    %scan3A_105 = arith.constant 0 : i32
    %scan3A_106 = arith.constant 6 : i32
    %scan3A_107 = arith.addi %scan3A_105, %scan3A_106 : i32
    %scan3A_108 = arith.constant 1 : i32
    scf.for %scan3A_146 = %scan3A_105 to %scan3A_107 step %scan3A_108  : i32 {
      %mul3A_147 = arith.constant 2 : i32
      %mul3A_148 = arith.muli %mul3A_147, %scan3A_146 : i32
      %add3A_149 = arith.constant 1 : i32
      %add3A_150 = arith.addi %mul3A_148, %add3A_149 : i32
      %mul3A_151 = arith.constant 128 : i32
      %mul3A_152 = arith.muli %add3A_150, %mul3A_151 : i32
      %dma_start3A_153 = tpu.memref_slice %arg6[%mul3A_152] : memref<1664xi32, #tpu.memory_space<vmem>> -> memref<128xi32, #tpu.memory_space<vmem>>
      %dma_start3A_154 = arith.constant 0 : i32
      %dma_start3A_155 = arith.constant 0 : i32
      %dma_start3A_156 = tpu.memref_slice %arg2[%dma_start3A_154, %dma_start3A_155] : memref<10000x64xf32, #tpu.memory_space<hbm>> -> memref<10000x64xf32, #tpu.memory_space<hbm>>
      tpu.enqueue_indirect_dma source(%dma_start3A_156 : memref<10000x64xf32, #tpu.memory_space<hbm>>) target(%arg9 : memref<128x64xf32, #tpu.memory_space<vmem>>) offsets(%dma_start3A_153 : memref<128xi32, #tpu.memory_space<vmem>>) semaphore(%arg12 : memref<!tpu.dma_semaphore, #tpu.memory_space<semaphore_mem>>)
      %dma_wait3A_157 = arith.constant 0 : i32
      %dma_wait3A_158 = tpu.memref_slice %arg6[%dma_wait3A_157] : memref<1664xi32, #tpu.memory_space<vmem>> -> memref<128xi32, #tpu.memory_space<vmem>>
      %dma_wait3A_159 = arith.constant 0 : i32
      %dma_wait3A_160 = arith.constant 0 : i32
      %dma_wait3A_161 = tpu.memref_slice %arg2[%dma_wait3A_159, %dma_wait3A_160] : memref<10000x64xf32, #tpu.memory_space<hbm>> -> memref<10000x64xf32, #tpu.memory_space<hbm>>
      tpu.wait_indirect_dma semaphore(%arg11 : memref<!tpu.dma_semaphore, #tpu.memory_space<semaphore_mem>>) src(%dma_wait3A_161 : memref<10000x64xf32, #tpu.memory_space<hbm>>) dst(%arg8 : memref<128x64xf32, #tpu.memory_space<vmem>>)
      %mul3A_162 = arith.constant 128 : i32
      %mul3A_163 = arith.muli %mul3A_148, %mul3A_162 : i32
      "tpu.region"() ({
        %run_scoped3A_182 = tpu.sem_alloc : memref<!tpu.dma_semaphore, #tpu.memory_space<semaphore_mem>>
        %dma_start3A_183 = tpu.memref_slice %arg7[%mul3A_163] : memref<1664xi32, #tpu.memory_space<vmem>> -> memref<128xi32, #tpu.memory_space<vmem>>
        %dma_start3A_184 = arith.constant 0 : i32
        %dma_start3A_185 = arith.constant 0 : i32
        %dma_start3A_186 = tpu.memref_slice %arg10[%dma_start3A_184, %dma_start3A_185] : memref<10000x64xf32, #tpu.memory_space<vmem_shared>> -> memref<10000x64xf32, #tpu.memory_space<vmem_shared>>
        tpu.enqueue_indirect_dma source(%arg8 : memref<128x64xf32, #tpu.memory_space<vmem>>) target(%dma_start3A_186 : memref<10000x64xf32, #tpu.memory_space<vmem_shared>>) offsets(%dma_start3A_183 : memref<128xi32, #tpu.memory_space<vmem>>) semaphore(%run_scoped3A_182 : memref<!tpu.dma_semaphore, #tpu.memory_space<semaphore_mem>>) {add = true}
        %dma_wait3A_187 = tpu.memref_slice %arg7[%mul3A_163] : memref<1664xi32, #tpu.memory_space<vmem>> -> memref<128xi32, #tpu.memory_space<vmem>>
        %dma_wait3A_188 = arith.constant 0 : i32
        %dma_wait3A_189 = arith.constant 0 : i32
        %dma_wait3A_190 = tpu.memref_slice %arg10[%dma_wait3A_188, %dma_wait3A_189] : memref<10000x64xf32, #tpu.memory_space<vmem_shared>> -> memref<10000x64xf32, #tpu.memory_space<vmem_shared>>
        tpu.wait_indirect_dma semaphore(%run_scoped3A_182 : memref<!tpu.dma_semaphore, #tpu.memory_space<semaphore_mem>>) src(%arg8 : memref<128x64xf32, #tpu.memory_space<vmem>>) dst(%dma_wait3A_190 : memref<10000x64xf32, #tpu.memory_space<vmem_shared>>)
        tpu.yield
      }) : () -> ()
      %add3A_164 = arith.constant 2 : i32
      %add3A_165 = arith.addi %mul3A_148, %add3A_164 : i32
      %min3A = arith.constant 12 : i32
      %min3A_166 = arith.minsi %add3A_165, %min3A : i32
      %mul3A_167 = arith.constant 128 : i32
      %mul3A_168 = arith.muli %min3A_166, %mul3A_167 : i32
      %dma_start3A_169 = tpu.memref_slice %arg6[%mul3A_168] : memref<1664xi32, #tpu.memory_space<vmem>> -> memref<128xi32, #tpu.memory_space<vmem>>
      %dma_start3A_170 = arith.constant 0 : i32
      %dma_start3A_171 = arith.constant 0 : i32
      %dma_start3A_172 = tpu.memref_slice %arg2[%dma_start3A_170, %dma_start3A_171] : memref<10000x64xf32, #tpu.memory_space<hbm>> -> memref<10000x64xf32, #tpu.memory_space<hbm>>
      tpu.enqueue_indirect_dma source(%dma_start3A_172 : memref<10000x64xf32, #tpu.memory_space<hbm>>) target(%arg8 : memref<128x64xf32, #tpu.memory_space<vmem>>) offsets(%dma_start3A_169 : memref<128xi32, #tpu.memory_space<vmem>>) semaphore(%arg11 : memref<!tpu.dma_semaphore, #tpu.memory_space<semaphore_mem>>)
      %dma_wait3A_173 = arith.constant 0 : i32
      %dma_wait3A_174 = tpu.memref_slice %arg6[%dma_wait3A_173] : memref<1664xi32, #tpu.memory_space<vmem>> -> memref<128xi32, #tpu.memory_space<vmem>>
      %dma_wait3A_175 = arith.constant 0 : i32
      %dma_wait3A_176 = arith.constant 0 : i32
      %dma_wait3A_177 = tpu.memref_slice %arg2[%dma_wait3A_175, %dma_wait3A_176] : memref<10000x64xf32, #tpu.memory_space<hbm>> -> memref<10000x64xf32, #tpu.memory_space<hbm>>
      tpu.wait_indirect_dma semaphore(%arg12 : memref<!tpu.dma_semaphore, #tpu.memory_space<semaphore_mem>>) src(%dma_wait3A_177 : memref<10000x64xf32, #tpu.memory_space<hbm>>) dst(%arg9 : memref<128x64xf32, #tpu.memory_space<vmem>>)
      %add3A_178 = arith.constant 1 : i32
      %add3A_179 = arith.addi %mul3A_148, %add3A_178 : i32
      %mul3A_180 = arith.constant 128 : i32
      %mul3A_181 = arith.muli %add3A_179, %mul3A_180 : i32
      "tpu.region"() ({
        %run_scoped3A_182 = tpu.sem_alloc : memref<!tpu.dma_semaphore, #tpu.memory_space<semaphore_mem>>
        %dma_start3A_183 = tpu.memref_slice %arg7[%mul3A_181] : memref<1664xi32, #tpu.memory_space<vmem>> -> memref<128xi32, #tpu.memory_space<vmem>>
        %dma_start3A_184 = arith.constant 0 : i32
        %dma_start3A_185 = arith.constant 0 : i32
        %dma_start3A_186 = tpu.memref_slice %arg10[%dma_start3A_184, %dma_start3A_185] : memref<10000x64xf32, #tpu.memory_space<vmem_shared>> -> memref<10000x64xf32, #tpu.memory_space<vmem_shared>>
        tpu.enqueue_indirect_dma source(%arg9 : memref<128x64xf32, #tpu.memory_space<vmem>>) target(%dma_start3A_186 : memref<10000x64xf32, #tpu.memory_space<vmem_shared>>) offsets(%dma_start3A_183 : memref<128xi32, #tpu.memory_space<vmem>>) semaphore(%run_scoped3A_182 : memref<!tpu.dma_semaphore, #tpu.memory_space<semaphore_mem>>) {add = true}
        %dma_wait3A_187 = tpu.memref_slice %arg7[%mul3A_181] : memref<1664xi32, #tpu.memory_space<vmem>> -> memref<128xi32, #tpu.memory_space<vmem>>
        %dma_wait3A_188 = arith.constant 0 : i32
        %dma_wait3A_189 = arith.constant 0 : i32
        %dma_wait3A_190 = tpu.memref_slice %arg10[%dma_wait3A_188, %dma_wait3A_189] : memref<10000x64xf32, #tpu.memory_space<vmem_shared>> -> memref<10000x64xf32, #tpu.memory_space<vmem_shared>>
        tpu.wait_indirect_dma semaphore(%run_scoped3A_182 : memref<!tpu.dma_semaphore, #tpu.memory_space<semaphore_mem>>) src(%arg9 : memref<128x64xf32, #tpu.memory_space<vmem>>) dst(%dma_wait3A_190 : memref<10000x64xf32, #tpu.memory_space<vmem_shared>>)
        tpu.yield
      }) : () -> ()
    }
    %scan3A_109 = arith.constant 6 : i32
    %dma_wait3A_110 = arith.constant 0 : i32
    %dma_wait3A_111 = tpu.memref_slice %arg6[%dma_wait3A_110] : memref<1664xi32, #tpu.memory_space<vmem>> -> memref<128xi32, #tpu.memory_space<vmem>>
    %dma_wait3A_112 = arith.constant 0 : i32
    %dma_wait3A_113 = arith.constant 0 : i32
    %dma_wait3A_114 = tpu.memref_slice %arg2[%dma_wait3A_112, %dma_wait3A_113] : memref<10000x64xf32, #tpu.memory_space<hbm>> -> memref<10000x64xf32, #tpu.memory_space<hbm>>
    tpu.wait_indirect_dma semaphore(%arg11 : memref<!tpu.dma_semaphore, #tpu.memory_space<semaphore_mem>>) src(%dma_wait3A_114 : memref<10000x64xf32, #tpu.memory_space<hbm>>) dst(%arg8 : memref<128x64xf32, #tpu.memory_space<vmem>>)
    "tpu.region"() ({
      %run_scoped3A_146 = tpu.sem_alloc : memref<!tpu.dma_semaphore, #tpu.memory_space<semaphore_mem>>
      %dma_start3A_147 = arith.constant 1536 : i32
      %dma_start3A_148 = tpu.memref_slice %arg7[%dma_start3A_147] : memref<1664xi32, #tpu.memory_space<vmem>> -> memref<128xi32, #tpu.memory_space<vmem>>
      %dma_start3A_149 = arith.constant 0 : i32
      %dma_start3A_150 = arith.constant 0 : i32
      %dma_start3A_151 = tpu.memref_slice %arg10[%dma_start3A_149, %dma_start3A_150] : memref<10000x64xf32, #tpu.memory_space<vmem_shared>> -> memref<10000x64xf32, #tpu.memory_space<vmem_shared>>
      tpu.enqueue_indirect_dma source(%arg8 : memref<128x64xf32, #tpu.memory_space<vmem>>) target(%dma_start3A_151 : memref<10000x64xf32, #tpu.memory_space<vmem_shared>>) offsets(%dma_start3A_148 : memref<128xi32, #tpu.memory_space<vmem>>) semaphore(%run_scoped3A_146 : memref<!tpu.dma_semaphore, #tpu.memory_space<semaphore_mem>>) {add = true}
      %dma_wait3A_152 = arith.constant 1536 : i32
      %dma_wait3A_153 = tpu.memref_slice %arg7[%dma_wait3A_152] : memref<1664xi32, #tpu.memory_space<vmem>> -> memref<128xi32, #tpu.memory_space<vmem>>
      %dma_wait3A_154 = arith.constant 0 : i32
      %dma_wait3A_155 = arith.constant 0 : i32
      %dma_wait3A_156 = tpu.memref_slice %arg10[%dma_wait3A_154, %dma_wait3A_155] : memref<10000x64xf32, #tpu.memory_space<vmem_shared>> -> memref<10000x64xf32, #tpu.memory_space<vmem_shared>>
      tpu.wait_indirect_dma semaphore(%run_scoped3A_146 : memref<!tpu.dma_semaphore, #tpu.memory_space<semaphore_mem>>) src(%arg8 : memref<128x64xf32, #tpu.memory_space<vmem>>) dst(%dma_wait3A_156 : memref<10000x64xf32, #tpu.memory_space<vmem_shared>>)
      tpu.yield
    }) : () -> ()
    %mul3A_115 = arith.constant 9984 : i32
    %mul3A_116 = arith.muli %add3A, %mul3A_115 : i32
    %add3A_117 = arith.constant 8320 : i32
    %add3A_118 = arith.addi %mul3A_116, %add3A_117 : i32
    %run_scoped3A_119 = arith.constant 0 : i32
    "tpu.region"() ({
      %run_scoped3A_146 = tpu.sem_alloc : memref<!tpu.dma_semaphore, #tpu.memory_space<semaphore_mem>>
      %dma_start3A_147 = tpu.memref_slice %arg3[%run_scoped3A_119, %add3A_118] : memref<2x320000xi32, #tpu.memory_space<hbm>> -> memref<1x1664xi32, #tpu.memory_space<hbm>>
      %dma_start3A_148 = tpu.memref_squeeze %dma_start3A_147 : memref<1x1664xi32, #tpu.memory_space<hbm>> -> memref<1664xi32, #tpu.memory_space<hbm>>
      %dma_start3A_149 = tpu.memref_slice %arg3[%run_scoped3A_119, %add3A_118] : memref<2x320000xi32, #tpu.memory_space<hbm>> -> memref<1x1664xi32, #tpu.memory_space<hbm>>
      %dma_start3A_150 = tpu.memref_squeeze %dma_start3A_149 : memref<1x1664xi32, #tpu.memory_space<hbm>> -> memref<1664xi32, #tpu.memory_space<hbm>>
      tpu.enqueue_dma source(%dma_start3A_150 : memref<1664xi32, #tpu.memory_space<hbm>>) target(%arg6 : memref<1664xi32, #tpu.memory_space<vmem>>) target_semaphore(%run_scoped3A_146 : memref<!tpu.dma_semaphore, #tpu.memory_space<semaphore_mem>>)
      %dma_wait3A_151 = tpu.memref_slice %arg3[%run_scoped3A_119, %add3A_118] : memref<2x320000xi32, #tpu.memory_space<hbm>> -> memref<1x1664xi32, #tpu.memory_space<hbm>>
      %dma_wait3A_152 = tpu.memref_squeeze %dma_wait3A_151 : memref<1x1664xi32, #tpu.memory_space<hbm>> -> memref<1664xi32, #tpu.memory_space<hbm>>
      %dma_wait3A_153 = tpu.memref_slice %arg3[%run_scoped3A_119, %add3A_118] : memref<2x320000xi32, #tpu.memory_space<hbm>> -> memref<1x1664xi32, #tpu.memory_space<hbm>>
      %dma_wait3A_154 = tpu.memref_squeeze %dma_wait3A_153 : memref<1x1664xi32, #tpu.memory_space<hbm>> -> memref<1664xi32, #tpu.memory_space<hbm>>
      tpu.wait_dma2 semaphore(%run_scoped3A_146 : memref<!tpu.dma_semaphore, #tpu.memory_space<semaphore_mem>>) src(%dma_wait3A_154 : memref<1664xi32, #tpu.memory_space<hbm>>) dst(%arg6 : memref<1664xi32, #tpu.memory_space<vmem>>)
      tpu.yield
    }) : () -> ()
    %run_scoped3A_120 = arith.constant 1 : i32
    "tpu.region"() ({
      %run_scoped3A_146 = tpu.sem_alloc : memref<!tpu.dma_semaphore, #tpu.memory_space<semaphore_mem>>
      %dma_start3A_147 = tpu.memref_slice %arg3[%run_scoped3A_120, %add3A_118] : memref<2x320000xi32, #tpu.memory_space<hbm>> -> memref<1x1664xi32, #tpu.memory_space<hbm>>
      %dma_start3A_148 = tpu.memref_squeeze %dma_start3A_147 : memref<1x1664xi32, #tpu.memory_space<hbm>> -> memref<1664xi32, #tpu.memory_space<hbm>>
      %dma_start3A_149 = tpu.memref_slice %arg3[%run_scoped3A_120, %add3A_118] : memref<2x320000xi32, #tpu.memory_space<hbm>> -> memref<1x1664xi32, #tpu.memory_space<hbm>>
      %dma_start3A_150 = tpu.memref_squeeze %dma_start3A_149 : memref<1x1664xi32, #tpu.memory_space<hbm>> -> memref<1664xi32, #tpu.memory_space<hbm>>
      tpu.enqueue_dma source(%dma_start3A_150 : memref<1664xi32, #tpu.memory_space<hbm>>) target(%arg7 : memref<1664xi32, #tpu.memory_space<vmem>>) target_semaphore(%run_scoped3A_146 : memref<!tpu.dma_semaphore, #tpu.memory_space<semaphore_mem>>)
      %dma_wait3A_151 = tpu.memref_slice %arg3[%run_scoped3A_120, %add3A_118] : memref<2x320000xi32, #tpu.memory_space<hbm>> -> memref<1x1664xi32, #tpu.memory_space<hbm>>
      %dma_wait3A_152 = tpu.memref_squeeze %dma_wait3A_151 : memref<1x1664xi32, #tpu.memory_space<hbm>> -> memref<1664xi32, #tpu.memory_space<hbm>>
      %dma_wait3A_153 = tpu.memref_slice %arg3[%run_scoped3A_120, %add3A_118] : memref<2x320000xi32, #tpu.memory_space<hbm>> -> memref<1x1664xi32, #tpu.memory_space<hbm>>
      %dma_wait3A_154 = tpu.memref_squeeze %dma_wait3A_153 : memref<1x1664xi32, #tpu.memory_space<hbm>> -> memref<1664xi32, #tpu.memory_space<hbm>>
      tpu.wait_dma2 semaphore(%run_scoped3A_146 : memref<!tpu.dma_semaphore, #tpu.memory_space<semaphore_mem>>) src(%dma_wait3A_154 : memref<1664xi32, #tpu.memory_space<hbm>>) dst(%arg7 : memref<1664xi32, #tpu.memory_space<vmem>>)
      tpu.yield
    }) : () -> ()
    %dma_start3A_121 = arith.constant 0 : i32
    %dma_start3A_122 = tpu.memref_slice %arg6[%dma_start3A_121] : memref<1664xi32, #tpu.memory_space<vmem>> -> memref<128xi32, #tpu.memory_space<vmem>>
    %dma_start3A_123 = arith.constant 0 : i32
    %dma_start3A_124 = arith.constant 0 : i32
    %dma_start3A_125 = tpu.memref_slice %arg2[%dma_start3A_123, %dma_start3A_124] : memref<10000x64xf32, #tpu.memory_space<hbm>> -> memref<10000x64xf32, #tpu.memory_space<hbm>>
    tpu.enqueue_indirect_dma source(%dma_start3A_125 : memref<10000x64xf32, #tpu.memory_space<hbm>>) target(%arg8 : memref<128x64xf32, #tpu.memory_space<vmem>>) offsets(%dma_start3A_122 : memref<128xi32, #tpu.memory_space<vmem>>) semaphore(%arg11 : memref<!tpu.dma_semaphore, #tpu.memory_space<semaphore_mem>>)
    %scan3A_126 = arith.constant 0 : i32
    %scan3A_127 = arith.constant 0 : i32
    %scan3A_128 = arith.constant 6 : i32
    %scan3A_129 = arith.addi %scan3A_127, %scan3A_128 : i32
    %scan3A_130 = arith.constant 1 : i32
    scf.for %scan3A_146 = %scan3A_127 to %scan3A_129 step %scan3A_130  : i32 {
      %mul3A_147 = arith.constant 2 : i32
      %mul3A_148 = arith.muli %mul3A_147, %scan3A_146 : i32
      %add3A_149 = arith.constant 1 : i32
      %add3A_150 = arith.addi %mul3A_148, %add3A_149 : i32
      %mul3A_151 = arith.constant 128 : i32
      %mul3A_152 = arith.muli %add3A_150, %mul3A_151 : i32
      %dma_start3A_153 = tpu.memref_slice %arg6[%mul3A_152] : memref<1664xi32, #tpu.memory_space<vmem>> -> memref<128xi32, #tpu.memory_space<vmem>>
      %dma_start3A_154 = arith.constant 0 : i32
      %dma_start3A_155 = arith.constant 0 : i32
      %dma_start3A_156 = tpu.memref_slice %arg2[%dma_start3A_154, %dma_start3A_155] : memref<10000x64xf32, #tpu.memory_space<hbm>> -> memref<10000x64xf32, #tpu.memory_space<hbm>>
      tpu.enqueue_indirect_dma source(%dma_start3A_156 : memref<10000x64xf32, #tpu.memory_space<hbm>>) target(%arg9 : memref<128x64xf32, #tpu.memory_space<vmem>>) offsets(%dma_start3A_153 : memref<128xi32, #tpu.memory_space<vmem>>) semaphore(%arg12 : memref<!tpu.dma_semaphore, #tpu.memory_space<semaphore_mem>>)
      %dma_wait3A_157 = arith.constant 0 : i32
      %dma_wait3A_158 = tpu.memref_slice %arg6[%dma_wait3A_157] : memref<1664xi32, #tpu.memory_space<vmem>> -> memref<128xi32, #tpu.memory_space<vmem>>
      %dma_wait3A_159 = arith.constant 0 : i32
      %dma_wait3A_160 = arith.constant 0 : i32
      %dma_wait3A_161 = tpu.memref_slice %arg2[%dma_wait3A_159, %dma_wait3A_160] : memref<10000x64xf32, #tpu.memory_space<hbm>> -> memref<10000x64xf32, #tpu.memory_space<hbm>>
      tpu.wait_indirect_dma semaphore(%arg11 : memref<!tpu.dma_semaphore, #tpu.memory_space<semaphore_mem>>) src(%dma_wait3A_161 : memref<10000x64xf32, #tpu.memory_space<hbm>>) dst(%arg8 : memref<128x64xf32, #tpu.memory_space<vmem>>)
      %mul3A_162 = arith.constant 128 : i32
      %mul3A_163 = arith.muli %mul3A_148, %mul3A_162 : i32
      "tpu.region"() ({
        %run_scoped3A_182 = tpu.sem_alloc : memref<!tpu.dma_semaphore, #tpu.memory_space<semaphore_mem>>
        %dma_start3A_183 = tpu.memref_slice %arg7[%mul3A_163] : memref<1664xi32, #tpu.memory_space<vmem>> -> memref<128xi32, #tpu.memory_space<vmem>>
        %dma_start3A_184 = arith.constant 0 : i32
        %dma_start3A_185 = arith.constant 0 : i32
        %dma_start3A_186 = tpu.memref_slice %arg10[%dma_start3A_184, %dma_start3A_185] : memref<10000x64xf32, #tpu.memory_space<vmem_shared>> -> memref<10000x64xf32, #tpu.memory_space<vmem_shared>>
        tpu.enqueue_indirect_dma source(%arg8 : memref<128x64xf32, #tpu.memory_space<vmem>>) target(%dma_start3A_186 : memref<10000x64xf32, #tpu.memory_space<vmem_shared>>) offsets(%dma_start3A_183 : memref<128xi32, #tpu.memory_space<vmem>>) semaphore(%run_scoped3A_182 : memref<!tpu.dma_semaphore, #tpu.memory_space<semaphore_mem>>) {add = true}
        %dma_wait3A_187 = tpu.memref_slice %arg7[%mul3A_163] : memref<1664xi32, #tpu.memory_space<vmem>> -> memref<128xi32, #tpu.memory_space<vmem>>
        %dma_wait3A_188 = arith.constant 0 : i32
        %dma_wait3A_189 = arith.constant 0 : i32
        %dma_wait3A_190 = tpu.memref_slice %arg10[%dma_wait3A_188, %dma_wait3A_189] : memref<10000x64xf32, #tpu.memory_space<vmem_shared>> -> memref<10000x64xf32, #tpu.memory_space<vmem_shared>>
        tpu.wait_indirect_dma semaphore(%run_scoped3A_182 : memref<!tpu.dma_semaphore, #tpu.memory_space<semaphore_mem>>) src(%arg8 : memref<128x64xf32, #tpu.memory_space<vmem>>) dst(%dma_wait3A_190 : memref<10000x64xf32, #tpu.memory_space<vmem_shared>>)
        tpu.yield
      }) : () -> ()
      %add3A_164 = arith.constant 2 : i32
      %add3A_165 = arith.addi %mul3A_148, %add3A_164 : i32
      %min3A = arith.constant 12 : i32
      %min3A_166 = arith.minsi %add3A_165, %min3A : i32
      %mul3A_167 = arith.constant 128 : i32
      %mul3A_168 = arith.muli %min3A_166, %mul3A_167 : i32
      %dma_start3A_169 = tpu.memref_slice %arg6[%mul3A_168] : memref<1664xi32, #tpu.memory_space<vmem>> -> memref<128xi32, #tpu.memory_space<vmem>>
      %dma_start3A_170 = arith.constant 0 : i32
      %dma_start3A_171 = arith.constant 0 : i32
      %dma_start3A_172 = tpu.memref_slice %arg2[%dma_start3A_170, %dma_start3A_171] : memref<10000x64xf32, #tpu.memory_space<hbm>> -> memref<10000x64xf32, #tpu.memory_space<hbm>>
      tpu.enqueue_indirect_dma source(%dma_start3A_172 : memref<10000x64xf32, #tpu.memory_space<hbm>>) target(%arg8 : memref<128x64xf32, #tpu.memory_space<vmem>>) offsets(%dma_start3A_169 : memref<128xi32, #tpu.memory_space<vmem>>) semaphore(%arg11 : memref<!tpu.dma_semaphore, #tpu.memory_space<semaphore_mem>>)
      %dma_wait3A_173 = arith.constant 0 : i32
      %dma_wait3A_174 = tpu.memref_slice %arg6[%dma_wait3A_173] : memref<1664xi32, #tpu.memory_space<vmem>> -> memref<128xi32, #tpu.memory_space<vmem>>
      %dma_wait3A_175 = arith.constant 0 : i32
      %dma_wait3A_176 = arith.constant 0 : i32
      %dma_wait3A_177 = tpu.memref_slice %arg2[%dma_wait3A_175, %dma_wait3A_176] : memref<10000x64xf32, #tpu.memory_space<hbm>> -> memref<10000x64xf32, #tpu.memory_space<hbm>>
      tpu.wait_indirect_dma semaphore(%arg12 : memref<!tpu.dma_semaphore, #tpu.memory_space<semaphore_mem>>) src(%dma_wait3A_177 : memref<10000x64xf32, #tpu.memory_space<hbm>>) dst(%arg9 : memref<128x64xf32, #tpu.memory_space<vmem>>)
      %add3A_178 = arith.constant 1 : i32
      %add3A_179 = arith.addi %mul3A_148, %add3A_178 : i32
      %mul3A_180 = arith.constant 128 : i32
      %mul3A_181 = arith.muli %add3A_179, %mul3A_180 : i32
      "tpu.region"() ({
        %run_scoped3A_182 = tpu.sem_alloc : memref<!tpu.dma_semaphore, #tpu.memory_space<semaphore_mem>>
        %dma_start3A_183 = tpu.memref_slice %arg7[%mul3A_181] : memref<1664xi32, #tpu.memory_space<vmem>> -> memref<128xi32, #tpu.memory_space<vmem>>
        %dma_start3A_184 = arith.constant 0 : i32
        %dma_start3A_185 = arith.constant 0 : i32
        %dma_start3A_186 = tpu.memref_slice %arg10[%dma_start3A_184, %dma_start3A_185] : memref<10000x64xf32, #tpu.memory_space<vmem_shared>> -> memref<10000x64xf32, #tpu.memory_space<vmem_shared>>
        tpu.enqueue_indirect_dma source(%arg9 : memref<128x64xf32, #tpu.memory_space<vmem>>) target(%dma_start3A_186 : memref<10000x64xf32, #tpu.memory_space<vmem_shared>>) offsets(%dma_start3A_183 : memref<128xi32, #tpu.memory_space<vmem>>) semaphore(%run_scoped3A_182 : memref<!tpu.dma_semaphore, #tpu.memory_space<semaphore_mem>>) {add = true}
        %dma_wait3A_187 = tpu.memref_slice %arg7[%mul3A_181] : memref<1664xi32, #tpu.memory_space<vmem>> -> memref<128xi32, #tpu.memory_space<vmem>>
        %dma_wait3A_188 = arith.constant 0 : i32
        %dma_wait3A_189 = arith.constant 0 : i32
        %dma_wait3A_190 = tpu.memref_slice %arg10[%dma_wait3A_188, %dma_wait3A_189] : memref<10000x64xf32, #tpu.memory_space<vmem_shared>> -> memref<10000x64xf32, #tpu.memory_space<vmem_shared>>
        tpu.wait_indirect_dma semaphore(%run_scoped3A_182 : memref<!tpu.dma_semaphore, #tpu.memory_space<semaphore_mem>>) src(%arg9 : memref<128x64xf32, #tpu.memory_space<vmem>>) dst(%dma_wait3A_190 : memref<10000x64xf32, #tpu.memory_space<vmem_shared>>)
        tpu.yield
      }) : () -> ()
    }
    %scan3A_131 = arith.constant 6 : i32
    %dma_wait3A_132 = arith.constant 0 : i32
    %dma_wait3A_133 = tpu.memref_slice %arg6[%dma_wait3A_132] : memref<1664xi32, #tpu.memory_space<vmem>> -> memref<128xi32, #tpu.memory_space<vmem>>
    %dma_wait3A_134 = arith.constant 0 : i32
    %dma_wait3A_135 = arith.constant 0 : i32
    %dma_wait3A_136 = tpu.memref_slice %arg2[%dma_wait3A_134, %dma_wait3A_135] : memref<10000x64xf32, #tpu.memory_space<hbm>> -> memref<10000x64xf32, #tpu.memory_space<hbm>>
    tpu.wait_indirect_dma semaphore(%arg11 : memref<!tpu.dma_semaphore, #tpu.memory_space<semaphore_mem>>) src(%dma_wait3A_136 : memref<10000x64xf32, #tpu.memory_space<hbm>>) dst(%arg8 : memref<128x64xf32, #tpu.memory_space<vmem>>)
    "tpu.region"() ({
      %run_scoped3A_146 = tpu.sem_alloc : memref<!tpu.dma_semaphore, #tpu.memory_space<semaphore_mem>>
      %dma_start3A_147 = arith.constant 1536 : i32
      %dma_start3A_148 = tpu.memref_slice %arg7[%dma_start3A_147] : memref<1664xi32, #tpu.memory_space<vmem>> -> memref<128xi32, #tpu.memory_space<vmem>>
      %dma_start3A_149 = arith.constant 0 : i32
      %dma_start3A_150 = arith.constant 0 : i32
      %dma_start3A_151 = tpu.memref_slice %arg10[%dma_start3A_149, %dma_start3A_150] : memref<10000x64xf32, #tpu.memory_space<vmem_shared>> -> memref<10000x64xf32, #tpu.memory_space<vmem_shared>>
      tpu.enqueue_indirect_dma source(%arg8 : memref<128x64xf32, #tpu.memory_space<vmem>>) target(%dma_start3A_151 : memref<10000x64xf32, #tpu.memory_space<vmem_shared>>) offsets(%dma_start3A_148 : memref<128xi32, #tpu.memory_space<vmem>>) semaphore(%run_scoped3A_146 : memref<!tpu.dma_semaphore, #tpu.memory_space<semaphore_mem>>) {add = true}
      %dma_wait3A_152 = arith.constant 1536 : i32
      %dma_wait3A_153 = tpu.memref_slice %arg7[%dma_wait3A_152] : memref<1664xi32, #tpu.memory_space<vmem>> -> memref<128xi32, #tpu.memory_space<vmem>>
      %dma_wait3A_154 = arith.constant 0 : i32
      %dma_wait3A_155 = arith.constant 0 : i32
      %dma_wait3A_156 = tpu.memref_slice %arg10[%dma_wait3A_154, %dma_wait3A_155] : memref<10000x64xf32, #tpu.memory_space<vmem_shared>> -> memref<10000x64xf32, #tpu.memory_space<vmem_shared>>
      tpu.wait_indirect_dma semaphore(%run_scoped3A_146 : memref<!tpu.dma_semaphore, #tpu.memory_space<semaphore_mem>>) src(%arg8 : memref<128x64xf32, #tpu.memory_space<vmem>>) dst(%dma_wait3A_156 : memref<10000x64xf32, #tpu.memory_space<vmem_shared>>)
      tpu.yield
    }) : () -> ()
    %lt3A = arith.constant 4 : i32
    %lt3A_137 = arith.cmpi slt, %add3A, %lt3A : i32
    %convert_element_type3A = arith.extui %lt3A_137 : i1 to i32
    %cond3A = arith.constant 0 : i32
    %cond3A_138 = arith.cmpi ne, %convert_element_type3A, %cond3A : i32
    scf.if %cond3A_138 {
      %mul3A_146 = arith.constant 128 : i32
      %mul3A_147 = arith.muli %add3A, %mul3A_146 : i32
      %add3A_148 = arith.constant 319488 : i32
      %add3A_149 = arith.addi %add3A_148, %mul3A_147 : i32
      %run_scoped3A_150 = arith.constant 0 : i32
      "tpu.region"() ({
        %run_scoped3A_162 = tpu.sem_alloc : memref<!tpu.dma_semaphore, #tpu.memory_space<semaphore_mem>>
        %dma_start3A_163 = arith.constant 0 : i32
        %dma_start3A_164 = tpu.memref_slice %arg6[%dma_start3A_163] : memref<1664xi32, #tpu.memory_space<vmem>> -> memref<128xi32, #tpu.memory_space<vmem>>
        %dma_start3A_165 = tpu.memref_slice %arg3[%run_scoped3A_150, %add3A_149] : memref<2x320000xi32, #tpu.memory_space<hbm>> -> memref<1x128xi32, #tpu.memory_space<hbm>>
        %dma_start3A_166 = tpu.memref_squeeze %dma_start3A_165 : memref<1x128xi32, #tpu.memory_space<hbm>> -> memref<128xi32, #tpu.memory_space<hbm>>
        %dma_start3A_167 = arith.constant 0 : i32
        %dma_start3A_168 = tpu.memref_slice %arg6[%dma_start3A_167] : memref<1664xi32, #tpu.memory_space<vmem>> -> memref<128xi32, #tpu.memory_space<vmem>>
        %dma_start3A_169 = tpu.memref_slice %arg3[%run_scoped3A_150, %add3A_149] : memref<2x320000xi32, #tpu.memory_space<hbm>> -> memref<1x128xi32, #tpu.memory_space<hbm>>
        %dma_start3A_170 = tpu.memref_squeeze %dma_start3A_169 : memref<1x128xi32, #tpu.memory_space<hbm>> -> memref<128xi32, #tpu.memory_space<hbm>>
        tpu.enqueue_dma source(%dma_start3A_170 : memref<128xi32, #tpu.memory_space<hbm>>) target(%dma_start3A_168 : memref<128xi32, #tpu.memory_space<vmem>>) target_semaphore(%run_scoped3A_162 : memref<!tpu.dma_semaphore, #tpu.memory_space<semaphore_mem>>)
        %dma_wait3A_171 = arith.constant 0 : i32
        %dma_wait3A_172 = tpu.memref_slice %arg6[%dma_wait3A_171] : memref<1664xi32, #tpu.memory_space<vmem>> -> memref<128xi32, #tpu.memory_space<vmem>>
        %dma_wait3A_173 = tpu.memref_slice %arg3[%run_scoped3A_150, %add3A_149] : memref<2x320000xi32, #tpu.memory_space<hbm>> -> memref<1x128xi32, #tpu.memory_space<hbm>>
        %dma_wait3A_174 = tpu.memref_squeeze %dma_wait3A_173 : memref<1x128xi32, #tpu.memory_space<hbm>> -> memref<128xi32, #tpu.memory_space<hbm>>
        %dma_wait3A_175 = arith.constant 0 : i32
        %dma_wait3A_176 = tpu.memref_slice %arg6[%dma_wait3A_175] : memref<1664xi32, #tpu.memory_space<vmem>> -> memref<128xi32, #tpu.memory_space<vmem>>
        %dma_wait3A_177 = tpu.memref_slice %arg3[%run_scoped3A_150, %add3A_149] : memref<2x320000xi32, #tpu.memory_space<hbm>> -> memref<1x128xi32, #tpu.memory_space<hbm>>
        %dma_wait3A_178 = tpu.memref_squeeze %dma_wait3A_177 : memref<1x128xi32, #tpu.memory_space<hbm>> -> memref<128xi32, #tpu.memory_space<hbm>>
        tpu.wait_dma2 semaphore(%run_scoped3A_162 : memref<!tpu.dma_semaphore, #tpu.memory_space<semaphore_mem>>) src(%dma_wait3A_178 : memref<128xi32, #tpu.memory_space<hbm>>) dst(%dma_wait3A_176 : memref<128xi32, #tpu.memory_space<vmem>>)
        tpu.yield
      }) : () -> ()
      %run_scoped3A_151 = arith.constant 1 : i32
      "tpu.region"() ({
        %run_scoped3A_162 = tpu.sem_alloc : memref<!tpu.dma_semaphore, #tpu.memory_space<semaphore_mem>>
        %dma_start3A_163 = arith.constant 0 : i32
        %dma_start3A_164 = tpu.memref_slice %arg7[%dma_start3A_163] : memref<1664xi32, #tpu.memory_space<vmem>> -> memref<128xi32, #tpu.memory_space<vmem>>
        %dma_start3A_165 = tpu.memref_slice %arg3[%run_scoped3A_151, %add3A_149] : memref<2x320000xi32, #tpu.memory_space<hbm>> -> memref<1x128xi32, #tpu.memory_space<hbm>>
        %dma_start3A_166 = tpu.memref_squeeze %dma_start3A_165 : memref<1x128xi32, #tpu.memory_space<hbm>> -> memref<128xi32, #tpu.memory_space<hbm>>
        %dma_start3A_167 = arith.constant 0 : i32
        %dma_start3A_168 = tpu.memref_slice %arg7[%dma_start3A_167] : memref<1664xi32, #tpu.memory_space<vmem>> -> memref<128xi32, #tpu.memory_space<vmem>>
        %dma_start3A_169 = tpu.memref_slice %arg3[%run_scoped3A_151, %add3A_149] : memref<2x320000xi32, #tpu.memory_space<hbm>> -> memref<1x128xi32, #tpu.memory_space<hbm>>
        %dma_start3A_170 = tpu.memref_squeeze %dma_start3A_169 : memref<1x128xi32, #tpu.memory_space<hbm>> -> memref<128xi32, #tpu.memory_space<hbm>>
        tpu.enqueue_dma source(%dma_start3A_170 : memref<128xi32, #tpu.memory_space<hbm>>) target(%dma_start3A_168 : memref<128xi32, #tpu.memory_space<vmem>>) target_semaphore(%run_scoped3A_162 : memref<!tpu.dma_semaphore, #tpu.memory_space<semaphore_mem>>)
        %dma_wait3A_171 = arith.constant 0 : i32
        %dma_wait3A_172 = tpu.memref_slice %arg7[%dma_wait3A_171] : memref<1664xi32, #tpu.memory_space<vmem>> -> memref<128xi32, #tpu.memory_space<vmem>>
        %dma_wait3A_173 = tpu.memref_slice %arg3[%run_scoped3A_151, %add3A_149] : memref<2x320000xi32, #tpu.memory_space<hbm>> -> memref<1x128xi32, #tpu.memory_space<hbm>>
        %dma_wait3A_174 = tpu.memref_squeeze %dma_wait3A_173 : memref<1x128xi32, #tpu.memory_space<hbm>> -> memref<128xi32, #tpu.memory_space<hbm>>
        %dma_wait3A_175 = arith.constant 0 : i32
        %dma_wait3A_176 = tpu.memref_slice %arg7[%dma_wait3A_175] : memref<1664xi32, #tpu.memory_space<vmem>> -> memref<128xi32, #tpu.memory_space<vmem>>
        %dma_wait3A_177 = tpu.memref_slice %arg3[%run_scoped3A_151, %add3A_149] : memref<2x320000xi32, #tpu.memory_space<hbm>> -> memref<1x128xi32, #tpu.memory_space<hbm>>
        %dma_wait3A_178 = tpu.memref_squeeze %dma_wait3A_177 : memref<1x128xi32, #tpu.memory_space<hbm>> -> memref<128xi32, #tpu.memory_space<hbm>>
        tpu.wait_dma2 semaphore(%run_scoped3A_162 : memref<!tpu.dma_semaphore, #tpu.memory_space<semaphore_mem>>) src(%dma_wait3A_178 : memref<128xi32, #tpu.memory_space<hbm>>) dst(%dma_wait3A_176 : memref<128xi32, #tpu.memory_space<vmem>>)
        tpu.yield
      }) : () -> ()
      %dma_start3A_152 = arith.constant 0 : i32
      %dma_start3A_153 = tpu.memref_slice %arg6[%dma_start3A_152] : memref<1664xi32, #tpu.memory_space<vmem>> -> memref<128xi32, #tpu.memory_space<vmem>>
      %dma_start3A_154 = arith.constant 0 : i32
      %dma_start3A_155 = arith.constant 0 : i32
      %dma_start3A_156 = tpu.memref_slice %arg2[%dma_start3A_154, %dma_start3A_155] : memref<10000x64xf32, #tpu.memory_space<hbm>> -> memref<10000x64xf32, #tpu.memory_space<hbm>>
      tpu.enqueue_indirect_dma source(%dma_start3A_156 : memref<10000x64xf32, #tpu.memory_space<hbm>>) target(%arg8 : memref<128x64xf32, #tpu.memory_space<vmem>>) offsets(%dma_start3A_153 : memref<128xi32, #tpu.memory_space<vmem>>) semaphore(%arg11 : memref<!tpu.dma_semaphore, #tpu.memory_space<semaphore_mem>>)
      %dma_wait3A_157 = arith.constant 0 : i32
      %dma_wait3A_158 = tpu.memref_slice %arg6[%dma_wait3A_157] : memref<1664xi32, #tpu.memory_space<vmem>> -> memref<128xi32, #tpu.memory_space<vmem>>
      %dma_wait3A_159 = arith.constant 0 : i32
      %dma_wait3A_160 = arith.constant 0 : i32
      %dma_wait3A_161 = tpu.memref_slice %arg2[%dma_wait3A_159, %dma_wait3A_160] : memref<10000x64xf32, #tpu.memory_space<hbm>> -> memref<10000x64xf32, #tpu.memory_space<hbm>>
      tpu.wait_indirect_dma semaphore(%arg11 : memref<!tpu.dma_semaphore, #tpu.memory_space<semaphore_mem>>) src(%dma_wait3A_161 : memref<10000x64xf32, #tpu.memory_space<hbm>>) dst(%arg8 : memref<128x64xf32, #tpu.memory_space<vmem>>)
      "tpu.region"() ({
        %run_scoped3A_162 = tpu.sem_alloc : memref<!tpu.dma_semaphore, #tpu.memory_space<semaphore_mem>>
        %dma_start3A_163 = arith.constant 0 : i32
        %dma_start3A_164 = tpu.memref_slice %arg7[%dma_start3A_163] : memref<1664xi32, #tpu.memory_space<vmem>> -> memref<128xi32, #tpu.memory_space<vmem>>
        %dma_start3A_165 = arith.constant 0 : i32
        %dma_start3A_166 = arith.constant 0 : i32
        %dma_start3A_167 = tpu.memref_slice %arg10[%dma_start3A_165, %dma_start3A_166] : memref<10000x64xf32, #tpu.memory_space<vmem_shared>> -> memref<10000x64xf32, #tpu.memory_space<vmem_shared>>
        tpu.enqueue_indirect_dma source(%arg8 : memref<128x64xf32, #tpu.memory_space<vmem>>) target(%dma_start3A_167 : memref<10000x64xf32, #tpu.memory_space<vmem_shared>>) offsets(%dma_start3A_164 : memref<128xi32, #tpu.memory_space<vmem>>) semaphore(%run_scoped3A_162 : memref<!tpu.dma_semaphore, #tpu.memory_space<semaphore_mem>>) {add = true}
        %dma_wait3A_168 = arith.constant 0 : i32
        %dma_wait3A_169 = tpu.memref_slice %arg7[%dma_wait3A_168] : memref<1664xi32, #tpu.memory_space<vmem>> -> memref<128xi32, #tpu.memory_space<vmem>>
        %dma_wait3A_170 = arith.constant 0 : i32
        %dma_wait3A_171 = arith.constant 0 : i32
        %dma_wait3A_172 = tpu.memref_slice %arg10[%dma_wait3A_170, %dma_wait3A_171] : memref<10000x64xf32, #tpu.memory_space<vmem_shared>> -> memref<10000x64xf32, #tpu.memory_space<vmem_shared>>
        tpu.wait_indirect_dma semaphore(%run_scoped3A_162 : memref<!tpu.dma_semaphore, #tpu.memory_space<semaphore_mem>>) src(%arg8 : memref<128x64xf32, #tpu.memory_space<vmem>>) dst(%dma_wait3A_172 : memref<10000x64xf32, #tpu.memory_space<vmem_shared>>)
        tpu.yield
      }) : () -> ()
    } else {
    }
    %barrier3A_139 = arith.constant 0 : index
    tpu.barrier barrier_id(%barrier3A_139)
    %scan3A_140 = arith.constant 0 : i32
    %scan3A_141 = arith.constant 0 : i32
    %scan3A_142 = arith.constant 5 : i32
    %scan3A_143 = arith.addi %scan3A_141, %scan3A_142 : i32
    %scan3A_144 = arith.constant 1 : i32
    scf.for %scan3A_146 = %scan3A_141 to %scan3A_143 step %scan3A_144  : i32 {
      %mul3A_147 = arith.constant 125 : i32
      %mul3A_148 = arith.muli %scan3A_146, %mul3A_147 : i32
      %add3A_149 = arith.addi %mul3A_2, %mul3A_148 : i32
      "tpu.region"() ({
        %run_scoped3A_150 = tpu.sem_alloc : memref<!tpu.dma_semaphore, #tpu.memory_space<semaphore_mem>>
        %dma_start3A_151 = arith.constant 0 : i32
        %dma_start3A_152 = tpu.memref_slice %arg5[%arg0, %add3A_149, %dma_start3A_151] : memref<2x10000x64xf32, #tpu.memory_space<hbm>> -> memref<1x125x64xf32, #tpu.memory_space<hbm>>
        %dma_start3A_153 = tpu.memref_squeeze %dma_start3A_152 : memref<1x125x64xf32, #tpu.memory_space<hbm>> -> memref<125x64xf32, #tpu.memory_space<hbm>>
        %dma_start3A_154 = arith.constant 0 : i32
        %dma_start3A_155 = tpu.memref_slice %arg10[%add3A_149, %dma_start3A_154] : memref<10000x64xf32, #tpu.memory_space<vmem_shared>> -> memref<125x64xf32, #tpu.memory_space<vmem_shared>>
        tpu.enqueue_dma source(%dma_start3A_155 : memref<125x64xf32, #tpu.memory_space<vmem_shared>>) target(%dma_start3A_153 : memref<125x64xf32, #tpu.memory_space<hbm>>) target_semaphore(%run_scoped3A_150 : memref<!tpu.dma_semaphore, #tpu.memory_space<semaphore_mem>>)
        %dma_wait3A_156 = arith.constant 0 : i32
        %dma_wait3A_157 = tpu.memref_slice %arg5[%arg0, %add3A_149, %dma_wait3A_156] : memref<2x10000x64xf32, #tpu.memory_space<hbm>> -> memref<1x125x64xf32, #tpu.memory_space<hbm>>
        %dma_wait3A_158 = tpu.memref_squeeze %dma_wait3A_157 : memref<1x125x64xf32, #tpu.memory_space<hbm>> -> memref<125x64xf32, #tpu.memory_space<hbm>>
        %dma_wait3A_159 = arith.constant 0 : i32
        %dma_wait3A_160 = tpu.memref_slice %arg10[%add3A_149, %dma_wait3A_159] : memref<10000x64xf32, #tpu.memory_space<vmem_shared>> -> memref<125x64xf32, #tpu.memory_space<vmem_shared>>
        tpu.wait_dma2 semaphore(%run_scoped3A_150 : memref<!tpu.dma_semaphore, #tpu.memory_space<semaphore_mem>>) src(%dma_wait3A_160 : memref<125x64xf32, #tpu.memory_space<vmem_shared>>) dst(%dma_wait3A_158 : memref<125x64xf32, #tpu.memory_space<hbm>>)
        tpu.yield
      }) : () -> ()
    }
    %scan3A_145 = arith.constant 5 : i32
    return
  }
}

module attributes {stable_mosaic.version = 14 : i64} {
  func.func @body(%arg0: i32, %arg1: memref<2000x128xf32, #tpu.memory_space<vmem>>, %arg2: memref<2x2000x128xf32, #tpu.memory_space<vmem>>, %arg3: memref<2x2000x16xf32, #tpu.memory_space<vmem>>, %arg4: memref<1x128xf32, #tpu.memory_space<vmem>>, %arg5: memref<128x128xf32, #tpu.memory_space<vmem>>, %arg6: memref<128x128xf32, #tpu.memory_space<vmem>>, %arg7: memref<128x64xf32, #tpu.memory_space<vmem>>, %arg8: memref<128x64xf32, #tpu.memory_space<vmem>>, %arg9: memref<2000x64xf32, #tpu.memory_space<vmem>>, %arg10: memref<2000x64xf32, #tpu.memory_space<vmem>>) attributes {dimension_semantics = [#tpu.dimension_semantics<arbitrary>], iteration_bounds = array<i64: 5>, scalar_prefetch = 0 : i64, scratch_operands = 0 : i64, tpu.core_type = #tpu.core_type<tc>, window_params = [{transform_indices = @transform_0, window_bounds = array<i64: 2000, 128>}, {transform_indices = @transform_1, window_bounds = array<i64: 2, 2000, 128>}, {transform_indices = @transform_2, window_bounds = array<i64: 2, 2000, 16>}, {pipeline_mode = #tpu.pipeline_mode<synchronous>, transform_indices = @transform_3, window_bounds = array<i64: 1, 128>}, {pipeline_mode = #tpu.pipeline_mode<synchronous>, transform_indices = @transform_4, window_bounds = array<i64: 128, 128>}, {pipeline_mode = #tpu.pipeline_mode<synchronous>, transform_indices = @transform_5, window_bounds = array<i64: 128, 128>}, {pipeline_mode = #tpu.pipeline_mode<synchronous>, transform_indices = @transform_6, window_bounds = array<i64: 128, 64>}, {pipeline_mode = #tpu.pipeline_mode<synchronous>, transform_indices = @transform_7, window_bounds = array<i64: 128, 64>}, {transform_indices = @transform_8, window_bounds = array<i64: 2000, 64>}, {transform_indices = @transform_9, window_bounds = array<i64: 2000, 64>}]} {
    %get3A = arith.constant 0 : index
    %get3A_0 = arith.constant 0 : index
    %get3A_1 = arith.constant 0 : index
    %get3A_2 = vector.load %arg3[%get3A, %get3A_0, %get3A_1] : memref<2x2000x16xf32, #tpu.memory_space<vmem>>, vector<1x2000x1xf32>
    %get3A_3 = vector.shape_cast %get3A_2 : vector<1x2000x1xf32> to vector<2000x1xf32>
    %get3A_4 = arith.constant 1 : index
    %get3A_5 = arith.constant 0 : index
    %get3A_6 = arith.constant 0 : index
    %get3A_7 = vector.load %arg3[%get3A_4, %get3A_5, %get3A_6] : memref<2x2000x16xf32, #tpu.memory_space<vmem>>, vector<1x2000x1xf32>
    %get3A_8 = vector.shape_cast %get3A_7 : vector<1x2000x1xf32> to vector<2000x1xf32>
    %add3A = arith.addf %get3A_3, %get3A_8 : vector<2000x1xf32>
    %max3A = arith.constant 1.000000e+00 : f32
    %max3A_9 = vector.broadcast %max3A : f32 to vector<2000x1xf32>
    %max3A_10 = arith.maximumf %add3A, %max3A_9 : vector<2000x1xf32>
    %div3A = arith.constant 1.000000e+00 : f32
    %div3A_11 = vector.broadcast %div3A : f32 to vector<2000x1xf32>
    %div3A_12 = arith.divf %div3A_11, %max3A_10 : vector<2000x1xf32>
    %get3A_13 = arith.constant 0 : index
    %get3A_14 = arith.constant 0 : index
    %get3A_15 = arith.constant 0 : index
    %get3A_16 = vector.load %arg2[%get3A_13, %get3A_14, %get3A_15] : memref<2x2000x128xf32, #tpu.memory_space<vmem>>, vector<1x2000x128xf32>
    %get3A_17 = vector.shape_cast %get3A_16 : vector<1x2000x128xf32> to vector<2000x128xf32>
    %get3A_18 = arith.constant 1 : index
    %get3A_19 = arith.constant 0 : index
    %get3A_20 = arith.constant 0 : index
    %get3A_21 = vector.load %arg2[%get3A_18, %get3A_19, %get3A_20] : memref<2x2000x128xf32, #tpu.memory_space<vmem>>, vector<1x2000x128xf32>
    %get3A_22 = vector.shape_cast %get3A_21 : vector<1x2000x128xf32> to vector<2000x128xf32>
    %add3A_23 = arith.addf %get3A_17, %get3A_22 : vector<2000x128xf32>
    %mul3A = vector.broadcast %div3A_12 : vector<2000x1xf32> to vector<2000x128xf32>
    %mul3A_24 = arith.mulf %add3A_23, %mul3A : vector<2000x128xf32>
    %get3A_25 = arith.constant 0 : index
    %get3A_26 = arith.constant 0 : index
    %get3A_27 = vector.load %arg1[%get3A_25, %get3A_26] : memref<2000x128xf32, #tpu.memory_space<vmem>>, vector<2000x128xf32>
    %get3A_28 = arith.constant 0 : index
    %get3A_29 = arith.constant 0 : index
    %get3A_30 = vector.load %arg5[%get3A_28, %get3A_29] : memref<128x128xf32, #tpu.memory_space<vmem>>, vector<128x128xf32>
    %dot_general3A = arith.constant dense<0.000000e+00> : vector<2000x128xf32>
    %dot_general3A_31 = tpu.matmul %get3A_27, %get3A_30, %dot_general3A {dimension_numbers = #tpu.dot_dimension_numbers<[1], [0], [0], [1], [0, 0, 1, 1], [], []>, transpose_lhs_hint = false} : vector<2000x128xf32>, vector<128x128xf32>, vector<2000x128xf32> -> vector<2000x128xf32>
    %get3A_32 = arith.constant 0 : index
    %get3A_33 = arith.constant 0 : index
    %get3A_34 = vector.load %arg6[%get3A_32, %get3A_33] : memref<128x128xf32, #tpu.memory_space<vmem>>, vector<128x128xf32>
    %dot_general3A_35 = arith.constant dense<0.000000e+00> : vector<2000x128xf32>
    %dot_general3A_36 = tpu.matmul %mul3A_24, %get3A_34, %dot_general3A_35 {dimension_numbers = #tpu.dot_dimension_numbers<[1], [0], [0], [1], [0, 0, 1, 1], [], []>, transpose_lhs_hint = false} : vector<2000x128xf32>, vector<128x128xf32>, vector<2000x128xf32> -> vector<2000x128xf32>
    %add3A_37 = arith.addf %dot_general3A_31, %dot_general3A_36 : vector<2000x128xf32>
    %get3A_38 = arith.constant 0 : index
    %get3A_39 = arith.constant 0 : index
    %get3A_40 = vector.load %arg4[%get3A_38, %get3A_39] : memref<1x128xf32, #tpu.memory_space<vmem>>, vector<1x128xf32>
    %get3A_41 = vector.shape_cast %get3A_40 : vector<1x128xf32> to vector<128xf32>
    %broadcast_in_dim3A = vector.shape_cast %get3A_41 : vector<128xf32> to vector<1x128xf32>
    %add3A_42 = vector.broadcast %broadcast_in_dim3A : vector<1x128xf32> to vector<2000x128xf32>
    %add3A_43 = arith.addf %add3A_37, %add3A_42 : vector<2000x128xf32>
    %max3A_44 = arith.constant 0.000000e+00 : f32
    %max3A_45 = vector.broadcast %max3A_44 : f32 to vector<2000x128xf32>
    %max3A_46 = arith.maximumf %add3A_43, %max3A_45 : vector<2000x128xf32>
    %get3A_47 = arith.constant 0 : index
    %get3A_48 = arith.constant 0 : index
    %get3A_49 = vector.load %arg7[%get3A_47, %get3A_48] : memref<128x64xf32, #tpu.memory_space<vmem>>, vector<128x64xf32>
    %dot_general3A_50 = arith.constant dense<0.000000e+00> : vector<2000x64xf32>
    %dot_general3A_51 = tpu.matmul %max3A_46, %get3A_49, %dot_general3A_50 {dimension_numbers = #tpu.dot_dimension_numbers<[1], [0], [0], [1], [0, 0, 1, 1], [], []>, transpose_lhs_hint = false} : vector<2000x128xf32>, vector<128x64xf32>, vector<2000x64xf32> -> vector<2000x64xf32>
    %swap3A = arith.constant 0 : index
    %swap3A_52 = arith.constant 0 : index
    %swap3A_53 = vector.load %arg9[%swap3A, %swap3A_52] : memref<2000x64xf32, #tpu.memory_space<vmem>>, vector<2000x64xf32>
    tpu.vector_store %arg9[%swap3A, %swap3A_52], %dot_general3A_51 {strides = array<i32>} : memref<2000x64xf32, #tpu.memory_space<vmem>>, vector<2000x64xf32>,
    %get3A_54 = arith.constant 0 : index
    %get3A_55 = arith.constant 0 : index
    %get3A_56 = vector.load %arg8[%get3A_54, %get3A_55] : memref<128x64xf32, #tpu.memory_space<vmem>>, vector<128x64xf32>
    %dot_general3A_57 = arith.constant dense<0.000000e+00> : vector<2000x64xf32>
    %dot_general3A_58 = tpu.matmul %max3A_46, %get3A_56, %dot_general3A_57 {dimension_numbers = #tpu.dot_dimension_numbers<[1], [0], [0], [1], [0, 0, 1, 1], [], []>, transpose_lhs_hint = false} : vector<2000x128xf32>, vector<128x64xf32>, vector<2000x64xf32> -> vector<2000x64xf32>
    %swap3A_59 = arith.constant 0 : index
    %swap3A_60 = arith.constant 0 : index
    %swap3A_61 = vector.load %arg10[%swap3A_59, %swap3A_60] : memref<2000x64xf32, #tpu.memory_space<vmem>>, vector<2000x64xf32>
    tpu.vector_store %arg10[%swap3A_59, %swap3A_60], %dot_general3A_58 {strides = array<i32>} : memref<2000x64xf32, #tpu.memory_space<vmem>>, vector<2000x64xf32>,
    return
  }
  func.func @transform_0(%arg0: i32) -> (i32, i32) {
    %c0_i32 = arith.constant 0 : i32
    %c0_i32_0 = arith.constant 0 : i32
    return %arg0, %c0_i32 : i32, i32
  }
  func.func @transform_1(%arg0: i32) -> (i32, i32, i32) {
    %c0_i32 = arith.constant 0 : i32
    %c0_i32_0 = arith.constant 0 : i32
    %c0_i32_1 = arith.constant 0 : i32
    return %c0_i32, %arg0, %c0_i32_0 : i32, i32, i32
  }
  func.func @transform_2(%arg0: i32) -> (i32, i32, i32) {
    %c0_i32 = arith.constant 0 : i32
    %c0_i32_0 = arith.constant 0 : i32
    %c0_i32_1 = arith.constant 0 : i32
    return %c0_i32, %arg0, %c0_i32_0 : i32, i32, i32
  }
  func.func @transform_3(%arg0: i32) -> (i32, i32) {
    %c0_i32 = arith.constant 0 : i32
    %c0_i32_0 = arith.constant 0 : i32
    %c0_i32_1 = arith.constant 0 : i32
    return %c0_i32, %c0_i32_0 : i32, i32
  }
  func.func @transform_4(%arg0: i32) -> (i32, i32) {
    %c0_i32 = arith.constant 0 : i32
    %c0_i32_0 = arith.constant 0 : i32
    %c0_i32_1 = arith.constant 0 : i32
    return %c0_i32, %c0_i32_0 : i32, i32
  }
  func.func @transform_5(%arg0: i32) -> (i32, i32) {
    %c0_i32 = arith.constant 0 : i32
    %c0_i32_0 = arith.constant 0 : i32
    %c0_i32_1 = arith.constant 0 : i32
    return %c0_i32, %c0_i32_0 : i32, i32
  }
  func.func @transform_6(%arg0: i32) -> (i32, i32) {
    %c0_i32 = arith.constant 0 : i32
    %c0_i32_0 = arith.constant 0 : i32
    %c0_i32_1 = arith.constant 0 : i32
    return %c0_i32, %c0_i32_0 : i32, i32
  }
  func.func @transform_7(%arg0: i32) -> (i32, i32) {
    %c0_i32 = arith.constant 0 : i32
    %c0_i32_0 = arith.constant 0 : i32
    %c0_i32_1 = arith.constant 0 : i32
    return %c0_i32, %c0_i32_0 : i32, i32
  }
  func.func @transform_8(%arg0: i32) -> (i32, i32) {
    %c0_i32 = arith.constant 0 : i32
    %c0_i32_0 = arith.constant 0 : i32
    return %arg0, %c0_i32 : i32, i32
  }
  func.func @transform_9(%arg0: i32) -> (i32, i32) {
    %c0_i32 = arith.constant 0 : i32
    %c0_i32_0 = arith.constant 0 : i32
    return %arg0, %c0_i32 : i32, i32
  }
}

module attributes {stable_mosaic.version = 14 : i64} {
  func.func @body(%arg0: i32, %arg1: memref<2000x64xf32, #tpu.memory_space<vmem>>, %arg2: memref<2x2000x64xf32, #tpu.memory_space<vmem>>, %arg3: memref<2x2000x16xf32, #tpu.memory_space<vmem>>, %arg4: memref<1x64xf32, #tpu.memory_space<vmem>>, %arg5: memref<2000x64xf32, #tpu.memory_space<vmem>>) attributes {dimension_semantics = [#tpu.dimension_semantics<arbitrary>], iteration_bounds = array<i64: 5>, scalar_prefetch = 0 : i64, scratch_operands = 0 : i64, tpu.core_type = #tpu.core_type<tc>, window_params = [{transform_indices = @transform_0, window_bounds = array<i64: 2000, 64>}, {transform_indices = @transform_1, window_bounds = array<i64: 2, 2000, 64>}, {transform_indices = @transform_2, window_bounds = array<i64: 2, 2000, 16>}, {pipeline_mode = #tpu.pipeline_mode<synchronous>, transform_indices = @transform_3, window_bounds = array<i64: 1, 64>}, {transform_indices = @transform_4, window_bounds = array<i64: 2000, 64>}]} {
    %get3A = arith.constant 0 : index
    %get3A_0 = arith.constant 0 : index
    %get3A_1 = arith.constant 0 : index
    %get3A_2 = vector.load %arg3[%get3A, %get3A_0, %get3A_1] : memref<2x2000x16xf32, #tpu.memory_space<vmem>>, vector<1x2000x1xf32>
    %get3A_3 = vector.shape_cast %get3A_2 : vector<1x2000x1xf32> to vector<2000x1xf32>
    %get3A_4 = arith.constant 1 : index
    %get3A_5 = arith.constant 0 : index
    %get3A_6 = arith.constant 0 : index
    %get3A_7 = vector.load %arg3[%get3A_4, %get3A_5, %get3A_6] : memref<2x2000x16xf32, #tpu.memory_space<vmem>>, vector<1x2000x1xf32>
    %get3A_8 = vector.shape_cast %get3A_7 : vector<1x2000x1xf32> to vector<2000x1xf32>
    %add3A = arith.addf %get3A_3, %get3A_8 : vector<2000x1xf32>
    %max3A = arith.constant 1.000000e+00 : f32
    %max3A_9 = vector.broadcast %max3A : f32 to vector<2000x1xf32>
    %max3A_10 = arith.maximumf %add3A, %max3A_9 : vector<2000x1xf32>
    %div3A = arith.constant 1.000000e+00 : f32
    %div3A_11 = vector.broadcast %div3A : f32 to vector<2000x1xf32>
    %div3A_12 = arith.divf %div3A_11, %max3A_10 : vector<2000x1xf32>
    %get3A_13 = arith.constant 0 : index
    %get3A_14 = arith.constant 0 : index
    %get3A_15 = vector.load %arg1[%get3A_13, %get3A_14] : memref<2000x64xf32, #tpu.memory_space<vmem>>, vector<2000x64xf32>
    %get3A_16 = arith.constant 0 : index
    %get3A_17 = arith.constant 0 : index
    %get3A_18 = arith.constant 0 : index
    %get3A_19 = vector.load %arg2[%get3A_16, %get3A_17, %get3A_18] : memref<2x2000x64xf32, #tpu.memory_space<vmem>>, vector<1x2000x64xf32>
    %get3A_20 = vector.shape_cast %get3A_19 : vector<1x2000x64xf32> to vector<2000x64xf32>
    %get3A_21 = arith.constant 1 : index
    %get3A_22 = arith.constant 0 : index
    %get3A_23 = arith.constant 0 : index
    %get3A_24 = vector.load %arg2[%get3A_21, %get3A_22, %get3A_23] : memref<2x2000x64xf32, #tpu.memory_space<vmem>>, vector<1x2000x64xf32>
    %get3A_25 = vector.shape_cast %get3A_24 : vector<1x2000x64xf32> to vector<2000x64xf32>
    %add3A_26 = arith.addf %get3A_20, %get3A_25 : vector<2000x64xf32>
    %mul3A = vector.broadcast %div3A_12 : vector<2000x1xf32> to vector<2000x64xf32>
    %mul3A_27 = arith.mulf %add3A_26, %mul3A : vector<2000x64xf32>
    %add3A_28 = arith.addf %get3A_15, %mul3A_27 : vector<2000x64xf32>
    %get3A_29 = arith.constant 0 : index
    %get3A_30 = arith.constant 0 : index
    %get3A_31 = vector.load %arg4[%get3A_29, %get3A_30] : memref<1x64xf32, #tpu.memory_space<vmem>>, vector<1x64xf32>
    %get3A_32 = vector.shape_cast %get3A_31 : vector<1x64xf32> to vector<64xf32>
    %broadcast_in_dim3A = vector.shape_cast %get3A_32 : vector<64xf32> to vector<1x64xf32>
    %add3A_33 = vector.broadcast %broadcast_in_dim3A : vector<1x64xf32> to vector<2000x64xf32>
    %add3A_34 = arith.addf %add3A_28, %add3A_33 : vector<2000x64xf32>
    %swap3A = arith.constant 0 : index
    %swap3A_35 = arith.constant 0 : index
    %swap3A_36 = vector.load %arg5[%swap3A, %swap3A_35] : memref<2000x64xf32, #tpu.memory_space<vmem>>, vector<2000x64xf32>
    tpu.vector_store %arg5[%swap3A, %swap3A_35], %add3A_34 {strides = array<i32>} : memref<2000x64xf32, #tpu.memory_space<vmem>>, vector<2000x64xf32>,
    return
  }
  func.func @transform_0(%arg0: i32) -> (i32, i32) {
    %c0_i32 = arith.constant 0 : i32
    %c0_i32_0 = arith.constant 0 : i32
    return %arg0, %c0_i32 : i32, i32
  }
  func.func @transform_1(%arg0: i32) -> (i32, i32, i32) {
    %c0_i32 = arith.constant 0 : i32
    %c0_i32_0 = arith.constant 0 : i32
    %c0_i32_1 = arith.constant 0 : i32
    return %c0_i32, %arg0, %c0_i32_0 : i32, i32, i32
  }
  func.func @transform_2(%arg0: i32) -> (i32, i32, i32) {
    %c0_i32 = arith.constant 0 : i32
    %c0_i32_0 = arith.constant 0 : i32
    %c0_i32_1 = arith.constant 0 : i32
    return %c0_i32, %arg0, %c0_i32_0 : i32, i32, i32
  }
  func.func @transform_3(%arg0: i32) -> (i32, i32) {
    %c0_i32 = arith.constant 0 : i32
    %c0_i32_0 = arith.constant 0 : i32
    %c0_i32_1 = arith.constant 0 : i32
    return %c0_i32, %c0_i32_0 : i32, i32
  }
  func.func @transform_4(%arg0: i32) -> (i32, i32) {
    %c0_i32 = arith.constant 0 : i32
    %c0_i32_0 = arith.constant 0 : i32
    return %arg0, %c0_i32 : i32, i32
  }
}

</mosaic_0001>

<sc_bundles>
// kernel: kernel.6.cloned.1.call-start
scs
__scs_entry_jumppad:
0x0: {  	(pc) =	sbr.rel $0x88, $3  }
0x1: {  	(tag) =	ssettag $0x0;
	lr =	simm.s32 $0x1  }
0x2: {  	[smem:$0x3F99] =	sst lr;
	_ =	strace $0xD0000000  }
0x3: {  	_ = 	snop  }
0x4: {  	_ = 	snop  }
0x5: {  	_ = 	snop  }
0x6: {  	_ = 	snop  }
0x7: {  	_ = 	snop  }
__scs_overlays_trampoline_lowered:
0x8: {  	[smem:$0x3FA8] =	sst s0  }
0x9: {  	[smem:$0x3FA9] =	sst s1  }
0xa: {  	[smem:$0x3FAA] =	sst s2  }
0xb: {  	[smem:$0x3FAB] =	sst s3  }
0xc: {  	[smem:$0x3FAC] =	sst s4  }
0xd: {  	[smem:$0x3FAD] =	sst s5  }
0xe: {  	[smem:$0x3FAE] =	sst s6  }
0xf: {  	[smem:$0x3FAF] =	sst s7  }
0x10: {  	[smem:$0x3FB0] =	sst s8  }
0x11: {  	[smem:$0x3FB1] =	sst s9;
	s0 =	simm.s32 @!p0 $0x0  }
0x12: {  	s1 =	sld [smem:$0x3F97];
	s0 =	simm.s32 @p0 $0x1  }
0x13: {  	[smem:$0x3FB2] =	sst s0;
	s0 =	simm.s32 @!p1 $0x0  }
0x14: {  	s2 =	sld [smem:$0x3F96];
	s0 =	simm.s32 @p1 $0x1  }
0x15: {  	[smem:$0x3FB3] =	sst s0;
	s0 =	simm.s32 @!p2 $0x0  }
0x16: {  	s3 =	sld [smem:$0x3FDB];
	s0 =	simm.s32 @p2 $0x1  }
0x17: {  	s4 =	simm.s32 $0x1BF5;
	[smem:$0x3FB5] =	sst s0  }
0x18: {  	s0 =	sld [smem:$0x3F98];
	_ =	swait.ge [sflag:s4], $0x0  }
0x19: {  	s7 =	sld [smem:$0x3F99]  }
0x1a: {  	s8 =	sadd.s32 $0xFFFFE003, lr  }
0x1b: {  	s9 =	sadd.s32 $0xFFFFFEF7, lr;
	s5 =	simm.s32 $0xFFFFFFFF;
	p2 =	slt.u32 s8, $0xFFFFF086  }
0x1c: {  	p1 =	slt.u32 s9, $0xF7A;
	s5 =	simm.s32 @!p2 $0x0  }
0x1d: {  	s5 =	simm.s32 @p1 $0x1;
	p0 =	seq.s32 s7, s2  }
0x1e: {  	s7 =	smul.u32 @!p0 $0xF7A, s2;
	p2 =	seq.s32 @!p0 s5, $0x0  }
0x1f: {  	s9 =	smul.u32 $0xF7A, s1;
	s8 =	simm.s32 @!p0 $0x1BF5;
	p2 =	por !p2, p0  }
0x20: {  	[sflag:s8] =	ssyncset.s32 @!p0 $0xFFFFF086;
	s6 =	sadd.s32 @!p0 s3, s7;
	s7 =	simm.s32 @!p0 $0x108  }
0x21: {  	s3 =	sadd.s32 s3, s9;
	s6 =	sadd.s32 @!p0 $0x88, s6;
	s7 =	simm.s32 @p2 $0x1082  }
0x22: {  	[simem:s7], [sflag:s8] =	dma.local @!p0 [hbm:s6], $0xF7A  }
0x23: {  	s9 =	sor.u32 $0xD0000000, s2;
	s6 =	simm.s32 $0x108;
	_ =	swait.ge @!p0 [sflag:s8], $0x0  }
0x24: {  	s3 =	sadd.s32 $0x88, s3;
	s6 =	simm.s32 @!p1 $0x1082;
	[sflag:s4] =	ssyncset.s32 $0xFFFFF086  }
0x25: {  	[simem:s6], [sflag:s4] =	dma.local [hbm:s3], $0xF7A  }
0x26: {  	[smem:$0x3F99] =	sst s1;
	(tag) =	ssettag s2;
	_ =	strace s9  }
0x27: {  	s1 =	sld [smem:$0x3FA9]  }
0x28: {  	s2 =	sld [smem:$0x3FAA]  }
0x29: {  	s4 =	sld [smem:$0x3FAC]  }
0x2a: {  	p0 =	seq.s32 s5, $0x0;
	s5 =	sld [smem:$0x3FAD]  }
0x2b: {  	s6 =	sld [smem:$0x3FAE]  }
0x2c: {  	s7 =	sld [smem:$0x3FAF]  }
0x2d: {  	s3 =	simm.s32 $0x108;
	s8 =	sld [smem:$0x3FB0]  }
0x2e: {  	s3 =	simm.s32 @!p0 $0x1082;
	s9 =	sld [smem:$0x3FB1]  }
0x2f: {  	lr =	sadd.s32 s0, s3;
	s0 =	sld [smem:$0x3FA8]  }
0x30: {  	s3 =	sld [smem:$0x3FAB]  }
0x31: {  	[smem:$0x3FB4] =	sst s10  }
0x32: {  	s10 =	sld [smem:$0x3FB2];
	_ =	sdelay $0x3  }
0x33: {  	p0 =	seq.s32 s10, $0x1;
	s10 =	sld [smem:$0x3FB4];
	_ =	sdelay $0x3  }
0x34: {  	[smem:$0x3FB4] =	sst s10  }
0x35: {  	s10 =	sld [smem:$0x3FB3];
	_ =	sdelay $0x3  }
0x36: {  	p1 =	seq.s32 s10, $0x1;
	s10 =	sld [smem:$0x3FB4];
	_ =	sdelay $0x3  }
0x37: {  	[smem:$0x3FB4] =	sst s10  }
0x38: {  	s10 =	sld [smem:$0x3FB5]  }
0x39: {  	_ = 	snop;
	(pc) =	sbr.ind lr, $3  }
0x3a: {  	_ = 	snop  }
0x3b: {  	_ = 	snop  }
0x3c: {  	p2 =	seq.s32 s10, $0x1;
	s10 =	sld [smem:$0x3FB4]  }
0x3d: {  	_ =	shalt  }
0x3e: {  	_ =	shalt  }
0x3f: {  	_ =	shalt  }
0x40: {  	_ =	shalt  }
0x41: {  	_ =	shalt  }
0x42: {  	_ =	shalt  }
0x43: {  	_ =	shalt  }
0x44: {  	_ =	shalt  }
0x45: {  	_ =	shalt  }
0x46: {  	_ =	shalt  }
0x47: {  	_ =	shalt  }
0x48: {  	_ =	shalt  }
0x49: {  	_ =	shalt  }
0x4a: {  	_ =	shalt  }
0x4b: {  	_ =	shalt  }
0x4c: {  	_ =	shalt  }
0x4d: {  	_ =	shalt  }
0x4e: {  	_ =	shalt  }
0x4f: {  	_ =	shalt  }
0x50: {  	_ =	shalt  }
0x51: {  	_ =	shalt  }
0x52: {  	_ =	shalt  }
0x53: {  	_ =	shalt  }
0x54: {  	_ =	shalt  }
0x55: {  	_ =	shalt  }
0x56: {  	_ =	shalt  }
0x57: {  	_ =	shalt  }
0x58: {  	_ =	shalt  }
0x59: {  	_ =	shalt  }
0x5a: {  	_ =	shalt  }
0x5b: {  	_ =	shalt  }
0x5c: {  	_ =	shalt  }
0x5d: {  	_ =	shalt  }
0x5e: {  	_ =	shalt  }
0x5f: {  	_ =	shalt  }
0x60: {  	_ =	shalt  }
0x61: {  	_ =	shalt  }
0x62: {  	_ =	shalt  }
0x63: {  	_ =	shalt  }
0x64: {  	_ =	shalt  }
0x65: {  	_ =	shalt  }
0x66: {  	_ =	shalt  }
0x67: {  	_ =	shalt  }
0x68: {  	_ =	shalt  }
0x69: {  	_ =	shalt  }
0x6a: {  	_ =	shalt  }
0x6b: {  	_ =	shalt  }
0x6c: {  	_ =	shalt  }
0x6d: {  	_ =	shalt  }
0x6e: {  	_ =	shalt  }
0x6f: {  	_ =	shalt  }
0x70: {  	_ =	shalt  }
0x71: {  	_ =	shalt  }
0x72: {  	_ =	shalt  }
0x73: {  	_ =	shalt  }
0x74: {  	_ =	shalt  }
0x75: {  	_ =	shalt  }
0x76: {  	_ =	shalt  }
0x77: {  	_ =	shalt  }
0x78: {  	_ =	shalt  }
0x79: {  	_ =	shalt  }
0x7a: {  	_ =	shalt  }
0x7b: {  	_ =	shalt  }
0x7c: {  	_ =	shalt  }
0x7d: {  	_ =	shalt  }
0x7e: {  	_ =	shalt  }
0x7f: {  	_ =	shalt  }
0x80: {  	_ =	shalt  }
0x81: {  	_ =	shalt  }
0x82: {  	_ =	shalt  }
0x83: {  	_ =	shalt  }
0x84: {  	_ =	shalt  }
0x85: {  	_ =	shalt  }
0x86: {  	_ =	shalt  }
0x87: {  	_ =	shalt  }
.Lfunc_end0:
.L_simem_size_0:
called_computation_lowered:
.L_overlay_start_0:
0x88: {  	s2 =	sld [smem:$0x3FD9]  }
0x89: {  	s3 =	sld [smem:$0x3FFE];
	_ =	sdelay $0x1  }
0x8a: {  	s1 =	srdreg.scid  }
0x8b: {  	s0 =	sand.u32 $0x1, s1  }
0x8c: {  	s17 =	sshll.u32 s0, $0xA;
	s2 =	sadd.s32 s3, s2  }
0x8d: {  	s2 =	sadd.s32 s2, s17  }
0x8e: {  	[smem:$0x3FC0] =	sst s2  }
0x8f: {  	_ = 	snop  }
0x90: {  	s2 =	sld [smem:$0x3FC9]  }
0x91: {  	s18 =	sld [smem:$0x3FD0];
	(tm) =	ssettm $0x1  }
0x92: {  	s4 =	sld [smem:$0x3FFB];
	_ =	sdelay $0x3  }
0x93: {  	_ =	strace s4  }
0x94: {  	s4 =	sld [smem:$0x3FFC];
	_ =	sdelay $0x3  }
0x95: {  	_ =	strace s4  }
0x96: {  	s4 =	sld [smem:$0x3FFD];
	_ =	sdelay $0x3  }
0x97: {  	_ =	strace s4  }
0x98: {  	_ =	strace $0x8FFFFFFF  }
0x99: {  	s19 =	sld [smem:$0x3FDB];
	_ =	sdelay $0x1  }
0x9a: {  	s5 =	simm.s32 $_scs_section_size  }
0x9b: {  	s6 =	simm.s32 $_size__tile_overlayer_lowered;
	s7 =	simm.s32 $_tile_overlayer_lowered  }
0x9c: {  	s22 =	simm.s32 $0x1BFF;
	s21 =	sshll.u32 s7, $0x1;
	s4 =	sadd.s32 s5, s19  }
0x9d: {  	s8 =	simm.s32 $0x0;
	s20 =	sshll.u32 s6, $0x1;
	s6 =	sadd.s32 s21, s4  }
0x9e: {  	[timem:s8], [sflag:s22] =	dma.local [hbm:s6], s20  }
0x9f: {  	_ =	swait.ge [sflag:s22], s20  }
0xa0: {  	s5 =	ssub.s32 $0x0, s20;
	[sflag:s22] =	ssyncset.done $0x0  }
0xa1: {  	[sflag:s22] =	ssyncadd.s32 s5;
	_ =	sdelay $0x1  }
0xa2: {  	s23 =	simm.s32 $0x1B8B  }
0xa3: {  	_ =	swait.ge [sflag:s23], $0x1  }
0xa4: {  	[sflag:s23] =	ssyncset.done $0x0  }
0xa5: {  	s25 =	simm.s32 $0x1B8E;
	s24 =	sld [smem:$0x3FFE];
	[sflag:s23] =	ssyncadd.s32 $0xFFFFFFFF  }
0xa6: {  	s26 =	simm.s32 $execute0_lowered;
	[smem:$0x3FD2] =	sst s25  }
0xa7: {  	s6 =	sshll.u32 s26, $0x1;
	_ =	strace $0x80000046;
	[dreg:$0x1] =	wrdreg $0xFFFFFFFF  }
0xa8: {  	s28 =	simm.s32 $_size_execute0_lowered;
	s4 =	sadd.s32 s4, s6;
	[dreg:$0x0] =	wrdreg $0x0  }
0xa9: {  	s6 =	sshll.u32 s28, $0x1;
	[dreg:$0x2] =	wrdreg s4  }
0xaa: {  	[dreg:$0x3] =	wrdreg s6  }
0xab: {  	[dreg:$0x4] =	wrdreg $0xC0  }
0xac: {  	_ =	task [dreg:s8], $0x5FFFF  }
0xad: {  	[dreg:$0x1] =	wrdreg $0xFFFFFFFF  }
0xae: {  	[dreg:$0x0] =	wrdreg $0x60  }
0xaf: {  	[dreg:$0x2] =	wrdreg s2  }
0xb0: {  	[dreg:$0x3] =	wrdreg s18  }
0xb1: {  	[dreg:$0x4] =	wrdreg s24  }
0xb2: {  	[dreg:$0x5] =	wrdreg $0x8D000  }
0xb3: {  	[dreg:$0x6] =	wrdreg $0x1CD800  }
0xb4: {  	[dreg:$0x7] =	wrdreg $0x9  }
0xb5: {  	_ =	task.clear_ibuf [dreg:s8], $0x8FFFF;
	_ =	strace $0x90000046  }
0xb6: {  	s29 =	simm.s32 $0x9;
	_ =	strace $0x80000048  }
0xb7: {  	_ =	swait.ge [sflag:s29], $0x1  }
0xb8: {  	[sflag:s29] =	ssyncadd.s32 $0xFFFFFFFF  }
0xb9: {  	_ =	strace $0x90000048  }
0xba: {  	_ =	sfence  }
0xbb: {  	s30 =	sld [smem:$0x0];
	_ =	sdelay $0x2  }
0xbc: {  	s31 =	sshll.u32 s1, $0xD;
	s1 =	sshrl.u32 s1, $0x2  }
0xbd: {  	s3 =	sand.u32 $0x4000, s31;
	s1 =	sadd.s32 s1, s30  }
0xbe: {  	s0 =	sor.u32 s3, s0;
	s1 =	sshll.u32 s1, $0x11  }
0xbf: {  	s0 =	sor.u32 s1, s0  }
0xc0: {  	s0 =	sadd.s32 $0x8F2B, s0  }
0xc1: {  	[sflag:s0] =	ssyncadd.remote.s32 $0x1  }
0xc2: {  	_ =	sfence.sel $0xFFFF  }
0xc3: {  	[dreg:$0x0] =	wrdreg $0xFFFFFFFF;
	(pc) =	sbr.abs _section_cstart, $3  }
0xc4: {  	[dreg:$0x1] =	wrdreg $0xFFFFFFFF  }
0xc5: {  	_ =	task.clear_ibuf [dreg:s8], $0x2FFFF;
	_ =	strace $0x9FFFFFFF  }
0xc6: {  	(tm) =	ssettm $0x7FFFFFFF  }
0xc7: {  	_ =	shalt  }
tec
execute0_lowered:
.L_overlay_start_1:
0x0: {  	(tag) =	ssettag $0x1  }
0x1: {  	s0 =	srdreg.scid;
	s6 =	rddreg [dreg:$0x1]  }
0x2: {  	s18 =	stileid.u32;
	s2 =	rddreg [dreg:$0x2];
	s16 =	simm.s32 $0x0  }
0x3: {  	s5 =	sand.u32 $0x1, s0;
	[smem:$0x7FF] =	sst s16;
	s9 =	sadd.s32 $0xCC00, s2  }
0x4: {  	s17 =	smul.u32 $0x271, s18;
	s21 =	sshll.u32 s18, $0x4;
	s0 =	sshll.u32 s5, $0x4  }
0x5: {  	s3 =	ssub.s32 $0x2, s5;
	s8 =	smul.u32 $0x138800, s5;
	s4 =	sor.u32 s18, s0  }
0x6: {  	s10 =	sshrl.u32 s3, $0x1;
	s0 =	smul.u32 $0x13880, s18;
	s23 =	sadd.s32 $0x7D, s17  }
0x7: {  	s24 =	sadd.s32 $0xFA, s17;
	s25 =	sadd.s32 $0x177, s17;
	s7 =	smul.u32 $0x2700, s4  }
0x8: {  	s3 =	ssub.s32 s3, s10;
	s12 =	sshll.u32 s23, $0x7;
	s14 =	sshll.u32 s23, $0x4  }
0x9: {  	s15 =	sshll.u32 s24, $0x7;
	s20 =	sshll.u32 s24, $0x4;
	s10 =	sadd.s32 $0x1F4, s17  }
0xa: {  	s11 =	sadd.s32 s8, s0;
	s23 =	sshll.u32 s10, $0x7;
	s13 =	sadd.s32 s8, s12  }
0xb: {  	s10 =	sshll.u32 s10, $0x4;
	s16 =	sadd.s32 s8, s15;
	s7 =	sshrl.u32 s7, $0x3  }
0xc: {  	s22 =	sshrl.u32 s11, $0x3;
	s13 =	sshrl.u32 s13, $0x3;
	s16 =	sshrl.u32 s16, $0x3  }
0xd: {  	s19 =	sadd.s32 s6, s7;
	s7 =	smul.u32 $0x27100, s5;
	s5 =	sadd.s32 s9, s22  }
0xe: {  	s6 =	sadd.s32 s21, s6;
	s13 =	sadd.s32 s9, s13;
	[dreg:$0x7] =	wrdreg s5  }
0xf: {  	s21 =	sshll.u32 s25, $0x7;
	s16 =	sadd.s32 s9, s16;
	[dreg:$0x8] =	wrdreg s13  }
0x10: {  	s22 =	sshll.u32 s25, $0x4;
	s5 =	smul.u32 $0x2710, s18;
	[dreg:$0x9] =	wrdreg s16  }
0x11: {  	s17 =	sadd.s32 s8, s21;
	s8 =	sadd.s32 s8, s23;
	s13 =	rddreg [dreg:$0x3]  }
0x12: {  	s1 =	sadd.s32 s7, s14;
	s17 =	sshrl.u32 s17, $0x3;
	s8 =	sshrl.u32 s8, $0x3  }
0x13: {  	s24 =	sadd.s32 s7, s20;
	s26 =	sadd.s32 s7, s5;
	s16 =	sadd.s32 s9, s17  }
0x14: {  	s8 =	sadd.s32 s9, s8;
	s25 =	sshrl.u32 s1, $0x3;
	[dreg:$0xa] =	wrdreg s16  }
0x15: {  	s11 =	sshrl.u32 s26, $0x3;
	[dreg:$0xb] =	wrdreg s8;
	s26 =	sadd.s32 $0x2E00, s2  }
0x16: {  	s1 =	sadd.s32 s7, s22;
	s16 =	rddreg [dreg:$0x4];
	s11 =	sadd.s32 s26, s11  }
0x17: {  	s8 =	sshrl.u32 s24, $0x3;
	s9 =	sadd.s32 s26, s25;
	[dreg:$0xc] =	wrdreg s11  }
0x18: {  	s7 =	sadd.s32 s7, s10;
	s8 =	sadd.s32 s26, s8;
	[dreg:$0xd] =	wrdreg s9  }
0x19: {  	s7 =	sshrl.u32 s7, $0x3;
	[dreg:$0xe] =	wrdreg s8  }
0x1a: {  	s7 =	sadd.s32 s26, s7;
	s11 =	rddreg [dreg:$0x0];
	s8 =	sshrl.u32 s1, $0x3  }
0x1b: {  	[dreg:$0x10] =	wrdreg s7;
	s8 =	sadd.s32 s26, s8  }
0x1c: {  	s9 =	sadd.s32 $0x2600, s2;
	[dreg:$0xf] =	wrdreg s8  }
0x1d: {  	s24 =	sadd.s32 $0x2400, s2;
	_ =	strace $0x80000047;
	[dreg:$0x11] =	wrdreg s9  }
0x1e: {  	s2 =	sadd.s32 $0x2500, s2;
	[dreg:$0x12] =	wrdreg s24  }
0x1f: {  	s26 =	sadd.s32 $0x9C00, s6;
	[dreg:$0x13] =	wrdreg s2  }
0x20: {  	s12 =	sadd.s32 s12, s13;
	s1 =	sadd.s32 $0x13840, s6;
	[dreg:$0x14] =	wrdreg s26  }
0x21: {  	s0 =	sadd.s32 s0, s13;
	s6 =	smax.u32 s3, $0x1;
	[dreg:$0x15] =	wrdreg s1  }
0x22: {  	s25 =	smul.u32 $0x9C40, s18;
	s7 =	sshll.u32 s18, $0x6;
	[dreg:$0x16] =	wrdreg s6  }
0x23: {  	s8 =	smul.u32 $0x4E200, s18;
	s18 =	sadd.s32 s14, s16;
	[dreg:$0x17] =	wrdreg s12  }
0x24: {  	s17 =	sor.u32 $0x1C04, s7;
	s7 =	sadd.s32 s10, s16;
	[dreg:$0x18] =	wrdreg s18  }
0x25: {  	s0 =	sshrl.u32 s0, $0x3;
	[dreg:$0x1e] =	wrdreg s7  }
0x26: {  	s14 =	sadd.s32 $0xD0, s19;
	[smem:$0x7F1] =	sst s0  }
0x27: {  	[smem:$0x7F4] =	sst s14  }
0x28: {  	s28 =	simm.s32 $0x80;
	s24 =	sadd.s32 s15, s13;
	[dreg:$0x6] =	wrdreg s19  }
0x29: {  	s9 =	sshrl.u32 s25, $0x2;
	s25 =	sadd.s32 s20, s16;
	[dreg:$0x19] =	wrdreg s24  }
0x2a: {  	s29 =	simm.s32 $0xD00;
	s26 =	sadd.s32 s21, s13;
	[dreg:$0x1a] =	wrdreg s25  }
0x2b: {  	s30 =	simm.s32 $0x4D00;
	s1 =	sadd.s32 s22, s16;
	[dreg:$0x1b] =	wrdreg s26  }
0x2c: {  	s31 =	simm.s32 $0x1;
	s6 =	sadd.s32 s23, s13;
	[dreg:$0x1c] =	wrdreg s1  }
0x2d: {  	p0 =	sgt.u32 s4, $0x3;
	s12 =	sadd.s32 $0x9C40, s19;
	[dreg:$0x1d] =	wrdreg s6  }
0x2e: {  	s4 =	simm.s32 $0xA80;
	s15 =	sadd.s32 $0x9D10, s19;
	[smem:$0x7F3] =	sst s12  }
0x2f: {  	s18 =	sadd.s32 $0x1A0, s19;
	s20 =	sadd.s32 $0x9DE0, s19;
	[smem:$0x7F5] =	sst s15  }
0x30: {  	s21 =	sadd.s32 $0x270, s19;
	s22 =	sadd.s32 $0x9EB0, s19;
	[smem:$0x7F6] =	sst s18  }
0x31: {  	s23 =	sadd.s32 $0x340, s19;
	s0 =	simm.s32 $0x2;
	[smem:$0x7F7] =	sst s20  }
0x32: {  	s7 =	simm.s32 $0x780;
	s14 =	simm.s32 $0x880;
	[smem:$0x7F8] =	sst s21  }
0x33: {  	s8 =	sshrl.u32 s8, $0x2;
	s3 =	sadd.s32 s9, s16;
	[smem:$0x7F9] =	sst s22  }
0x34: {  	[smem:$0x7FA] =	sst s23;
	s24 =	sadd.s32 $0x9F80, s19;
	s25 =	sadd.s32 $0x410, s19  }
0x35: {  	s26 =	sadd.s32 $0xA050, s19;
	s23 =	simm.s32 $0x3;
	s20 =	simm.s32 $0x900  }
0x36: {  	s22 =	simm.s32 $0x980;
	s15 =	simm.s32 $0xB80;
	s21 =	simm.s32 $0xC00  }
0x37: {  	s12 =	simm.s32 $0xC80;
	s2 =	sadd.s32 s8, s13;
	[smem:$0x7FB] =	sst s24  }
0x38: {  	s8 =	sadd.s32 s5, s16;
	s9 =	sshrl.u32 s3, $0x3;
	[smem:$0x7FC] =	sst s25  }
0x39: {  	[smem:$0x7FD] =	sst s26;
	s24 =	simm.s32 $0x4;
	s25 =	simm.s32 $0x1C580  }
0x3a: {  	s26 =	simm.s32 $0x0;
	s2 =	sshrl.u32 s2, $0x3;
	[smem:$0x7F0] =	sst s9  }
0x3b: {  	s10 =	sshrl.u32 s8, $0x3;
	s9 =	simm.s32 $0x800;
	[dreg:$0x1f] =	wrdreg s2  }
0x3c: {  	s8 =	simm.s32 $0xB00;
	[smem:$0x7F2] =	sst s10;
	s2 =	simm.s32 $0x0  }
.LBB2_1:
0x3d: {  	[smem:$0x7E7] =	sst s2  }
0x3e: {  	s3 =	rddreg [dreg:$0x11]  }
0x3f: {  	s6 =	rddreg [dreg:$0x1f]  }
0x40: {  	[spmem:s6], [sflag:s17] =	dma.local [hbm:s3], $0x7D0  }
0x41: {  	_ =	swait.ge [sflag:s24], $0x7D0  }
0x42: {  	s10 =	sld [smem:$0x7F0]  }
0x43: {  	[sflag:s24] =	ssyncset.done $0x0  }
0x44: {  	s6 =	rddreg [dreg:$0x12];
	[sflag:s24] =	ssyncadd.s32 $0xFFFFF830  }
0x45: {  	[spmem:s10], [sflag:s17] =	dma.local [hbm:s6], $0xFA  }
0x46: {  	_ =	swait.ge [sflag:s24], $0xFA  }
0x47: {  	s1 =	rddreg [dreg:$0x17]  }
0x48: {  	[sflag:s24] =	ssyncset.done $0x0;
	s10 =	sshrl.u32 s1, $0x3  }
0x49: {  	[sflag:s24] =	ssyncadd.s32 $0xFFFFFF06;
	[smem:$0x7E8] =	sst s10  }
0x4a: {  	[spmem:s10], [sflag:s17] =	dma.local [hbm:s3], $0x7D0  }
0x4b: {  	_ =	swait.ge [sflag:s24], $0x7D0  }
0x4c: {  	s2 =	rddreg [dreg:$0x18]  }
0x4d: {  	[sflag:s24] =	ssyncset.done $0x0;
	s10 =	sshrl.u32 s2, $0x3  }
0x4e: {  	[sflag:s24] =	ssyncadd.s32 $0xFFFFF830;
	[smem:$0x7E9] =	sst s10  }
0x4f: {  	[spmem:s10], [sflag:s17] =	dma.local [hbm:s6], $0xFA  }
0x50: {  	_ =	swait.ge [sflag:s24], $0xFA  }
0x51: {  	s5 =	rddreg [dreg:$0x19]  }
0x52: {  	[sflag:s24] =	ssyncset.done $0x0;
	s10 =	sshrl.u32 s5, $0x3  }
0x53: {  	[sflag:s24] =	ssyncadd.s32 $0xFFFFFF06;
	[smem:$0x7EA] =	sst s10  }
0x54: {  	[spmem:s10], [sflag:s17] =	dma.local [hbm:s3], $0x7D0  }
0x55: {  	_ =	swait.ge [sflag:s24], $0x7D0  }
0x56: {  	s18 =	rddreg [dreg:$0x1a]  }
0x57: {  	[sflag:s24] =	ssyncset.done $0x0;
	s10 =	sshrl.u32 s18, $0x3  }
0x58: {  	[sflag:s24] =	ssyncadd.s32 $0xFFFFF830;
	[smem:$0x7EB] =	sst s10  }
0x59: {  	[spmem:s10], [sflag:s17] =	dma.local [hbm:s6], $0xFA  }
0x5a: {  	_ =	swait.ge [sflag:s24], $0xFA  }
0x5b: {  	s19 =	rddreg [dreg:$0x1b]  }
0x5c: {  	[sflag:s24] =	ssyncset.done $0x0;
	s10 =	sshrl.u32 s19, $0x3  }
0x5d: {  	[sflag:s24] =	ssyncadd.s32 $0xFFFFFF06;
	[smem:$0x7EC] =	sst s10  }
0x5e: {  	[spmem:s10], [sflag:s17] =	dma.local [hbm:s3], $0x7D0  }
0x5f: {  	_ =	swait.ge [sflag:s24], $0x7D0  }
0x60: {  	s1 =	rddreg [dreg:$0x1c]  }
0x61: {  	[sflag:s24] =	ssyncset.done $0x0;
	s10 =	sshrl.u32 s1, $0x3  }
0x62: {  	[sflag:s24] =	ssyncadd.s32 $0xFFFFF830;
	[smem:$0x7ED] =	sst s10  }
0x63: {  	[spmem:s10], [sflag:s17] =	dma.local [hbm:s6], $0xFA  }
0x64: {  	_ =	swait.ge [sflag:s24], $0xFA  }
0x65: {  	s2 =	rddreg [dreg:$0x1d]  }
0x66: {  	[sflag:s24] =	ssyncset.done $0x0;
	s10 =	sshrl.u32 s2, $0x3  }
0x67: {  	[sflag:s24] =	ssyncadd.s32 $0xFFFFFF06;
	[smem:$0x7EE] =	sst s10  }
0x68: {  	[spmem:s10], [sflag:s17] =	dma.local [hbm:s3], $0x7D0  }
0x69: {  	_ =	swait.ge [sflag:s24], $0x7D0  }
0x6a: {  	s5 =	rddreg [dreg:$0x1e]  }
0x6b: {  	[sflag:s24] =	ssyncset.done $0x0;
	s3 =	sshrl.u32 s5, $0x3  }
0x6c: {  	[sflag:s24] =	ssyncadd.s32 $0xFFFFF830;
	[smem:$0x7EF] =	sst s3  }
0x6d: {  	[spmem:s3], [sflag:s17] =	dma.local [hbm:s6], $0xFA  }
0x6e: {  	_ =	swait.ge [sflag:s24], $0xFA  }
0x6f: {  	[sflag:s24] =	ssyncset.done $0x0  }
0x70: {  	s6 =	rddreg [dreg:$0x13];
	[sflag:s24] =	ssyncadd.s32 $0xFFFFFF06  }
0x71: {  	[tilespmem:s25], [sflag:$0x4] =	stream.linear.gather [hbm4b:s6+s26], $0x800, $0x38;
	[tilespmem:$0x1F490] =	vst v63  }
0x72: {  	_ =	swait.ge [sflag:s24], $0x800  }
0x73: {  	[sflag:s24] =	ssyncset.done $0x0  }
0x74: {  	[sflag:s24] =	ssyncadd.s32 $0xFFFFF800  }
0x75: {  	[bflag:$0x0] =	sbarrier.arrive $0xFFFF  }
0x76: {  	s10 =	rddreg [dreg:$0x6]  }
0x77: {  	[tilespmem:s26], [sflag:$0x4] =	stream.linear.gather [hbm4b:s10+s26], $0x680, $0x38;
	[tilespmem:$0x1F490] =	vst v63  }
0x78: {  	_ =	swait.ge [sflag:s24], $0x680  }
0x79: {  	s18 =	sld [smem:$0x7F3]  }
0x7a: {  	[sflag:s24] =	ssyncset.done $0x0  }
0x7b: {  	s1 =	simm.s32 $0x680;
	[sflag:s24] =	ssyncadd.s32 $0xFFFFF980  }
0x7c: {  	[tilespmem:s1], [sflag:$0x4] =	stream.linear.gather [hbm4b:s18+s26], $0x680, $0x38;
	[tilespmem:$0x1F490] =	vst v63  }
0x7d: {  	_ =	swait.ge [sflag:s24], $0x680  }
0x7e: {  	[sflag:s24] =	ssyncset.done $0x0  }
0x7f: {  	[sflag:s24] =	ssyncadd.s32 $0xFFFFF980  }
0x80: {  	[tilespmem:s29], [sflag:$0x1] =	stream.indirect.gather [hbm4b:s11+s28], $0x80, s26, s28, $0xb8;
	[tilespmem:$0x1F490] =	vst v63  }
0x81: {  	_ = 	snop  }
0x82: {  	[tilespmem:s30], [sflag:$0x2] =	stream.indirect.gather [hbm4b:s11+s28], $0x80, s28, s28, $0xb8;
	[tilespmem:$0x1F490] =	vst v63  }
0x83: {  	_ =	swait.ge [sflag:s31], $0x4000  }
0x84: {  	[sflag:s31] =	ssyncset.done $0x0  }
0x85: {  	[sflag:s31] =	ssyncadd.s32 $0xFFFFC000  }
0x86: {  	[spmem:s13] =	stream.indirect.scatter.add.f32 [tilespmem:s29], [sflag:$0x4], $0x80, s1, s28, $0xb8;
	[tilespmem:$0x1F490] =	vst v63  }
0x87: {  	_ =	swait.ge [sflag:s24], $0x4000  }
0x88: {  	[sflag:s24] =	ssyncset.done $0x0  }
0x89: {  	[sflag:s24] =	ssyncadd.s32 $0xFFFFC000  }
0x8a: {  	[spmem:s16] =	stream.indirect.scatter.add.f32 [tilespmem:s25], [sflag:$0x3], $0x10, s1, s28, $0xb8;
	[tilespmem:$0x1F490] =	vst v63  }
0x8b: {  	s19 =	simm.s32 $0x100  }
0x8c: {  	[tilespmem:s29], [sflag:$0x1] =	stream.indirect.gather [hbm4b:s11+s28], $0x80, s19, s28, $0xb8;
	[tilespmem:$0x1F490] =	vst v63  }
0x8d: {  	_ =	swait.ge [sflag:s0], $0x4000  }
0x8e: {  	[sflag:s0] =	ssyncset.done $0x0  }
0x8f: {  	s10 =	simm.s32 $0x700;
	[sflag:s0] =	ssyncadd.s32 $0xFFFFC000  }
0x90: {  	[spmem:s13] =	stream.indirect.scatter.add.f32 [tilespmem:s30], [sflag:$0x4], $0x80, s10, s28, $0xb8;
	[tilespmem:$0x1F490] =	vst v63  }
0x91: {  	_ =	swait.ge [sflag:s24], $0x4000  }
0x92: {  	[sflag:s24] =	ssyncset.done $0x0  }
0x93: {  	[sflag:s24] =	ssyncadd.s32 $0xFFFFC000  }
0x94: {  	[spmem:s16] =	stream.indirect.scatter.add.f32 [tilespmem:s25], [sflag:$0x3], $0x10, s10, s28, $0xb8;
	[tilespmem:$0x1F490] =	vst v63  }
0x95: {  	s3 =	simm.s32 $0x180  }
0x96: {  	[tilespmem:s30], [sflag:$0x2] =	stream.indirect.gather [hbm4b:s11+s28], $0x80, s3, s28, $0xb8;
	[tilespmem:$0x1F490] =	vst v63  }
0x97: {  	_ =	swait.ge [sflag:s31], $0x4000  }
0x98: {  	[sflag:s31] =	ssyncset.done $0x0  }
0x99: {  	[sflag:s31] =	ssyncadd.s32 $0xFFFFC000  }
0x9a: {  	[spmem:s13] =	stream.indirect.scatter.add.f32 [tilespmem:s29], [sflag:$0x4], $0x80, s7, s28, $0xb8;
	[tilespmem:$0x1F490] =	vst v63  }
0x9b: {  	_ =	swait.ge [sflag:s24], $0x4000  }
0x9c: {  	[sflag:s24] =	ssyncset.done $0x0  }
0x9d: {  	[sflag:s24] =	ssyncadd.s32 $0xFFFFC000  }
0x9e: {  	[spmem:s16] =	stream.indirect.scatter.add.f32 [tilespmem:s25], [sflag:$0x3], $0x10, s7, s28, $0xb8;
	[tilespmem:$0x1F490] =	vst v63  }
0x9f: {  	s5 =	simm.s32 $0x200  }
0xa0: {  	[tilespmem:s29], [sflag:$0x1] =	stream.indirect.gather [hbm4b:s11+s28], $0x80, s5, s28, $0xb8;
	[tilespmem:$0x1F490] =	vst v63  }
0xa1: {  	_ =	swait.ge [sflag:s0], $0x4000  }
0xa2: {  	[sflag:s0] =	ssyncset.done $0x0  }
0xa3: {  	[sflag:s0] =	ssyncadd.s32 $0xFFFFC000  }
0xa4: {  	[spmem:s13] =	stream.indirect.scatter.add.f32 [tilespmem:s30], [sflag:$0x4], $0x80, s9, s28, $0xb8;
	[tilespmem:$0x1F490] =	vst v63  }
0xa5: {  	_ =	swait.ge [sflag:s24], $0x4000  }
0xa6: {  	[sflag:s24] =	ssyncset.done $0x0  }
0xa7: {  	[sflag:s24] =	ssyncadd.s32 $0xFFFFC000  }
0xa8: {  	[spmem:s16] =	stream.indirect.scatter.add.f32 [tilespmem:s25], [sflag:$0x3], $0x10, s9, s28, $0xb8;
	[tilespmem:$0x1F490] =	vst v63  }
0xa9: {  	s6 =	simm.s32 $0x280  }
0xaa: {  	[tilespmem:s30], [sflag:$0x2] =	stream.indirect.gather [hbm4b:s11+s28], $0x80, s6, s28, $0xb8;
	[tilespmem:$0x1F490] =	vst v63  }
0xab: {  	_ =	swait.ge [sflag:s31], $0x4000  }
0xac: {  	[sflag:s31] =	ssyncset.done $0x0  }
0xad: {  	[sflag:s31] =	ssyncadd.s32 $0xFFFFC000  }
0xae: {  	[spmem:s13] =	stream.indirect.scatter.add.f32 [tilespmem:s29], [sflag:$0x4], $0x80, s14, s28, $0xb8;
	[tilespmem:$0x1F490] =	vst v63  }
0xaf: {  	_ =	swait.ge [sflag:s24], $0x4000  }
0xb0: {  	[sflag:s24] =	ssyncset.done $0x0  }
0xb1: {  	[sflag:s24] =	ssyncadd.s32 $0xFFFFC000  }
0xb2: {  	[spmem:s16] =	stream.indirect.scatter.add.f32 [tilespmem:s25], [sflag:$0x3], $0x10, s14, s28, $0xb8;
	[tilespmem:$0x1F490] =	vst v63  }
0xb3: {  	s18 =	simm.s32 $0x300  }
0xb4: {  	[tilespmem:s29], [sflag:$0x1] =	stream.indirect.gather [hbm4b:s11+s28], $0x80, s18, s28, $0xb8;
	[tilespmem:$0x1F490] =	vst v63  }
0xb5: {  	_ =	swait.ge [sflag:s0], $0x4000  }
0xb6: {  	[sflag:s0] =	ssyncset.done $0x0  }
0xb7: {  	[sflag:s0] =	ssyncadd.s32 $0xFFFFC000  }
0xb8: {  	[spmem:s13] =	stream.indirect.scatter.add.f32 [tilespmem:s30], [sflag:$0x4], $0x80, s20, s28, $0xb8;
	[tilespmem:$0x1F490] =	vst v63  }
0xb9: {  	_ =	swait.ge [sflag:s24], $0x4000  }
0xba: {  	[sflag:s24] =	ssyncset.done $0x0  }
0xbb: {  	[sflag:s24] =	ssyncadd.s32 $0xFFFFC000  }
0xbc: {  	[spmem:s16] =	stream.indirect.scatter.add.f32 [tilespmem:s25], [sflag:$0x3], $0x10, s20, s28, $0xb8;
	[tilespmem:$0x1F490] =	vst v63  }
0xbd: {  	s19 =	simm.s32 $0x380  }
0xbe: {  	[tilespmem:s30], [sflag:$0x2] =	stream.indirect.gather [hbm4b:s11+s28], $0x80, s19, s28, $0xb8;
	[tilespmem:$0x1F490] =	vst v63  }
0xbf: {  	_ =	swait.ge [sflag:s31], $0x4000  }
0xc0: {  	[sflag:s31] =	ssyncset.done $0x0  }
0xc1: {  	[sflag:s31] =	ssyncadd.s32 $0xFFFFC000  }
0xc2: {  	[spmem:s13] =	stream.indirect.scatter.add.f32 [tilespmem:s29], [sflag:$0x4], $0x80, s22, s28, $0xb8;
	[tilespmem:$0x1F490] =	vst v63  }
0xc3: {  	_ =	swait.ge [sflag:s24], $0x4000  }
0xc4: {  	[sflag:s24] =	ssyncset.done $0x0  }
0xc5: {  	[sflag:s24] =	ssyncadd.s32 $0xFFFFC000  }
0xc6: {  	[spmem:s16] =	stream.indirect.scatter.add.f32 [tilespmem:s25], [sflag:$0x3], $0x10, s22, s28, $0xb8;
	[tilespmem:$0x1F490] =	vst v63  }
0xc7: {  	s2 =	simm.s32 $0x400  }
0xc8: {  	[tilespmem:s29], [sflag:$0x1] =	stream.indirect.gather [hbm4b:s11+s28], $0x80, s2, s28, $0xb8;
	[tilespmem:$0x1F490] =	vst v63  }
0xc9: {  	_ =	swait.ge [sflag:s0], $0x4000  }
0xca: {  	[sflag:s0] =	ssyncset.done $0x0  }
0xcb: {  	s6 =	simm.s32 $0xA00;
	[sflag:s0] =	ssyncadd.s32 $0xFFFFC000  }
0xcc: {  	[spmem:s13] =	stream.indirect.scatter.add.f32 [tilespmem:s30], [sflag:$0x4], $0x80, s6, s28, $0xb8;
	[tilespmem:$0x1F490] =	vst v63  }
0xcd: {  	_ =	swait.ge [sflag:s24], $0x4000  }
0xce: {  	[sflag:s24] =	ssyncset.done $0x0  }
0xcf: {  	[sflag:s24] =	ssyncadd.s32 $0xFFFFC000  }
0xd0: {  	[spmem:s16] =	stream.indirect.scatter.add.f32 [tilespmem:s25], [sflag:$0x3], $0x10, s6, s28, $0xb8;
	[tilespmem:$0x1F490] =	vst v63  }
0xd1: {  	s5 =	simm.s32 $0x480  }
0xd2: {  	[tilespmem:s30], [sflag:$0x2] =	stream.indirect.gather [hbm4b:s11+s28], $0x80, s5, s28, $0xb8;
	[tilespmem:$0x1F490] =	vst v63  }
0xd3: {  	_ =	swait.ge [sflag:s31], $0x4000  }
0xd4: {  	[sflag:s31] =	ssyncset.done $0x0  }
0xd5: {  	[sflag:s31] =	ssyncadd.s32 $0xFFFFC000  }
0xd6: {  	[spmem:s13] =	stream.indirect.scatter.add.f32 [tilespmem:s29], [sflag:$0x4], $0x80, s4, s28, $0xb8;
	[tilespmem:$0x1F490] =	vst v63  }
0xd7: {  	_ =	swait.ge [sflag:s24], $0x4000  }
0xd8: {  	[sflag:s24] =	ssyncset.done $0x0  }
0xd9: {  	[sflag:s24] =	ssyncadd.s32 $0xFFFFC000  }
0xda: {  	[spmem:s16] =	stream.indirect.scatter.add.f32 [tilespmem:s25], [sflag:$0x3], $0x10, s4, s28, $0xb8;
	[tilespmem:$0x1F490] =	vst v63  }
0xdb: {  	s2 =	simm.s32 $0x500  }
0xdc: {  	[tilespmem:s29], [sflag:$0x1] =	stream.indirect.gather [hbm4b:s11+s28], $0x80, s2, s28, $0xb8;
	[tilespmem:$0x1F490] =	vst v63  }
0xdd: {  	_ =	swait.ge [sflag:s0], $0x4000  }
0xde: {  	[sflag:s0] =	ssyncset.done $0x0  }
0xdf: {  	[sflag:s0] =	ssyncadd.s32 $0xFFFFC000  }
0xe0: {  	[spmem:s13] =	stream.indirect.scatter.add.f32 [tilespmem:s30], [sflag:$0x4], $0x80, s8, s28, $0xb8;
	[tilespmem:$0x1F490] =	vst v63  }
0xe1: {  	_ =	swait.ge [sflag:s24], $0x4000  }
0xe2: {  	[sflag:s24] =	ssyncset.done $0x0  }
0xe3: {  	[sflag:s24] =	ssyncadd.s32 $0xFFFFC000  }
0xe4: {  	[spmem:s16] =	stream.indirect.scatter.add.f32 [tilespmem:s25], [sflag:$0x3], $0x10, s8, s28, $0xb8;
	[tilespmem:$0x1F490] =	vst v63  }
0xe5: {  	s5 =	simm.s32 $0x580  }
0xe6: {  	[tilespmem:s30], [sflag:$0x2] =	stream.indirect.gather [hbm4b:s11+s28], $0x80, s5, s28, $0xb8;
	[tilespmem:$0x1F490] =	vst v63  }
0xe7: {  	_ =	swait.ge [sflag:s31], $0x4000  }
0xe8: {  	[sflag:s31] =	ssyncset.done $0x0  }
0xe9: {  	[sflag:s31] =	ssyncadd.s32 $0xFFFFC000  }
0xea: {  	[spmem:s13] =	stream.indirect.scatter.add.f32 [tilespmem:s29], [sflag:$0x4], $0x80, s15, s28, $0xb8;
	[tilespmem:$0x1F490] =	vst v63  }
0xeb: {  	_ =	swait.ge [sflag:s24], $0x4000  }
0xec: {  	[sflag:s24] =	ssyncset.done $0x0  }
0xed: {  	[sflag:s24] =	ssyncadd.s32 $0xFFFFC000  }
0xee: {  	[spmem:s16] =	stream.indirect.scatter.add.f32 [tilespmem:s25], [sflag:$0x3], $0x10, s15, s28, $0xb8;
	[tilespmem:$0x1F490] =	vst v63  }
0xef: {  	s2 =	simm.s32 $0x600  }
0xf0: {  	[tilespmem:s29], [sflag:$0x1] =	stream.indirect.gather [hbm4b:s11+s28], $0x80, s2, s28, $0xb8;
	[tilespmem:$0x1F490] =	vst v63  }
0xf1: {  	_ =	swait.ge [sflag:s0], $0x4000  }
0xf2: {  	[sflag:s0] =	ssyncset.done $0x0  }
0xf3: {  	[sflag:s0] =	ssyncadd.s32 $0xFFFFC000  }
0xf4: {  	[spmem:s13] =	stream.indirect.scatter.add.f32 [tilespmem:s30], [sflag:$0x4], $0x80, s21, s28, $0xb8;
	[tilespmem:$0x1F490] =	vst v63  }
0xf5: {  	_ =	swait.ge [sflag:s24], $0x4000  }
0xf6: {  	[sflag:s24] =	ssyncset.done $0x0  }
0xf7: {  	[sflag:s24] =	ssyncadd.s32 $0xFFFFC000  }
0xf8: {  	[spmem:s16] =	stream.indirect.scatter.add.f32 [tilespmem:s25], [sflag:$0x3], $0x10, s21, s28, $0xb8;
	[tilespmem:$0x1F490] =	vst v63  }
0xf9: {  	_ =	swait.ge [sflag:s31], $0x4000  }
0xfa: {  	[sflag:s31] =	ssyncset.done $0x0  }
0xfb: {  	[sflag:s31] =	ssyncadd.s32 $0xFFFFC000  }
0xfc: {  	[spmem:s13] =	stream.indirect.scatter.add.f32 [tilespmem:s29], [sflag:$0x4], $0x80, s12, s28, $0xb8;
	[tilespmem:$0x1F490] =	vst v63  }
0xfd: {  	_ =	swait.ge [sflag:s24], $0x4000  }
0xfe: {  	[sflag:s24] =	ssyncset.done $0x0  }
0xff: {  	s5 =	sld [smem:$0x7F4];
	[sflag:s24] =	ssyncadd.s32 $0xFFFFC000  }
0x100: {  	[spmem:s16] =	stream.indirect.scatter.add.f32 [tilespmem:s25], [sflag:$0x3], $0x10, s12, s28, $0xb8;
	[tilespmem:$0x1F490] =	vst v63  }
0x101: {  	_ = 	snop  }
0x102: {  	[tilespmem:s26], [sflag:$0x4] =	stream.linear.gather [hbm4b:s5+s26], $0x680, $0x38;
	[tilespmem:$0x1F490] =	vst v63  }
0x103: {  	_ =	swait.ge [sflag:s24], $0x680  }
0x104: {  	s2 =	sld [smem:$0x7F5]  }
0x105: {  	[sflag:s24] =	ssyncset.done $0x0  }
0x106: {  	[sflag:s24] =	ssyncadd.s32 $0xFFFFF980  }
0x107: {  	[tilespmem:s1], [sflag:$0x4] =	stream.linear.gather [hbm4b:s2+s26], $0x680, $0x38;
	[tilespmem:$0x1F490] =	vst v63  }
0x108: {  	_ =	swait.ge [sflag:s24], $0x680  }
0x109: {  	[sflag:s24] =	ssyncset.done $0x0  }
0x10a: {  	[sflag:s24] =	ssyncadd.s32 $0xFFFFF980  }
0x10b: {  	[tilespmem:s29], [sflag:$0x1] =	stream.indirect.gather [hbm4b:s11+s28], $0x80, s26, s28, $0xb8;
	[tilespmem:$0x1F490] =	vst v63  }
0x10c: {  	_ = 	snop  }
0x10d: {  	[tilespmem:s30], [sflag:$0x2] =	stream.indirect.gather [hbm4b:s11+s28], $0x80, s28, s28, $0xb8;
	[tilespmem:$0x1F490] =	vst v63  }
0x10e: {  	_ =	swait.ge [sflag:s31], $0x4000  }
0x10f: {  	[sflag:s31] =	ssyncset.done $0x0  }
0x110: {  	[sflag:s31] =	ssyncadd.s32 $0xFFFFC000  }
0x111: {  	[spmem:s13] =	stream.indirect.scatter.add.f32 [tilespmem:s29], [sflag:$0x4], $0x80, s1, s28, $0xb8;
	[tilespmem:$0x1F490] =	vst v63  }
0x112: {  	_ =	swait.ge [sflag:s24], $0x4000  }
0x113: {  	[sflag:s24] =	ssyncset.done $0x0  }
0x114: {  	[sflag:s24] =	ssyncadd.s32 $0xFFFFC000  }
0x115: {  	[spmem:s16] =	stream.indirect.scatter.add.f32 [tilespmem:s25], [sflag:$0x3], $0x10, s1, s28, $0xb8;
	[tilespmem:$0x1F490] =	vst v63  }
0x116: {  	s5 =	simm.s32 $0x100  }
0x117: {  	[tilespmem:s29], [sflag:$0x1] =	stream.indirect.gather [hbm4b:s11+s28], $0x80, s5, s28, $0xb8;
	[tilespmem:$0x1F490] =	vst v63  }
0x118: {  	_ =	swait.ge [sflag:s0], $0x4000  }
0x119: {  	[sflag:s0] =	ssyncset.done $0x0  }
0x11a: {  	[sflag:s0] =	ssyncadd.s32 $0xFFFFC000  }
0x11b: {  	[spmem:s13] =	stream.indirect.scatter.add.f32 [tilespmem:s30], [sflag:$0x4], $0x80, s10, s28, $0xb8;
	[tilespmem:$0x1F490] =	vst v63  }
0x11c: {  	_ =	swait.ge [sflag:s24], $0x4000  }
0x11d: {  	[sflag:s24] =	ssyncset.done $0x0  }
0x11e: {  	[sflag:s24] =	ssyncadd.s32 $0xFFFFC000  }
0x11f: {  	[spmem:s16] =	stream.indirect.scatter.add.f32 [tilespmem:s25], [sflag:$0x3], $0x10, s10, s28, $0xb8;
	[tilespmem:$0x1F490] =	vst v63  }
0x120: {  	s2 =	simm.s32 $0x180  }
0x121: {  	[tilespmem:s30], [sflag:$0x2] =	stream.indirect.gather [hbm4b:s11+s28], $0x80, s2, s28, $0xb8;
	[tilespmem:$0x1F490] =	vst v63  }
0x122: {  	_ =	swait.ge [sflag:s31], $0x4000  }
0x123: {  	[sflag:s31] =	ssyncset.done $0x0  }
0x124: {  	[sflag:s31] =	ssyncadd.s32 $0xFFFFC000  }
0x125: {  	[spmem:s13] =	stream.indirect.scatter.add.f32 [tilespmem:s29], [sflag:$0x4], $0x80, s7, s28, $0xb8;
	[tilespmem:$0x1F490] =	vst v63  }
0x126: {  	_ =	swait.ge [sflag:s24], $0x4000  }
0x127: {  	[sflag:s24] =	ssyncset.done $0x0  }
0x128: {  	[sflag:s24] =	ssyncadd.s32 $0xFFFFC000  }
0x129: {  	[spmem:s16] =	stream.indirect.scatter.add.f32 [tilespmem:s25], [sflag:$0x3], $0x10, s7, s28, $0xb8;
	[tilespmem:$0x1F490] =	vst v63  }
0x12a: {  	s3 =	simm.s32 $0x200  }
0x12b: {  	[tilespmem:s29], [sflag:$0x1] =	stream.indirect.gather [hbm4b:s11+s28], $0x80, s3, s28, $0xb8;
	[tilespmem:$0x1F490] =	vst v63  }
0x12c: {  	_ =	swait.ge [sflag:s0], $0x4000  }
0x12d: {  	[sflag:s0] =	ssyncset.done $0x0  }
0x12e: {  	[sflag:s0] =	ssyncadd.s32 $0xFFFFC000  }
0x12f: {  	[spmem:s13] =	stream.indirect.scatter.add.f32 [tilespmem:s30], [sflag:$0x4], $0x80, s9, s28, $0xb8;
	[tilespmem:$0x1F490] =	vst v63  }
0x130: {  	_ =	swait.ge [sflag:s24], $0x4000  }
0x131: {  	[sflag:s24] =	ssyncset.done $0x0  }
0x132: {  	[sflag:s24] =	ssyncadd.s32 $0xFFFFC000  }
0x133: {  	[spmem:s16] =	stream.indirect.scatter.add.f32 [tilespmem:s25], [sflag:$0x3], $0x10, s9, s28, $0xb8;
	[tilespmem:$0x1F490] =	vst v63  }
0x134: {  	s3 =	simm.s32 $0x280  }
0x135: {  	[tilespmem:s30], [sflag:$0x2] =	stream.indirect.gather [hbm4b:s11+s28], $0x80, s3, s28, $0xb8;
	[tilespmem:$0x1F490] =	vst v63  }
0x136: {  	_ =	swait.ge [sflag:s31], $0x4000  }
0x137: {  	[sflag:s31] =	ssyncset.done $0x0  }
0x138: {  	[sflag:s31] =	ssyncadd.s32 $0xFFFFC000  }
0x139: {  	[spmem:s13] =	stream.indirect.scatter.add.f32 [tilespmem:s29], [sflag:$0x4], $0x80, s14, s28, $0xb8;
	[tilespmem:$0x1F490] =	vst v63  }
0x13a: {  	_ =	swait.ge [sflag:s24], $0x4000  }
0x13b: {  	[sflag:s24] =	ssyncset.done $0x0  }
0x13c: {  	[sflag:s24] =	ssyncadd.s32 $0xFFFFC000  }
0x13d: {  	[spmem:s16] =	stream.indirect.scatter.add.f32 [tilespmem:s25], [sflag:$0x3], $0x10, s14, s28, $0xb8;
	[tilespmem:$0x1F490] =	vst v63  }
0x13e: {  	s18 =	simm.s32 $0x300  }
0x13f: {  	[tilespmem:s29], [sflag:$0x1] =	stream.indirect.gather [hbm4b:s11+s28], $0x80, s18, s28, $0xb8;
	[tilespmem:$0x1F490] =	vst v63  }
0x140: {  	_ =	swait.ge [sflag:s0], $0x4000  }
0x141: {  	[sflag:s0] =	ssyncset.done $0x0  }
0x142: {  	[sflag:s0] =	ssyncadd.s32 $0xFFFFC000  }
0x143: {  	[spmem:s13] =	stream.indirect.scatter.add.f32 [tilespmem:s30], [sflag:$0x4], $0x80, s20, s28, $0xb8;
	[tilespmem:$0x1F490] =	vst v63  }
0x144: {  	_ =	swait.ge [sflag:s24], $0x4000  }
0x145: {  	[sflag:s24] =	ssyncset.done $0x0  }
0x146: {  	[sflag:s24] =	ssyncadd.s32 $0xFFFFC000  }
0x147: {  	[spmem:s16] =	stream.indirect.scatter.add.f32 [tilespmem:s25], [sflag:$0x3], $0x10, s20, s28, $0xb8;
	[tilespmem:$0x1F490] =	vst v63  }
0x148: {  	s19 =	simm.s32 $0x380  }
0x149: {  	[tilespmem:s30], [sflag:$0x2] =	stream.indirect.gather [hbm4b:s11+s28], $0x80, s19, s28, $0xb8;
	[tilespmem:$0x1F490] =	vst v63  }
0x14a: {  	_ =	swait.ge [sflag:s31], $0x4000  }
0x14b: {  	[sflag:s31] =	ssyncset.done $0x0  }
0x14c: {  	[sflag:s31] =	ssyncadd.s32 $0xFFFFC000  }
0x14d: {  	[spmem:s13] =	stream.indirect.scatter.add.f32 [tilespmem:s29], [sflag:$0x4], $0x80, s22, s28, $0xb8;
	[tilespmem:$0x1F490] =	vst v63  }
0x14e: {  	_ =	swait.ge [sflag:s24], $0x4000  }
0x14f: {  	[sflag:s24] =	ssyncset.done $0x0  }
0x150: {  	[sflag:s24] =	ssyncadd.s32 $0xFFFFC000  }
0x151: {  	[spmem:s16] =	stream.indirect.scatter.add.f32 [tilespmem:s25], [sflag:$0x3], $0x10, s22, s28, $0xb8;
	[tilespmem:$0x1F490] =	vst v63  }
0x152: {  	s3 =	simm.s32 $0x400  }
0x153: {  	[tilespmem:s29], [sflag:$0x1] =	stream.indirect.gather [hbm4b:s11+s28], $0x80, s3, s28, $0xb8;
	[tilespmem:$0x1F490] =	vst v63  }
0x154: {  	_ =	swait.ge [sflag:s0], $0x4000  }
0x155: {  	[sflag:s0] =	ssyncset.done $0x0  }
0x156: {  	[sflag:s0] =	ssyncadd.s32 $0xFFFFC000  }
0x157: {  	[spmem:s13] =	stream.indirect.scatter.add.f32 [tilespmem:s30], [sflag:$0x4], $0x80, s6, s28, $0xb8;
	[tilespmem:$0x1F490] =	vst v63  }
0x158: {  	_ =	swait.ge [sflag:s24], $0x4000  }
0x159: {  	[sflag:s24] =	ssyncset.done $0x0  }
0x15a: {  	[sflag:s24] =	ssyncadd.s32 $0xFFFFC000  }
0x15b: {  	[spmem:s16] =	stream.indirect.scatter.add.f32 [tilespmem:s25], [sflag:$0x3], $0x10, s6, s28, $0xb8;
	[tilespmem:$0x1F490] =	vst v63  }
0x15c: {  	s3 =	simm.s32 $0x480  }
0x15d: {  	[tilespmem:s30], [sflag:$0x2] =	stream.indirect.gather [hbm4b:s11+s28], $0x80, s3, s28, $0xb8;
	[tilespmem:$0x1F490] =	vst v63  }
0x15e: {  	_ =	swait.ge [sflag:s31], $0x4000  }
0x15f: {  	[sflag:s31] =	ssyncset.done $0x0  }
0x160: {  	[sflag:s31] =	ssyncadd.s32 $0xFFFFC000  }
0x161: {  	[spmem:s13] =	stream.indirect.scatter.add.f32 [tilespmem:s29], [sflag:$0x4], $0x80, s4, s28, $0xb8;
	[tilespmem:$0x1F490] =	vst v63  }
0x162: {  	_ =	swait.ge [sflag:s24], $0x4000  }
0x163: {  	[sflag:s24] =	ssyncset.done $0x0  }
0x164: {  	[sflag:s24] =	ssyncadd.s32 $0xFFFFC000  }
0x165: {  	[spmem:s16] =	stream.indirect.scatter.add.f32 [tilespmem:s25], [sflag:$0x3], $0x10, s4, s28, $0xb8;
	[tilespmem:$0x1F490] =	vst v63  }
0x166: {  	s3 =	simm.s32 $0x500  }
0x167: {  	[tilespmem:s29], [sflag:$0x1] =	stream.indirect.gather [hbm4b:s11+s28], $0x80, s3, s28, $0xb8;
	[tilespmem:$0x1F490] =	vst v63  }
0x168: {  	_ =	swait.ge [sflag:s0], $0x4000  }
0x169: {  	[sflag:s0] =	ssyncset.done $0x0  }
0x16a: {  	[sflag:s0] =	ssyncadd.s32 $0xFFFFC000  }
0x16b: {  	[spmem:s13] =	stream.indirect.scatter.add.f32 [tilespmem:s30], [sflag:$0x4], $0x80, s8, s28, $0xb8;
	[tilespmem:$0x1F490] =	vst v63  }
0x16c: {  	_ =	swait.ge [sflag:s24], $0x4000  }
0x16d: {  	[sflag:s24] =	ssyncset.done $0x0  }
0x16e: {  	[sflag:s24] =	ssyncadd.s32 $0xFFFFC000  }
0x16f: {  	[spmem:s16] =	stream.indirect.scatter.add.f32 [tilespmem:s25], [sflag:$0x3], $0x10, s8, s28, $0xb8;
	[tilespmem:$0x1F490] =	vst v63  }
0x170: {  	s3 =	simm.s32 $0x580  }
0x171: {  	[tilespmem:s30], [sflag:$0x2] =	stream.indirect.gather [hbm4b:s11+s28], $0x80, s3, s28, $0xb8;
	[tilespmem:$0x1F490] =	vst v63  }
0x172: {  	_ =	swait.ge [sflag:s31], $0x4000  }
0x173: {  	[sflag:s31] =	ssyncset.done $0x0  }
0x174: {  	[sflag:s31] =	ssyncadd.s32 $0xFFFFC000  }
0x175: {  	[spmem:s13] =	stream.indirect.scatter.add.f32 [tilespmem:s29], [sflag:$0x4], $0x80, s15, s28, $0xb8;
	[tilespmem:$0x1F490] =	vst v63  }
0x176: {  	_ =	swait.ge [sflag:s24], $0x4000  }
0x177: {  	[sflag:s24] =	ssyncset.done $0x0  }
0x178: {  	[sflag:s24] =	ssyncadd.s32 $0xFFFFC000  }
0x179: {  	[spmem:s16] =	stream.indirect.scatter.add.f32 [tilespmem:s25], [sflag:$0x3], $0x10, s15, s28, $0xb8;
	[tilespmem:$0x1F490] =	vst v63  }
0x17a: {  	s3 =	simm.s32 $0x600  }
0x17b: {  	[tilespmem:s29], [sflag:$0x1] =	stream.indirect.gather [hbm4b:s11+s28], $0x80, s3, s28, $0xb8;
	[tilespmem:$0x1F490] =	vst v63  }
0x17c: {  	_ =	swait.ge [sflag:s0], $0x4000  }
0x17d: {  	[sflag:s0] =	ssyncset.done $0x0  }
0x17e: {  	[sflag:s0] =	ssyncadd.s32 $0xFFFFC000  }
0x17f: {  	[spmem:s13] =	stream.indirect.scatter.add.f32 [tilespmem:s30], [sflag:$0x4], $0x80, s21, s28, $0xb8;
	[tilespmem:$0x1F490] =	vst v63  }
0x180: {  	_ =	swait.ge [sflag:s24], $0x4000  }
0x181: {  	[sflag:s24] =	ssyncset.done $0x0  }
0x182: {  	[sflag:s24] =	ssyncadd.s32 $0xFFFFC000  }
0x183: {  	[spmem:s16] =	stream.indirect.scatter.add.f32 [tilespmem:s25], [sflag:$0x3], $0x10, s21, s28, $0xb8;
	[tilespmem:$0x1F490] =	vst v63  }
0x184: {  	_ =	swait.ge [sflag:s31], $0x4000  }
0x185: {  	[sflag:s31] =	ssyncset.done $0x0  }
0x186: {  	[sflag:s31] =	ssyncadd.s32 $0xFFFFC000  }
0x187: {  	[spmem:s13] =	stream.indirect.scatter.add.f32 [tilespmem:s29], [sflag:$0x4], $0x80, s12, s28, $0xb8;
	[tilespmem:$0x1F490] =	vst v63  }
0x188: {  	_ =	swait.ge [sflag:s24], $0x4000  }
0x189: {  	[sflag:s24] =	ssyncset.done $0x0  }
0x18a: {  	s3 =	sld [smem:$0x7F6];
	[sflag:s24] =	ssyncadd.s32 $0xFFFFC000  }
0x18b: {  	[spmem:s16] =	stream.indirect.scatter.add.f32 [tilespmem:s25], [sflag:$0x3], $0x10, s12, s28, $0xb8;
	[tilespmem:$0x1F490] =	vst v63  }
0x18c: {  	_ = 	snop  }
0x18d: {  	[tilespmem:s26], [sflag:$0x4] =	stream.linear.gather [hbm4b:s3+s26], $0x680, $0x38;
	[tilespmem:$0x1F490] =	vst v63  }
0x18e: {  	_ =	swait.ge [sflag:s24], $0x680  }
0x18f: {  	s3 =	sld [smem:$0x7F7]  }
0x190: {  	[sflag:s24] =	ssyncset.done $0x0  }
0x191: {  	[sflag:s24] =	ssyncadd.s32 $0xFFFFF980  }
0x192: {  	[tilespmem:s1], [sflag:$0x4] =	stream.linear.gather [hbm4b:s3+s26], $0x680, $0x38;
	[tilespmem:$0x1F490] =	vst v63  }
0x193: {  	_ =	swait.ge [sflag:s24], $0x680  }
0x194: {  	[sflag:s24] =	ssyncset.done $0x0  }
0x195: {  	[sflag:s24] =	ssyncadd.s32 $0xFFFFF980  }
0x196: {  	[tilespmem:s29], [sflag:$0x1] =	stream.indirect.gather [hbm4b:s11+s28], $0x80, s26, s28, $0xb8;
	[tilespmem:$0x1F490] =	vst v63  }
0x197: {  	_ = 	snop  }
0x198: {  	[tilespmem:s30], [sflag:$0x2] =	stream.indirect.gather [hbm4b:s11+s28], $0x80, s28, s28, $0xb8;
	[tilespmem:$0x1F490] =	vst v63  }
0x199: {  	_ =	swait.ge [sflag:s31], $0x4000  }
0x19a: {  	[sflag:s31] =	ssyncset.done $0x0  }
0x19b: {  	[sflag:s31] =	ssyncadd.s32 $0xFFFFC000  }
0x19c: {  	[spmem:s13] =	stream.indirect.scatter.add.f32 [tilespmem:s29], [sflag:$0x4], $0x80, s1, s28, $0xb8;
	[tilespmem:$0x1F490] =	vst v63  }
0x19d: {  	_ =	swait.ge [sflag:s24], $0x4000  }
0x19e: {  	[sflag:s24] =	ssyncset.done $0x0  }
0x19f: {  	[sflag:s24] =	ssyncadd.s32 $0xFFFFC000  }
0x1a0: {  	[spmem:s16] =	stream.indirect.scatter.add.f32 [tilespmem:s25], [sflag:$0x3], $0x10, s1, s28, $0xb8;
	[tilespmem:$0x1F490] =	vst v63  }
0x1a1: {  	_ = 	snop  }
0x1a2: {  	[tilespmem:s29], [sflag:$0x1] =	stream.indirect.gather [hbm4b:s11+s28], $0x80, s5, s28, $0xb8;
	[tilespmem:$0x1F490] =	vst v63  }
0x1a3: {  	_ =	swait.ge [sflag:s0], $0x4000  }
0x1a4: {  	[sflag:s0] =	ssyncset.done $0x0  }
0x1a5: {  	[sflag:s0] =	ssyncadd.s32 $0xFFFFC000  }
0x1a6: {  	[spmem:s13] =	stream.indirect.scatter.add.f32 [tilespmem:s30], [sflag:$0x4], $0x80, s10, s28, $0xb8;
	[tilespmem:$0x1F490] =	vst v63  }
0x1a7: {  	_ =	swait.ge [sflag:s24], $0x4000  }
0x1a8: {  	[sflag:s24] =	ssyncset.done $0x0  }
0x1a9: {  	[sflag:s24] =	ssyncadd.s32 $0xFFFFC000  }
0x1aa: {  	[spmem:s16] =	stream.indirect.scatter.add.f32 [tilespmem:s25], [sflag:$0x3], $0x10, s10, s28, $0xb8;
	[tilespmem:$0x1F490] =	vst v63  }
0x1ab: {  	_ = 	snop  }
0x1ac: {  	[tilespmem:s30], [sflag:$0x2] =	stream.indirect.gather [hbm4b:s11+s28], $0x80, s2, s28, $0xb8;
	[tilespmem:$0x1F490] =	vst v63  }
0x1ad: {  	_ =	swait.ge [sflag:s31], $0x4000  }
0x1ae: {  	[sflag:s31] =	ssyncset.done $0x0  }
0x1af: {  	[sflag:s31] =	ssyncadd.s32 $0xFFFFC000  }
0x1b0: {  	[spmem:s13] =	stream.indirect.scatter.add.f32 [tilespmem:s29], [sflag:$0x4], $0x80, s7, s28, $0xb8;
	[tilespmem:$0x1F490] =	vst v63  }
0x1b1: {  	_ =	swait.ge [sflag:s24], $0x4000  }
0x1b2: {  	[sflag:s24] =	ssyncset.done $0x0  }
0x1b3: {  	[sflag:s24] =	ssyncadd.s32 $0xFFFFC000  }
0x1b4: {  	[spmem:s16] =	stream.indirect.scatter.add.f32 [tilespmem:s25], [sflag:$0x3], $0x10, s7, s28, $0xb8;
	[tilespmem:$0x1F490] =	vst v63  }
0x1b5: {  	s3 =	simm.s32 $0x200  }
0x1b6: {  	[tilespmem:s29], [sflag:$0x1] =	stream.indirect.gather [hbm4b:s11+s28], $0x80, s3, s28, $0xb8;
	[tilespmem:$0x1F490] =	vst v63  }
0x1b7: {  	_ =	swait.ge [sflag:s0], $0x4000  }
0x1b8: {  	[sflag:s0] =	ssyncset.done $0x0  }
0x1b9: {  	[sflag:s0] =	ssyncadd.s32 $0xFFFFC000  }
0x1ba: {  	[spmem:s13] =	stream.indirect.scatter.add.f32 [tilespmem:s30], [sflag:$0x4], $0x80, s9, s28, $0xb8;
	[tilespmem:$0x1F490] =	vst v63  }
0x1bb: {  	_ =	swait.ge [sflag:s24], $0x4000  }
0x1bc: {  	[sflag:s24] =	ssyncset.done $0x0  }
0x1bd: {  	[sflag:s24] =	ssyncadd.s32 $0xFFFFC000  }
0x1be: {  	[spmem:s16] =	stream.indirect.scatter.add.f32 [tilespmem:s25], [sflag:$0x3], $0x10, s9, s28, $0xb8;
	[tilespmem:$0x1F490] =	vst v63  }
0x1bf: {  	s3 =	simm.s32 $0x280  }
0x1c0: {  	[tilespmem:s30], [sflag:$0x2] =	stream.indirect.gather [hbm4b:s11+s28], $0x80, s3, s28, $0xb8;
	[tilespmem:$0x1F490] =	vst v63  }
0x1c1: {  	_ =	swait.ge [sflag:s31], $0x4000  }
0x1c2: {  	[sflag:s31] =	ssyncset.done $0x0  }
0x1c3: {  	[sflag:s31] =	ssyncadd.s32 $0xFFFFC000  }
0x1c4: {  	[spmem:s13] =	stream.indirect.scatter.add.f32 [tilespmem:s29], [sflag:$0x4], $0x80, s14, s28, $0xb8;
	[tilespmem:$0x1F490] =	vst v63  }
0x1c5: {  	_ =	swait.ge [sflag:s24], $0x4000  }
0x1c6: {  	[sflag:s24] =	ssyncset.done $0x0  }
0x1c7: {  	[sflag:s24] =	ssyncadd.s32 $0xFFFFC000  }
0x1c8: {  	[spmem:s16] =	stream.indirect.scatter.add.f32 [tilespmem:s25], [sflag:$0x3], $0x10, s14, s28, $0xb8;
	[tilespmem:$0x1F490] =	vst v63  }
0x1c9: {  	s18 =	simm.s32 $0x300  }
0x1ca: {  	[tilespmem:s29], [sflag:$0x1] =	stream.indirect.gather [hbm4b:s11+s28], $0x80, s18, s28, $0xb8;
	[tilespmem:$0x1F490] =	vst v63  }
0x1cb: {  	_ =	swait.ge [sflag:s0], $0x4000  }
0x1cc: {  	[sflag:s0] =	ssyncset.done $0x0  }
0x1cd: {  	[sflag:s0] =	ssyncadd.s32 $0xFFFFC000  }
0x1ce: {  	[spmem:s13] =	stream.indirect.scatter.add.f32 [tilespmem:s30], [sflag:$0x4], $0x80, s20, s28, $0xb8;
	[tilespmem:$0x1F490] =	vst v63  }
0x1cf: {  	_ =	swait.ge [sflag:s24], $0x4000  }
0x1d0: {  	[sflag:s24] =	ssyncset.done $0x0  }
0x1d1: {  	[sflag:s24] =	ssyncadd.s32 $0xFFFFC000  }
0x1d2: {  	[spmem:s16] =	stream.indirect.scatter.add.f32 [tilespmem:s25], [sflag:$0x3], $0x10, s20, s28, $0xb8;
	[tilespmem:$0x1F490] =	vst v63  }
0x1d3: {  	s19 =	simm.s32 $0x380  }
0x1d4: {  	[tilespmem:s30], [sflag:$0x2] =	stream.indirect.gather [hbm4b:s11+s28], $0x80, s19, s28, $0xb8;
	[tilespmem:$0x1F490] =	vst v63  }
0x1d5: {  	_ =	swait.ge [sflag:s31], $0x4000  }
0x1d6: {  	[sflag:s31] =	ssyncset.done $0x0  }
0x1d7: {  	[sflag:s31] =	ssyncadd.s32 $0xFFFFC000  }
0x1d8: {  	[spmem:s13] =	stream.indirect.scatter.add.f32 [tilespmem:s29], [sflag:$0x4], $0x80, s22, s28, $0xb8;
	[tilespmem:$0x1F490] =	vst v63  }
0x1d9: {  	_ =	swait.ge [sflag:s24], $0x4000  }
0x1da: {  	[sflag:s24] =	ssyncset.done $0x0  }
0x1db: {  	[sflag:s24] =	ssyncadd.s32 $0xFFFFC000  }
0x1dc: {  	[spmem:s16] =	stream.indirect.scatter.add.f32 [tilespmem:s25], [sflag:$0x3], $0x10, s22, s28, $0xb8;
	[tilespmem:$0x1F490] =	vst v63  }
0x1dd: {  	s3 =	simm.s32 $0x400  }
0x1de: {  	[tilespmem:s29], [sflag:$0x1] =	stream.indirect.gather [hbm4b:s11+s28], $0x80, s3, s28, $0xb8;
	[tilespmem:$0x1F490] =	vst v63  }
0x1df: {  	_ =	swait.ge [sflag:s0], $0x4000  }
0x1e0: {  	[sflag:s0] =	ssyncset.done $0x0  }
0x1e1: {  	[sflag:s0] =	ssyncadd.s32 $0xFFFFC000  }
0x1e2: {  	[spmem:s13] =	stream.indirect.scatter.add.f32 [tilespmem:s30], [sflag:$0x4], $0x80, s6, s28, $0xb8;
	[tilespmem:$0x1F490] =	vst v63  }
0x1e3: {  	_ =	swait.ge [sflag:s24], $0x4000  }
0x1e4: {  	[sflag:s24] =	ssyncset.done $0x0  }
0x1e5: {  	[sflag:s24] =	ssyncadd.s32 $0xFFFFC000  }
0x1e6: {  	[spmem:s16] =	stream.indirect.scatter.add.f32 [tilespmem:s25], [sflag:$0x3], $0x10, s6, s28, $0xb8;
	[tilespmem:$0x1F490] =	vst v63  }
0x1e7: {  	s3 =	simm.s32 $0x480  }
0x1e8: {  	[tilespmem:s30], [sflag:$0x2] =	stream.indirect.gather [hbm4b:s11+s28], $0x80, s3, s28, $0xb8;
	[tilespmem:$0x1F490] =	vst v63  }
0x1e9: {  	_ =	swait.ge [sflag:s31], $0x4000  }
0x1ea: {  	[sflag:s31] =	ssyncset.done $0x0  }
0x1eb: {  	[sflag:s31] =	ssyncadd.s32 $0xFFFFC000  }
0x1ec: {  	[spmem:s13] =	stream.indirect.scatter.add.f32 [tilespmem:s29], [sflag:$0x4], $0x80, s4, s28, $0xb8;
	[tilespmem:$0x1F490] =	vst v63  }
0x1ed: {  	_ =	swait.ge [sflag:s24], $0x4000  }
0x1ee: {  	[sflag:s24] =	ssyncset.done $0x0  }
0x1ef: {  	[sflag:s24] =	ssyncadd.s32 $0xFFFFC000  }
0x1f0: {  	[spmem:s16] =	stream.indirect.scatter.add.f32 [tilespmem:s25], [sflag:$0x3], $0x10, s4, s28, $0xb8;
	[tilespmem:$0x1F490] =	vst v63  }
0x1f1: {  	s3 =	simm.s32 $0x500  }
0x1f2: {  	[tilespmem:s29], [sflag:$0x1] =	stream.indirect.gather [hbm4b:s11+s28], $0x80, s3, s28, $0xb8;
	[tilespmem:$0x1F490] =	vst v63  }
0x1f3: {  	_ =	swait.ge [sflag:s0], $0x4000  }
0x1f4: {  	[sflag:s0] =	ssyncset.done $0x0  }
0x1f5: {  	[sflag:s0] =	ssyncadd.s32 $0xFFFFC000  }
0x1f6: {  	[spmem:s13] =	stream.indirect.scatter.add.f32 [tilespmem:s30], [sflag:$0x4], $0x80, s8, s28, $0xb8;
	[tilespmem:$0x1F490] =	vst v63  }
0x1f7: {  	_ =	swait.ge [sflag:s24], $0x4000  }
0x1f8: {  	[sflag:s24] =	ssyncset.done $0x0  }
0x1f9: {  	[sflag:s24] =	ssyncadd.s32 $0xFFFFC000  }
0x1fa: {  	[spmem:s16] =	stream.indirect.scatter.add.f32 [tilespmem:s25], [sflag:$0x3], $0x10, s8, s28, $0xb8;
	[tilespmem:$0x1F490] =	vst v63  }
0x1fb: {  	s3 =	simm.s32 $0x580  }
0x1fc: {  	[tilespmem:s30], [sflag:$0x2] =	stream.indirect.gather [hbm4b:s11+s28], $0x80, s3, s28, $0xb8;
	[tilespmem:$0x1F490] =	vst v63  }
0x1fd: {  	_ =	swait.ge [sflag:s31], $0x4000  }
0x1fe: {  	[sflag:s31] =	ssyncset.done $0x0  }
0x1ff: {  	[sflag:s31] =	ssyncadd.s32 $0xFFFFC000  }
0x200: {  	[spmem:s13] =	stream.indirect.scatter.add.f32 [tilespmem:s29], [sflag:$0x4], $0x80, s15, s28, $0xb8;
	[tilespmem:$0x1F490] =	vst v63  }
0x201: {  	_ =	swait.ge [sflag:s24], $0x4000  }
0x202: {  	[sflag:s24] =	ssyncset.done $0x0  }
0x203: {  	[sflag:s24] =	ssyncadd.s32 $0xFFFFC000  }
0x204: {  	[spmem:s16] =	stream.indirect.scatter.add.f32 [tilespmem:s25], [sflag:$0x3], $0x10, s15, s28, $0xb8;
	[tilespmem:$0x1F490] =	vst v63  }
0x205: {  	s3 =	simm.s32 $0x600  }
0x206: {  	[tilespmem:s29], [sflag:$0x1] =	stream.indirect.gather [hbm4b:s11+s28], $0x80, s3, s28, $0xb8;
	[tilespmem:$0x1F490] =	vst v63  }
0x207: {  	_ =	swait.ge [sflag:s0], $0x4000  }
0x208: {  	[sflag:s0] =	ssyncset.done $0x0  }
0x209: {  	[sflag:s0] =	ssyncadd.s32 $0xFFFFC000  }
0x20a: {  	[spmem:s13] =	stream.indirect.scatter.add.f32 [tilespmem:s30], [sflag:$0x4], $0x80, s21, s28, $0xb8;
	[tilespmem:$0x1F490] =	vst v63  }
0x20b: {  	_ =	swait.ge [sflag:s24], $0x4000  }
0x20c: {  	[sflag:s24] =	ssyncset.done $0x0  }
0x20d: {  	[sflag:s24] =	ssyncadd.s32 $0xFFFFC000  }
0x20e: {  	[spmem:s16] =	stream.indirect.scatter.add.f32 [tilespmem:s25], [sflag:$0x3], $0x10, s21, s28, $0xb8;
	[tilespmem:$0x1F490] =	vst v63  }
0x20f: {  	_ =	swait.ge [sflag:s31], $0x4000  }
0x210: {  	[sflag:s31] =	ssyncset.done $0x0  }
0x211: {  	[sflag:s31] =	ssyncadd.s32 $0xFFFFC000  }
0x212: {  	[spmem:s13] =	stream.indirect.scatter.add.f32 [tilespmem:s29], [sflag:$0x4], $0x80, s12, s28, $0xb8;
	[tilespmem:$0x1F490] =	vst v63  }
0x213: {  	_ =	swait.ge [sflag:s24], $0x4000  }
0x214: {  	[sflag:s24] =	ssyncset.done $0x0  }
0x215: {  	s3 =	sld [smem:$0x7F8];
	[sflag:s24] =	ssyncadd.s32 $0xFFFFC000  }
0x216: {  	[spmem:s16] =	stream.indirect.scatter.add.f32 [tilespmem:s25], [sflag:$0x3], $0x10, s12, s28, $0xb8;
	[tilespmem:$0x1F490] =	vst v63  }
0x217: {  	_ = 	snop  }
0x218: {  	[tilespmem:s26], [sflag:$0x4] =	stream.linear.gather [hbm4b:s3+s26], $0x680, $0x38;
	[tilespmem:$0x1F490] =	vst v63  }
0x219: {  	_ =	swait.ge [sflag:s24], $0x680  }
0x21a: {  	s3 =	sld [smem:$0x7F9]  }
0x21b: {  	[sflag:s24] =	ssyncset.done $0x0  }
0x21c: {  	[sflag:s24] =	ssyncadd.s32 $0xFFFFF980  }
0x21d: {  	[tilespmem:s1], [sflag:$0x4] =	stream.linear.gather [hbm4b:s3+s26], $0x680, $0x38;
	[tilespmem:$0x1F490] =	vst v63  }
0x21e: {  	_ =	swait.ge [sflag:s24], $0x680  }
0x21f: {  	[sflag:s24] =	ssyncset.done $0x0  }
0x220: {  	[sflag:s24] =	ssyncadd.s32 $0xFFFFF980  }
0x221: {  	[tilespmem:s29], [sflag:$0x1] =	stream.indirect.gather [hbm4b:s11+s28], $0x80, s26, s28, $0xb8;
	[tilespmem:$0x1F490] =	vst v63  }
0x222: {  	_ = 	snop  }
0x223: {  	[tilespmem:s30], [sflag:$0x2] =	stream.indirect.gather [hbm4b:s11+s28], $0x80, s28, s28, $0xb8;
	[tilespmem:$0x1F490] =	vst v63  }
0x224: {  	_ =	swait.ge [sflag:s31], $0x4000  }
0x225: {  	[sflag:s31] =	ssyncset.done $0x0  }
0x226: {  	[sflag:s31] =	ssyncadd.s32 $0xFFFFC000  }
0x227: {  	[spmem:s13] =	stream.indirect.scatter.add.f32 [tilespmem:s29], [sflag:$0x4], $0x80, s1, s28, $0xb8;
	[tilespmem:$0x1F490] =	vst v63  }
0x228: {  	_ =	swait.ge [sflag:s24], $0x4000  }
0x229: {  	[sflag:s24] =	ssyncset.done $0x0  }
0x22a: {  	[sflag:s24] =	ssyncadd.s32 $0xFFFFC000  }
0x22b: {  	[spmem:s16] =	stream.indirect.scatter.add.f32 [tilespmem:s25], [sflag:$0x3], $0x10, s1, s28, $0xb8;
	[tilespmem:$0x1F490] =	vst v63  }
0x22c: {  	s5 =	simm.s32 $0x100  }
0x22d: {  	[tilespmem:s29], [sflag:$0x1] =	stream.indirect.gather [hbm4b:s11+s28], $0x80, s5, s28, $0xb8;
	[tilespmem:$0x1F490] =	vst v63  }
0x22e: {  	_ =	swait.ge [sflag:s0], $0x4000  }
0x22f: {  	[sflag:s0] =	ssyncset.done $0x0  }
0x230: {  	[sflag:s0] =	ssyncadd.s32 $0xFFFFC000  }
0x231: {  	[spmem:s13] =	stream.indirect.scatter.add.f32 [tilespmem:s30], [sflag:$0x4], $0x80, s10, s28, $0xb8;
	[tilespmem:$0x1F490] =	vst v63  }
0x232: {  	_ =	swait.ge [sflag:s24], $0x4000  }
0x233: {  	[sflag:s24] =	ssyncset.done $0x0  }
0x234: {  	[sflag:s24] =	ssyncadd.s32 $0xFFFFC000  }
0x235: {  	[spmem:s16] =	stream.indirect.scatter.add.f32 [tilespmem:s25], [sflag:$0x3], $0x10, s10, s28, $0xb8;
	[tilespmem:$0x1F490] =	vst v63  }
0x236: {  	s2 =	simm.s32 $0x180  }
0x237: {  	[tilespmem:s30], [sflag:$0x2] =	stream.indirect.gather [hbm4b:s11+s28], $0x80, s2, s28, $0xb8;
	[tilespmem:$0x1F490] =	vst v63  }
0x238: {  	_ =	swait.ge [sflag:s31], $0x4000  }
0x239: {  	[sflag:s31] =	ssyncset.done $0x0  }
0x23a: {  	[sflag:s31] =	ssyncadd.s32 $0xFFFFC000  }
0x23b: {  	[spmem:s13] =	stream.indirect.scatter.add.f32 [tilespmem:s29], [sflag:$0x4], $0x80, s7, s28, $0xb8;
	[tilespmem:$0x1F490] =	vst v63  }
0x23c: {  	_ =	swait.ge [sflag:s24], $0x4000  }
0x23d: {  	[sflag:s24] =	ssyncset.done $0x0  }
0x23e: {  	[sflag:s24] =	ssyncadd.s32 $0xFFFFC000  }
0x23f: {  	[spmem:s16] =	stream.indirect.scatter.add.f32 [tilespmem:s25], [sflag:$0x3], $0x10, s7, s28, $0xb8;
	[tilespmem:$0x1F490] =	vst v63  }
0x240: {  	s3 =	simm.s32 $0x200  }
0x241: {  	[tilespmem:s29], [sflag:$0x1] =	stream.indirect.gather [hbm4b:s11+s28], $0x80, s3, s28, $0xb8;
	[tilespmem:$0x1F490] =	vst v63  }
0x242: {  	_ =	swait.ge [sflag:s0], $0x4000  }
0x243: {  	[sflag:s0] =	ssyncset.done $0x0  }
0x244: {  	[sflag:s0] =	ssyncadd.s32 $0xFFFFC000  }
0x245: {  	[spmem:s13] =	stream.indirect.scatter.add.f32 [tilespmem:s30], [sflag:$0x4], $0x80, s9, s28, $0xb8;
	[tilespmem:$0x1F490] =	vst v63  }
0x246: {  	_ =	swait.ge [sflag:s24], $0x4000  }
0x247: {  	[sflag:s24] =	ssyncset.done $0x0  }
0x248: {  	[sflag:s24] =	ssyncadd.s32 $0xFFFFC000  }
0x249: {  	[spmem:s16] =	stream.indirect.scatter.add.f32 [tilespmem:s25], [sflag:$0x3], $0x10, s9, s28, $0xb8;
	[tilespmem:$0x1F490] =	vst v63  }
0x24a: {  	s3 =	simm.s32 $0x280  }
0x24b: {  	[tilespmem:s30], [sflag:$0x2] =	stream.indirect.gather [hbm4b:s11+s28], $0x80, s3, s28, $0xb8;
	[tilespmem:$0x1F490] =	vst v63  }
0x24c: {  	_ =	swait.ge [sflag:s31], $0x4000  }
0x24d: {  	[sflag:s31] =	ssyncset.done $0x0  }
0x24e: {  	[sflag:s31] =	ssyncadd.s32 $0xFFFFC000  }
0x24f: {  	[spmem:s13] =	stream.indirect.scatter.add.f32 [tilespmem:s29], [sflag:$0x4], $0x80, s14, s28, $0xb8;
	[tilespmem:$0x1F490] =	vst v63  }
0x250: {  	_ =	swait.ge [sflag:s24], $0x4000  }
0x251: {  	[sflag:s24] =	ssyncset.done $0x0  }
0x252: {  	[sflag:s24] =	ssyncadd.s32 $0xFFFFC000  }
0x253: {  	[spmem:s16] =	stream.indirect.scatter.add.f32 [tilespmem:s25], [sflag:$0x3], $0x10, s14, s28, $0xb8;
	[tilespmem:$0x1F490] =	vst v63  }
0x254: {  	s18 =	simm.s32 $0x300  }
0x255: {  	[tilespmem:s29], [sflag:$0x1] =	stream.indirect.gather [hbm4b:s11+s28], $0x80, s18, s28, $0xb8;
	[tilespmem:$0x1F490] =	vst v63  }
0x256: {  	_ =	swait.ge [sflag:s0], $0x4000  }
0x257: {  	[sflag:s0] =	ssyncset.done $0x0  }
0x258: {  	[sflag:s0] =	ssyncadd.s32 $0xFFFFC000  }
0x259: {  	[spmem:s13] =	stream.indirect.scatter.add.f32 [tilespmem:s30], [sflag:$0x4], $0x80, s20, s28, $0xb8;
	[tilespmem:$0x1F490] =	vst v63  }
0x25a: {  	_ =	swait.ge [sflag:s24], $0x4000  }
0x25b: {  	[sflag:s24] =	ssyncset.done $0x0  }
0x25c: {  	[sflag:s24] =	ssyncadd.s32 $0xFFFFC000  }
0x25d: {  	[spmem:s16] =	stream.indirect.scatter.add.f32 [tilespmem:s25], [sflag:$0x3], $0x10, s20, s28, $0xb8;
	[tilespmem:$0x1F490] =	vst v63  }
0x25e: {  	s19 =	simm.s32 $0x380  }
0x25f: {  	[tilespmem:s30], [sflag:$0x2] =	stream.indirect.gather [hbm4b:s11+s28], $0x80, s19, s28, $0xb8;
	[tilespmem:$0x1F490] =	vst v63  }
0x260: {  	_ =	swait.ge [sflag:s31], $0x4000  }
0x261: {  	[sflag:s31] =	ssyncset.done $0x0  }
0x262: {  	[sflag:s31] =	ssyncadd.s32 $0xFFFFC000  }
0x263: {  	[spmem:s13] =	stream.indirect.scatter.add.f32 [tilespmem:s29], [sflag:$0x4], $0x80, s22, s28, $0xb8;
	[tilespmem:$0x1F490] =	vst v63  }
0x264: {  	_ =	swait.ge [sflag:s24], $0x4000  }
0x265: {  	[sflag:s24] =	ssyncset.done $0x0  }
0x266: {  	[sflag:s24] =	ssyncadd.s32 $0xFFFFC000  }
0x267: {  	[spmem:s16] =	stream.indirect.scatter.add.f32 [tilespmem:s25], [sflag:$0x3], $0x10, s22, s28, $0xb8;
	[tilespmem:$0x1F490] =	vst v63  }
0x268: {  	s3 =	simm.s32 $0x400  }
0x269: {  	[tilespmem:s29], [sflag:$0x1] =	stream.indirect.gather [hbm4b:s11+s28], $0x80, s3, s28, $0xb8;
	[tilespmem:$0x1F490] =	vst v63  }
0x26a: {  	_ =	swait.ge [sflag:s0], $0x4000  }
0x26b: {  	[sflag:s0] =	ssyncset.done $0x0  }
0x26c: {  	[sflag:s0] =	ssyncadd.s32 $0xFFFFC000  }
0x26d: {  	[spmem:s13] =	stream.indirect.scatter.add.f32 [tilespmem:s30], [sflag:$0x4], $0x80, s6, s28, $0xb8;
	[tilespmem:$0x1F490] =	vst v63  }
0x26e: {  	_ =	swait.ge [sflag:s24], $0x4000  }
0x26f: {  	[sflag:s24] =	ssyncset.done $0x0  }
0x270: {  	[sflag:s24] =	ssyncadd.s32 $0xFFFFC000  }
0x271: {  	[spmem:s16] =	stream.indirect.scatter.add.f32 [tilespmem:s25], [sflag:$0x3], $0x10, s6, s28, $0xb8;
	[tilespmem:$0x1F490] =	vst v63  }
0x272: {  	s18 =	simm.s32 $0x480  }
0x273: {  	[tilespmem:s30], [sflag:$0x2] =	stream.indirect.gather [hbm4b:s11+s28], $0x80, s18, s28, $0xb8;
	[tilespmem:$0x1F490] =	vst v63  }
0x274: {  	_ =	swait.ge [sflag:s31], $0x4000  }
0x275: {  	[sflag:s31] =	ssyncset.done $0x0  }
0x276: {  	[sflag:s31] =	ssyncadd.s32 $0xFFFFC000  }
0x277: {  	[spmem:s13] =	stream.indirect.scatter.add.f32 [tilespmem:s29], [sflag:$0x4], $0x80, s4, s28, $0xb8;
	[tilespmem:$0x1F490] =	vst v63  }
0x278: {  	_ =	swait.ge [sflag:s24], $0x4000  }
0x279: {  	[sflag:s24] =	ssyncset.done $0x0  }
0x27a: {  	[sflag:s24] =	ssyncadd.s32 $0xFFFFC000  }
0x27b: {  	[spmem:s16] =	stream.indirect.scatter.add.f32 [tilespmem:s25], [sflag:$0x3], $0x10, s4, s28, $0xb8;
	[tilespmem:$0x1F490] =	vst v63  }
0x27c: {  	s19 =	simm.s32 $0x500  }
0x27d: {  	[tilespmem:s29], [sflag:$0x1] =	stream.indirect.gather [hbm4b:s11+s28], $0x80, s19, s28, $0xb8;
	[tilespmem:$0x1F490] =	vst v63  }
0x27e: {  	_ =	swait.ge [sflag:s0], $0x4000  }
0x27f: {  	[sflag:s0] =	ssyncset.done $0x0  }
0x280: {  	[sflag:s0] =	ssyncadd.s32 $0xFFFFC000  }
0x281: {  	[spmem:s13] =	stream.indirect.scatter.add.f32 [tilespmem:s30], [sflag:$0x4], $0x80, s8, s28, $0xb8;
	[tilespmem:$0x1F490] =	vst v63  }
0x282: {  	_ =	swait.ge [sflag:s24], $0x4000  }
0x283: {  	[sflag:s24] =	ssyncset.done $0x0  }
0x284: {  	[sflag:s24] =	ssyncadd.s32 $0xFFFFC000  }
0x285: {  	[spmem:s16] =	stream.indirect.scatter.add.f32 [tilespmem:s25], [sflag:$0x3], $0x10, s8, s28, $0xb8;
	[tilespmem:$0x1F490] =	vst v63  }
0x286: {  	s3 =	simm.s32 $0x580  }
0x287: {  	[tilespmem:s30], [sflag:$0x2] =	stream.indirect.gather [hbm4b:s11+s28], $0x80, s3, s28, $0xb8;
	[tilespmem:$0x1F490] =	vst v63  }
0x288: {  	_ =	swait.ge [sflag:s31], $0x4000  }
0x289: {  	[sflag:s31] =	ssyncset.done $0x0  }
0x28a: {  	[sflag:s31] =	ssyncadd.s32 $0xFFFFC000  }
0x28b: {  	[spmem:s13] =	stream.indirect.scatter.add.f32 [tilespmem:s29], [sflag:$0x4], $0x80, s15, s28, $0xb8;
	[tilespmem:$0x1F490] =	vst v63  }
0x28c: {  	_ =	swait.ge [sflag:s24], $0x4000  }
0x28d: {  	[sflag:s24] =	ssyncset.done $0x0  }
0x28e: {  	[sflag:s24] =	ssyncadd.s32 $0xFFFFC000  }
0x28f: {  	[spmem:s16] =	stream.indirect.scatter.add.f32 [tilespmem:s25], [sflag:$0x3], $0x10, s15, s28, $0xb8;
	[tilespmem:$0x1F490] =	vst v63  }
0x290: {  	s18 =	simm.s32 $0x600  }
0x291: {  	[tilespmem:s29], [sflag:$0x1] =	stream.indirect.gather [hbm4b:s11+s28], $0x80, s18, s28, $0xb8;
	[tilespmem:$0x1F490] =	vst v63  }
0x292: {  	_ =	swait.ge [sflag:s0], $0x4000  }
0x293: {  	[sflag:s0] =	ssyncset.done $0x0  }
0x294: {  	[sflag:s0] =	ssyncadd.s32 $0xFFFFC000  }
0x295: {  	[spmem:s13] =	stream.indirect.scatter.add.f32 [tilespmem:s30], [sflag:$0x4], $0x80, s21, s28, $0xb8;
	[tilespmem:$0x1F490] =	vst v63  }
0x296: {  	_ =	swait.ge [sflag:s24], $0x4000  }
0x297: {  	[sflag:s24] =	ssyncset.done $0x0  }
0x298: {  	[sflag:s24] =	ssyncadd.s32 $0xFFFFC000  }
0x299: {  	[spmem:s16] =	stream.indirect.scatter.add.f32 [tilespmem:s25], [sflag:$0x3], $0x10, s21, s28, $0xb8;
	[tilespmem:$0x1F490] =	vst v63  }
0x29a: {  	_ =	swait.ge [sflag:s31], $0x4000  }
0x29b: {  	[sflag:s31] =	ssyncset.done $0x0  }
0x29c: {  	[sflag:s31] =	ssyncadd.s32 $0xFFFFC000  }
0x29d: {  	[spmem:s13] =	stream.indirect.scatter.add.f32 [tilespmem:s29], [sflag:$0x4], $0x80, s12, s28, $0xb8;
	[tilespmem:$0x1F490] =	vst v63  }
0x29e: {  	_ =	swait.ge [sflag:s24], $0x4000  }
0x29f: {  	[sflag:s24] =	ssyncset.done $0x0  }
0x2a0: {  	s19 =	sld [smem:$0x7FA];
	[sflag:s24] =	ssyncadd.s32 $0xFFFFC000  }
0x2a1: {  	[spmem:s16] =	stream.indirect.scatter.add.f32 [tilespmem:s25], [sflag:$0x3], $0x10, s12, s28, $0xb8;
	[tilespmem:$0x1F490] =	vst v63  }
0x2a2: {  	_ = 	snop  }
0x2a3: {  	[tilespmem:s26], [sflag:$0x4] =	stream.linear.gather [hbm4b:s19+s26], $0x680, $0x38;
	[tilespmem:$0x1F490] =	vst v63  }
0x2a4: {  	_ =	swait.ge [sflag:s24], $0x680  }
0x2a5: {  	s2 =	sld [smem:$0x7FB]  }
0x2a6: {  	[sflag:s24] =	ssyncset.done $0x0  }
0x2a7: {  	[sflag:s24] =	ssyncadd.s32 $0xFFFFF980  }
0x2a8: {  	[tilespmem:s1], [sflag:$0x4] =	stream.linear.gather [hbm4b:s2+s26], $0x680, $0x38;
	[tilespmem:$0x1F490] =	vst v63  }
0x2a9: {  	_ =	swait.ge [sflag:s24], $0x680  }
0x2aa: {  	[sflag:s24] =	ssyncset.done $0x0  }
0x2ab: {  	[sflag:s24] =	ssyncadd.s32 $0xFFFFF980  }
0x2ac: {  	[tilespmem:s29], [sflag:$0x1] =	stream.indirect.gather [hbm4b:s11+s28], $0x80, s26, s28, $0xb8;
	[tilespmem:$0x1F490] =	vst v63  }
0x2ad: {  	_ = 	snop  }
0x2ae: {  	[tilespmem:s30], [sflag:$0x2] =	stream.indirect.gather [hbm4b:s11+s28], $0x80, s28, s28, $0xb8;
	[tilespmem:$0x1F490] =	vst v63  }
0x2af: {  	_ =	swait.ge [sflag:s31], $0x4000  }
0x2b0: {  	[sflag:s31] =	ssyncset.done $0x0  }
0x2b1: {  	[sflag:s31] =	ssyncadd.s32 $0xFFFFC000  }
0x2b2: {  	[spmem:s13] =	stream.indirect.scatter.add.f32 [tilespmem:s29], [sflag:$0x4], $0x80, s1, s28, $0xb8;
	[tilespmem:$0x1F490] =	vst v63  }
0x2b3: {  	_ =	swait.ge [sflag:s24], $0x4000  }
0x2b4: {  	[sflag:s24] =	ssyncset.done $0x0  }
0x2b5: {  	[sflag:s24] =	ssyncadd.s32 $0xFFFFC000  }
0x2b6: {  	[spmem:s16] =	stream.indirect.scatter.add.f32 [tilespmem:s25], [sflag:$0x3], $0x10, s1, s28, $0xb8;
	[tilespmem:$0x1F490] =	vst v63  }
0x2b7: {  	s5 =	simm.s32 $0x100  }
0x2b8: {  	[tilespmem:s29], [sflag:$0x1] =	stream.indirect.gather [hbm4b:s11+s28], $0x80, s5, s28, $0xb8;
	[tilespmem:$0x1F490] =	vst v63  }
0x2b9: {  	_ =	swait.ge [sflag:s0], $0x4000  }
0x2ba: {  	[sflag:s0] =	ssyncset.done $0x0  }
0x2bb: {  	[sflag:s0] =	ssyncadd.s32 $0xFFFFC000  }
0x2bc: {  	[spmem:s13] =	stream.indirect.scatter.add.f32 [tilespmem:s30], [sflag:$0x4], $0x80, s10, s28, $0xb8;
	[tilespmem:$0x1F490] =	vst v63  }
0x2bd: {  	_ =	swait.ge [sflag:s24], $0x4000  }
0x2be: {  	[sflag:s24] =	ssyncset.done $0x0  }
0x2bf: {  	[sflag:s24] =	ssyncadd.s32 $0xFFFFC000  }
0x2c0: {  	[spmem:s16] =	stream.indirect.scatter.add.f32 [tilespmem:s25], [sflag:$0x3], $0x10, s10, s28, $0xb8;
	[tilespmem:$0x1F490] =	vst v63  }
0x2c1: {  	s18 =	simm.s32 $0x180  }
0x2c2: {  	[tilespmem:s30], [sflag:$0x2] =	stream.indirect.gather [hbm4b:s11+s28], $0x80, s18, s28, $0xb8;
	[tilespmem:$0x1F490] =	vst v63  }
0x2c3: {  	_ =	swait.ge [sflag:s31], $0x4000  }
0x2c4: {  	[sflag:s31] =	ssyncset.done $0x0  }
0x2c5: {  	[sflag:s31] =	ssyncadd.s32 $0xFFFFC000  }
0x2c6: {  	[spmem:s13] =	stream.indirect.scatter.add.f32 [tilespmem:s29], [sflag:$0x4], $0x80, s7, s28, $0xb8;
	[tilespmem:$0x1F490] =	vst v63  }
0x2c7: {  	_ =	swait.ge [sflag:s24], $0x4000  }
0x2c8: {  	[sflag:s24] =	ssyncset.done $0x0  }
0x2c9: {  	[sflag:s24] =	ssyncadd.s32 $0xFFFFC000  }
0x2ca: {  	[spmem:s16] =	stream.indirect.scatter.add.f32 [tilespmem:s25], [sflag:$0x3], $0x10, s7, s28, $0xb8;
	[tilespmem:$0x1F490] =	vst v63  }
0x2cb: {  	s19 =	simm.s32 $0x200  }
0x2cc: {  	[tilespmem:s29], [sflag:$0x1] =	stream.indirect.gather [hbm4b:s11+s28], $0x80, s19, s28, $0xb8;
	[tilespmem:$0x1F490] =	vst v63  }
0x2cd: {  	_ =	swait.ge [sflag:s0], $0x4000  }
0x2ce: {  	[sflag:s0] =	ssyncset.done $0x0  }
0x2cf: {  	[sflag:s0] =	ssyncadd.s32 $0xFFFFC000  }
0x2d0: {  	[spmem:s13] =	stream.indirect.scatter.add.f32 [tilespmem:s30], [sflag:$0x4], $0x80, s9, s28, $0xb8;
	[tilespmem:$0x1F490] =	vst v63  }
0x2d1: {  	_ =	swait.ge [sflag:s24], $0x4000  }
0x2d2: {  	[sflag:s24] =	ssyncset.done $0x0  }
0x2d3: {  	[sflag:s24] =	ssyncadd.s32 $0xFFFFC000  }
0x2d4: {  	[spmem:s16] =	stream.indirect.scatter.add.f32 [tilespmem:s25], [sflag:$0x3], $0x10, s9, s28, $0xb8;
	[tilespmem:$0x1F490] =	vst v63  }
0x2d5: {  	s18 =	simm.s32 $0x280  }
0x2d6: {  	[tilespmem:s30], [sflag:$0x2] =	stream.indirect.gather [hbm4b:s11+s28], $0x80, s18, s28, $0xb8;
	[tilespmem:$0x1F490] =	vst v63  }
0x2d7: {  	_ =	swait.ge [sflag:s31], $0x4000  }
0x2d8: {  	[sflag:s31] =	ssyncset.done $0x0  }
0x2d9: {  	[sflag:s31] =	ssyncadd.s32 $0xFFFFC000  }
0x2da: {  	[spmem:s13] =	stream.indirect.scatter.add.f32 [tilespmem:s29], [sflag:$0x4], $0x80, s14, s28, $0xb8;
	[tilespmem:$0x1F490] =	vst v63  }
0x2db: {  	_ =	swait.ge [sflag:s24], $0x4000  }
0x2dc: {  	[sflag:s24] =	ssyncset.done $0x0  }
0x2dd: {  	[sflag:s24] =	ssyncadd.s32 $0xFFFFC000  }
0x2de: {  	[spmem:s16] =	stream.indirect.scatter.add.f32 [tilespmem:s25], [sflag:$0x3], $0x10, s14, s28, $0xb8;
	[tilespmem:$0x1F490] =	vst v63  }
0x2df: {  	s19 =	simm.s32 $0x300  }
0x2e0: {  	[tilespmem:s29], [sflag:$0x1] =	stream.indirect.gather [hbm4b:s11+s28], $0x80, s19, s28, $0xb8;
	[tilespmem:$0x1F490] =	vst v63  }
0x2e1: {  	_ =	swait.ge [sflag:s0], $0x4000  }
0x2e2: {  	[sflag:s0] =	ssyncset.done $0x0  }
0x2e3: {  	[sflag:s0] =	ssyncadd.s32 $0xFFFFC000  }
0x2e4: {  	[spmem:s13] =	stream.indirect.scatter.add.f32 [tilespmem:s30], [sflag:$0x4], $0x80, s20, s28, $0xb8;
	[tilespmem:$0x1F490] =	vst v63  }
0x2e5: {  	_ =	swait.ge [sflag:s24], $0x4000  }
0x2e6: {  	[sflag:s24] =	ssyncset.done $0x0  }
0x2e7: {  	[sflag:s24] =	ssyncadd.s32 $0xFFFFC000  }
0x2e8: {  	[spmem:s16] =	stream.indirect.scatter.add.f32 [tilespmem:s25], [sflag:$0x3], $0x10, s20, s28, $0xb8;
	[tilespmem:$0x1F490] =	vst v63  }
0x2e9: {  	s3 =	simm.s32 $0x380  }
0x2ea: {  	[tilespmem:s30], [sflag:$0x2] =	stream.indirect.gather [hbm4b:s11+s28], $0x80, s3, s28, $0xb8;
	[tilespmem:$0x1F490] =	vst v63  }
0x2eb: {  	_ =	swait.ge [sflag:s31], $0x4000  }
0x2ec: {  	[sflag:s31] =	ssyncset.done $0x0  }
0x2ed: {  	[sflag:s31] =	ssyncadd.s32 $0xFFFFC000  }
0x2ee: {  	[spmem:s13] =	stream.indirect.scatter.add.f32 [tilespmem:s29], [sflag:$0x4], $0x80, s22, s28, $0xb8;
	[tilespmem:$0x1F490] =	vst v63  }
0x2ef: {  	_ =	swait.ge [sflag:s24], $0x4000  }
0x2f0: {  	[sflag:s24] =	ssyncset.done $0x0  }
0x2f1: {  	[sflag:s24] =	ssyncadd.s32 $0xFFFFC000  }
0x2f2: {  	[spmem:s16] =	stream.indirect.scatter.add.f32 [tilespmem:s25], [sflag:$0x3], $0x10, s22, s28, $0xb8;
	[tilespmem:$0x1F490] =	vst v63  }
0x2f3: {  	s3 =	simm.s32 $0x400  }
0x2f4: {  	[tilespmem:s29], [sflag:$0x1] =	stream.indirect.gather [hbm4b:s11+s28], $0x80, s3, s28, $0xb8;
	[tilespmem:$0x1F490] =	vst v63  }
0x2f5: {  	_ =	swait.ge [sflag:s0], $0x4000  }
0x2f6: {  	[sflag:s0] =	ssyncset.done $0x0  }
0x2f7: {  	[sflag:s0] =	ssyncadd.s32 $0xFFFFC000  }
0x2f8: {  	[spmem:s13] =	stream.indirect.scatter.add.f32 [tilespmem:s30], [sflag:$0x4], $0x80, s6, s28, $0xb8;
	[tilespmem:$0x1F490] =	vst v63  }
0x2f9: {  	_ =	swait.ge [sflag:s24], $0x4000  }
0x2fa: {  	[sflag:s24] =	ssyncset.done $0x0  }
0x2fb: {  	[sflag:s24] =	ssyncadd.s32 $0xFFFFC000  }
0x2fc: {  	[spmem:s16] =	stream.indirect.scatter.add.f32 [tilespmem:s25], [sflag:$0x3], $0x10, s6, s28, $0xb8;
	[tilespmem:$0x1F490] =	vst v63  }
0x2fd: {  	s3 =	simm.s32 $0x480  }
0x2fe: {  	[tilespmem:s30], [sflag:$0x2] =	stream.indirect.gather [hbm4b:s11+s28], $0x80, s3, s28, $0xb8;
	[tilespmem:$0x1F490] =	vst v63  }
0x2ff: {  	_ =	swait.ge [sflag:s31], $0x4000  }
0x300: {  	[sflag:s31] =	ssyncset.done $0x0  }
0x301: {  	[sflag:s31] =	ssyncadd.s32 $0xFFFFC000  }
0x302: {  	[spmem:s13] =	stream.indirect.scatter.add.f32 [tilespmem:s29], [sflag:$0x4], $0x80, s4, s28, $0xb8;
	[tilespmem:$0x1F490] =	vst v63  }
0x303: {  	_ =	swait.ge [sflag:s24], $0x4000  }
0x304: {  	[sflag:s24] =	ssyncset.done $0x0  }
0x305: {  	[sflag:s24] =	ssyncadd.s32 $0xFFFFC000  }
0x306: {  	[spmem:s16] =	stream.indirect.scatter.add.f32 [tilespmem:s25], [sflag:$0x3], $0x10, s4, s28, $0xb8;
	[tilespmem:$0x1F490] =	vst v63  }
0x307: {  	s3 =	simm.s32 $0x500  }
0x308: {  	[tilespmem:s29], [sflag:$0x1] =	stream.indirect.gather [hbm4b:s11+s28], $0x80, s3, s28, $0xb8;
	[tilespmem:$0x1F490] =	vst v63  }
0x309: {  	_ =	swait.ge [sflag:s0], $0x4000  }
0x30a: {  	[sflag:s0] =	ssyncset.done $0x0  }
0x30b: {  	[sflag:s0] =	ssyncadd.s32 $0xFFFFC000  }
0x30c: {  	[spmem:s13] =	stream.indirect.scatter.add.f32 [tilespmem:s30], [sflag:$0x4], $0x80, s8, s28, $0xb8;
	[tilespmem:$0x1F490] =	vst v63  }
0x30d: {  	_ =	swait.ge [sflag:s24], $0x4000  }
0x30e: {  	[sflag:s24] =	ssyncset.done $0x0  }
0x30f: {  	[sflag:s24] =	ssyncadd.s32 $0xFFFFC000  }
0x310: {  	[spmem:s16] =	stream.indirect.scatter.add.f32 [tilespmem:s25], [sflag:$0x3], $0x10, s8, s28, $0xb8;
	[tilespmem:$0x1F490] =	vst v63  }
0x311: {  	s3 =	simm.s32 $0x580  }
0x312: {  	[tilespmem:s30], [sflag:$0x2] =	stream.indirect.gather [hbm4b:s11+s28], $0x80, s3, s28, $0xb8;
	[tilespmem:$0x1F490] =	vst v63  }
0x313: {  	_ =	swait.ge [sflag:s31], $0x4000  }
0x314: {  	[sflag:s31] =	ssyncset.done $0x0  }
0x315: {  	[sflag:s31] =	ssyncadd.s32 $0xFFFFC000  }
0x316: {  	[spmem:s13] =	stream.indirect.scatter.add.f32 [tilespmem:s29], [sflag:$0x4], $0x80, s15, s28, $0xb8;
	[tilespmem:$0x1F490] =	vst v63  }
0x317: {  	_ =	swait.ge [sflag:s24], $0x4000  }
0x318: {  	[sflag:s24] =	ssyncset.done $0x0  }
0x319: {  	[sflag:s24] =	ssyncadd.s32 $0xFFFFC000  }
0x31a: {  	[spmem:s16] =	stream.indirect.scatter.add.f32 [tilespmem:s25], [sflag:$0x3], $0x10, s15, s28, $0xb8;
	[tilespmem:$0x1F490] =	vst v63  }
0x31b: {  	s3 =	simm.s32 $0x600  }
0x31c: {  	[tilespmem:s29], [sflag:$0x1] =	stream.indirect.gather [hbm4b:s11+s28], $0x80, s3, s28, $0xb8;
	[tilespmem:$0x1F490] =	vst v63  }
0x31d: {  	_ =	swait.ge [sflag:s0], $0x4000  }
0x31e: {  	[sflag:s0] =	ssyncset.done $0x0  }
0x31f: {  	[sflag:s0] =	ssyncadd.s32 $0xFFFFC000  }
0x320: {  	[spmem:s13] =	stream.indirect.scatter.add.f32 [tilespmem:s30], [sflag:$0x4], $0x80, s21, s28, $0xb8;
	[tilespmem:$0x1F490] =	vst v63  }
0x321: {  	_ =	swait.ge [sflag:s24], $0x4000  }
0x322: {  	[sflag:s24] =	ssyncset.done $0x0  }
0x323: {  	[sflag:s24] =	ssyncadd.s32 $0xFFFFC000  }
0x324: {  	[spmem:s16] =	stream.indirect.scatter.add.f32 [tilespmem:s25], [sflag:$0x3], $0x10, s21, s28, $0xb8;
	[tilespmem:$0x1F490] =	vst v63  }
0x325: {  	_ =	swait.ge [sflag:s31], $0x4000  }
0x326: {  	[sflag:s31] =	ssyncset.done $0x0  }
0x327: {  	[sflag:s31] =	ssyncadd.s32 $0xFFFFC000  }
0x328: {  	[spmem:s13] =	stream.indirect.scatter.add.f32 [tilespmem:s29], [sflag:$0x4], $0x80, s12, s28, $0xb8;
	[tilespmem:$0x1F490] =	vst v63  }
0x329: {  	_ =	swait.ge [sflag:s24], $0x4000  }
0x32a: {  	[sflag:s24] =	ssyncset.done $0x0  }
0x32b: {  	s3 =	sld [smem:$0x7FC];
	[sflag:s24] =	ssyncadd.s32 $0xFFFFC000  }
0x32c: {  	[spmem:s16] =	stream.indirect.scatter.add.f32 [tilespmem:s25], [sflag:$0x3], $0x10, s12, s28, $0xb8;
	[tilespmem:$0x1F490] =	vst v63  }
0x32d: {  	_ = 	snop  }
0x32e: {  	[tilespmem:s26], [sflag:$0x4] =	stream.linear.gather [hbm4b:s3+s26], $0x680, $0x38;
	[tilespmem:$0x1F490] =	vst v63  }
0x32f: {  	_ =	swait.ge [sflag:s24], $0x680  }
0x330: {  	s3 =	sld [smem:$0x7FD]  }
0x331: {  	[sflag:s24] =	ssyncset.done $0x0  }
0x332: {  	[sflag:s24] =	ssyncadd.s32 $0xFFFFF980  }
0x333: {  	[tilespmem:s1], [sflag:$0x4] =	stream.linear.gather [hbm4b:s3+s26], $0x680, $0x38;
	[tilespmem:$0x1F490] =	vst v63  }
0x334: {  	_ =	swait.ge [sflag:s24], $0x680  }
0x335: {  	[sflag:s24] =	ssyncset.done $0x0  }
0x336: {  	[sflag:s24] =	ssyncadd.s32 $0xFFFFF980  }
0x337: {  	[tilespmem:s29], [sflag:$0x1] =	stream.indirect.gather [hbm4b:s11+s28], $0x80, s26, s28, $0xb8;
	[tilespmem:$0x1F490] =	vst v63  }
0x338: {  	_ = 	snop  }
0x339: {  	[tilespmem:s30], [sflag:$0x2] =	stream.indirect.gather [hbm4b:s11+s28], $0x80, s28, s28, $0xb8;
	[tilespmem:$0x1F490] =	vst v63  }
0x33a: {  	_ =	swait.ge [sflag:s31], $0x4000  }
0x33b: {  	[sflag:s31] =	ssyncset.done $0x0  }
0x33c: {  	[sflag:s31] =	ssyncadd.s32 $0xFFFFC000  }
0x33d: {  	[spmem:s13] =	stream.indirect.scatter.add.f32 [tilespmem:s29], [sflag:$0x4], $0x80, s1, s28, $0xb8;
	[tilespmem:$0x1F490] =	vst v63  }
0x33e: {  	_ =	swait.ge [sflag:s24], $0x4000  }
0x33f: {  	[sflag:s24] =	ssyncset.done $0x0  }
0x340: {  	[sflag:s24] =	ssyncadd.s32 $0xFFFFC000  }
0x341: {  	[spmem:s16] =	stream.indirect.scatter.add.f32 [tilespmem:s25], [sflag:$0x3], $0x10, s1, s28, $0xb8;
	[tilespmem:$0x1F490] =	vst v63  }
0x342: {  	s2 =	simm.s32 $0x100  }
0x343: {  	[tilespmem:s29], [sflag:$0x1] =	stream.indirect.gather [hbm4b:s11+s28], $0x80, s2, s28, $0xb8;
	[tilespmem:$0x1F490] =	vst v63  }
0x344: {  	_ =	swait.ge [sflag:s0], $0x4000  }
0x345: {  	[sflag:s0] =	ssyncset.done $0x0  }
0x346: {  	[sflag:s0] =	ssyncadd.s32 $0xFFFFC000  }
0x347: {  	[spmem:s13] =	stream.indirect.scatter.add.f32 [tilespmem:s30], [sflag:$0x4], $0x80, s10, s28, $0xb8;
	[tilespmem:$0x1F490] =	vst v63  }
0x348: {  	_ =	swait.ge [sflag:s24], $0x4000  }
0x349: {  	[sflag:s24] =	ssyncset.done $0x0  }
0x34a: {  	[sflag:s24] =	ssyncadd.s32 $0xFFFFC000  }
0x34b: {  	[spmem:s16] =	stream.indirect.scatter.add.f32 [tilespmem:s25], [sflag:$0x3], $0x10, s10, s28, $0xb8;
	[tilespmem:$0x1F490] =	vst v63  }
0x34c: {  	s5 =	simm.s32 $0x180  }
0x34d: {  	[tilespmem:s30], [sflag:$0x2] =	stream.indirect.gather [hbm4b:s11+s28], $0x80, s5, s28, $0xb8;
	[tilespmem:$0x1F490] =	vst v63  }
0x34e: {  	_ =	swait.ge [sflag:s31], $0x4000  }
0x34f: {  	[sflag:s31] =	ssyncset.done $0x0  }
0x350: {  	[sflag:s31] =	ssyncadd.s32 $0xFFFFC000  }
0x351: {  	[spmem:s13] =	stream.indirect.scatter.add.f32 [tilespmem:s29], [sflag:$0x4], $0x80, s7, s28, $0xb8;
	[tilespmem:$0x1F490] =	vst v63  }
0x352: {  	_ =	swait.ge [sflag:s24], $0x4000  }
0x353: {  	[sflag:s24] =	ssyncset.done $0x0  }
0x354: {  	[sflag:s24] =	ssyncadd.s32 $0xFFFFC000  }
0x355: {  	[spmem:s16] =	stream.indirect.scatter.add.f32 [tilespmem:s25], [sflag:$0x3], $0x10, s7, s28, $0xb8;
	[tilespmem:$0x1F490] =	vst v63  }
0x356: {  	s2 =	simm.s32 $0x200  }
0x357: {  	[tilespmem:s29], [sflag:$0x1] =	stream.indirect.gather [hbm4b:s11+s28], $0x80, s2, s28, $0xb8;
	[tilespmem:$0x1F490] =	vst v63  }
0x358: {  	_ =	swait.ge [sflag:s0], $0x4000  }
0x359: {  	[sflag:s0] =	ssyncset.done $0x0  }
0x35a: {  	[sflag:s0] =	ssyncadd.s32 $0xFFFFC000  }
0x35b: {  	[spmem:s13] =	stream.indirect.scatter.add.f32 [tilespmem:s30], [sflag:$0x4], $0x80, s9, s28, $0xb8;
	[tilespmem:$0x1F490] =	vst v63  }
0x35c: {  	_ =	swait.ge [sflag:s24], $0x4000  }
0x35d: {  	[sflag:s24] =	ssyncset.done $0x0  }
0x35e: {  	[sflag:s24] =	ssyncadd.s32 $0xFFFFC000  }
0x35f: {  	[spmem:s16] =	stream.indirect.scatter.add.f32 [tilespmem:s25], [sflag:$0x3], $0x10, s9, s28, $0xb8;
	[tilespmem:$0x1F490] =	vst v63  }
0x360: {  	s18 =	simm.s32 $0x280  }
0x361: {  	[tilespmem:s30], [sflag:$0x2] =	stream.indirect.gather [hbm4b:s11+s28], $0x80, s18, s28, $0xb8;
	[tilespmem:$0x1F490] =	vst v63  }
0x362: {  	_ =	swait.ge [sflag:s31], $0x4000  }
0x363: {  	[sflag:s31] =	ssyncset.done $0x0  }
0x364: {  	[sflag:s31] =	ssyncadd.s32 $0xFFFFC000  }
0x365: {  	[spmem:s13] =	stream.indirect.scatter.add.f32 [tilespmem:s29], [sflag:$0x4], $0x80, s14, s28, $0xb8;
	[tilespmem:$0x1F490] =	vst v63  }
0x366: {  	_ =	swait.ge [sflag:s24], $0x4000  }
0x367: {  	[sflag:s24] =	ssyncset.done $0x0  }
0x368: {  	[sflag:s24] =	ssyncadd.s32 $0xFFFFC000  }
0x369: {  	[spmem:s16] =	stream.indirect.scatter.add.f32 [tilespmem:s25], [sflag:$0x3], $0x10, s14, s28, $0xb8;
	[tilespmem:$0x1F490] =	vst v63  }
0x36a: {  	s19 =	simm.s32 $0x300  }
0x36b: {  	[tilespmem:s29], [sflag:$0x1] =	stream.indirect.gather [hbm4b:s11+s28], $0x80, s19, s28, $0xb8;
	[tilespmem:$0x1F490] =	vst v63  }
0x36c: {  	_ =	swait.ge [sflag:s0], $0x4000  }
0x36d: {  	[sflag:s0] =	ssyncset.done $0x0  }
0x36e: {  	[sflag:s0] =	ssyncadd.s32 $0xFFFFC000  }
0x36f: {  	[spmem:s13] =	stream.indirect.scatter.add.f32 [tilespmem:s30], [sflag:$0x4], $0x80, s20, s28, $0xb8;
	[tilespmem:$0x1F490] =	vst v63  }
0x370: {  	_ =	swait.ge [sflag:s24], $0x4000  }
0x371: {  	[sflag:s24] =	ssyncset.done $0x0  }
0x372: {  	[sflag:s24] =	ssyncadd.s32 $0xFFFFC000  }
0x373: {  	[spmem:s16] =	stream.indirect.scatter.add.f32 [tilespmem:s25], [sflag:$0x3], $0x10, s20, s28, $0xb8;
	[tilespmem:$0x1F490] =	vst v63  }
0x374: {  	s3 =	simm.s32 $0x380  }
0x375: {  	[tilespmem:s30], [sflag:$0x2] =	stream.indirect.gather [hbm4b:s11+s28], $0x80, s3, s28, $0xb8;
	[tilespmem:$0x1F490] =	vst v63  }
0x376: {  	_ =	swait.ge [sflag:s31], $0x4000  }
0x377: {  	[sflag:s31] =	ssyncset.done $0x0  }
0x378: {  	[sflag:s31] =	ssyncadd.s32 $0xFFFFC000  }
0x379: {  	[spmem:s13] =	stream.indirect.scatter.add.f32 [tilespmem:s29], [sflag:$0x4], $0x80, s22, s28, $0xb8;
	[tilespmem:$0x1F490] =	vst v63  }
0x37a: {  	_ =	swait.ge [sflag:s24], $0x4000  }
0x37b: {  	[sflag:s24] =	ssyncset.done $0x0  }
0x37c: {  	[sflag:s24] =	ssyncadd.s32 $0xFFFFC000  }
0x37d: {  	[spmem:s16] =	stream.indirect.scatter.add.f32 [tilespmem:s25], [sflag:$0x3], $0x10, s22, s28, $0xb8;
	[tilespmem:$0x1F490] =	vst v63  }
0x37e: {  	s5 =	simm.s32 $0x400  }
0x37f: {  	[tilespmem:s29], [sflag:$0x1] =	stream.indirect.gather [hbm4b:s11+s28], $0x80, s5, s28, $0xb8;
	[tilespmem:$0x1F490] =	vst v63  }
0x380: {  	_ =	swait.ge [sflag:s0], $0x4000  }
0x381: {  	[sflag:s0] =	ssyncset.done $0x0  }
0x382: {  	[sflag:s0] =	ssyncadd.s32 $0xFFFFC000  }
0x383: {  	[spmem:s13] =	stream.indirect.scatter.add.f32 [tilespmem:s30], [sflag:$0x4], $0x80, s6, s28, $0xb8;
	[tilespmem:$0x1F490] =	vst v63  }
0x384: {  	_ =	swait.ge [sflag:s24], $0x4000  }
0x385: {  	[sflag:s24] =	ssyncset.done $0x0  }
0x386: {  	[sflag:s24] =	ssyncadd.s32 $0xFFFFC000  }
0x387: {  	[spmem:s16] =	stream.indirect.scatter.add.f32 [tilespmem:s25], [sflag:$0x3], $0x10, s6, s28, $0xb8;
	[tilespmem:$0x1F490] =	vst v63  }
0x388: {  	s6 =	simm.s32 $0x480  }
0x389: {  	[tilespmem:s30], [sflag:$0x2] =	stream.indirect.gather [hbm4b:s11+s28], $0x80, s6, s28, $0xb8;
	[tilespmem:$0x1F490] =	vst v63  }
0x38a: {  	_ =	swait.ge [sflag:s31], $0x4000  }
0x38b: {  	[sflag:s31] =	ssyncset.done $0x0  }
0x38c: {  	[sflag:s31] =	ssyncadd.s32 $0xFFFFC000  }
0x38d: {  	[spmem:s13] =	stream.indirect.scatter.add.f32 [tilespmem:s29], [sflag:$0x4], $0x80, s4, s28, $0xb8;
	[tilespmem:$0x1F490] =	vst v63  }
0x38e: {  	_ =	swait.ge [sflag:s24], $0x4000  }
0x38f: {  	[sflag:s24] =	ssyncset.done $0x0  }
0x390: {  	[sflag:s24] =	ssyncadd.s32 $0xFFFFC000  }
0x391: {  	[spmem:s16] =	stream.indirect.scatter.add.f32 [tilespmem:s25], [sflag:$0x3], $0x10, s4, s28, $0xb8;
	[tilespmem:$0x1F490] =	vst v63  }
0x392: {  	s10 =	simm.s32 $0x500  }
0x393: {  	[tilespmem:s29], [sflag:$0x1] =	stream.indirect.gather [hbm4b:s11+s28], $0x80, s10, s28, $0xb8;
	[tilespmem:$0x1F490] =	vst v63  }
0x394: {  	_ =	swait.ge [sflag:s0], $0x4000  }
0x395: {  	[sflag:s0] =	ssyncset.done $0x0  }
0x396: {  	[sflag:s0] =	ssyncadd.s32 $0xFFFFC000  }
0x397: {  	[spmem:s13] =	stream.indirect.scatter.add.f32 [tilespmem:s30], [sflag:$0x4], $0x80, s8, s28, $0xb8;
	[tilespmem:$0x1F490] =	vst v63  }
0x398: {  	_ =	swait.ge [sflag:s24], $0x4000  }
0x399: {  	[sflag:s24] =	ssyncset.done $0x0  }
0x39a: {  	[sflag:s24] =	ssyncadd.s32 $0xFFFFC000  }
0x39b: {  	[spmem:s16] =	stream.indirect.scatter.add.f32 [tilespmem:s25], [sflag:$0x3], $0x10, s8, s28, $0xb8;
	[tilespmem:$0x1F490] =	vst v63  }
0x39c: {  	s18 =	simm.s32 $0x580  }
0x39d: {  	[tilespmem:s30], [sflag:$0x2] =	stream.indirect.gather [hbm4b:s11+s28], $0x80, s18, s28, $0xb8;
	[tilespmem:$0x1F490] =	vst v63  }
0x39e: {  	_ =	swait.ge [sflag:s31], $0x4000  }
0x39f: {  	[sflag:s31] =	ssyncset.done $0x0  }
0x3a0: {  	[sflag:s31] =	ssyncadd.s32 $0xFFFFC000  }
0x3a1: {  	[spmem:s13] =	stream.indirect.scatter.add.f32 [tilespmem:s29], [sflag:$0x4], $0x80, s15, s28, $0xb8;
	[tilespmem:$0x1F490] =	vst v63  }
0x3a2: {  	_ =	swait.ge [sflag:s24], $0x4000  }
0x3a3: {  	[sflag:s24] =	ssyncset.done $0x0  }
0x3a4: {  	[sflag:s24] =	ssyncadd.s32 $0xFFFFC000  }
0x3a5: {  	[spmem:s16] =	stream.indirect.scatter.add.f32 [tilespmem:s25], [sflag:$0x3], $0x10, s15, s28, $0xb8;
	[tilespmem:$0x1F490] =	vst v63  }
0x3a6: {  	s19 =	simm.s32 $0x600  }
0x3a7: {  	[tilespmem:s29], [sflag:$0x1] =	stream.indirect.gather [hbm4b:s11+s28], $0x80, s19, s28, $0xb8;
	[tilespmem:$0x1F490] =	vst v63  }
0x3a8: {  	_ =	swait.ge [sflag:s0], $0x4000  }
0x3a9: {  	[sflag:s0] =	ssyncset.done $0x0  }
0x3aa: {  	[sflag:s0] =	ssyncadd.s32 $0xFFFFC000  }
0x3ab: {  	[spmem:s13] =	stream.indirect.scatter.add.f32 [tilespmem:s30], [sflag:$0x4], $0x80, s21, s28, $0xb8;
	[tilespmem:$0x1F490] =	vst v63  }
0x3ac: {  	_ =	swait.ge [sflag:s24], $0x4000  }
0x3ad: {  	[sflag:s24] =	ssyncset.done $0x0  }
0x3ae: {  	[sflag:s24] =	ssyncadd.s32 $0xFFFFC000  }
0x3af: {  	[spmem:s16] =	stream.indirect.scatter.add.f32 [tilespmem:s25], [sflag:$0x3], $0x10, s21, s28, $0xb8;
	[tilespmem:$0x1F490] =	vst v63  }
0x3b0: {  	_ =	swait.ge [sflag:s31], $0x4000  }
0x3b1: {  	[sflag:s31] =	ssyncset.done $0x0  }
0x3b2: {  	[sflag:s31] =	ssyncadd.s32 $0xFFFFC000  }
0x3b3: {  	[spmem:s13] =	stream.indirect.scatter.add.f32 [tilespmem:s29], [sflag:$0x4], $0x80, s12, s28, $0xb8;
	[tilespmem:$0x1F490] =	vst v63  }
0x3b4: {  	_ =	swait.ge [sflag:s24], $0x4000  }
0x3b5: {  	[sflag:s24] =	ssyncset.done $0x0  }
0x3b6: {  	[sflag:s24] =	ssyncadd.s32 $0xFFFFC000  }
0x3b7: {  	[spmem:s16] =	stream.indirect.scatter.add.f32 [tilespmem:s25], [sflag:$0x3], $0x10, s12, s28, $0xb8;
	[tilespmem:$0x1F490] =	vst v63  }
0x3b8: {  	s6 =	simm.s32 @!p0 $0x0;
	s10 =	simm.s32 @!p0 $0x4;
	s3 =	rddreg [dreg:$0x14]  }
0x3b9: {  	[tilespmem:s6], [sflag:$0x4] =	stream.linear.gather @!p0 [hbm4b:s3+s6], $0x80, $0x38;
	[tilespmem:$0x1F490] =	vst v63  }
0x3ba: {  	_ =	swait.ge @!p0 [sflag:s10], $0x80  }
0x3bb: {  	[sflag:s10] =	ssyncset.done @!p0 $0x0  }
0x3bc: {  	s18 =	simm.s32 @!p0 $0x680;
	s3 =	rddreg [dreg:$0x15];
	[sflag:s10] =	ssyncadd.s32 @!p0 $0xFFFFFF80  }
0x3bd: {  	[tilespmem:s18], [sflag:$0x4] =	stream.linear.gather @!p0 [hbm4b:s3+s6], $0x80, $0x38;
	[tilespmem:$0x1F490] =	vst v63  }
0x3be: {  	_ =	swait.ge @!p0 [sflag:s10], $0x80  }
0x3bf: {  	[sflag:s10] =	ssyncset.done @!p0 $0x0  }
0x3c0: {  	s19 =	simm.s32 @!p0 $0x80;
	s3 =	simm.s32 @!p0 $0xD00;
	[sflag:s10] =	ssyncadd.s32 @!p0 $0xFFFFFF80  }
0x3c1: {  	[tilespmem:s3], [sflag:$0x1] =	stream.indirect.gather @!p0 [hbm4b:s11+s19], $0x80, s6, s19, $0xb8;
	[tilespmem:$0x1F490] =	vst v63  }
0x3c2: {  	s6 =	simm.s32 @!p0 $0x1  }
0x3c3: {  	_ =	swait.ge @!p0 [sflag:s6], $0x4000  }
0x3c4: {  	[sflag:s6] =	ssyncset.done @!p0 $0x0  }
0x3c5: {  	[sflag:s6] =	ssyncadd.s32 @!p0 $0xFFFFC000  }
0x3c6: {  	[spmem:s13] =	stream.indirect.scatter.add.f32 @!p0 [tilespmem:s3], [sflag:$0x4], $0x80, s18, s19, $0xb8;
	[tilespmem:$0x1F490] =	vst v63  }
0x3c7: {  	_ =	swait.ge @!p0 [sflag:s10], $0x4000  }
0x3c8: {  	[sflag:s10] =	ssyncset.done @!p0 $0x0  }
0x3c9: {  	s3 =	simm.s32 @!p0 $0x1C580;
	[sflag:s10] =	ssyncadd.s32 @!p0 $0xFFFFC000  }
0x3ca: {  	[spmem:s16] =	stream.indirect.scatter.add.f32 @!p0 [tilespmem:s3], [sflag:$0x3], $0x10, s18, s19, $0xb8;
	[tilespmem:$0x1F490] =	vst v63  }
0x3cb: {  	s3 =	simm.s32 @!p0 $0x3  }
0x3cc: {  	_ =	swait.ge @!p0 [sflag:s3], $0x800  }
0x3cd: {  	[sflag:s3] =	ssyncset.done @!p0 $0x0  }
0x3ce: {  	[sflag:s3] =	ssyncadd.s32 @!p0 $0xFFFFF800  }
0x3cf: {  	_ =	swait.ge [sflag:s23], $0x800  }
0x3d0: {  	s6 =	simm.s32 $0x4D;
	[sflag:s23] =	ssyncset.done $0x0  }
.LBB2_2:
0x3d1: {  	p1 =	sne.s32 s6, $0x1;
	s6 =	sadd.s32 $0xFFFFFFFF, s6;
	[sflag:s23] =	ssyncadd.s32 $0xFFFFF800  }
.Ltmp0:
0x3d2: {  	(pc) =	sbr.rel @p1 .LBB2_2-.Ltmp0, $3  }
0x3d3: {  	_ =	sdelay $0x1  }
0x3d4: {  	_ =	swait.ge [sflag:s23], $0x800  }
0x3d5: {  	[sflag:s23] =	ssyncset.done $0x0  }
0x3d6: {  	[sflag:s23] =	ssyncadd.s32 $0xFFFFF800  }
0x3d7: {  	[bflag:$0x0] =	sbarrier.arrive $0xFFFF  }
0x3d8: {  	s6 =	sld [smem:$0x7F1];
	_ =	sdelay $0x1  }
0x3d9: {  	s3 =	rddreg [dreg:$0x7]  }
0x3da: {  	[hbm:s3], [sflag:s17] =	dma.local [spmem:s6], $0x7D0  }
0x3db: {  	_ =	swait.ge [sflag:s24], $0x7D0  }
0x3dc: {  	s1 =	sld [smem:$0x7F2]  }
0x3dd: {  	[sflag:s24] =	ssyncset.done $0x0  }
0x3de: {  	s19 =	rddreg [dreg:$0xc];
	[sflag:s24] =	ssyncadd.s32 $0xFFFFF830  }
0x3df: {  	[hbm:s19], [sflag:s17] =	dma.local [spmem:s1], $0xFA  }
0x3e0: {  	_ =	swait.ge [sflag:s24], $0xFA  }
0x3e1: {  	s5 =	sld [smem:$0x7E8]  }
0x3e2: {  	[sflag:s24] =	ssyncset.done $0x0  }
0x3e3: {  	s2 =	rddreg [dreg:$0x8];
	[sflag:s24] =	ssyncadd.s32 $0xFFFFFF06  }
0x3e4: {  	[hbm:s2], [sflag:s17] =	dma.local [spmem:s5], $0x7D0  }
0x3e5: {  	_ =	swait.ge [sflag:s24], $0x7D0  }
0x3e6: {  	s18 =	sld [smem:$0x7E9]  }
0x3e7: {  	[sflag:s24] =	ssyncset.done $0x0  }
0x3e8: {  	s10 =	rddreg [dreg:$0xd];
	[sflag:s24] =	ssyncadd.s32 $0xFFFFF830  }
0x3e9: {  	[hbm:s10], [sflag:s17] =	dma.local [spmem:s18], $0xFA  }
0x3ea: {  	_ =	swait.ge [sflag:s24], $0xFA  }
0x3eb: {  	s1 =	sld [smem:$0x7EA]  }
0x3ec: {  	[sflag:s24] =	ssyncset.done $0x0  }
0x3ed: {  	s19 =	rddreg [dreg:$0x9];
	[sflag:s24] =	ssyncadd.s32 $0xFFFFFF06  }
0x3ee: {  	[hbm:s19], [sflag:s17] =	dma.local [spmem:s1], $0x7D0  }
0x3ef: {  	_ =	swait.ge [sflag:s24], $0x7D0  }
0x3f0: {  	s5 =	sld [smem:$0x7EB]  }
0x3f1: {  	[sflag:s24] =	ssyncset.done $0x0  }
0x3f2: {  	s2 =	rddreg [dreg:$0xe];
	[sflag:s24] =	ssyncadd.s32 $0xFFFFF830  }
0x3f3: {  	[hbm:s2], [sflag:s17] =	dma.local [spmem:s5], $0xFA  }
0x3f4: {  	_ =	swait.ge [sflag:s24], $0xFA  }
0x3f5: {  	s18 =	sld [smem:$0x7EC]  }
0x3f6: {  	[sflag:s24] =	ssyncset.done $0x0  }
0x3f7: {  	s10 =	rddreg [dreg:$0xa];
	[sflag:s24] =	ssyncadd.s32 $0xFFFFFF06  }
0x3f8: {  	[hbm:s10], [sflag:s17] =	dma.local [spmem:s18], $0x7D0  }
0x3f9: {  	_ =	swait.ge [sflag:s24], $0x7D0  }
0x3fa: {  	s1 =	sld [smem:$0x7ED]  }
0x3fb: {  	[sflag:s24] =	ssyncset.done $0x0  }
0x3fc: {  	s19 =	rddreg [dreg:$0xf];
	[sflag:s24] =	ssyncadd.s32 $0xFFFFF830  }
0x3fd: {  	[hbm:s19], [sflag:s17] =	dma.local [spmem:s1], $0xFA  }
0x3fe: {  	_ =	swait.ge [sflag:s24], $0xFA  }
0x3ff: {  	s5 =	sld [smem:$0x7EE]  }
0x400: {  	[sflag:s24] =	ssyncset.done $0x0  }
0x401: {  	s2 =	rddreg [dreg:$0xb];
	[sflag:s24] =	ssyncadd.s32 $0xFFFFFF06  }
0x402: {  	[hbm:s2], [sflag:s17] =	dma.local [spmem:s5], $0x7D0  }
0x403: {  	_ =	swait.ge [sflag:s24], $0x7D0  }
0x404: {  	s18 =	sld [smem:$0x7EF]  }
0x405: {  	[sflag:s24] =	ssyncset.done $0x0  }
0x406: {  	s10 =	rddreg [dreg:$0x10];
	[sflag:s24] =	ssyncadd.s32 $0xFFFFF830  }
0x407: {  	[hbm:s10], [sflag:s17] =	dma.local [spmem:s18], $0xFA  }
0x408: {  	_ =	swait.ge [sflag:s24], $0xFA  }
0x409: {  	s2 =	sld [smem:$0x7E7];
	_ =	sdelay $0x2  }
0x40a: {  	s19 =	rddreg [dreg:$0x16];
	s2 =	sadd.s32 $0x1, s2  }
0x40b: {  	p1 =	sne.s32 s2, s19  }
.Ltmp1:
0x40c: {  	_ = 	snop;
	(pc) =	sbr.rel @p1 .LBB2_1-.Ltmp1, $3  }
0x40d: {  	_ =	sdelay $0x1  }
0x40e: {  	[sflag:s24] =	ssyncset.done $0x0  }
0x40f: {  	[sflag:s24] =	ssyncadd.s32 $0xFFFFFF06  }
0x410: {  	_ =	sfence.sel $0x180000  }
0x411: {  	[bflag:$0x0] =	sbarrier.arrive $0xFFFF  }
0x412: {  	_ =	strace $0x90000047  }
0x413: {  	s0 =	stileid.u32;
	[bflag:$0x2] =	sbarrier.arrive $0xFFFF  }
0x414: {  	p0 =	sne.s32 s0, $0x0;
	s0 =	rddreg [dreg:$0x5]  }
0x415: {  	s0 =	sadd.s32 @!p0 $0x100000, s0  }
0x416: {  	[sflag:s0] =	ssyncadd.tile.s32 @!p0 $0x1;
	_ =	shalt  }
.Lfunc_end2:
_tile_overlayer_lowered:
.L_overlay_start_2:
0x417: {  	(tag) =	ssettag $0x2  }
0x418: {  	s0 =	rddreg [dreg:$0x0];
	s2 =	stileid.u32  }
0x419: {  	s1 =	rddreg [dreg:$0x1];
	p0 =	sne.s32 s2, $0x0  }
0x41a: {  	s3 =	rddreg [dreg:$0x2];
	[bflag:$0x3] =	sbarrier.arrive $0xFFFF;
	s2 =	simm.s32 @!p0 $0x1C04  }
0x41b: {  	[timem:s3], [sflag:s2] =	dma.local @!p0 [hbm:s0], s1  }
0x41c: {  	s0 =	simm.s32 @!p0 $0x4  }
0x41d: {  	_ =	swait.ge @!p0 [sflag:s0], s1  }
0x41e: {  	s1 =	ssub.s32 @!p0 $0x0, s1;
	[sflag:s0] =	ssyncset.done @!p0 $0x0  }
0x41f: {  	[sflag:s0] =	ssyncadd.s32 @!p0 s1  }
0x420: {  	[bflag:$0x3] =	sbarrier.arrive $0xFFFF  }
0x421: {  	_ =	shalt  }

// kernel: kernel.9.cloned.1.call-start
scs
__scs_entry_jumppad:
0x0: {  	(pc) =	sbr.rel $0x88, $3  }
0x1: {  	(tag) =	ssettag $0x0;
	lr =	simm.s32 $0x1  }
0x2: {  	[smem:$0x3F99] =	sst lr;
	_ =	strace $0xD0000000  }
0x3: {  	_ = 	snop  }
0x4: {  	_ = 	snop  }
0x5: {  	_ = 	snop  }
0x6: {  	_ = 	snop  }
0x7: {  	_ = 	snop  }
__scs_overlays_trampoline_lowered:
0x8: {  	[smem:$0x3FA8] =	sst s0  }
0x9: {  	[smem:$0x3FA9] =	sst s1  }
0xa: {  	[smem:$0x3FAA] =	sst s2  }
0xb: {  	[smem:$0x3FAB] =	sst s3  }
0xc: {  	[smem:$0x3FAC] =	sst s4  }
0xd: {  	[smem:$0x3FAD] =	sst s5  }
0xe: {  	[smem:$0x3FAE] =	sst s6  }
0xf: {  	[smem:$0x3FAF] =	sst s7  }
0x10: {  	[smem:$0x3FB0] =	sst s8  }
0x11: {  	[smem:$0x3FB1] =	sst s9;
	s0 =	simm.s32 @!p0 $0x0  }
0x12: {  	s1 =	sld [smem:$0x3F97];
	s0 =	simm.s32 @p0 $0x1  }
0x13: {  	[smem:$0x3FB2] =	sst s0;
	s0 =	simm.s32 @!p1 $0x0  }
0x14: {  	s2 =	sld [smem:$0x3F96];
	s0 =	simm.s32 @p1 $0x1  }
0x15: {  	[smem:$0x3FB3] =	sst s0;
	s0 =	simm.s32 @!p2 $0x0  }
0x16: {  	s3 =	sld [smem:$0x3FDB];
	s0 =	simm.s32 @p2 $0x1  }
0x17: {  	s4 =	simm.s32 $0x1BF5;
	[smem:$0x3FB5] =	sst s0  }
0x18: {  	s0 =	sld [smem:$0x3F98];
	_ =	swait.ge [sflag:s4], $0x0  }
0x19: {  	s7 =	sld [smem:$0x3F99]  }
0x1a: {  	s8 =	sadd.s32 $0xFFFFE003, lr  }
0x1b: {  	s9 =	sadd.s32 $0xFFFFFEF7, lr;
	s5 =	simm.s32 $0xFFFFFFFF;
	p2 =	slt.u32 s8, $0xFFFFF086  }
0x1c: {  	p1 =	slt.u32 s9, $0xF7A;
	s5 =	simm.s32 @!p2 $0x0  }
0x1d: {  	s5 =	simm.s32 @p1 $0x1;
	p0 =	seq.s32 s7, s2  }
0x1e: {  	s7 =	smul.u32 @!p0 $0xF7A, s2;
	p2 =	seq.s32 @!p0 s5, $0x0  }
0x1f: {  	s9 =	smul.u32 $0xF7A, s1;
	s8 =	simm.s32 @!p0 $0x1BF5;
	p2 =	por !p2, p0  }
0x20: {  	[sflag:s8] =	ssyncset.s32 @!p0 $0xFFFFF086;
	s6 =	sadd.s32 @!p0 s3, s7;
	s7 =	simm.s32 @!p0 $0x108  }
0x21: {  	s3 =	sadd.s32 s3, s9;
	s6 =	sadd.s32 @!p0 $0x88, s6;
	s7 =	simm.s32 @p2 $0x1082  }
0x22: {  	[simem:s7], [sflag:s8] =	dma.local @!p0 [hbm:s6], $0xF7A  }
0x23: {  	s9 =	sor.u32 $0xD0000000, s2;
	s6 =	simm.s32 $0x108;
	_ =	swait.ge @!p0 [sflag:s8], $0x0  }
0x24: {  	s3 =	sadd.s32 $0x88, s3;
	s6 =	simm.s32 @!p1 $0x1082;
	[sflag:s4] =	ssyncset.s32 $0xFFFFF086  }
0x25: {  	[simem:s6], [sflag:s4] =	dma.local [hbm:s3], $0xF7A  }
0x26: {  	[smem:$0x3F99] =	sst s1;
	(tag) =	ssettag s2;
	_ =	strace s9  }
0x27: {  	s1 =	sld [smem:$0x3FA9]  }
0x28: {  	s2 =	sld [smem:$0x3FAA]  }
0x29: {  	s4 =	sld [smem:$0x3FAC]  }
0x2a: {  	p0 =	seq.s32 s5, $0x0;
	s5 =	sld [smem:$0x3FAD]  }
0x2b: {  	s6 =	sld [smem:$0x3FAE]  }
0x2c: {  	s7 =	sld [smem:$0x3FAF]  }
0x2d: {  	s3 =	simm.s32 $0x108;
	s8 =	sld [smem:$0x3FB0]  }
0x2e: {  	s3 =	simm.s32 @!p0 $0x1082;
	s9 =	sld [smem:$0x3FB1]  }
0x2f: {  	lr =	sadd.s32 s0, s3;
	s0 =	sld [smem:$0x3FA8]  }
0x30: {  	s3 =	sld [smem:$0x3FAB]  }
0x31: {  	[smem:$0x3FB4] =	sst s10  }
0x32: {  	s10 =	sld [smem:$0x3FB2];
	_ =	sdelay $0x3  }
0x33: {  	p0 =	seq.s32 s10, $0x1;
	s10 =	sld [smem:$0x3FB4];
	_ =	sdelay $0x3  }
0x34: {  	[smem:$0x3FB4] =	sst s10  }
0x35: {  	s10 =	sld [smem:$0x3FB3];
	_ =	sdelay $0x3  }
0x36: {  	p1 =	seq.s32 s10, $0x1;
	s10 =	sld [smem:$0x3FB4];
	_ =	sdelay $0x3  }
0x37: {  	[smem:$0x3FB4] =	sst s10  }
0x38: {  	s10 =	sld [smem:$0x3FB5]  }
0x39: {  	_ = 	snop;
	(pc) =	sbr.ind lr, $3  }
0x3a: {  	_ = 	snop  }
0x3b: {  	_ = 	snop  }
0x3c: {  	p2 =	seq.s32 s10, $0x1;
	s10 =	sld [smem:$0x3FB4]  }
0x3d: {  	_ =	shalt  }
0x3e: {  	_ =	shalt  }
0x3f: {  	_ =	shalt  }
0x40: {  	_ =	shalt  }
0x41: {  	_ =	shalt  }
0x42: {  	_ =	shalt  }
0x43: {  	_ =	shalt  }
0x44: {  	_ =	shalt  }
0x45: {  	_ =	shalt  }
0x46: {  	_ =	shalt  }
0x47: {  	_ =	shalt  }
0x48: {  	_ =	shalt  }
0x49: {  	_ =	shalt  }
0x4a: {  	_ =	shalt  }
0x4b: {  	_ =	shalt  }
0x4c: {  	_ =	shalt  }
0x4d: {  	_ =	shalt  }
0x4e: {  	_ =	shalt  }
0x4f: {  	_ =	shalt  }
0x50: {  	_ =	shalt  }
0x51: {  	_ =	shalt  }
0x52: {  	_ =	shalt  }
0x53: {  	_ =	shalt  }
0x54: {  	_ =	shalt  }
0x55: {  	_ =	shalt  }
0x56: {  	_ =	shalt  }
0x57: {  	_ =	shalt  }
0x58: {  	_ =	shalt  }
0x59: {  	_ =	shalt  }
0x5a: {  	_ =	shalt  }
0x5b: {  	_ =	shalt  }
0x5c: {  	_ =	shalt  }
0x5d: {  	_ =	shalt  }
0x5e: {  	_ =	shalt  }
0x5f: {  	_ =	shalt  }
0x60: {  	_ =	shalt  }
0x61: {  	_ =	shalt  }
0x62: {  	_ =	shalt  }
0x63: {  	_ =	shalt  }
0x64: {  	_ =	shalt  }
0x65: {  	_ =	shalt  }
0x66: {  	_ =	shalt  }
0x67: {  	_ =	shalt  }
0x68: {  	_ =	shalt  }
0x69: {  	_ =	shalt  }
0x6a: {  	_ =	shalt  }
0x6b: {  	_ =	shalt  }
0x6c: {  	_ =	shalt  }
0x6d: {  	_ =	shalt  }
0x6e: {  	_ =	shalt  }
0x6f: {  	_ =	shalt  }
0x70: {  	_ =	shalt  }
0x71: {  	_ =	shalt  }
0x72: {  	_ =	shalt  }
0x73: {  	_ =	shalt  }
0x74: {  	_ =	shalt  }
0x75: {  	_ =	shalt  }
0x76: {  	_ =	shalt  }
0x77: {  	_ =	shalt  }
0x78: {  	_ =	shalt  }
0x79: {  	_ =	shalt  }
0x7a: {  	_ =	shalt  }
0x7b: {  	_ =	shalt  }
0x7c: {  	_ =	shalt  }
0x7d: {  	_ =	shalt  }
0x7e: {  	_ =	shalt  }
0x7f: {  	_ =	shalt  }
0x80: {  	_ =	shalt  }
0x81: {  	_ =	shalt  }
0x82: {  	_ =	shalt  }
0x83: {  	_ =	shalt  }
0x84: {  	_ =	shalt  }
0x85: {  	_ =	shalt  }
0x86: {  	_ =	shalt  }
0x87: {  	_ =	shalt  }
.Lfunc_end0:
.L_simem_size_0:
called_computation.1_lowered:
.L_overlay_start_0:
0x88: {  	s2 =	sld [smem:$0x3FD9]  }
0x89: {  	s3 =	sld [smem:$0x3FFE];
	_ =	sdelay $0x1  }
0x8a: {  	s1 =	srdreg.scid  }
0x8b: {  	s0 =	sand.u32 $0x1, s1  }
0x8c: {  	s17 =	sshll.u32 s0, $0xA;
	s2 =	sadd.s32 s3, s2  }
0x8d: {  	s2 =	sadd.s32 s2, s17  }
0x8e: {  	[smem:$0x3FC0] =	sst s2  }
0x8f: {  	_ = 	snop  }
0x90: {  	s2 =	sld [smem:$0x3FD0];
	(tm) =	ssettm $0x1  }
0x91: {  	s18 =	sld [smem:$0x3FFB];
	_ =	sdelay $0x3  }
0x92: {  	_ =	strace s18  }
0x93: {  	s3 =	sld [smem:$0x3FFC];
	_ =	sdelay $0x3  }
0x94: {  	_ =	strace s3  }
0x95: {  	s3 =	sld [smem:$0x3FFD];
	_ =	sdelay $0x3  }
0x96: {  	_ =	strace s3  }
0x97: {  	_ =	strace $0x8FFFFFFF  }
0x98: {  	s19 =	sld [smem:$0x3FDB];
	_ =	sdelay $0x1  }
0x99: {  	s4 =	simm.s32 $_scs_section_size  }
0x9a: {  	s5 =	simm.s32 $_size__tile_overlayer_lowered;
	s6 =	simm.s32 $_tile_overlayer_lowered  }
0x9b: {  	s22 =	simm.s32 $0x1BFF;
	s21 =	sshll.u32 s6, $0x1;
	s3 =	sadd.s32 s4, s19  }
0x9c: {  	s7 =	simm.s32 $0x0;
	s20 =	sshll.u32 s5, $0x1;
	s5 =	sadd.s32 s21, s3  }
0x9d: {  	[timem:s7], [sflag:s22] =	dma.local [hbm:s5], s20  }
0x9e: {  	_ =	swait.ge [sflag:s22], s20  }
0x9f: {  	s4 =	ssub.s32 $0x0, s20;
	[sflag:s22] =	ssyncset.done $0x0  }
0xa0: {  	[sflag:s22] =	ssyncadd.s32 s4;
	_ =	sdelay $0x1  }
0xa1: {  	s23 =	simm.s32 $0x1B8B  }
0xa2: {  	_ =	swait.ge [sflag:s23], $0x1  }
0xa3: {  	[sflag:s23] =	ssyncset.done $0x0  }
0xa4: {  	s25 =	simm.s32 $0x1B8E;
	s24 =	sld [smem:$0x3FFE];
	[sflag:s23] =	ssyncadd.s32 $0xFFFFFFFF  }
0xa5: {  	s26 =	simm.s32 $execute0_lowered;
	[smem:$0x3FD2] =	sst s25  }
0xa6: {  	s5 =	sshll.u32 s26, $0x1;
	_ =	strace $0x80000049;
	[dreg:$0x1] =	wrdreg $0xFFFFFFFF  }
0xa7: {  	s28 =	simm.s32 $_size_execute0_lowered;
	s3 =	sadd.s32 s3, s5;
	[dreg:$0x0] =	wrdreg $0x0  }
0xa8: {  	s5 =	sshll.u32 s28, $0x1;
	[dreg:$0x2] =	wrdreg s3  }
0xa9: {  	[dreg:$0x3] =	wrdreg s5  }
0xaa: {  	[dreg:$0x4] =	wrdreg $0xC0  }
0xab: {  	_ =	task [dreg:s7], $0x5FFFF  }
0xac: {  	[dreg:$0x1] =	wrdreg $0xFFFFFFFF  }
0xad: {  	[dreg:$0x0] =	wrdreg $0x60  }
0xae: {  	[dreg:$0x2] =	wrdreg s24  }
0xaf: {  	[dreg:$0x3] =	wrdreg s2  }
0xb0: {  	[dreg:$0x4] =	wrdreg $0x4D000  }
0xb1: {  	[dreg:$0x5] =	wrdreg $0x9  }
0xb2: {  	_ =	task.clear_ibuf [dreg:s7], $0x6FFFF;
	_ =	strace $0x90000049  }
0xb3: {  	s29 =	simm.s32 $0x9;
	_ =	strace $0x8000004B  }
0xb4: {  	_ =	swait.ge [sflag:s29], $0x1  }
0xb5: {  	[sflag:s29] =	ssyncadd.s32 $0xFFFFFFFF  }
0xb6: {  	_ =	strace $0x9000004B  }
0xb7: {  	_ =	sfence  }
0xb8: {  	s30 =	sld [smem:$0x0];
	_ =	sdelay $0x2  }
0xb9: {  	s31 =	sshll.u32 s1, $0xD;
	s1 =	sshrl.u32 s1, $0x2  }
0xba: {  	s3 =	sand.u32 $0x4000, s31;
	s1 =	sadd.s32 s1, s30  }
0xbb: {  	s0 =	sor.u32 s3, s0;
	s1 =	sshll.u32 s1, $0x11  }
0xbc: {  	s0 =	sor.u32 s1, s0  }
0xbd: {  	s0 =	sadd.s32 $0x8F2B, s0  }
0xbe: {  	[sflag:s0] =	ssyncadd.remote.s32 $0x1  }
0xbf: {  	_ =	sfence.sel $0xFFFF  }
0xc0: {  	[dreg:$0x0] =	wrdreg $0xFFFFFFFF;
	(pc) =	sbr.abs _section_cstart, $3  }
0xc1: {  	[dreg:$0x1] =	wrdreg $0xFFFFFFFF  }
0xc2: {  	_ =	task.clear_ibuf [dreg:s7], $0x2FFFF;
	_ =	strace $0x9FFFFFFF  }
0xc3: {  	(tm) =	ssettm $0x7FFFFFFF  }
tec
execute0_lowered:
.L_overlay_start_1:
0x0: {  	(tag) =	ssettag $0x1  }
0x1: {  	s0 =	srdreg.scid  }
0x2: {  	s12 =	stileid.u32;
	s30 =	rddreg [dreg:$0x1]  }
0x3: {  	s31 =	simm.s32 $0x0;
	s3 =	sand.u32 $0x1, s0;
	s0 =	rddreg [dreg:$0x0]  }
0x4: {  	[smem:$0x7FF] =	sst s31;
	s7 =	sshll.u32 s12, $0x4  }
0x5: {  	s8 =	smul.u32 $0x9C40, s12;
	s1 =	sshll.u32 s3, $0x4;
	[smem:$0x7FD] =	sst s3  }
0x6: {  	s6 =	sadd.s32 $0x16200, s0;
	s19 =	smul.u32 $0x9C400, s3;
	s2 =	sor.u32 s12, s1  }
0x7: {  	s1 =	sadd.s32 s7, s30;
	[smem:$0x7F8] =	sst s2;
	s4 =	smul.u32 $0x2700, s2  }
0x8: {  	s2 =	rddreg [dreg:$0x2];
	s21 =	sadd.s32 $0x9C00, s1;
	s22 =	sadd.s32 s19, s8  }
0x9: {  	s1 =	sadd.s32 $0x13840, s1;
	_ =	strace $0x8000004A;
	[dreg:$0xf] =	wrdreg s21  }
0xa: {  	s26 =	sadd.s32 $0x1F40, s8;
	s23 =	sshrl.u32 s22, $0x3;
	[dreg:$0x10] =	wrdreg s1  }
0xb: {  	s28 =	sadd.s32 s26, s2;
	s1 =	sadd.s32 s19, s26;
	s4 =	sshrl.u32 s4, $0x3  }
0xc: {  	s24 =	sadd.s32 s6, s23;
	[dreg:$0x12] =	wrdreg s28;
	s1 =	sshrl.u32 s1, $0x3  }
0xd: {  	s13 =	sadd.s32 s30, s4;
	[dreg:$0x11] =	wrdreg s24;
	s1 =	sadd.s32 s6, s1  }
0xe: {  	s4 =	sadd.s32 $0x9C40, s13;
	[dreg:$0x16] =	wrdreg s1  }
0xf: {  	s9 =	sadd.s32 $0xD0, s13;
	[dreg:$0x4] =	wrdreg s4  }
0x10: {  	s10 =	sadd.s32 $0x9D10, s13;
	[dreg:$0x5] =	wrdreg s9  }
0x11: {  	s11 =	sadd.s32 $0x1A0, s13;
	[dreg:$0x6] =	wrdreg s10  }
0x12: {  	s14 =	sadd.s32 $0x9DE0, s13;
	[dreg:$0x7] =	wrdreg s11  }
0x13: {  	s15 =	sadd.s32 $0x270, s13;
	[dreg:$0x8] =	wrdreg s14  }
0x14: {  	s16 =	sadd.s32 $0x9EB0, s13;
	[dreg:$0x9] =	wrdreg s15  }
0x15: {  	s17 =	sadd.s32 $0x340, s13;
	[dreg:$0xa] =	wrdreg s16  }
0x16: {  	s18 =	sadd.s32 $0x9F80, s13;
	[dreg:$0xb] =	wrdreg s17  }
0x17: {  	s25 =	smul.u32 $0x27100, s12;
	s5 =	sadd.s32 $0x410, s13;
	[dreg:$0xc] =	wrdreg s18  }
0x18: {  	s22 =	sadd.s32 s8, s2;
	s20 =	sadd.s32 $0xA050, s13;
	[dreg:$0xd] =	wrdreg s5  }
0x19: {  	[dreg:$0xe] =	wrdreg s20;
	s5 =	sshrl.u32 s25, $0x2;
	s9 =	sadd.s32 $0x3E80, s8  }
0x1a: {  	s10 =	sadd.s32 $0x5DC0, s8;
	s11 =	sadd.s32 $0x7D00, s8;
	s25 =	sshrl.u32 s22, $0x3  }
0x1b: {  	s29 =	sadd.s32 s9, s2;
	s30 =	sadd.s32 s10, s2;
	[dreg:$0x1b] =	wrdreg s25  }
0x1c: {  	s3 =	sadd.s32 s11, s2;
	s14 =	sadd.s32 s19, s9;
	[dreg:$0x13] =	wrdreg s29  }
0x1d: {  	s15 =	sadd.s32 s19, s10;
	s5 =	sadd.s32 s5, s2;
	[dreg:$0x14] =	wrdreg s30  }
0x1e: {  	[dreg:$0x15] =	wrdreg s3;
	s7 =	sshrl.u32 s14, $0x3;
	s20 =	sshrl.u32 s5, $0x3  }
0x1f: {  	s17 =	sshrl.u32 s15, $0x3;
	s16 =	sadd.s32 s6, s7;
	[dreg:$0x1a] =	wrdreg s20  }
0x20: {  	s19 =	sadd.s32 s19, s11;
	s18 =	sadd.s32 s6, s17;
	[dreg:$0x17] =	wrdreg s16  }
0x21: {  	s21 =	sadd.s32 $0x15E00, s0;
	s1 =	sshrl.u32 s19, $0x3;
	[dreg:$0x18] =	wrdreg s18  }
0x22: {  	s24 =	sshll.u32 s12, $0x6;
	s1 =	sadd.s32 s6, s1;
	s23 =	rddreg [dreg:$0x1a]  }
0x23: {  	s7 =	sor.u32 $0x1C03, s24;
	s6 =	simm.s32 $0x3;
	[dreg:$0x19] =	wrdreg s1  }
0x24: {  	[spmem:s23], [sflag:s7] =	dma.local [hbm:s21], $0x3E8  }
0x25: {  	_ =	swait.ge [sflag:s6], $0x3E8  }
0x26: {  	s26 =	rddreg [dreg:$0x12]  }
0x27: {  	[sflag:s6] =	ssyncset.done $0x0;
	s1 =	sshrl.u32 s26, $0x3  }
0x28: {  	[sflag:s6] =	ssyncadd.s32 $0xFFFFFC18;
	[smem:$0x7F9] =	sst s1  }
0x29: {  	[spmem:s1], [sflag:s7] =	dma.local [hbm:s21], $0x3E8  }
0x2a: {  	_ =	swait.ge [sflag:s6], $0x3E8  }
0x2b: {  	s28 =	rddreg [dreg:$0x13]  }
0x2c: {  	[sflag:s6] =	ssyncset.done $0x0;
	s1 =	sshrl.u32 s28, $0x3  }
0x2d: {  	[sflag:s6] =	ssyncadd.s32 $0xFFFFFC18;
	[smem:$0x7FA] =	sst s1  }
0x2e: {  	[spmem:s1], [sflag:s7] =	dma.local [hbm:s21], $0x3E8  }
0x2f: {  	_ =	swait.ge [sflag:s6], $0x3E8  }
0x30: {  	s29 =	rddreg [dreg:$0x14]  }
0x31: {  	[sflag:s6] =	ssyncset.done $0x0;
	s1 =	sshrl.u32 s29, $0x3  }
0x32: {  	[sflag:s6] =	ssyncadd.s32 $0xFFFFFC18;
	[smem:$0x7FB] =	sst s1  }
0x33: {  	[spmem:s1], [sflag:s7] =	dma.local [hbm:s21], $0x3E8  }
0x34: {  	_ =	swait.ge [sflag:s6], $0x3E8  }
0x35: {  	s30 =	rddreg [dreg:$0x15]  }
0x36: {  	[dreg:$0x1d] =	wrdreg s21;
	[sflag:s6] =	ssyncset.done $0x0;
	s1 =	sshrl.u32 s30, $0x3  }
0x37: {  	[sflag:s6] =	ssyncadd.s32 $0xFFFFFC18;
	[smem:$0x7FC] =	sst s1  }
0x38: {  	[spmem:s1], [sflag:s7] =	dma.local [hbm:s21], $0x3E8  }
0x39: {  	_ =	swait.ge [sflag:s6], $0x3E8  }
0x3a: {  	[sflag:s6] =	ssyncset.done $0x0  }
0x3b: {  	[sflag:s6] =	ssyncadd.s32 $0xFFFFFC18  }
0x3c: {  	[bflag:$0x0] =	sbarrier.arrive $0xFFFF  }
0x3d: {  	[dreg:$0x1c] =	wrdreg s13  }
0x3e: {  	[tilespmem:s31], [sflag:$0x3] =	stream.linear.gather [hbm4b:s13+s31], $0x680, $0x38;
	[tilespmem:$0xE940] =	vst v63  }
0x3f: {  	_ =	swait.ge [sflag:s6], $0x680  }
0x40: {  	[sflag:s6] =	ssyncset.done $0x0  }
0x41: {  	s4 =	simm.s32 $0x680;
	s3 =	rddreg [dreg:$0x4];
	[sflag:s6] =	ssyncadd.s32 $0xFFFFF980  }
0x42: {  	[tilespmem:s4], [sflag:$0x3] =	stream.linear.gather [hbm4b:s3+s31], $0x680, $0x38;
	[tilespmem:$0xE940] =	vst v63  }
0x43: {  	_ =	swait.ge [sflag:s6], $0x680  }
0x44: {  	s9 =	sadd.s32 $0x2400, s0;
	[sflag:s6] =	ssyncset.done $0x0  }
0x45: {  	s10 =	simm.s32 $0x80;
	s11 =	simm.s32 $0xD00;
	[sflag:s6] =	ssyncadd.s32 $0xFFFFF980  }
0x46: {  	[tilespmem:s11], [sflag:$0x1] =	stream.indirect.gather [hbm4b:s9+s10], $0x40, s31, s10, $0xb8;
	[tilespmem:$0xE940] =	vst v63  }
0x47: {  	s12 =	simm.s32 $0x2D00;
	s13 =	simm.s32 $0x1  }
0x48: {  	[tilespmem:s12], [sflag:$0x2] =	stream.indirect.gather [hbm4b:s9+s10], $0x40, s10, s10, $0xb8;
	[tilespmem:$0xE940] =	vst v63  }
0x49: {  	_ =	swait.ge [sflag:s13], $0x2000  }
0x4a: {  	[sflag:s13] =	ssyncset.done $0x0  }
0x4b: {  	[sflag:s13] =	ssyncadd.s32 $0xFFFFE000  }
0x4c: {  	[spmem:s2] =	stream.indirect.scatter.add.f32 [tilespmem:s11], [sflag:$0x3], $0x40, s4, s10, $0xb8;
	[tilespmem:$0xE940] =	vst v63  }
0x4d: {  	_ =	swait.ge [sflag:s6], $0x2000  }
0x4e: {  	[sflag:s6] =	ssyncset.done $0x0  }
0x4f: {  	s5 =	simm.s32 $0x100;
	s15 =	simm.s32 $0x2;
	[sflag:s6] =	ssyncadd.s32 $0xFFFFE000  }
0x50: {  	[tilespmem:s11], [sflag:$0x1] =	stream.indirect.gather [hbm4b:s9+s10], $0x40, s5, s10, $0xb8;
	[tilespmem:$0xE940] =	vst v63  }
0x51: {  	_ =	swait.ge [sflag:s15], $0x2000  }
0x52: {  	[sflag:s15] =	ssyncset.done $0x0  }
0x53: {  	s8 =	simm.s32 $0x700;
	[sflag:s15] =	ssyncadd.s32 $0xFFFFE000  }
0x54: {  	[spmem:s2] =	stream.indirect.scatter.add.f32 [tilespmem:s12], [sflag:$0x3], $0x40, s8, s10, $0xb8;
	[tilespmem:$0xE940] =	vst v63  }
0x55: {  	_ =	swait.ge [sflag:s6], $0x2000  }
0x56: {  	[sflag:s6] =	ssyncset.done $0x0  }
0x57: {  	s14 =	simm.s32 $0x180;
	[sflag:s6] =	ssyncadd.s32 $0xFFFFE000  }
0x58: {  	[tilespmem:s12], [sflag:$0x2] =	stream.indirect.gather [hbm4b:s9+s10], $0x40, s14, s10, $0xb8;
	[tilespmem:$0xE940] =	vst v63  }
0x59: {  	_ =	swait.ge [sflag:s13], $0x2000  }
0x5a: {  	[sflag:s13] =	ssyncset.done $0x0  }
0x5b: {  	s16 =	simm.s32 $0x780;
	[sflag:s13] =	ssyncadd.s32 $0xFFFFE000  }
0x5c: {  	[spmem:s2] =	stream.indirect.scatter.add.f32 [tilespmem:s11], [sflag:$0x3], $0x40, s16, s10, $0xb8;
	[tilespmem:$0xE940] =	vst v63  }
0x5d: {  	_ =	swait.ge [sflag:s6], $0x2000  }
0x5e: {  	[sflag:s6] =	ssyncset.done $0x0  }
0x5f: {  	s17 =	simm.s32 $0x200;
	[sflag:s6] =	ssyncadd.s32 $0xFFFFE000  }
0x60: {  	[tilespmem:s11], [sflag:$0x1] =	stream.indirect.gather [hbm4b:s9+s10], $0x40, s17, s10, $0xb8;
	[tilespmem:$0xE940] =	vst v63  }
0x61: {  	_ =	swait.ge [sflag:s15], $0x2000  }
0x62: {  	[sflag:s15] =	ssyncset.done $0x0  }
0x63: {  	s18 =	simm.s32 $0x800;
	[sflag:s15] =	ssyncadd.s32 $0xFFFFE000  }
0x64: {  	[spmem:s2] =	stream.indirect.scatter.add.f32 [tilespmem:s12], [sflag:$0x3], $0x40, s18, s10, $0xb8;
	[tilespmem:$0xE940] =	vst v63  }
0x65: {  	_ =	swait.ge [sflag:s6], $0x2000  }
0x66: {  	[sflag:s6] =	ssyncset.done $0x0  }
0x67: {  	s19 =	simm.s32 $0x280;
	[sflag:s6] =	ssyncadd.s32 $0xFFFFE000  }
0x68: {  	[tilespmem:s12], [sflag:$0x2] =	stream.indirect.gather [hbm4b:s9+s10], $0x40, s19, s10, $0xb8;
	[tilespmem:$0xE940] =	vst v63  }
0x69: {  	_ =	swait.ge [sflag:s13], $0x2000  }
0x6a: {  	[sflag:s13] =	ssyncset.done $0x0  }
0x6b: {  	s20 =	simm.s32 $0x880;
	[sflag:s13] =	ssyncadd.s32 $0xFFFFE000  }
0x6c: {  	[spmem:s2] =	stream.indirect.scatter.add.f32 [tilespmem:s11], [sflag:$0x3], $0x40, s20, s10, $0xb8;
	[tilespmem:$0xE940] =	vst v63  }
0x6d: {  	_ =	swait.ge [sflag:s6], $0x2000  }
0x6e: {  	[sflag:s6] =	ssyncset.done $0x0  }
0x6f: {  	s21 =	simm.s32 $0x300;
	[sflag:s6] =	ssyncadd.s32 $0xFFFFE000  }
0x70: {  	[tilespmem:s11], [sflag:$0x1] =	stream.indirect.gather [hbm4b:s9+s10], $0x40, s21, s10, $0xb8;
	[tilespmem:$0xE940] =	vst v63  }
0x71: {  	_ =	swait.ge [sflag:s15], $0x2000  }
0x72: {  	[sflag:s15] =	ssyncset.done $0x0  }
0x73: {  	s22 =	simm.s32 $0x900;
	[sflag:s15] =	ssyncadd.s32 $0xFFFFE000  }
0x74: {  	[spmem:s2] =	stream.indirect.scatter.add.f32 [tilespmem:s12], [sflag:$0x3], $0x40, s22, s10, $0xb8;
	[tilespmem:$0xE940] =	vst v63  }
0x75: {  	_ =	swait.ge [sflag:s6], $0x2000  }
0x76: {  	[sflag:s6] =	ssyncset.done $0x0  }
0x77: {  	s23 =	simm.s32 $0x380;
	[sflag:s6] =	ssyncadd.s32 $0xFFFFE000  }
0x78: {  	[tilespmem:s12], [sflag:$0x2] =	stream.indirect.gather [hbm4b:s9+s10], $0x40, s23, s10, $0xb8;
	[tilespmem:$0xE940] =	vst v63  }
0x79: {  	_ =	swait.ge [sflag:s13], $0x2000  }
0x7a: {  	[sflag:s13] =	ssyncset.done $0x0  }
0x7b: {  	s24 =	simm.s32 $0x980;
	[sflag:s13] =	ssyncadd.s32 $0xFFFFE000  }
0x7c: {  	[spmem:s2] =	stream.indirect.scatter.add.f32 [tilespmem:s11], [sflag:$0x3], $0x40, s24, s10, $0xb8;
	[tilespmem:$0xE940] =	vst v63  }
0x7d: {  	_ =	swait.ge [sflag:s6], $0x2000  }
0x7e: {  	[sflag:s6] =	ssyncset.done $0x0  }
0x7f: {  	s25 =	simm.s32 $0x400;
	[sflag:s6] =	ssyncadd.s32 $0xFFFFE000  }
0x80: {  	[tilespmem:s11], [sflag:$0x1] =	stream.indirect.gather [hbm4b:s9+s10], $0x40, s25, s10, $0xb8;
	[tilespmem:$0xE940] =	vst v63  }
0x81: {  	_ =	swait.ge [sflag:s15], $0x2000  }
0x82: {  	[sflag:s15] =	ssyncset.done $0x0  }
0x83: {  	s26 =	simm.s32 $0xA00;
	[sflag:s15] =	ssyncadd.s32 $0xFFFFE000  }
0x84: {  	[spmem:s2] =	stream.indirect.scatter.add.f32 [tilespmem:s12], [sflag:$0x3], $0x40, s26, s10, $0xb8;
	[tilespmem:$0xE940] =	vst v63  }
0x85: {  	_ =	swait.ge [sflag:s6], $0x2000  }
0x86: {  	[sflag:s6] =	ssyncset.done $0x0  }
0x87: {  	s28 =	simm.s32 $0x480;
	[sflag:s6] =	ssyncadd.s32 $0xFFFFE000  }
0x88: {  	[tilespmem:s12], [sflag:$0x2] =	stream.indirect.gather [hbm4b:s9+s10], $0x40, s28, s10, $0xb8;
	[tilespmem:$0xE940] =	vst v63  }
0x89: {  	_ =	swait.ge [sflag:s13], $0x2000  }
0x8a: {  	[sflag:s13] =	ssyncset.done $0x0  }
0x8b: {  	s29 =	simm.s32 $0xA80;
	[sflag:s13] =	ssyncadd.s32 $0xFFFFE000  }
0x8c: {  	[spmem:s2] =	stream.indirect.scatter.add.f32 [tilespmem:s11], [sflag:$0x3], $0x40, s29, s10, $0xb8;
	[tilespmem:$0xE940] =	vst v63  }
0x8d: {  	_ =	swait.ge [sflag:s6], $0x2000  }
0x8e: {  	[sflag:s6] =	ssyncset.done $0x0  }
0x8f: {  	s30 =	simm.s32 $0x500;
	[sflag:s6] =	ssyncadd.s32 $0xFFFFE000  }
0x90: {  	[tilespmem:s11], [sflag:$0x1] =	stream.indirect.gather [hbm4b:s9+s10], $0x40, s30, s10, $0xb8;
	[tilespmem:$0xE940] =	vst v63  }
0x91: {  	_ =	swait.ge [sflag:s15], $0x2000  }
0x92: {  	[sflag:s15] =	ssyncset.done $0x0  }
0x93: {  	s1 =	simm.s32 $0xB00;
	[sflag:s15] =	ssyncadd.s32 $0xFFFFE000  }
0x94: {  	[spmem:s2] =	stream.indirect.scatter.add.f32 [tilespmem:s12], [sflag:$0x3], $0x40, s1, s10, $0xb8;
	[tilespmem:$0xE940] =	vst v63  }
0x95: {  	_ =	swait.ge [sflag:s6], $0x2000  }
0x96: {  	[sflag:s6] =	ssyncset.done $0x0  }
0x97: {  	s3 =	simm.s32 $0x580;
	[sflag:s6] =	ssyncadd.s32 $0xFFFFE000  }
0x98: {  	[tilespmem:s12], [sflag:$0x2] =	stream.indirect.gather [hbm4b:s9+s10], $0x40, s3, s10, $0xb8;
	[tilespmem:$0xE940] =	vst v63  }
0x99: {  	_ =	swait.ge [sflag:s13], $0x2000  }
0x9a: {  	[sflag:s13] =	ssyncset.done $0x0  }
0x9b: {  	s4 =	simm.s32 $0xB80;
	[sflag:s13] =	ssyncadd.s32 $0xFFFFE000  }
0x9c: {  	[spmem:s2] =	stream.indirect.scatter.add.f32 [tilespmem:s11], [sflag:$0x3], $0x40, s4, s10, $0xb8;
	[tilespmem:$0xE940] =	vst v63  }
0x9d: {  	_ =	swait.ge [sflag:s6], $0x2000  }
0x9e: {  	[sflag:s6] =	ssyncset.done $0x0  }
0x9f: {  	s5 =	simm.s32 $0x600;
	[sflag:s6] =	ssyncadd.s32 $0xFFFFE000  }
0xa0: {  	[tilespmem:s11], [sflag:$0x1] =	stream.indirect.gather [hbm4b:s9+s10], $0x40, s5, s10, $0xb8;
	[tilespmem:$0xE940] =	vst v63  }
0xa1: {  	_ =	swait.ge [sflag:s15], $0x2000  }
0xa2: {  	[sflag:s15] =	ssyncset.done $0x0  }
0xa3: {  	s8 =	simm.s32 $0xC00;
	[sflag:s15] =	ssyncadd.s32 $0xFFFFE000  }
0xa4: {  	[spmem:s2] =	stream.indirect.scatter.add.f32 [tilespmem:s12], [sflag:$0x3], $0x40, s8, s10, $0xb8;
	[tilespmem:$0xE940] =	vst v63  }
0xa5: {  	_ =	swait.ge [sflag:s6], $0x2000  }
0xa6: {  	[sflag:s6] =	ssyncset.done $0x0  }
0xa7: {  	[sflag:s6] =	ssyncadd.s32 $0xFFFFE000  }
0xa8: {  	_ =	swait.ge [sflag:s13], $0x2000  }
0xa9: {  	[sflag:s13] =	ssyncset.done $0x0  }
0xaa: {  	s14 =	simm.s32 $0xC80;
	[sflag:s13] =	ssyncadd.s32 $0xFFFFE000  }
0xab: {  	[spmem:s2] =	stream.indirect.scatter.add.f32 [tilespmem:s11], [sflag:$0x3], $0x40, s14, s10, $0xb8;
	[tilespmem:$0xE940] =	vst v63  }
0xac: {  	_ =	swait.ge [sflag:s6], $0x2000  }
0xad: {  	[sflag:s6] =	ssyncset.done $0x0  }
0xae: {  	s19 =	rddreg [dreg:$0x5];
	[sflag:s6] =	ssyncadd.s32 $0xFFFFE000  }
0xaf: {  	[tilespmem:s31], [sflag:$0x3] =	stream.linear.gather [hbm4b:s19+s31], $0x680, $0x38;
	[tilespmem:$0xE940] =	vst v63  }
0xb0: {  	_ =	swait.ge [sflag:s6], $0x680  }
0xb1: {  	[sflag:s6] =	ssyncset.done $0x0  }
0xb2: {  	s17 =	simm.s32 $0x680;
	s16 =	rddreg [dreg:$0x6];
	[sflag:s6] =	ssyncadd.s32 $0xFFFFF980  }
0xb3: {  	[tilespmem:s17], [sflag:$0x3] =	stream.linear.gather [hbm4b:s16+s31], $0x680, $0x38;
	[tilespmem:$0xE940] =	vst v63  }
0xb4: {  	_ =	swait.ge [sflag:s6], $0x680  }
0xb5: {  	[sflag:s6] =	ssyncset.done $0x0  }
0xb6: {  	[sflag:s6] =	ssyncadd.s32 $0xFFFFF980  }
0xb7: {  	[tilespmem:s11], [sflag:$0x1] =	stream.indirect.gather [hbm4b:s9+s10], $0x40, s31, s10, $0xb8;
	[tilespmem:$0xE940] =	vst v63  }
0xb8: {  	_ = 	snop  }
0xb9: {  	[tilespmem:s12], [sflag:$0x2] =	stream.indirect.gather [hbm4b:s9+s10], $0x40, s10, s10, $0xb8;
	[tilespmem:$0xE940] =	vst v63  }
0xba: {  	_ =	swait.ge [sflag:s13], $0x2000  }
0xbb: {  	[sflag:s13] =	ssyncset.done $0x0  }
0xbc: {  	[sflag:s13] =	ssyncadd.s32 $0xFFFFE000  }
0xbd: {  	[spmem:s2] =	stream.indirect.scatter.add.f32 [tilespmem:s11], [sflag:$0x3], $0x40, s17, s10, $0xb8;
	[tilespmem:$0xE940] =	vst v63  }
0xbe: {  	_ =	swait.ge [sflag:s6], $0x2000  }
0xbf: {  	[sflag:s6] =	ssyncset.done $0x0  }
0xc0: {  	s18 =	simm.s32 $0x100;
	[sflag:s6] =	ssyncadd.s32 $0xFFFFE000  }
0xc1: {  	[tilespmem:s11], [sflag:$0x1] =	stream.indirect.gather [hbm4b:s9+s10], $0x40, s18, s10, $0xb8;
	[tilespmem:$0xE940] =	vst v63  }
0xc2: {  	_ =	swait.ge [sflag:s15], $0x2000  }
0xc3: {  	[sflag:s15] =	ssyncset.done $0x0  }
0xc4: {  	s1 =	simm.s32 $0x700;
	[sflag:s15] =	ssyncadd.s32 $0xFFFFE000  }
0xc5: {  	[spmem:s2] =	stream.indirect.scatter.add.f32 [tilespmem:s12], [sflag:$0x3], $0x40, s1, s10, $0xb8;
	[tilespmem:$0xE940] =	vst v63  }
0xc6: {  	_ =	swait.ge [sflag:s6], $0x2000  }
0xc7: {  	[sflag:s6] =	ssyncset.done $0x0  }
0xc8: {  	s3 =	simm.s32 $0x180;
	[sflag:s6] =	ssyncadd.s32 $0xFFFFE000  }
0xc9: {  	[tilespmem:s12], [sflag:$0x2] =	stream.indirect.gather [hbm4b:s9+s10], $0x40, s3, s10, $0xb8;
	[tilespmem:$0xE940] =	vst v63  }
0xca: {  	_ =	swait.ge [sflag:s13], $0x2000  }
0xcb: {  	[sflag:s13] =	ssyncset.done $0x0  }
0xcc: {  	s4 =	simm.s32 $0x780;
	[sflag:s13] =	ssyncadd.s32 $0xFFFFE000  }
0xcd: {  	[spmem:s2] =	stream.indirect.scatter.add.f32 [tilespmem:s11], [sflag:$0x3], $0x40, s4, s10, $0xb8;
	[tilespmem:$0xE940] =	vst v63  }
0xce: {  	_ =	swait.ge [sflag:s6], $0x2000  }
0xcf: {  	[sflag:s6] =	ssyncset.done $0x0  }
0xd0: {  	s5 =	simm.s32 $0x200;
	[sflag:s6] =	ssyncadd.s32 $0xFFFFE000  }
0xd1: {  	[tilespmem:s11], [sflag:$0x1] =	stream.indirect.gather [hbm4b:s9+s10], $0x40, s5, s10, $0xb8;
	[tilespmem:$0xE940] =	vst v63  }
0xd2: {  	_ =	swait.ge [sflag:s15], $0x2000  }
0xd3: {  	[sflag:s15] =	ssyncset.done $0x0  }
0xd4: {  	s8 =	simm.s32 $0x800;
	[sflag:s15] =	ssyncadd.s32 $0xFFFFE000  }
0xd5: {  	[spmem:s2] =	stream.indirect.scatter.add.f32 [tilespmem:s12], [sflag:$0x3], $0x40, s8, s10, $0xb8;
	[tilespmem:$0xE940] =	vst v63  }
0xd6: {  	_ =	swait.ge [sflag:s6], $0x2000  }
0xd7: {  	[sflag:s6] =	ssyncset.done $0x0  }
0xd8: {  	s14 =	simm.s32 $0x280;
	[sflag:s6] =	ssyncadd.s32 $0xFFFFE000  }
0xd9: {  	[tilespmem:s12], [sflag:$0x2] =	stream.indirect.gather [hbm4b:s9+s10], $0x40, s14, s10, $0xb8;
	[tilespmem:$0xE940] =	vst v63  }
0xda: {  	_ =	swait.ge [sflag:s13], $0x2000  }
0xdb: {  	[sflag:s13] =	ssyncset.done $0x0  }
0xdc: {  	s16 =	simm.s32 $0x880;
	[sflag:s13] =	ssyncadd.s32 $0xFFFFE000  }
0xdd: {  	[spmem:s2] =	stream.indirect.scatter.add.f32 [tilespmem:s11], [sflag:$0x3], $0x40, s16, s10, $0xb8;
	[tilespmem:$0xE940] =	vst v63  }
0xde: {  	_ =	swait.ge [sflag:s6], $0x2000  }
0xdf: {  	[sflag:s6] =	ssyncset.done $0x0  }
0xe0: {  	s17 =	simm.s32 $0x300;
	[sflag:s6] =	ssyncadd.s32 $0xFFFFE000  }
0xe1: {  	[tilespmem:s11], [sflag:$0x1] =	stream.indirect.gather [hbm4b:s9+s10], $0x40, s17, s10, $0xb8;
	[tilespmem:$0xE940] =	vst v63  }
0xe2: {  	_ =	swait.ge [sflag:s15], $0x2000  }
0xe3: {  	[sflag:s15] =	ssyncset.done $0x0  }
0xe4: {  	s18 =	simm.s32 $0x900;
	[sflag:s15] =	ssyncadd.s32 $0xFFFFE000  }
0xe5: {  	[spmem:s2] =	stream.indirect.scatter.add.f32 [tilespmem:s12], [sflag:$0x3], $0x40, s18, s10, $0xb8;
	[tilespmem:$0xE940] =	vst v63  }
0xe6: {  	_ =	swait.ge [sflag:s6], $0x2000  }
0xe7: {  	[sflag:s6] =	ssyncset.done $0x0  }
0xe8: {  	s20 =	simm.s32 $0x380;
	[sflag:s6] =	ssyncadd.s32 $0xFFFFE000  }
0xe9: {  	[tilespmem:s12], [sflag:$0x2] =	stream.indirect.gather [hbm4b:s9+s10], $0x40, s20, s10, $0xb8;
	[tilespmem:$0xE940] =	vst v63  }
0xea: {  	_ =	swait.ge [sflag:s13], $0x2000  }
0xeb: {  	[sflag:s13] =	ssyncset.done $0x0  }
0xec: {  	s21 =	simm.s32 $0x980;
	[sflag:s13] =	ssyncadd.s32 $0xFFFFE000  }
0xed: {  	[spmem:s2] =	stream.indirect.scatter.add.f32 [tilespmem:s11], [sflag:$0x3], $0x40, s21, s10, $0xb8;
	[tilespmem:$0xE940] =	vst v63  }
0xee: {  	_ =	swait.ge [sflag:s6], $0x2000  }
0xef: {  	[sflag:s6] =	ssyncset.done $0x0  }
0xf0: {  	s22 =	simm.s32 $0x400;
	[sflag:s6] =	ssyncadd.s32 $0xFFFFE000  }
0xf1: {  	[tilespmem:s11], [sflag:$0x1] =	stream.indirect.gather [hbm4b:s9+s10], $0x40, s22, s10, $0xb8;
	[tilespmem:$0xE940] =	vst v63  }
0xf2: {  	_ =	swait.ge [sflag:s15], $0x2000  }
0xf3: {  	[sflag:s15] =	ssyncset.done $0x0  }
0xf4: {  	s23 =	simm.s32 $0xA00;
	[sflag:s15] =	ssyncadd.s32 $0xFFFFE000  }
0xf5: {  	[spmem:s2] =	stream.indirect.scatter.add.f32 [tilespmem:s12], [sflag:$0x3], $0x40, s23, s10, $0xb8;
	[tilespmem:$0xE940] =	vst v63  }
0xf6: {  	_ =	swait.ge [sflag:s6], $0x2000  }
0xf7: {  	[sflag:s6] =	ssyncset.done $0x0  }
0xf8: {  	s24 =	simm.s32 $0x480;
	[sflag:s6] =	ssyncadd.s32 $0xFFFFE000  }
0xf9: {  	[tilespmem:s12], [sflag:$0x2] =	stream.indirect.gather [hbm4b:s9+s10], $0x40, s24, s10, $0xb8;
	[tilespmem:$0xE940] =	vst v63  }
0xfa: {  	_ =	swait.ge [sflag:s13], $0x2000  }
0xfb: {  	[sflag:s13] =	ssyncset.done $0x0  }
0xfc: {  	s25 =	simm.s32 $0xA80;
	[sflag:s13] =	ssyncadd.s32 $0xFFFFE000  }
0xfd: {  	[spmem:s2] =	stream.indirect.scatter.add.f32 [tilespmem:s11], [sflag:$0x3], $0x40, s25, s10, $0xb8;
	[tilespmem:$0xE940] =	vst v63  }
0xfe: {  	_ =	swait.ge [sflag:s6], $0x2000  }
0xff: {  	[sflag:s6] =	ssyncset.done $0x0  }
0x100: {  	s26 =	simm.s32 $0x500;
	[sflag:s6] =	ssyncadd.s32 $0xFFFFE000  }
0x101: {  	[tilespmem:s11], [sflag:$0x1] =	stream.indirect.gather [hbm4b:s9+s10], $0x40, s26, s10, $0xb8;
	[tilespmem:$0xE940] =	vst v63  }
0x102: {  	_ =	swait.ge [sflag:s15], $0x2000  }
0x103: {  	[sflag:s15] =	ssyncset.done $0x0  }
0x104: {  	s28 =	simm.s32 $0xB00;
	[sflag:s15] =	ssyncadd.s32 $0xFFFFE000  }
0x105: {  	[spmem:s2] =	stream.indirect.scatter.add.f32 [tilespmem:s12], [sflag:$0x3], $0x40, s28, s10, $0xb8;
	[tilespmem:$0xE940] =	vst v63  }
0x106: {  	_ =	swait.ge [sflag:s6], $0x2000  }
0x107: {  	[sflag:s6] =	ssyncset.done $0x0  }
0x108: {  	s29 =	simm.s32 $0x580;
	[sflag:s6] =	ssyncadd.s32 $0xFFFFE000  }
0x109: {  	[tilespmem:s12], [sflag:$0x2] =	stream.indirect.gather [hbm4b:s9+s10], $0x40, s29, s10, $0xb8;
	[tilespmem:$0xE940] =	vst v63  }
0x10a: {  	_ =	swait.ge [sflag:s13], $0x2000  }
0x10b: {  	[sflag:s13] =	ssyncset.done $0x0  }
0x10c: {  	s30 =	simm.s32 $0xB80;
	[sflag:s13] =	ssyncadd.s32 $0xFFFFE000  }
0x10d: {  	[spmem:s2] =	stream.indirect.scatter.add.f32 [tilespmem:s11], [sflag:$0x3], $0x40, s30, s10, $0xb8;
	[tilespmem:$0xE940] =	vst v63  }
0x10e: {  	_ =	swait.ge [sflag:s6], $0x2000  }
0x10f: {  	[sflag:s6] =	ssyncset.done $0x0  }
0x110: {  	s19 =	simm.s32 $0x600;
	[sflag:s6] =	ssyncadd.s32 $0xFFFFE000  }
0x111: {  	[tilespmem:s11], [sflag:$0x1] =	stream.indirect.gather [hbm4b:s9+s10], $0x40, s19, s10, $0xb8;
	[tilespmem:$0xE940] =	vst v63  }
0x112: {  	_ =	swait.ge [sflag:s15], $0x2000  }
0x113: {  	[sflag:s15] =	ssyncset.done $0x0  }
0x114: {  	s19 =	simm.s32 $0xC00;
	[sflag:s15] =	ssyncadd.s32 $0xFFFFE000  }
0x115: {  	[spmem:s2] =	stream.indirect.scatter.add.f32 [tilespmem:s12], [sflag:$0x3], $0x40, s19, s10, $0xb8;
	[tilespmem:$0xE940] =	vst v63  }
0x116: {  	_ =	swait.ge [sflag:s6], $0x2000  }
0x117: {  	[sflag:s6] =	ssyncset.done $0x0  }
0x118: {  	[sflag:s6] =	ssyncadd.s32 $0xFFFFE000  }
0x119: {  	_ =	swait.ge [sflag:s13], $0x2000  }
0x11a: {  	[sflag:s13] =	ssyncset.done $0x0  }
0x11b: {  	s19 =	simm.s32 $0xC80;
	[sflag:s13] =	ssyncadd.s32 $0xFFFFE000  }
0x11c: {  	[spmem:s2] =	stream.indirect.scatter.add.f32 [tilespmem:s11], [sflag:$0x3], $0x40, s19, s10, $0xb8;
	[tilespmem:$0xE940] =	vst v63  }
0x11d: {  	_ =	swait.ge [sflag:s6], $0x2000  }
0x11e: {  	[sflag:s6] =	ssyncset.done $0x0  }
0x11f: {  	s0 =	rddreg [dreg:$0x7];
	[sflag:s6] =	ssyncadd.s32 $0xFFFFE000  }
0x120: {  	[tilespmem:s31], [sflag:$0x3] =	stream.linear.gather [hbm4b:s0+s31], $0x680, $0x38;
	[tilespmem:$0xE940] =	vst v63  }
0x121: {  	_ =	swait.ge [sflag:s6], $0x680  }
0x122: {  	[sflag:s6] =	ssyncset.done $0x0  }
0x123: {  	s0 =	simm.s32 $0x680;
	s19 =	rddreg [dreg:$0x8];
	[sflag:s6] =	ssyncadd.s32 $0xFFFFF980  }
0x124: {  	[tilespmem:s0], [sflag:$0x3] =	stream.linear.gather [hbm4b:s19+s31], $0x680, $0x38;
	[tilespmem:$0xE940] =	vst v63  }
0x125: {  	_ =	swait.ge [sflag:s6], $0x680  }
0x126: {  	[sflag:s6] =	ssyncset.done $0x0  }
0x127: {  	[sflag:s6] =	ssyncadd.s32 $0xFFFFF980  }
0x128: {  	[tilespmem:s11], [sflag:$0x1] =	stream.indirect.gather [hbm4b:s9+s10], $0x40, s31, s10, $0xb8;
	[tilespmem:$0xE940] =	vst v63  }
0x129: {  	_ = 	snop  }
0x12a: {  	[tilespmem:s12], [sflag:$0x2] =	stream.indirect.gather [hbm4b:s9+s10], $0x40, s10, s10, $0xb8;
	[tilespmem:$0xE940] =	vst v63  }
0x12b: {  	_ =	swait.ge [sflag:s13], $0x2000  }
0x12c: {  	[sflag:s13] =	ssyncset.done $0x0  }
0x12d: {  	[sflag:s13] =	ssyncadd.s32 $0xFFFFE000  }
0x12e: {  	[spmem:s2] =	stream.indirect.scatter.add.f32 [tilespmem:s11], [sflag:$0x3], $0x40, s0, s10, $0xb8;
	[tilespmem:$0xE940] =	vst v63  }
0x12f: {  	_ =	swait.ge [sflag:s6], $0x2000  }
0x130: {  	[sflag:s6] =	ssyncset.done $0x0  }
0x131: {  	s19 =	simm.s32 $0x100;
	[sflag:s6] =	ssyncadd.s32 $0xFFFFE000  }
0x132: {  	[tilespmem:s11], [sflag:$0x1] =	stream.indirect.gather [hbm4b:s9+s10], $0x40, s19, s10, $0xb8;
	[tilespmem:$0xE940] =	vst v63  }
0x133: {  	_ =	swait.ge [sflag:s15], $0x2000  }
0x134: {  	[sflag:s15] =	ssyncset.done $0x0  }
0x135: {  	[sflag:s15] =	ssyncadd.s32 $0xFFFFE000  }
0x136: {  	[spmem:s2] =	stream.indirect.scatter.add.f32 [tilespmem:s12], [sflag:$0x3], $0x40, s1, s10, $0xb8;
	[tilespmem:$0xE940] =	vst v63  }
0x137: {  	_ =	swait.ge [sflag:s6], $0x2000  }
0x138: {  	[sflag:s6] =	ssyncset.done $0x0  }
0x139: {  	[sflag:s6] =	ssyncadd.s32 $0xFFFFE000  }
0x13a: {  	[tilespmem:s12], [sflag:$0x2] =	stream.indirect.gather [hbm4b:s9+s10], $0x40, s3, s10, $0xb8;
	[tilespmem:$0xE940] =	vst v63  }
0x13b: {  	_ =	swait.ge [sflag:s13], $0x2000  }
0x13c: {  	[sflag:s13] =	ssyncset.done $0x0  }
0x13d: {  	[sflag:s13] =	ssyncadd.s32 $0xFFFFE000  }
0x13e: {  	[spmem:s2] =	stream.indirect.scatter.add.f32 [tilespmem:s11], [sflag:$0x3], $0x40, s4, s10, $0xb8;
	[tilespmem:$0xE940] =	vst v63  }
0x13f: {  	_ =	swait.ge [sflag:s6], $0x2000  }
0x140: {  	[sflag:s6] =	ssyncset.done $0x0  }
0x141: {  	[sflag:s6] =	ssyncadd.s32 $0xFFFFE000  }
0x142: {  	[tilespmem:s11], [sflag:$0x1] =	stream.indirect.gather [hbm4b:s9+s10], $0x40, s5, s10, $0xb8;
	[tilespmem:$0xE940] =	vst v63  }
0x143: {  	_ =	swait.ge [sflag:s15], $0x2000  }
0x144: {  	[sflag:s15] =	ssyncset.done $0x0  }
0x145: {  	[sflag:s15] =	ssyncadd.s32 $0xFFFFE000  }
0x146: {  	[spmem:s2] =	stream.indirect.scatter.add.f32 [tilespmem:s12], [sflag:$0x3], $0x40, s8, s10, $0xb8;
	[tilespmem:$0xE940] =	vst v63  }
0x147: {  	_ =	swait.ge [sflag:s6], $0x2000  }
0x148: {  	[sflag:s6] =	ssyncset.done $0x0  }
0x149: {  	[sflag:s6] =	ssyncadd.s32 $0xFFFFE000  }
0x14a: {  	[tilespmem:s12], [sflag:$0x2] =	stream.indirect.gather [hbm4b:s9+s10], $0x40, s14, s10, $0xb8;
	[tilespmem:$0xE940] =	vst v63  }
0x14b: {  	_ =	swait.ge [sflag:s13], $0x2000  }
0x14c: {  	[sflag:s13] =	ssyncset.done $0x0  }
0x14d: {  	[sflag:s13] =	ssyncadd.s32 $0xFFFFE000  }
0x14e: {  	[spmem:s2] =	stream.indirect.scatter.add.f32 [tilespmem:s11], [sflag:$0x3], $0x40, s16, s10, $0xb8;
	[tilespmem:$0xE940] =	vst v63  }
0x14f: {  	_ =	swait.ge [sflag:s6], $0x2000  }
0x150: {  	[sflag:s6] =	ssyncset.done $0x0  }
0x151: {  	[sflag:s6] =	ssyncadd.s32 $0xFFFFE000  }
0x152: {  	[tilespmem:s11], [sflag:$0x1] =	stream.indirect.gather [hbm4b:s9+s10], $0x40, s17, s10, $0xb8;
	[tilespmem:$0xE940] =	vst v63  }
0x153: {  	_ =	swait.ge [sflag:s15], $0x2000  }
0x154: {  	[sflag:s15] =	ssyncset.done $0x0  }
0x155: {  	[sflag:s15] =	ssyncadd.s32 $0xFFFFE000  }
0x156: {  	[spmem:s2] =	stream.indirect.scatter.add.f32 [tilespmem:s12], [sflag:$0x3], $0x40, s18, s10, $0xb8;
	[tilespmem:$0xE940] =	vst v63  }
0x157: {  	_ =	swait.ge [sflag:s6], $0x2000  }
0x158: {  	[sflag:s6] =	ssyncset.done $0x0  }
0x159: {  	[sflag:s6] =	ssyncadd.s32 $0xFFFFE000  }
0x15a: {  	[tilespmem:s12], [sflag:$0x2] =	stream.indirect.gather [hbm4b:s9+s10], $0x40, s20, s10, $0xb8;
	[tilespmem:$0xE940] =	vst v63  }
0x15b: {  	_ =	swait.ge [sflag:s13], $0x2000  }
0x15c: {  	[sflag:s13] =	ssyncset.done $0x0  }
0x15d: {  	[sflag:s13] =	ssyncadd.s32 $0xFFFFE000  }
0x15e: {  	[spmem:s2] =	stream.indirect.scatter.add.f32 [tilespmem:s11], [sflag:$0x3], $0x40, s21, s10, $0xb8;
	[tilespmem:$0xE940] =	vst v63  }
0x15f: {  	_ =	swait.ge [sflag:s6], $0x2000  }
0x160: {  	[sflag:s6] =	ssyncset.done $0x0  }
0x161: {  	[sflag:s6] =	ssyncadd.s32 $0xFFFFE000  }
0x162: {  	[tilespmem:s11], [sflag:$0x1] =	stream.indirect.gather [hbm4b:s9+s10], $0x40, s22, s10, $0xb8;
	[tilespmem:$0xE940] =	vst v63  }
0x163: {  	_ =	swait.ge [sflag:s15], $0x2000  }
0x164: {  	[sflag:s15] =	ssyncset.done $0x0  }
0x165: {  	[sflag:s15] =	ssyncadd.s32 $0xFFFFE000  }
0x166: {  	[spmem:s2] =	stream.indirect.scatter.add.f32 [tilespmem:s12], [sflag:$0x3], $0x40, s23, s10, $0xb8;
	[tilespmem:$0xE940] =	vst v63  }
0x167: {  	_ =	swait.ge [sflag:s6], $0x2000  }
0x168: {  	[sflag:s6] =	ssyncset.done $0x0  }
0x169: {  	[sflag:s6] =	ssyncadd.s32 $0xFFFFE000  }
0x16a: {  	[tilespmem:s12], [sflag:$0x2] =	stream.indirect.gather [hbm4b:s9+s10], $0x40, s24, s10, $0xb8;
	[tilespmem:$0xE940] =	vst v63  }
0x16b: {  	_ =	swait.ge [sflag:s13], $0x2000  }
0x16c: {  	[sflag:s13] =	ssyncset.done $0x0  }
0x16d: {  	[sflag:s13] =	ssyncadd.s32 $0xFFFFE000  }
0x16e: {  	[spmem:s2] =	stream.indirect.scatter.add.f32 [tilespmem:s11], [sflag:$0x3], $0x40, s25, s10, $0xb8;
	[tilespmem:$0xE940] =	vst v63  }
0x16f: {  	_ =	swait.ge [sflag:s6], $0x2000  }
0x170: {  	[sflag:s6] =	ssyncset.done $0x0  }
0x171: {  	[sflag:s6] =	ssyncadd.s32 $0xFFFFE000  }
0x172: {  	[tilespmem:s11], [sflag:$0x1] =	stream.indirect.gather [hbm4b:s9+s10], $0x40, s26, s10, $0xb8;
	[tilespmem:$0xE940] =	vst v63  }
0x173: {  	_ =	swait.ge [sflag:s15], $0x2000  }
0x174: {  	[sflag:s15] =	ssyncset.done $0x0  }
0x175: {  	[sflag:s15] =	ssyncadd.s32 $0xFFFFE000  }
0x176: {  	[spmem:s2] =	stream.indirect.scatter.add.f32 [tilespmem:s12], [sflag:$0x3], $0x40, s28, s10, $0xb8;
	[tilespmem:$0xE940] =	vst v63  }
0x177: {  	_ =	swait.ge [sflag:s6], $0x2000  }
0x178: {  	[sflag:s6] =	ssyncset.done $0x0  }
0x179: {  	[sflag:s6] =	ssyncadd.s32 $0xFFFFE000  }
0x17a: {  	[tilespmem:s12], [sflag:$0x2] =	stream.indirect.gather [hbm4b:s9+s10], $0x40, s29, s10, $0xb8;
	[tilespmem:$0xE940] =	vst v63  }
0x17b: {  	_ =	swait.ge [sflag:s13], $0x2000  }
0x17c: {  	[sflag:s13] =	ssyncset.done $0x0  }
0x17d: {  	[sflag:s13] =	ssyncadd.s32 $0xFFFFE000  }
0x17e: {  	[spmem:s2] =	stream.indirect.scatter.add.f32 [tilespmem:s11], [sflag:$0x3], $0x40, s30, s10, $0xb8;
	[tilespmem:$0xE940] =	vst v63  }
0x17f: {  	_ =	swait.ge [sflag:s6], $0x2000  }
0x180: {  	[sflag:s6] =	ssyncset.done $0x0  }
0x181: {  	s19 =	simm.s32 $0x600;
	[sflag:s6] =	ssyncadd.s32 $0xFFFFE000  }
0x182: {  	[tilespmem:s11], [sflag:$0x1] =	stream.indirect.gather [hbm4b:s9+s10], $0x40, s19, s10, $0xb8;
	[tilespmem:$0xE940] =	vst v63  }
0x183: {  	_ =	swait.ge [sflag:s15], $0x2000  }
0x184: {  	[sflag:s15] =	ssyncset.done $0x0  }
0x185: {  	s19 =	simm.s32 $0xC00;
	[sflag:s15] =	ssyncadd.s32 $0xFFFFE000  }
0x186: {  	[spmem:s2] =	stream.indirect.scatter.add.f32 [tilespmem:s12], [sflag:$0x3], $0x40, s19, s10, $0xb8;
	[tilespmem:$0xE940] =	vst v63  }
0x187: {  	_ =	swait.ge [sflag:s6], $0x2000  }
0x188: {  	[sflag:s6] =	ssyncset.done $0x0  }
0x189: {  	[sflag:s6] =	ssyncadd.s32 $0xFFFFE000  }
0x18a: {  	_ =	swait.ge [sflag:s13], $0x2000  }
0x18b: {  	[sflag:s13] =	ssyncset.done $0x0  }
0x18c: {  	s19 =	simm.s32 $0xC80;
	[sflag:s13] =	ssyncadd.s32 $0xFFFFE000  }
0x18d: {  	[spmem:s2] =	stream.indirect.scatter.add.f32 [tilespmem:s11], [sflag:$0x3], $0x40, s19, s10, $0xb8;
	[tilespmem:$0xE940] =	vst v63  }
0x18e: {  	_ =	swait.ge [sflag:s6], $0x2000  }
0x18f: {  	[sflag:s6] =	ssyncset.done $0x0  }
0x190: {  	s19 =	rddreg [dreg:$0x9];
	[sflag:s6] =	ssyncadd.s32 $0xFFFFE000  }
0x191: {  	[tilespmem:s31], [sflag:$0x3] =	stream.linear.gather [hbm4b:s19+s31], $0x680, $0x38;
	[tilespmem:$0xE940] =	vst v63  }
0x192: {  	_ =	swait.ge [sflag:s6], $0x680  }
0x193: {  	[sflag:s6] =	ssyncset.done $0x0  }
0x194: {  	s0 =	simm.s32 $0x680;
	s19 =	rddreg [dreg:$0xa];
	[sflag:s6] =	ssyncadd.s32 $0xFFFFF980  }
0x195: {  	[tilespmem:s0], [sflag:$0x3] =	stream.linear.gather [hbm4b:s19+s31], $0x680, $0x38;
	[tilespmem:$0xE940] =	vst v63  }
0x196: {  	_ =	swait.ge [sflag:s6], $0x680  }
0x197: {  	[sflag:s6] =	ssyncset.done $0x0  }
0x198: {  	[sflag:s6] =	ssyncadd.s32 $0xFFFFF980  }
0x199: {  	[tilespmem:s11], [sflag:$0x1] =	stream.indirect.gather [hbm4b:s9+s10], $0x40, s31, s10, $0xb8;
	[tilespmem:$0xE940] =	vst v63  }
0x19a: {  	_ = 	snop  }
0x19b: {  	[tilespmem:s12], [sflag:$0x2] =	stream.indirect.gather [hbm4b:s9+s10], $0x40, s10, s10, $0xb8;
	[tilespmem:$0xE940] =	vst v63  }
0x19c: {  	_ =	swait.ge [sflag:s13], $0x2000  }
0x19d: {  	[sflag:s13] =	ssyncset.done $0x0  }
0x19e: {  	[sflag:s13] =	ssyncadd.s32 $0xFFFFE000  }
0x19f: {  	[spmem:s2] =	stream.indirect.scatter.add.f32 [tilespmem:s11], [sflag:$0x3], $0x40, s0, s10, $0xb8;
	[tilespmem:$0xE940] =	vst v63  }
0x1a0: {  	_ =	swait.ge [sflag:s6], $0x2000  }
0x1a1: {  	[sflag:s6] =	ssyncset.done $0x0  }
0x1a2: {  	s19 =	simm.s32 $0x100;
	[sflag:s6] =	ssyncadd.s32 $0xFFFFE000  }
0x1a3: {  	[tilespmem:s11], [sflag:$0x1] =	stream.indirect.gather [hbm4b:s9+s10], $0x40, s19, s10, $0xb8;
	[tilespmem:$0xE940] =	vst v63  }
0x1a4: {  	_ =	swait.ge [sflag:s15], $0x2000  }
0x1a5: {  	[sflag:s15] =	ssyncset.done $0x0  }
0x1a6: {  	s1 =	simm.s32 $0x700;
	[sflag:s15] =	ssyncadd.s32 $0xFFFFE000  }
0x1a7: {  	[spmem:s2] =	stream.indirect.scatter.add.f32 [tilespmem:s12], [sflag:$0x3], $0x40, s1, s10, $0xb8;
	[tilespmem:$0xE940] =	vst v63  }
0x1a8: {  	_ =	swait.ge [sflag:s6], $0x2000  }
0x1a9: {  	[sflag:s6] =	ssyncset.done $0x0  }
0x1aa: {  	s3 =	simm.s32 $0x180;
	[sflag:s6] =	ssyncadd.s32 $0xFFFFE000  }
0x1ab: {  	[tilespmem:s12], [sflag:$0x2] =	stream.indirect.gather [hbm4b:s9+s10], $0x40, s3, s10, $0xb8;
	[tilespmem:$0xE940] =	vst v63  }
0x1ac: {  	_ =	swait.ge [sflag:s13], $0x2000  }
0x1ad: {  	[sflag:s13] =	ssyncset.done $0x0  }
0x1ae: {  	s4 =	simm.s32 $0x780;
	[sflag:s13] =	ssyncadd.s32 $0xFFFFE000  }
0x1af: {  	[spmem:s2] =	stream.indirect.scatter.add.f32 [tilespmem:s11], [sflag:$0x3], $0x40, s4, s10, $0xb8;
	[tilespmem:$0xE940] =	vst v63  }
0x1b0: {  	_ =	swait.ge [sflag:s6], $0x2000  }
0x1b1: {  	[sflag:s6] =	ssyncset.done $0x0  }
0x1b2: {  	s5 =	simm.s32 $0x200;
	[sflag:s6] =	ssyncadd.s32 $0xFFFFE000  }
0x1b3: {  	[tilespmem:s11], [sflag:$0x1] =	stream.indirect.gather [hbm4b:s9+s10], $0x40, s5, s10, $0xb8;
	[tilespmem:$0xE940] =	vst v63  }
0x1b4: {  	_ =	swait.ge [sflag:s15], $0x2000  }
0x1b5: {  	[sflag:s15] =	ssyncset.done $0x0  }
0x1b6: {  	s8 =	simm.s32 $0x800;
	[sflag:s15] =	ssyncadd.s32 $0xFFFFE000  }
0x1b7: {  	[spmem:s2] =	stream.indirect.scatter.add.f32 [tilespmem:s12], [sflag:$0x3], $0x40, s8, s10, $0xb8;
	[tilespmem:$0xE940] =	vst v63  }
0x1b8: {  	_ =	swait.ge [sflag:s6], $0x2000  }
0x1b9: {  	[sflag:s6] =	ssyncset.done $0x0  }
0x1ba: {  	s14 =	simm.s32 $0x280;
	[sflag:s6] =	ssyncadd.s32 $0xFFFFE000  }
0x1bb: {  	[tilespmem:s12], [sflag:$0x2] =	stream.indirect.gather [hbm4b:s9+s10], $0x40, s14, s10, $0xb8;
	[tilespmem:$0xE940] =	vst v63  }
0x1bc: {  	_ =	swait.ge [sflag:s13], $0x2000  }
0x1bd: {  	[sflag:s13] =	ssyncset.done $0x0  }
0x1be: {  	s16 =	simm.s32 $0x880;
	[sflag:s13] =	ssyncadd.s32 $0xFFFFE000  }
0x1bf: {  	[spmem:s2] =	stream.indirect.scatter.add.f32 [tilespmem:s11], [sflag:$0x3], $0x40, s16, s10, $0xb8;
	[tilespmem:$0xE940] =	vst v63  }
0x1c0: {  	_ =	swait.ge [sflag:s6], $0x2000  }
0x1c1: {  	[sflag:s6] =	ssyncset.done $0x0  }
0x1c2: {  	s17 =	simm.s32 $0x300;
	[sflag:s6] =	ssyncadd.s32 $0xFFFFE000  }
0x1c3: {  	[tilespmem:s11], [sflag:$0x1] =	stream.indirect.gather [hbm4b:s9+s10], $0x40, s17, s10, $0xb8;
	[tilespmem:$0xE940] =	vst v63  }
0x1c4: {  	_ =	swait.ge [sflag:s15], $0x2000  }
0x1c5: {  	[sflag:s15] =	ssyncset.done $0x0  }
0x1c6: {  	s18 =	simm.s32 $0x900;
	[sflag:s15] =	ssyncadd.s32 $0xFFFFE000  }
0x1c7: {  	[spmem:s2] =	stream.indirect.scatter.add.f32 [tilespmem:s12], [sflag:$0x3], $0x40, s18, s10, $0xb8;
	[tilespmem:$0xE940] =	vst v63  }
0x1c8: {  	_ =	swait.ge [sflag:s6], $0x2000  }
0x1c9: {  	[sflag:s6] =	ssyncset.done $0x0  }
0x1ca: {  	s20 =	simm.s32 $0x380;
	[sflag:s6] =	ssyncadd.s32 $0xFFFFE000  }
0x1cb: {  	[tilespmem:s12], [sflag:$0x2] =	stream.indirect.gather [hbm4b:s9+s10], $0x40, s20, s10, $0xb8;
	[tilespmem:$0xE940] =	vst v63  }
0x1cc: {  	_ =	swait.ge [sflag:s13], $0x2000  }
0x1cd: {  	[sflag:s13] =	ssyncset.done $0x0  }
0x1ce: {  	s21 =	simm.s32 $0x980;
	[sflag:s13] =	ssyncadd.s32 $0xFFFFE000  }
0x1cf: {  	[spmem:s2] =	stream.indirect.scatter.add.f32 [tilespmem:s11], [sflag:$0x3], $0x40, s21, s10, $0xb8;
	[tilespmem:$0xE940] =	vst v63  }
0x1d0: {  	_ =	swait.ge [sflag:s6], $0x2000  }
0x1d1: {  	[sflag:s6] =	ssyncset.done $0x0  }
0x1d2: {  	s22 =	simm.s32 $0x400;
	[sflag:s6] =	ssyncadd.s32 $0xFFFFE000  }
0x1d3: {  	[tilespmem:s11], [sflag:$0x1] =	stream.indirect.gather [hbm4b:s9+s10], $0x40, s22, s10, $0xb8;
	[tilespmem:$0xE940] =	vst v63  }
0x1d4: {  	_ =	swait.ge [sflag:s15], $0x2000  }
0x1d5: {  	[sflag:s15] =	ssyncset.done $0x0  }
0x1d6: {  	s23 =	simm.s32 $0xA00;
	[sflag:s15] =	ssyncadd.s32 $0xFFFFE000  }
0x1d7: {  	[spmem:s2] =	stream.indirect.scatter.add.f32 [tilespmem:s12], [sflag:$0x3], $0x40, s23, s10, $0xb8;
	[tilespmem:$0xE940] =	vst v63  }
0x1d8: {  	_ =	swait.ge [sflag:s6], $0x2000  }
0x1d9: {  	[sflag:s6] =	ssyncset.done $0x0  }
0x1da: {  	s24 =	simm.s32 $0x480;
	[sflag:s6] =	ssyncadd.s32 $0xFFFFE000  }
0x1db: {  	[tilespmem:s12], [sflag:$0x2] =	stream.indirect.gather [hbm4b:s9+s10], $0x40, s24, s10, $0xb8;
	[tilespmem:$0xE940] =	vst v63  }
0x1dc: {  	_ =	swait.ge [sflag:s13], $0x2000  }
0x1dd: {  	[sflag:s13] =	ssyncset.done $0x0  }
0x1de: {  	s25 =	simm.s32 $0xA80;
	[sflag:s13] =	ssyncadd.s32 $0xFFFFE000  }
0x1df: {  	[spmem:s2] =	stream.indirect.scatter.add.f32 [tilespmem:s11], [sflag:$0x3], $0x40, s25, s10, $0xb8;
	[tilespmem:$0xE940] =	vst v63  }
0x1e0: {  	_ =	swait.ge [sflag:s6], $0x2000  }
0x1e1: {  	[sflag:s6] =	ssyncset.done $0x0  }
0x1e2: {  	s26 =	simm.s32 $0x500;
	[sflag:s6] =	ssyncadd.s32 $0xFFFFE000  }
0x1e3: {  	[tilespmem:s11], [sflag:$0x1] =	stream.indirect.gather [hbm4b:s9+s10], $0x40, s26, s10, $0xb8;
	[tilespmem:$0xE940] =	vst v63  }
0x1e4: {  	_ =	swait.ge [sflag:s15], $0x2000  }
0x1e5: {  	[sflag:s15] =	ssyncset.done $0x0  }
0x1e6: {  	s28 =	simm.s32 $0xB00;
	[sflag:s15] =	ssyncadd.s32 $0xFFFFE000  }
0x1e7: {  	[spmem:s2] =	stream.indirect.scatter.add.f32 [tilespmem:s12], [sflag:$0x3], $0x40, s28, s10, $0xb8;
	[tilespmem:$0xE940] =	vst v63  }
0x1e8: {  	_ =	swait.ge [sflag:s6], $0x2000  }
0x1e9: {  	[sflag:s6] =	ssyncset.done $0x0  }
0x1ea: {  	s29 =	simm.s32 $0x580;
	[sflag:s6] =	ssyncadd.s32 $0xFFFFE000  }
0x1eb: {  	[tilespmem:s12], [sflag:$0x2] =	stream.indirect.gather [hbm4b:s9+s10], $0x40, s29, s10, $0xb8;
	[tilespmem:$0xE940] =	vst v63  }
0x1ec: {  	_ =	swait.ge [sflag:s13], $0x2000  }
0x1ed: {  	[sflag:s13] =	ssyncset.done $0x0  }
0x1ee: {  	s30 =	simm.s32 $0xB80;
	[sflag:s13] =	ssyncadd.s32 $0xFFFFE000  }
0x1ef: {  	[spmem:s2] =	stream.indirect.scatter.add.f32 [tilespmem:s11], [sflag:$0x3], $0x40, s30, s10, $0xb8;
	[tilespmem:$0xE940] =	vst v63  }
0x1f0: {  	_ =	swait.ge [sflag:s6], $0x2000  }
0x1f1: {  	[sflag:s6] =	ssyncset.done $0x0  }
0x1f2: {  	s26 =	simm.s32 $0x600;
	[sflag:s6] =	ssyncadd.s32 $0xFFFFE000  }
0x1f3: {  	[tilespmem:s11], [sflag:$0x1] =	stream.indirect.gather [hbm4b:s9+s10], $0x40, s26, s10, $0xb8;
	[tilespmem:$0xE940] =	vst v63  }
0x1f4: {  	_ =	swait.ge [sflag:s15], $0x2000  }
0x1f5: {  	[sflag:s15] =	ssyncset.done $0x0  }
0x1f6: {  	s28 =	simm.s32 $0xC00;
	[sflag:s15] =	ssyncadd.s32 $0xFFFFE000  }
0x1f7: {  	[spmem:s2] =	stream.indirect.scatter.add.f32 [tilespmem:s12], [sflag:$0x3], $0x40, s28, s10, $0xb8;
	[tilespmem:$0xE940] =	vst v63  }
0x1f8: {  	_ =	swait.ge [sflag:s6], $0x2000  }
0x1f9: {  	[sflag:s6] =	ssyncset.done $0x0  }
0x1fa: {  	[sflag:s6] =	ssyncadd.s32 $0xFFFFE000  }
0x1fb: {  	_ =	swait.ge [sflag:s13], $0x2000  }
0x1fc: {  	[sflag:s13] =	ssyncset.done $0x0  }
0x1fd: {  	s29 =	simm.s32 $0xC80;
	[sflag:s13] =	ssyncadd.s32 $0xFFFFE000  }
0x1fe: {  	[spmem:s2] =	stream.indirect.scatter.add.f32 [tilespmem:s11], [sflag:$0x3], $0x40, s29, s10, $0xb8;
	[tilespmem:$0xE940] =	vst v63  }
0x1ff: {  	_ =	swait.ge [sflag:s6], $0x2000  }
0x200: {  	[sflag:s6] =	ssyncset.done $0x0  }
0x201: {  	s30 =	rddreg [dreg:$0xb];
	[sflag:s6] =	ssyncadd.s32 $0xFFFFE000  }
0x202: {  	[tilespmem:s31], [sflag:$0x3] =	stream.linear.gather [hbm4b:s30+s31], $0x680, $0x38;
	[tilespmem:$0xE940] =	vst v63  }
0x203: {  	_ =	swait.ge [sflag:s6], $0x680  }
0x204: {  	[sflag:s6] =	ssyncset.done $0x0  }
0x205: {  	s1 =	simm.s32 $0x680;
	s0 =	rddreg [dreg:$0xc];
	[sflag:s6] =	ssyncadd.s32 $0xFFFFF980  }
0x206: {  	[tilespmem:s1], [sflag:$0x3] =	stream.linear.gather [hbm4b:s0+s31], $0x680, $0x38;
	[tilespmem:$0xE940] =	vst v63  }
0x207: {  	_ =	swait.ge [sflag:s6], $0x680  }
0x208: {  	[sflag:s6] =	ssyncset.done $0x0  }
0x209: {  	[sflag:s6] =	ssyncadd.s32 $0xFFFFF980  }
0x20a: {  	[tilespmem:s11], [sflag:$0x1] =	stream.indirect.gather [hbm4b:s9+s10], $0x40, s31, s10, $0xb8;
	[tilespmem:$0xE940] =	vst v63  }
0x20b: {  	_ = 	snop  }
0x20c: {  	[tilespmem:s12], [sflag:$0x2] =	stream.indirect.gather [hbm4b:s9+s10], $0x40, s10, s10, $0xb8;
	[tilespmem:$0xE940] =	vst v63  }
0x20d: {  	_ =	swait.ge [sflag:s13], $0x2000  }
0x20e: {  	[sflag:s13] =	ssyncset.done $0x0  }
0x20f: {  	[sflag:s13] =	ssyncadd.s32 $0xFFFFE000  }
0x210: {  	[spmem:s2] =	stream.indirect.scatter.add.f32 [tilespmem:s11], [sflag:$0x3], $0x40, s1, s10, $0xb8;
	[tilespmem:$0xE940] =	vst v63  }
0x211: {  	_ =	swait.ge [sflag:s6], $0x2000  }
0x212: {  	[sflag:s6] =	ssyncset.done $0x0  }
0x213: {  	s3 =	simm.s32 $0x100;
	[sflag:s6] =	ssyncadd.s32 $0xFFFFE000  }
0x214: {  	[tilespmem:s11], [sflag:$0x1] =	stream.indirect.gather [hbm4b:s9+s10], $0x40, s3, s10, $0xb8;
	[tilespmem:$0xE940] =	vst v63  }
0x215: {  	_ =	swait.ge [sflag:s15], $0x2000  }
0x216: {  	[sflag:s15] =	ssyncset.done $0x0  }
0x217: {  	s4 =	simm.s32 $0x700;
	[sflag:s15] =	ssyncadd.s32 $0xFFFFE000  }
0x218: {  	[spmem:s2] =	stream.indirect.scatter.add.f32 [tilespmem:s12], [sflag:$0x3], $0x40, s4, s10, $0xb8;
	[tilespmem:$0xE940] =	vst v63  }
0x219: {  	_ =	swait.ge [sflag:s6], $0x2000  }
0x21a: {  	[sflag:s6] =	ssyncset.done $0x0  }
0x21b: {  	s5 =	simm.s32 $0x180;
	[sflag:s6] =	ssyncadd.s32 $0xFFFFE000  }
0x21c: {  	[tilespmem:s12], [sflag:$0x2] =	stream.indirect.gather [hbm4b:s9+s10], $0x40, s5, s10, $0xb8;
	[tilespmem:$0xE940] =	vst v63  }
0x21d: {  	_ =	swait.ge [sflag:s13], $0x2000  }
0x21e: {  	[sflag:s13] =	ssyncset.done $0x0  }
0x21f: {  	s8 =	simm.s32 $0x780;
	[sflag:s13] =	ssyncadd.s32 $0xFFFFE000  }
0x220: {  	[spmem:s2] =	stream.indirect.scatter.add.f32 [tilespmem:s11], [sflag:$0x3], $0x40, s8, s10, $0xb8;
	[tilespmem:$0xE940] =	vst v63  }
0x221: {  	_ =	swait.ge [sflag:s6], $0x2000  }
0x222: {  	[sflag:s6] =	ssyncset.done $0x0  }
0x223: {  	s14 =	simm.s32 $0x200;
	[sflag:s6] =	ssyncadd.s32 $0xFFFFE000  }
0x224: {  	[tilespmem:s11], [sflag:$0x1] =	stream.indirect.gather [hbm4b:s9+s10], $0x40, s14, s10, $0xb8;
	[tilespmem:$0xE940] =	vst v63  }
0x225: {  	_ =	swait.ge [sflag:s15], $0x2000  }
0x226: {  	[sflag:s15] =	ssyncset.done $0x0  }
0x227: {  	s16 =	simm.s32 $0x800;
	[sflag:s15] =	ssyncadd.s32 $0xFFFFE000  }
0x228: {  	[spmem:s2] =	stream.indirect.scatter.add.f32 [tilespmem:s12], [sflag:$0x3], $0x40, s16, s10, $0xb8;
	[tilespmem:$0xE940] =	vst v63  }
0x229: {  	_ =	swait.ge [sflag:s6], $0x2000  }
0x22a: {  	[sflag:s6] =	ssyncset.done $0x0  }
0x22b: {  	s17 =	simm.s32 $0x280;
	[sflag:s6] =	ssyncadd.s32 $0xFFFFE000  }
0x22c: {  	[tilespmem:s12], [sflag:$0x2] =	stream.indirect.gather [hbm4b:s9+s10], $0x40, s17, s10, $0xb8;
	[tilespmem:$0xE940] =	vst v63  }
0x22d: {  	_ =	swait.ge [sflag:s13], $0x2000  }
0x22e: {  	[sflag:s13] =	ssyncset.done $0x0  }
0x22f: {  	s18 =	simm.s32 $0x880;
	[sflag:s13] =	ssyncadd.s32 $0xFFFFE000  }
0x230: {  	[spmem:s2] =	stream.indirect.scatter.add.f32 [tilespmem:s11], [sflag:$0x3], $0x40, s18, s10, $0xb8;
	[tilespmem:$0xE940] =	vst v63  }
0x231: {  	_ =	swait.ge [sflag:s6], $0x2000  }
0x232: {  	[sflag:s6] =	ssyncset.done $0x0  }
0x233: {  	s19 =	simm.s32 $0x300;
	[sflag:s6] =	ssyncadd.s32 $0xFFFFE000  }
0x234: {  	[tilespmem:s11], [sflag:$0x1] =	stream.indirect.gather [hbm4b:s9+s10], $0x40, s19, s10, $0xb8;
	[tilespmem:$0xE940] =	vst v63  }
0x235: {  	_ =	swait.ge [sflag:s15], $0x2000  }
0x236: {  	[sflag:s15] =	ssyncset.done $0x0  }
0x237: {  	s20 =	simm.s32 $0x900;
	[sflag:s15] =	ssyncadd.s32 $0xFFFFE000  }
0x238: {  	[spmem:s2] =	stream.indirect.scatter.add.f32 [tilespmem:s12], [sflag:$0x3], $0x40, s20, s10, $0xb8;
	[tilespmem:$0xE940] =	vst v63  }
0x239: {  	_ =	swait.ge [sflag:s6], $0x2000  }
0x23a: {  	[sflag:s6] =	ssyncset.done $0x0  }
0x23b: {  	s21 =	simm.s32 $0x380;
	[sflag:s6] =	ssyncadd.s32 $0xFFFFE000  }
0x23c: {  	[tilespmem:s12], [sflag:$0x2] =	stream.indirect.gather [hbm4b:s9+s10], $0x40, s21, s10, $0xb8;
	[tilespmem:$0xE940] =	vst v63  }
0x23d: {  	_ =	swait.ge [sflag:s13], $0x2000  }
0x23e: {  	[sflag:s13] =	ssyncset.done $0x0  }
0x23f: {  	s22 =	simm.s32 $0x980;
	[sflag:s13] =	ssyncadd.s32 $0xFFFFE000  }
0x240: {  	[spmem:s2] =	stream.indirect.scatter.add.f32 [tilespmem:s11], [sflag:$0x3], $0x40, s22, s10, $0xb8;
	[tilespmem:$0xE940] =	vst v63  }
0x241: {  	_ =	swait.ge [sflag:s6], $0x2000  }
0x242: {  	[sflag:s6] =	ssyncset.done $0x0  }
0x243: {  	s23 =	simm.s32 $0x400;
	[sflag:s6] =	ssyncadd.s32 $0xFFFFE000  }
0x244: {  	[tilespmem:s11], [sflag:$0x1] =	stream.indirect.gather [hbm4b:s9+s10], $0x40, s23, s10, $0xb8;
	[tilespmem:$0xE940] =	vst v63  }
0x245: {  	_ =	swait.ge [sflag:s15], $0x2000  }
0x246: {  	[sflag:s15] =	ssyncset.done $0x0  }
0x247: {  	s24 =	simm.s32 $0xA00;
	[sflag:s15] =	ssyncadd.s32 $0xFFFFE000  }
0x248: {  	[spmem:s2] =	stream.indirect.scatter.add.f32 [tilespmem:s12], [sflag:$0x3], $0x40, s24, s10, $0xb8;
	[tilespmem:$0xE940] =	vst v63  }
0x249: {  	_ =	swait.ge [sflag:s6], $0x2000  }
0x24a: {  	[sflag:s6] =	ssyncset.done $0x0  }
0x24b: {  	s25 =	simm.s32 $0x480;
	[sflag:s6] =	ssyncadd.s32 $0xFFFFE000  }
0x24c: {  	[tilespmem:s12], [sflag:$0x2] =	stream.indirect.gather [hbm4b:s9+s10], $0x40, s25, s10, $0xb8;
	[tilespmem:$0xE940] =	vst v63  }
0x24d: {  	_ =	swait.ge [sflag:s13], $0x2000  }
0x24e: {  	[sflag:s13] =	ssyncset.done $0x0  }
0x24f: {  	s26 =	simm.s32 $0xA80;
	[sflag:s13] =	ssyncadd.s32 $0xFFFFE000  }
0x250: {  	[spmem:s2] =	stream.indirect.scatter.add.f32 [tilespmem:s11], [sflag:$0x3], $0x40, s26, s10, $0xb8;
	[tilespmem:$0xE940] =	vst v63  }
0x251: {  	_ =	swait.ge [sflag:s6], $0x2000  }
0x252: {  	[sflag:s6] =	ssyncset.done $0x0  }
0x253: {  	s28 =	simm.s32 $0x500;
	[sflag:s6] =	ssyncadd.s32 $0xFFFFE000  }
0x254: {  	[tilespmem:s11], [sflag:$0x1] =	stream.indirect.gather [hbm4b:s9+s10], $0x40, s28, s10, $0xb8;
	[tilespmem:$0xE940] =	vst v63  }
0x255: {  	_ =	swait.ge [sflag:s15], $0x2000  }
0x256: {  	[sflag:s15] =	ssyncset.done $0x0  }
0x257: {  	s29 =	simm.s32 $0xB00;
	[sflag:s15] =	ssyncadd.s32 $0xFFFFE000  }
0x258: {  	[spmem:s2] =	stream.indirect.scatter.add.f32 [tilespmem:s12], [sflag:$0x3], $0x40, s29, s10, $0xb8;
	[tilespmem:$0xE940] =	vst v63  }
0x259: {  	_ =	swait.ge [sflag:s6], $0x2000  }
0x25a: {  	[sflag:s6] =	ssyncset.done $0x0  }
0x25b: {  	s30 =	simm.s32 $0x580;
	[sflag:s6] =	ssyncadd.s32 $0xFFFFE000  }
0x25c: {  	[tilespmem:s12], [sflag:$0x2] =	stream.indirect.gather [hbm4b:s9+s10], $0x40, s30, s10, $0xb8;
	[tilespmem:$0xE940] =	vst v63  }
0x25d: {  	_ =	swait.ge [sflag:s13], $0x2000  }
0x25e: {  	[sflag:s13] =	ssyncset.done $0x0  }
0x25f: {  	s19 =	simm.s32 $0xB80;
	[sflag:s13] =	ssyncadd.s32 $0xFFFFE000  }
0x260: {  	[spmem:s2] =	stream.indirect.scatter.add.f32 [tilespmem:s11], [sflag:$0x3], $0x40, s19, s10, $0xb8;
	[tilespmem:$0xE940] =	vst v63  }
0x261: {  	_ =	swait.ge [sflag:s6], $0x2000  }
0x262: {  	[sflag:s6] =	ssyncset.done $0x0  }
0x263: {  	s19 =	simm.s32 $0x600;
	[sflag:s6] =	ssyncadd.s32 $0xFFFFE000  }
0x264: {  	[tilespmem:s11], [sflag:$0x1] =	stream.indirect.gather [hbm4b:s9+s10], $0x40, s19, s10, $0xb8;
	[tilespmem:$0xE940] =	vst v63  }
0x265: {  	_ =	swait.ge [sflag:s15], $0x2000  }
0x266: {  	[sflag:s15] =	ssyncset.done $0x0  }
0x267: {  	s19 =	simm.s32 $0xC00;
	[sflag:s15] =	ssyncadd.s32 $0xFFFFE000  }
0x268: {  	[spmem:s2] =	stream.indirect.scatter.add.f32 [tilespmem:s12], [sflag:$0x3], $0x40, s19, s10, $0xb8;
	[tilespmem:$0xE940] =	vst v63  }
0x269: {  	_ =	swait.ge [sflag:s6], $0x2000  }
0x26a: {  	[sflag:s6] =	ssyncset.done $0x0  }
0x26b: {  	[sflag:s6] =	ssyncadd.s32 $0xFFFFE000  }
0x26c: {  	_ =	swait.ge [sflag:s13], $0x2000  }
0x26d: {  	[sflag:s13] =	ssyncset.done $0x0  }
0x26e: {  	s19 =	simm.s32 $0xC80;
	[sflag:s13] =	ssyncadd.s32 $0xFFFFE000  }
0x26f: {  	[spmem:s2] =	stream.indirect.scatter.add.f32 [tilespmem:s11], [sflag:$0x3], $0x40, s19, s10, $0xb8;
	[tilespmem:$0xE940] =	vst v63  }
0x270: {  	_ =	swait.ge [sflag:s6], $0x2000  }
0x271: {  	[sflag:s6] =	ssyncset.done $0x0  }
0x272: {  	s19 =	rddreg [dreg:$0xd];
	[sflag:s6] =	ssyncadd.s32 $0xFFFFE000  }
0x273: {  	[tilespmem:s31], [sflag:$0x3] =	stream.linear.gather [hbm4b:s19+s31], $0x680, $0x38;
	[tilespmem:$0xE940] =	vst v63  }
0x274: {  	_ =	swait.ge [sflag:s6], $0x680  }
0x275: {  	[sflag:s6] =	ssyncset.done $0x0  }
0x276: {  	s0 =	simm.s32 $0x680;
	s19 =	rddreg [dreg:$0xe];
	[sflag:s6] =	ssyncadd.s32 $0xFFFFF980  }
0x277: {  	[tilespmem:s0], [sflag:$0x3] =	stream.linear.gather [hbm4b:s19+s31], $0x680, $0x38;
	[tilespmem:$0xE940] =	vst v63  }
0x278: {  	_ =	swait.ge [sflag:s6], $0x680  }
0x279: {  	[sflag:s6] =	ssyncset.done $0x0  }
0x27a: {  	[sflag:s6] =	ssyncadd.s32 $0xFFFFF980  }
0x27b: {  	[tilespmem:s11], [sflag:$0x1] =	stream.indirect.gather [hbm4b:s9+s10], $0x40, s31, s10, $0xb8;
	[tilespmem:$0xE940] =	vst v63  }
0x27c: {  	_ = 	snop  }
0x27d: {  	[tilespmem:s12], [sflag:$0x2] =	stream.indirect.gather [hbm4b:s9+s10], $0x40, s10, s10, $0xb8;
	[tilespmem:$0xE940] =	vst v63  }
0x27e: {  	_ =	swait.ge [sflag:s13], $0x2000  }
0x27f: {  	[sflag:s13] =	ssyncset.done $0x0  }
0x280: {  	[sflag:s13] =	ssyncadd.s32 $0xFFFFE000  }
0x281: {  	[spmem:s2] =	stream.indirect.scatter.add.f32 [tilespmem:s11], [sflag:$0x3], $0x40, s0, s10, $0xb8;
	[tilespmem:$0xE940] =	vst v63  }
0x282: {  	_ =	swait.ge [sflag:s6], $0x2000  }
0x283: {  	[sflag:s6] =	ssyncset.done $0x0  }
0x284: {  	s1 =	simm.s32 $0x100;
	[sflag:s6] =	ssyncadd.s32 $0xFFFFE000  }
0x285: {  	[tilespmem:s11], [sflag:$0x1] =	stream.indirect.gather [hbm4b:s9+s10], $0x40, s1, s10, $0xb8;
	[tilespmem:$0xE940] =	vst v63  }
0x286: {  	_ =	swait.ge [sflag:s15], $0x2000  }
0x287: {  	[sflag:s15] =	ssyncset.done $0x0  }
0x288: {  	s3 =	simm.s32 $0x700;
	[sflag:s15] =	ssyncadd.s32 $0xFFFFE000  }
0x289: {  	[spmem:s2] =	stream.indirect.scatter.add.f32 [tilespmem:s12], [sflag:$0x3], $0x40, s3, s10, $0xb8;
	[tilespmem:$0xE940] =	vst v63  }
0x28a: {  	_ =	swait.ge [sflag:s6], $0x2000  }
0x28b: {  	[sflag:s6] =	ssyncset.done $0x0  }
0x28c: {  	s4 =	simm.s32 $0x180;
	[sflag:s6] =	ssyncadd.s32 $0xFFFFE000  }
0x28d: {  	[tilespmem:s12], [sflag:$0x2] =	stream.indirect.gather [hbm4b:s9+s10], $0x40, s4, s10, $0xb8;
	[tilespmem:$0xE940] =	vst v63  }
0x28e: {  	_ =	swait.ge [sflag:s13], $0x2000  }
0x28f: {  	[sflag:s13] =	ssyncset.done $0x0  }
0x290: {  	s5 =	simm.s32 $0x780;
	[sflag:s13] =	ssyncadd.s32 $0xFFFFE000  }
0x291: {  	[spmem:s2] =	stream.indirect.scatter.add.f32 [tilespmem:s11], [sflag:$0x3], $0x40, s5, s10, $0xb8;
	[tilespmem:$0xE940] =	vst v63  }
0x292: {  	_ =	swait.ge [sflag:s6], $0x2000  }
0x293: {  	[sflag:s6] =	ssyncset.done $0x0  }
0x294: {  	s8 =	simm.s32 $0x200;
	[sflag:s6] =	ssyncadd.s32 $0xFFFFE000  }
0x295: {  	[tilespmem:s11], [sflag:$0x1] =	stream.indirect.gather [hbm4b:s9+s10], $0x40, s8, s10, $0xb8;
	[tilespmem:$0xE940] =	vst v63  }
0x296: {  	_ =	swait.ge [sflag:s15], $0x2000  }
0x297: {  	[sflag:s15] =	ssyncset.done $0x0  }
0x298: {  	s14 =	simm.s32 $0x800;
	[sflag:s15] =	ssyncadd.s32 $0xFFFFE000  }
0x299: {  	[spmem:s2] =	stream.indirect.scatter.add.f32 [tilespmem:s12], [sflag:$0x3], $0x40, s14, s10, $0xb8;
	[tilespmem:$0xE940] =	vst v63  }
0x29a: {  	_ =	swait.ge [sflag:s6], $0x2000  }
0x29b: {  	[sflag:s6] =	ssyncset.done $0x0  }
0x29c: {  	s16 =	simm.s32 $0x280;
	[sflag:s6] =	ssyncadd.s32 $0xFFFFE000  }
0x29d: {  	[tilespmem:s12], [sflag:$0x2] =	stream.indirect.gather [hbm4b:s9+s10], $0x40, s16, s10, $0xb8;
	[tilespmem:$0xE940] =	vst v63  }
0x29e: {  	_ =	swait.ge [sflag:s13], $0x2000  }
0x29f: {  	[sflag:s13] =	ssyncset.done $0x0  }
0x2a0: {  	s17 =	simm.s32 $0x880;
	[sflag:s13] =	ssyncadd.s32 $0xFFFFE000  }
0x2a1: {  	[spmem:s2] =	stream.indirect.scatter.add.f32 [tilespmem:s11], [sflag:$0x3], $0x40, s17, s10, $0xb8;
	[tilespmem:$0xE940] =	vst v63  }
0x2a2: {  	_ =	swait.ge [sflag:s6], $0x2000  }
0x2a3: {  	[sflag:s6] =	ssyncset.done $0x0  }
0x2a4: {  	s18 =	simm.s32 $0x300;
	[sflag:s6] =	ssyncadd.s32 $0xFFFFE000  }
0x2a5: {  	[tilespmem:s11], [sflag:$0x1] =	stream.indirect.gather [hbm4b:s9+s10], $0x40, s18, s10, $0xb8;
	[tilespmem:$0xE940] =	vst v63  }
0x2a6: {  	_ =	swait.ge [sflag:s15], $0x2000  }
0x2a7: {  	[sflag:s15] =	ssyncset.done $0x0  }
0x2a8: {  	s20 =	simm.s32 $0x900;
	[sflag:s15] =	ssyncadd.s32 $0xFFFFE000  }
0x2a9: {  	[spmem:s2] =	stream.indirect.scatter.add.f32 [tilespmem:s12], [sflag:$0x3], $0x40, s20, s10, $0xb8;
	[tilespmem:$0xE940] =	vst v63  }
0x2aa: {  	_ =	swait.ge [sflag:s6], $0x2000  }
0x2ab: {  	[sflag:s6] =	ssyncset.done $0x0  }
0x2ac: {  	s21 =	simm.s32 $0x380;
	[sflag:s6] =	ssyncadd.s32 $0xFFFFE000  }
0x2ad: {  	[tilespmem:s12], [sflag:$0x2] =	stream.indirect.gather [hbm4b:s9+s10], $0x40, s21, s10, $0xb8;
	[tilespmem:$0xE940] =	vst v63  }
0x2ae: {  	_ =	swait.ge [sflag:s13], $0x2000  }
0x2af: {  	[sflag:s13] =	ssyncset.done $0x0  }
0x2b0: {  	s22 =	simm.s32 $0x980;
	[sflag:s13] =	ssyncadd.s32 $0xFFFFE000  }
0x2b1: {  	[spmem:s2] =	stream.indirect.scatter.add.f32 [tilespmem:s11], [sflag:$0x3], $0x40, s22, s10, $0xb8;
	[tilespmem:$0xE940] =	vst v63  }
0x2b2: {  	_ =	swait.ge [sflag:s6], $0x2000  }
0x2b3: {  	[sflag:s6] =	ssyncset.done $0x0  }
0x2b4: {  	s23 =	simm.s32 $0x400;
	[sflag:s6] =	ssyncadd.s32 $0xFFFFE000  }
0x2b5: {  	[tilespmem:s11], [sflag:$0x1] =	stream.indirect.gather [hbm4b:s9+s10], $0x40, s23, s10, $0xb8;
	[tilespmem:$0xE940] =	vst v63  }
0x2b6: {  	_ =	swait.ge [sflag:s15], $0x2000  }
0x2b7: {  	[sflag:s15] =	ssyncset.done $0x0  }
0x2b8: {  	s24 =	simm.s32 $0xA00;
	[sflag:s15] =	ssyncadd.s32 $0xFFFFE000  }
0x2b9: {  	[spmem:s2] =	stream.indirect.scatter.add.f32 [tilespmem:s12], [sflag:$0x3], $0x40, s24, s10, $0xb8;
	[tilespmem:$0xE940] =	vst v63  }
0x2ba: {  	_ =	swait.ge [sflag:s6], $0x2000  }
0x2bb: {  	[sflag:s6] =	ssyncset.done $0x0  }
0x2bc: {  	s25 =	simm.s32 $0x480;
	[sflag:s6] =	ssyncadd.s32 $0xFFFFE000  }
0x2bd: {  	[tilespmem:s12], [sflag:$0x2] =	stream.indirect.gather [hbm4b:s9+s10], $0x40, s25, s10, $0xb8;
	[tilespmem:$0xE940] =	vst v63  }
0x2be: {  	_ =	swait.ge [sflag:s13], $0x2000  }
0x2bf: {  	[sflag:s13] =	ssyncset.done $0x0  }
0x2c0: {  	s26 =	simm.s32 $0xA80;
	[sflag:s13] =	ssyncadd.s32 $0xFFFFE000  }
0x2c1: {  	[spmem:s2] =	stream.indirect.scatter.add.f32 [tilespmem:s11], [sflag:$0x3], $0x40, s26, s10, $0xb8;
	[tilespmem:$0xE940] =	vst v63  }
0x2c2: {  	_ =	swait.ge [sflag:s6], $0x2000  }
0x2c3: {  	[sflag:s6] =	ssyncset.done $0x0  }
0x2c4: {  	s28 =	simm.s32 $0x500;
	[sflag:s6] =	ssyncadd.s32 $0xFFFFE000  }
0x2c5: {  	[tilespmem:s11], [sflag:$0x1] =	stream.indirect.gather [hbm4b:s9+s10], $0x40, s28, s10, $0xb8;
	[tilespmem:$0xE940] =	vst v63  }
0x2c6: {  	_ =	swait.ge [sflag:s15], $0x2000  }
0x2c7: {  	[sflag:s15] =	ssyncset.done $0x0  }
0x2c8: {  	s29 =	simm.s32 $0xB00;
	[sflag:s15] =	ssyncadd.s32 $0xFFFFE000  }
0x2c9: {  	[spmem:s2] =	stream.indirect.scatter.add.f32 [tilespmem:s12], [sflag:$0x3], $0x40, s29, s10, $0xb8;
	[tilespmem:$0xE940] =	vst v63  }
0x2ca: {  	_ =	swait.ge [sflag:s6], $0x2000  }
0x2cb: {  	[sflag:s6] =	ssyncset.done $0x0  }
0x2cc: {  	s30 =	simm.s32 $0x580;
	[sflag:s6] =	ssyncadd.s32 $0xFFFFE000  }
0x2cd: {  	[tilespmem:s12], [sflag:$0x2] =	stream.indirect.gather [hbm4b:s9+s10], $0x40, s30, s10, $0xb8;
	[tilespmem:$0xE940] =	vst v63  }
0x2ce: {  	_ =	swait.ge [sflag:s13], $0x2000  }
0x2cf: {  	[sflag:s13] =	ssyncset.done $0x0  }
0x2d0: {  	s5 =	simm.s32 $0xB80;
	[sflag:s13] =	ssyncadd.s32 $0xFFFFE000  }
0x2d1: {  	[spmem:s2] =	stream.indirect.scatter.add.f32 [tilespmem:s11], [sflag:$0x3], $0x40, s5, s10, $0xb8;
	[tilespmem:$0xE940] =	vst v63  }
0x2d2: {  	_ =	swait.ge [sflag:s6], $0x2000  }
0x2d3: {  	[sflag:s6] =	ssyncset.done $0x0  }
0x2d4: {  	s8 =	simm.s32 $0x600;
	[sflag:s6] =	ssyncadd.s32 $0xFFFFE000  }
0x2d5: {  	[tilespmem:s11], [sflag:$0x1] =	stream.indirect.gather [hbm4b:s9+s10], $0x40, s8, s10, $0xb8;
	[tilespmem:$0xE940] =	vst v63  }
0x2d6: {  	_ =	swait.ge [sflag:s15], $0x2000  }
0x2d7: {  	[sflag:s15] =	ssyncset.done $0x0  }
0x2d8: {  	s14 =	simm.s32 $0xC00;
	[sflag:s15] =	ssyncadd.s32 $0xFFFFE000  }
0x2d9: {  	[spmem:s2] =	stream.indirect.scatter.add.f32 [tilespmem:s12], [sflag:$0x3], $0x40, s14, s10, $0xb8;
	[tilespmem:$0xE940] =	vst v63  }
0x2da: {  	_ =	swait.ge [sflag:s6], $0x2000  }
0x2db: {  	[sflag:s6] =	ssyncset.done $0x0  }
0x2dc: {  	[sflag:s6] =	ssyncadd.s32 $0xFFFFE000  }
0x2dd: {  	_ =	swait.ge [sflag:s13], $0x2000  }
0x2de: {  	[sflag:s13] =	ssyncset.done $0x0  }
0x2df: {  	s16 =	simm.s32 $0xC80;
	[sflag:s13] =	ssyncadd.s32 $0xFFFFE000  }
0x2e0: {  	[spmem:s2] =	stream.indirect.scatter.add.f32 [tilespmem:s11], [sflag:$0x3], $0x40, s16, s10, $0xb8;
	[tilespmem:$0xE940] =	vst v63  }
0x2e1: {  	_ =	swait.ge [sflag:s6], $0x2000  }
0x2e2: {  	s17 =	sld [smem:$0x7F8];
	_ =	sdelay $0x2  }
0x2e3: {  	s19 =	rddreg [dreg:$0xf];
	[sflag:s6] =	ssyncset.done $0x0;
	p0 =	sgt.u32 s17, $0x3  }
0x2e4: {  	[sflag:s6] =	ssyncadd.s32 $0xFFFFE000;
	s0 =	simm.s32 @!p0 $0x0;
	s1 =	simm.s32 @!p0 $0x3  }
0x2e5: {  	[tilespmem:s0], [sflag:$0x3] =	stream.linear.gather @!p0 [hbm4b:s19+s0], $0x80, $0x38;
	[tilespmem:$0xE940] =	vst v63  }
0x2e6: {  	_ =	swait.ge @!p0 [sflag:s1], $0x80  }
0x2e7: {  	[sflag:s1] =	ssyncset.done @!p0 $0x0  }
0x2e8: {  	s4 =	simm.s32 @!p0 $0x680;
	s20 =	rddreg [dreg:$0x10];
	[sflag:s1] =	ssyncadd.s32 @!p0 $0xFFFFFF80  }
0x2e9: {  	[tilespmem:s4], [sflag:$0x3] =	stream.linear.gather @!p0 [hbm4b:s20+s0], $0x80, $0x38;
	[tilespmem:$0xE940] =	vst v63  }
0x2ea: {  	_ =	swait.ge @!p0 [sflag:s1], $0x80  }
0x2eb: {  	[sflag:s1] =	ssyncset.done @!p0 $0x0  }
0x2ec: {  	s5 =	simm.s32 @!p0 $0x80;
	s8 =	simm.s32 @!p0 $0xD00;
	[sflag:s1] =	ssyncadd.s32 @!p0 $0xFFFFFF80  }
0x2ed: {  	[tilespmem:s8], [sflag:$0x1] =	stream.indirect.gather @!p0 [hbm4b:s9+s5], $0x40, s0, s5, $0xb8;
	[tilespmem:$0xE940] =	vst v63  }
0x2ee: {  	s0 =	simm.s32 @!p0 $0x1  }
0x2ef: {  	_ =	swait.ge @!p0 [sflag:s0], $0x2000  }
0x2f0: {  	[sflag:s0] =	ssyncset.done @!p0 $0x0  }
0x2f1: {  	[sflag:s0] =	ssyncadd.s32 @!p0 $0xFFFFE000  }
0x2f2: {  	[spmem:s2] =	stream.indirect.scatter.add.f32 @!p0 [tilespmem:s8], [sflag:$0x3], $0x40, s4, s5, $0xb8;
	[tilespmem:$0xE940] =	vst v63  }
0x2f3: {  	_ =	swait.ge @!p0 [sflag:s1], $0x2000  }
0x2f4: {  	[sflag:s1] =	ssyncset.done @!p0 $0x0  }
0x2f5: {  	[sflag:s1] =	ssyncadd.s32 @!p0 $0xFFFFE000  }
0x2f6: {  	[bflag:$0x0] =	sbarrier.arrive $0xFFFF  }
0x2f7: {  	s18 =	rddreg [dreg:$0x1b]  }
0x2f8: {  	s19 =	rddreg [dreg:$0x11]  }
0x2f9: {  	[hbm:s19], [sflag:s7] =	dma.local [spmem:s18], $0x3E8  }
0x2fa: {  	_ =	swait.ge [sflag:s6], $0x3E8  }
0x2fb: {  	s22 =	sld [smem:$0x7F9]  }
0x2fc: {  	[sflag:s6] =	ssyncset.done $0x0  }
0x2fd: {  	s21 =	rddreg [dreg:$0x16];
	[sflag:s6] =	ssyncadd.s32 $0xFFFFFC18  }
0x2fe: {  	[hbm:s21], [sflag:s7] =	dma.local [spmem:s22], $0x3E8  }
0x2ff: {  	_ =	swait.ge [sflag:s6], $0x3E8  }
0x300: {  	s24 =	sld [smem:$0x7FA]  }
0x301: {  	[sflag:s6] =	ssyncset.done $0x0  }
0x302: {  	s23 =	rddreg [dreg:$0x17];
	[sflag:s6] =	ssyncadd.s32 $0xFFFFFC18  }
0x303: {  	[hbm:s23], [sflag:s7] =	dma.local [spmem:s24], $0x3E8  }
0x304: {  	_ =	swait.ge [sflag:s6], $0x3E8  }
0x305: {  	s26 =	sld [smem:$0x7FB]  }
0x306: {  	[sflag:s6] =	ssyncset.done $0x0  }
0x307: {  	s25 =	rddreg [dreg:$0x18];
	[sflag:s6] =	ssyncadd.s32 $0xFFFFFC18  }
0x308: {  	[hbm:s25], [sflag:s7] =	dma.local [spmem:s26], $0x3E8  }
0x309: {  	_ =	swait.ge [sflag:s6], $0x3E8  }
0x30a: {  	s29 =	sld [smem:$0x7FC]  }
0x30b: {  	[sflag:s6] =	ssyncset.done $0x0  }
0x30c: {  	s28 =	rddreg [dreg:$0x19];
	[sflag:s6] =	ssyncadd.s32 $0xFFFFFC18  }
0x30d: {  	[hbm:s28], [sflag:s7] =	dma.local [spmem:s29], $0x3E8  }
0x30e: {  	s0 =	sld [smem:$0x7FD];
	_ =	sdelay $0x2  }
0x30f: {  	s30 =	ssub.s32 $0x2, s0  }
0x310: {  	s31 =	sshrl.u32 s30, $0x1  }
0x311: {  	s20 =	ssub.s32 s30, s31  }
0x312: {  	s20 =	smax.u32 s20, $0x1  }
0x313: {  	s20 =	sadd.s32 $0xFFFFFFFF, s20  }
0x314: {  	p1 =	sne.s32 s20, $0x0  }
.Ltmp0:
0x315: {  	_ = 	snop;
	(pc) =	sbr.rel @!p1 .LBB2_3-.Ltmp0, $2  }
0x316: {  	_ =	sdelay $0x2  }
0x317: {  	_ =	swait.ge [sflag:s6], $0x3E8  }
0x318: {  	s19 =	simm.s32 $0x680  }
.LBB2_2:
0x319: {  	s21 =	rddreg [dreg:$0x1a];
	[sflag:s6] =	ssyncset.done $0x0  }
0x31a: {  	s0 =	rddreg [dreg:$0x1d];
	[sflag:s6] =	ssyncadd.s32 $0xFFFFFC18  }
0x31b: {  	[spmem:s21], [sflag:s7] =	dma.local [hbm:s0], $0x3E8  }
0x31c: {  	_ =	swait.ge [sflag:s6], $0x3E8  }
0x31d: {  	s18 =	rddreg [dreg:$0x12]  }
0x31e: {  	[sflag:s6] =	ssyncset.done $0x0;
	s1 =	sshrl.u32 s18, $0x3  }
0x31f: {  	[sflag:s6] =	ssyncadd.s32 $0xFFFFFC18;
	[dreg:$0x1e] =	wrdreg s1  }
0x320: {  	[spmem:s1], [sflag:s7] =	dma.local [hbm:s0], $0x3E8  }
0x321: {  	_ =	swait.ge [sflag:s6], $0x3E8  }
0x322: {  	s22 =	rddreg [dreg:$0x13]  }
0x323: {  	[sflag:s6] =	ssyncset.done $0x0;
	s21 =	sshrl.u32 s22, $0x3  }
0x324: {  	[sflag:s6] =	ssyncadd.s32 $0xFFFFFC18;
	[dreg:$0x1f] =	wrdreg s21  }
0x325: {  	[spmem:s21], [sflag:s7] =	dma.local [hbm:s0], $0x3E8  }
0x326: {  	_ =	swait.ge [sflag:s6], $0x3E8  }
0x327: {  	s23 =	rddreg [dreg:$0x14]  }
0x328: {  	[sflag:s6] =	ssyncset.done $0x0;
	s22 =	sshrl.u32 s23, $0x3  }
0x329: {  	[sflag:s6] =	ssyncadd.s32 $0xFFFFFC18;
	[smem:$0x7F6] =	sst s22  }
0x32a: {  	[spmem:s22], [sflag:s7] =	dma.local [hbm:s0], $0x3E8  }
0x32b: {  	_ =	swait.ge [sflag:s6], $0x3E8  }
0x32c: {  	s24 =	rddreg [dreg:$0x15]  }
0x32d: {  	[sflag:s6] =	ssyncset.done $0x0;
	s23 =	sshrl.u32 s24, $0x3  }
0x32e: {  	[sflag:s6] =	ssyncadd.s32 $0xFFFFFC18;
	[smem:$0x7F7] =	sst s23  }
0x32f: {  	[spmem:s23], [sflag:s7] =	dma.local [hbm:s0], $0x3E8  }
0x330: {  	_ =	swait.ge [sflag:s6], $0x3E8  }
0x331: {  	[sflag:s6] =	ssyncset.done $0x0  }
0x332: {  	[sflag:s6] =	ssyncadd.s32 $0xFFFFFC18  }
0x333: {  	[bflag:$0x0] =	sbarrier.arrive $0xFFFF  }
0x334: {  	s1 =	simm.s32 $0x0;
	s25 =	rddreg [dreg:$0x1c]  }
0x335: {  	[tilespmem:s1], [sflag:$0x3] =	stream.linear.gather [hbm4b:s25+s1], $0x680, $0x38;
	[tilespmem:$0xE940] =	vst v63  }
0x336: {  	_ =	swait.ge [sflag:s6], $0x680  }
0x337: {  	[sflag:s6] =	ssyncset.done $0x0  }
0x338: {  	s24 =	rddreg [dreg:$0x4];
	[sflag:s6] =	ssyncadd.s32 $0xFFFFF980  }
0x339: {  	[tilespmem:s19], [sflag:$0x3] =	stream.linear.gather [hbm4b:s24+s1], $0x680, $0x38;
	[tilespmem:$0xE940] =	vst v63  }
0x33a: {  	_ =	swait.ge [sflag:s6], $0x680  }
0x33b: {  	[sflag:s6] =	ssyncset.done $0x0  }
0x33c: {  	[sflag:s6] =	ssyncadd.s32 $0xFFFFF980  }
0x33d: {  	[tilespmem:s11], [sflag:$0x1] =	stream.indirect.gather [hbm4b:s9+s10], $0x40, s1, s10, $0xb8;
	[tilespmem:$0xE940] =	vst v63  }
0x33e: {  	_ = 	snop  }
0x33f: {  	[tilespmem:s12], [sflag:$0x2] =	stream.indirect.gather [hbm4b:s9+s10], $0x40, s10, s10, $0xb8;
	[tilespmem:$0xE940] =	vst v63  }
0x340: {  	_ =	swait.ge [sflag:s13], $0x2000  }
0x341: {  	[sflag:s13] =	ssyncset.done $0x0  }
0x342: {  	[sflag:s13] =	ssyncadd.s32 $0xFFFFE000  }
0x343: {  	[spmem:s2] =	stream.indirect.scatter.add.f32 [tilespmem:s11], [sflag:$0x3], $0x40, s19, s10, $0xb8;
	[tilespmem:$0xE940] =	vst v63  }
0x344: {  	_ =	swait.ge [sflag:s6], $0x2000  }
0x345: {  	[sflag:s6] =	ssyncset.done $0x0  }
0x346: {  	s25 =	simm.s32 $0x100;
	[sflag:s6] =	ssyncadd.s32 $0xFFFFE000  }
0x347: {  	[tilespmem:s11], [sflag:$0x1] =	stream.indirect.gather [hbm4b:s9+s10], $0x40, s25, s10, $0xb8;
	[tilespmem:$0xE940] =	vst v63  }
0x348: {  	_ =	swait.ge [sflag:s15], $0x2000  }
0x349: {  	[sflag:s15] =	ssyncset.done $0x0  }
0x34a: {  	s26 =	simm.s32 $0x700;
	[sflag:s15] =	ssyncadd.s32 $0xFFFFE000  }
0x34b: {  	[spmem:s2] =	stream.indirect.scatter.add.f32 [tilespmem:s12], [sflag:$0x3], $0x40, s26, s10, $0xb8;
	[tilespmem:$0xE940] =	vst v63  }
0x34c: {  	_ =	swait.ge [sflag:s6], $0x2000  }
0x34d: {  	[sflag:s6] =	ssyncset.done $0x0  }
0x34e: {  	s29 =	simm.s32 $0x180;
	[sflag:s6] =	ssyncadd.s32 $0xFFFFE000  }
0x34f: {  	[tilespmem:s12], [sflag:$0x2] =	stream.indirect.gather [hbm4b:s9+s10], $0x40, s29, s10, $0xb8;
	[tilespmem:$0xE940] =	vst v63  }
0x350: {  	_ =	swait.ge [sflag:s13], $0x2000  }
0x351: {  	[sflag:s13] =	ssyncset.done $0x0  }
0x352: {  	s30 =	simm.s32 $0x780;
	[sflag:s13] =	ssyncadd.s32 $0xFFFFE000  }
0x353: {  	[spmem:s2] =	stream.indirect.scatter.add.f32 [tilespmem:s11], [sflag:$0x3], $0x40, s30, s10, $0xb8;
	[tilespmem:$0xE940] =	vst v63  }
0x354: {  	_ =	swait.ge [sflag:s6], $0x2000  }
0x355: {  	[sflag:s6] =	ssyncset.done $0x0  }
0x356: {  	s31 =	simm.s32 $0x200;
	[sflag:s6] =	ssyncadd.s32 $0xFFFFE000  }
0x357: {  	[tilespmem:s11], [sflag:$0x1] =	stream.indirect.gather [hbm4b:s9+s10], $0x40, s31, s10, $0xb8;
	[tilespmem:$0xE940] =	vst v63  }
0x358: {  	_ =	swait.ge [sflag:s15], $0x2000  }
0x359: {  	[sflag:s15] =	ssyncset.done $0x0  }
0x35a: {  	s3 =	simm.s32 $0x800;
	[sflag:s15] =	ssyncadd.s32 $0xFFFFE000  }
0x35b: {  	[spmem:s2] =	stream.indirect.scatter.add.f32 [tilespmem:s12], [sflag:$0x3], $0x40, s3, s10, $0xb8;
	[tilespmem:$0xE940] =	vst v63  }
0x35c: {  	_ =	swait.ge [sflag:s6], $0x2000  }
0x35d: {  	[sflag:s6] =	ssyncset.done $0x0  }
0x35e: {  	s4 =	simm.s32 $0x280;
	[sflag:s6] =	ssyncadd.s32 $0xFFFFE000  }
0x35f: {  	[tilespmem:s12], [sflag:$0x2] =	stream.indirect.gather [hbm4b:s9+s10], $0x40, s4, s10, $0xb8;
	[tilespmem:$0xE940] =	vst v63  }
0x360: {  	_ =	swait.ge [sflag:s13], $0x2000  }
0x361: {  	[sflag:s13] =	ssyncset.done $0x0  }
0x362: {  	s5 =	simm.s32 $0x880;
	[sflag:s13] =	ssyncadd.s32 $0xFFFFE000  }
0x363: {  	[spmem:s2] =	stream.indirect.scatter.add.f32 [tilespmem:s11], [sflag:$0x3], $0x40, s5, s10, $0xb8;
	[tilespmem:$0xE940] =	vst v63  }
0x364: {  	_ =	swait.ge [sflag:s6], $0x2000  }
0x365: {  	[sflag:s6] =	ssyncset.done $0x0  }
0x366: {  	s8 =	simm.s32 $0x300;
	[sflag:s6] =	ssyncadd.s32 $0xFFFFE000  }
0x367: {  	[tilespmem:s11], [sflag:$0x1] =	stream.indirect.gather [hbm4b:s9+s10], $0x40, s8, s10, $0xb8;
	[tilespmem:$0xE940] =	vst v63  }
0x368: {  	_ =	swait.ge [sflag:s15], $0x2000  }
0x369: {  	[sflag:s15] =	ssyncset.done $0x0  }
0x36a: {  	s21 =	simm.s32 $0x900;
	[sflag:s15] =	ssyncadd.s32 $0xFFFFE000  }
0x36b: {  	[spmem:s2] =	stream.indirect.scatter.add.f32 [tilespmem:s12], [sflag:$0x3], $0x40, s21, s10, $0xb8;
	[tilespmem:$0xE940] =	vst v63  }
0x36c: {  	_ =	swait.ge [sflag:s6], $0x2000  }
0x36d: {  	[sflag:s6] =	ssyncset.done $0x0  }
0x36e: {  	s22 =	simm.s32 $0x380;
	[sflag:s6] =	ssyncadd.s32 $0xFFFFE000  }
0x36f: {  	[tilespmem:s12], [sflag:$0x2] =	stream.indirect.gather [hbm4b:s9+s10], $0x40, s22, s10, $0xb8;
	[tilespmem:$0xE940] =	vst v63  }
0x370: {  	_ =	swait.ge [sflag:s13], $0x2000  }
0x371: {  	[sflag:s13] =	ssyncset.done $0x0  }
0x372: {  	s23 =	simm.s32 $0x980;
	[sflag:s13] =	ssyncadd.s32 $0xFFFFE000  }
0x373: {  	[spmem:s2] =	stream.indirect.scatter.add.f32 [tilespmem:s11], [sflag:$0x3], $0x40, s23, s10, $0xb8;
	[tilespmem:$0xE940] =	vst v63  }
0x374: {  	_ =	swait.ge [sflag:s6], $0x2000  }
0x375: {  	[sflag:s6] =	ssyncset.done $0x0  }
0x376: {  	s24 =	simm.s32 $0x400;
	[sflag:s6] =	ssyncadd.s32 $0xFFFFE000  }
0x377: {  	[tilespmem:s11], [sflag:$0x1] =	stream.indirect.gather [hbm4b:s9+s10], $0x40, s24, s10, $0xb8;
	[tilespmem:$0xE940] =	vst v63  }
0x378: {  	_ =	swait.ge [sflag:s15], $0x2000  }
0x379: {  	[sflag:s15] =	ssyncset.done $0x0  }
0x37a: {  	s25 =	simm.s32 $0xA00;
	[sflag:s15] =	ssyncadd.s32 $0xFFFFE000  }
0x37b: {  	[spmem:s2] =	stream.indirect.scatter.add.f32 [tilespmem:s12], [sflag:$0x3], $0x40, s25, s10, $0xb8;
	[tilespmem:$0xE940] =	vst v63  }
0x37c: {  	_ =	swait.ge [sflag:s6], $0x2000  }
0x37d: {  	[sflag:s6] =	ssyncset.done $0x0  }
0x37e: {  	s26 =	simm.s32 $0x480;
	[sflag:s6] =	ssyncadd.s32 $0xFFFFE000  }
0x37f: {  	[tilespmem:s12], [sflag:$0x2] =	stream.indirect.gather [hbm4b:s9+s10], $0x40, s26, s10, $0xb8;
	[tilespmem:$0xE940] =	vst v63  }
0x380: {  	_ =	swait.ge [sflag:s13], $0x2000  }
0x381: {  	[sflag:s13] =	ssyncset.done $0x0  }
0x382: {  	s31 =	simm.s32 $0xA80;
	[sflag:s13] =	ssyncadd.s32 $0xFFFFE000  }
0x383: {  	[spmem:s2] =	stream.indirect.scatter.add.f32 [tilespmem:s11], [sflag:$0x3], $0x40, s31, s10, $0xb8;
	[tilespmem:$0xE940] =	vst v63  }
0x384: {  	_ =	swait.ge [sflag:s6], $0x2000  }
0x385: {  	[sflag:s6] =	ssyncset.done $0x0  }
0x386: {  	s3 =	simm.s32 $0x500;
	[sflag:s6] =	ssyncadd.s32 $0xFFFFE000  }
0x387: {  	[tilespmem:s11], [sflag:$0x1] =	stream.indirect.gather [hbm4b:s9+s10], $0x40, s3, s10, $0xb8;
	[tilespmem:$0xE940] =	vst v63  }
0x388: {  	_ =	swait.ge [sflag:s15], $0x2000  }
0x389: {  	[sflag:s15] =	ssyncset.done $0x0  }
0x38a: {  	s4 =	simm.s32 $0xB00;
	[sflag:s15] =	ssyncadd.s32 $0xFFFFE000  }
0x38b: {  	[spmem:s2] =	stream.indirect.scatter.add.f32 [tilespmem:s12], [sflag:$0x3], $0x40, s4, s10, $0xb8;
	[tilespmem:$0xE940] =	vst v63  }
0x38c: {  	_ =	swait.ge [sflag:s6], $0x2000  }
0x38d: {  	[sflag:s6] =	ssyncset.done $0x0  }
0x38e: {  	s5 =	simm.s32 $0x580;
	[sflag:s6] =	ssyncadd.s32 $0xFFFFE000  }
0x38f: {  	[tilespmem:s12], [sflag:$0x2] =	stream.indirect.gather [hbm4b:s9+s10], $0x40, s5, s10, $0xb8;
	[tilespmem:$0xE940] =	vst v63  }
0x390: {  	_ =	swait.ge [sflag:s13], $0x2000  }
0x391: {  	[sflag:s13] =	ssyncset.done $0x0  }
0x392: {  	s31 =	simm.s32 $0xB80;
	[sflag:s13] =	ssyncadd.s32 $0xFFFFE000  }
0x393: {  	[spmem:s2] =	stream.indirect.scatter.add.f32 [tilespmem:s11], [sflag:$0x3], $0x40, s31, s10, $0xb8;
	[tilespmem:$0xE940] =	vst v63  }
0x394: {  	_ =	swait.ge [sflag:s6], $0x2000  }
0x395: {  	[sflag:s6] =	ssyncset.done $0x0  }
0x396: {  	s3 =	simm.s32 $0x600;
	[sflag:s6] =	ssyncadd.s32 $0xFFFFE000  }
0x397: {  	[tilespmem:s11], [sflag:$0x1] =	stream.indirect.gather [hbm4b:s9+s10], $0x40, s3, s10, $0xb8;
	[tilespmem:$0xE940] =	vst v63  }
0x398: {  	_ =	swait.ge [sflag:s15], $0x2000  }
0x399: {  	[sflag:s15] =	ssyncset.done $0x0  }
0x39a: {  	s4 =	simm.s32 $0xC00;
	[sflag:s15] =	ssyncadd.s32 $0xFFFFE000  }
0x39b: {  	[spmem:s2] =	stream.indirect.scatter.add.f32 [tilespmem:s12], [sflag:$0x3], $0x40, s4, s10, $0xb8;
	[tilespmem:$0xE940] =	vst v63  }
0x39c: {  	_ =	swait.ge [sflag:s6], $0x2000  }
0x39d: {  	[sflag:s6] =	ssyncset.done $0x0  }
0x39e: {  	[sflag:s6] =	ssyncadd.s32 $0xFFFFE000  }
0x39f: {  	_ =	swait.ge [sflag:s13], $0x2000  }
0x3a0: {  	[sflag:s13] =	ssyncset.done $0x0  }
0x3a1: {  	s5 =	simm.s32 $0xC80;
	[sflag:s13] =	ssyncadd.s32 $0xFFFFE000  }
0x3a2: {  	[spmem:s2] =	stream.indirect.scatter.add.f32 [tilespmem:s11], [sflag:$0x3], $0x40, s5, s10, $0xb8;
	[tilespmem:$0xE940] =	vst v63  }
0x3a3: {  	_ =	swait.ge [sflag:s6], $0x2000  }
0x3a4: {  	[sflag:s6] =	ssyncset.done $0x0  }
0x3a5: {  	s31 =	rddreg [dreg:$0x5];
	[sflag:s6] =	ssyncadd.s32 $0xFFFFE000  }
0x3a6: {  	[tilespmem:s1], [sflag:$0x3] =	stream.linear.gather [hbm4b:s31+s1], $0x680, $0x38;
	[tilespmem:$0xE940] =	vst v63  }
0x3a7: {  	_ =	swait.ge [sflag:s6], $0x680  }
0x3a8: {  	[sflag:s6] =	ssyncset.done $0x0  }
0x3a9: {  	s31 =	rddreg [dreg:$0x6];
	[sflag:s6] =	ssyncadd.s32 $0xFFFFF980  }
0x3aa: {  	[tilespmem:s19], [sflag:$0x3] =	stream.linear.gather [hbm4b:s31+s1], $0x680, $0x38;
	[tilespmem:$0xE940] =	vst v63  }
0x3ab: {  	_ =	swait.ge [sflag:s6], $0x680  }
0x3ac: {  	[sflag:s6] =	ssyncset.done $0x0  }
0x3ad: {  	[sflag:s6] =	ssyncadd.s32 $0xFFFFF980  }
0x3ae: {  	[tilespmem:s11], [sflag:$0x1] =	stream.indirect.gather [hbm4b:s9+s10], $0x40, s1, s10, $0xb8;
	[tilespmem:$0xE940] =	vst v63  }
0x3af: {  	_ = 	snop  }
0x3b0: {  	[tilespmem:s12], [sflag:$0x2] =	stream.indirect.gather [hbm4b:s9+s10], $0x40, s10, s10, $0xb8;
	[tilespmem:$0xE940] =	vst v63  }
0x3b1: {  	_ =	swait.ge [sflag:s13], $0x2000  }
0x3b2: {  	[sflag:s13] =	ssyncset.done $0x0  }
0x3b3: {  	[sflag:s13] =	ssyncadd.s32 $0xFFFFE000  }
0x3b4: {  	[spmem:s2] =	stream.indirect.scatter.add.f32 [tilespmem:s11], [sflag:$0x3], $0x40, s19, s10, $0xb8;
	[tilespmem:$0xE940] =	vst v63  }
0x3b5: {  	_ =	swait.ge [sflag:s6], $0x2000  }
0x3b6: {  	[sflag:s6] =	ssyncset.done $0x0  }
0x3b7: {  	s28 =	simm.s32 $0x100;
	[sflag:s6] =	ssyncadd.s32 $0xFFFFE000  }
0x3b8: {  	[tilespmem:s11], [sflag:$0x1] =	stream.indirect.gather [hbm4b:s9+s10], $0x40, s28, s10, $0xb8;
	[tilespmem:$0xE940] =	vst v63  }
0x3b9: {  	_ =	swait.ge [sflag:s15], $0x2000  }
0x3ba: {  	[sflag:s15] =	ssyncset.done $0x0  }
0x3bb: {  	s17 =	simm.s32 $0x700;
	[sflag:s15] =	ssyncadd.s32 $0xFFFFE000  }
0x3bc: {  	[spmem:s2] =	stream.indirect.scatter.add.f32 [tilespmem:s12], [sflag:$0x3], $0x40, s17, s10, $0xb8;
	[tilespmem:$0xE940] =	vst v63  }
0x3bd: {  	_ =	swait.ge [sflag:s6], $0x2000  }
0x3be: {  	[sflag:s6] =	ssyncset.done $0x0  }
0x3bf: {  	s18 =	simm.s32 $0x180;
	[sflag:s6] =	ssyncadd.s32 $0xFFFFE000  }
0x3c0: {  	[tilespmem:s12], [sflag:$0x2] =	stream.indirect.gather [hbm4b:s9+s10], $0x40, s18, s10, $0xb8;
	[tilespmem:$0xE940] =	vst v63  }
0x3c1: {  	_ =	swait.ge [sflag:s13], $0x2000  }
0x3c2: {  	[sflag:s13] =	ssyncset.done $0x0  }
0x3c3: {  	s29 =	simm.s32 $0x780;
	[sflag:s13] =	ssyncadd.s32 $0xFFFFE000  }
0x3c4: {  	[spmem:s2] =	stream.indirect.scatter.add.f32 [tilespmem:s11], [sflag:$0x3], $0x40, s29, s10, $0xb8;
	[tilespmem:$0xE940] =	vst v63  }
0x3c5: {  	_ =	swait.ge [sflag:s6], $0x2000  }
0x3c6: {  	[sflag:s6] =	ssyncset.done $0x0  }
0x3c7: {  	s30 =	simm.s32 $0x200;
	[sflag:s6] =	ssyncadd.s32 $0xFFFFE000  }
0x3c8: {  	[tilespmem:s11], [sflag:$0x1] =	stream.indirect.gather [hbm4b:s9+s10], $0x40, s30, s10, $0xb8;
	[tilespmem:$0xE940] =	vst v63  }
0x3c9: {  	_ =	swait.ge [sflag:s15], $0x2000  }
0x3ca: {  	[sflag:s15] =	ssyncset.done $0x0  }
0x3cb: {  	s14 =	simm.s32 $0x800;
	[sflag:s15] =	ssyncadd.s32 $0xFFFFE000  }
0x3cc: {  	[spmem:s2] =	stream.indirect.scatter.add.f32 [tilespmem:s12], [sflag:$0x3], $0x40, s14, s10, $0xb8;
	[tilespmem:$0xE940] =	vst v63  }
0x3cd: {  	_ =	swait.ge [sflag:s6], $0x2000  }
0x3ce: {  	[sflag:s6] =	ssyncset.done $0x0  }
0x3cf: {  	s14 =	simm.s32 $0x280;
	[sflag:s6] =	ssyncadd.s32 $0xFFFFE000  }
0x3d0: {  	[tilespmem:s12], [sflag:$0x2] =	stream.indirect.gather [hbm4b:s9+s10], $0x40, s14, s10, $0xb8;
	[tilespmem:$0xE940] =	vst v63  }
0x3d1: {  	_ =	swait.ge [sflag:s13], $0x2000  }
0x3d2: {  	[sflag:s13] =	ssyncset.done $0x0  }
0x3d3: {  	s16 =	simm.s32 $0x880;
	[sflag:s13] =	ssyncadd.s32 $0xFFFFE000  }
0x3d4: {  	[spmem:s2] =	stream.indirect.scatter.add.f32 [tilespmem:s11], [sflag:$0x3], $0x40, s16, s10, $0xb8;
	[tilespmem:$0xE940] =	vst v63  }
0x3d5: {  	_ =	swait.ge [sflag:s6], $0x2000  }
0x3d6: {  	[sflag:s6] =	ssyncset.done $0x0  }
0x3d7: {  	s16 =	simm.s32 $0x300;
	[sflag:s6] =	ssyncadd.s32 $0xFFFFE000  }
0x3d8: {  	[tilespmem:s11], [sflag:$0x1] =	stream.indirect.gather [hbm4b:s9+s10], $0x40, s16, s10, $0xb8;
	[tilespmem:$0xE940] =	vst v63  }
0x3d9: {  	_ =	swait.ge [sflag:s15], $0x2000  }
0x3da: {  	[sflag:s15] =	ssyncset.done $0x0  }
0x3db: {  	s17 =	simm.s32 $0x900;
	[sflag:s15] =	ssyncadd.s32 $0xFFFFE000  }
0x3dc: {  	[spmem:s2] =	stream.indirect.scatter.add.f32 [tilespmem:s12], [sflag:$0x3], $0x40, s17, s10, $0xb8;
	[tilespmem:$0xE940] =	vst v63  }
0x3dd: {  	_ =	swait.ge [sflag:s6], $0x2000  }
0x3de: {  	[sflag:s6] =	ssyncset.done $0x0  }
0x3df: {  	s18 =	simm.s32 $0x380;
	[sflag:s6] =	ssyncadd.s32 $0xFFFFE000  }
0x3e0: {  	[tilespmem:s12], [sflag:$0x2] =	stream.indirect.gather [hbm4b:s9+s10], $0x40, s18, s10, $0xb8;
	[tilespmem:$0xE940] =	vst v63  }
0x3e1: {  	_ =	swait.ge [sflag:s13], $0x2000  }
0x3e2: {  	[sflag:s13] =	ssyncset.done $0x0  }
0x3e3: {  	s28 =	simm.s32 $0x980;
	[sflag:s13] =	ssyncadd.s32 $0xFFFFE000  }
0x3e4: {  	[spmem:s2] =	stream.indirect.scatter.add.f32 [tilespmem:s11], [sflag:$0x3], $0x40, s28, s10, $0xb8;
	[tilespmem:$0xE940] =	vst v63  }
0x3e5: {  	_ =	swait.ge [sflag:s6], $0x2000  }
0x3e6: {  	[sflag:s6] =	ssyncset.done $0x0  }
0x3e7: {  	s8 =	simm.s32 $0x400;
	[sflag:s6] =	ssyncadd.s32 $0xFFFFE000  }
0x3e8: {  	[tilespmem:s11], [sflag:$0x1] =	stream.indirect.gather [hbm4b:s9+s10], $0x40, s8, s10, $0xb8;
	[tilespmem:$0xE940] =	vst v63  }
0x3e9: {  	_ =	swait.ge [sflag:s15], $0x2000  }
0x3ea: {  	[sflag:s15] =	ssyncset.done $0x0  }
0x3eb: {  	s21 =	simm.s32 $0xA00;
	[sflag:s15] =	ssyncadd.s32 $0xFFFFE000  }
0x3ec: {  	[spmem:s2] =	stream.indirect.scatter.add.f32 [tilespmem:s12], [sflag:$0x3], $0x40, s21, s10, $0xb8;
	[tilespmem:$0xE940] =	vst v63  }
0x3ed: {  	_ =	swait.ge [sflag:s6], $0x2000  }
0x3ee: {  	[sflag:s6] =	ssyncset.done $0x0  }
0x3ef: {  	s22 =	simm.s32 $0x480;
	[sflag:s6] =	ssyncadd.s32 $0xFFFFE000  }
0x3f0: {  	[tilespmem:s12], [sflag:$0x2] =	stream.indirect.gather [hbm4b:s9+s10], $0x40, s22, s10, $0xb8;
	[tilespmem:$0xE940] =	vst v63  }
0x3f1: {  	_ =	swait.ge [sflag:s13], $0x2000  }
0x3f2: {  	[sflag:s13] =	ssyncset.done $0x0  }
0x3f3: {  	s23 =	simm.s32 $0xA80;
	[sflag:s13] =	ssyncadd.s32 $0xFFFFE000  }
0x3f4: {  	[spmem:s2] =	stream.indirect.scatter.add.f32 [tilespmem:s11], [sflag:$0x3], $0x40, s23, s10, $0xb8;
	[tilespmem:$0xE940] =	vst v63  }
0x3f5: {  	_ =	swait.ge [sflag:s6], $0x2000  }
0x3f6: {  	[sflag:s6] =	ssyncset.done $0x0  }
0x3f7: {  	s24 =	simm.s32 $0x500;
	[sflag:s6] =	ssyncadd.s32 $0xFFFFE000  }
0x3f8: {  	[tilespmem:s11], [sflag:$0x1] =	stream.indirect.gather [hbm4b:s9+s10], $0x40, s24, s10, $0xb8;
	[tilespmem:$0xE940] =	vst v63  }
0x3f9: {  	_ =	swait.ge [sflag:s15], $0x2000  }
0x3fa: {  	[sflag:s15] =	ssyncset.done $0x0  }
0x3fb: {  	s26 =	simm.s32 $0xB00;
	[sflag:s15] =	ssyncadd.s32 $0xFFFFE000  }
0x3fc: {  	[spmem:s2] =	stream.indirect.scatter.add.f32 [tilespmem:s12], [sflag:$0x3], $0x40, s26, s10, $0xb8;
	[tilespmem:$0xE940] =	vst v63  }
0x3fd: {  	_ =	swait.ge [sflag:s6], $0x2000  }
0x3fe: {  	[sflag:s6] =	ssyncset.done $0x0  }
0x3ff: {  	s0 =	simm.s32 $0x580;
	[sflag:s6] =	ssyncadd.s32 $0xFFFFE000  }
0x400: {  	[tilespmem:s12], [sflag:$0x2] =	stream.indirect.gather [hbm4b:s9+s10], $0x40, s0, s10, $0xb8;
	[tilespmem:$0xE940] =	vst v63  }
0x401: {  	_ =	swait.ge [sflag:s13], $0x2000  }
0x402: {  	[sflag:s13] =	ssyncset.done $0x0  }
0x403: {  	s25 =	simm.s32 $0xB80;
	[sflag:s13] =	ssyncadd.s32 $0xFFFFE000  }
0x404: {  	[spmem:s2] =	stream.indirect.scatter.add.f32 [tilespmem:s11], [sflag:$0x3], $0x40, s25, s10, $0xb8;
	[tilespmem:$0xE940] =	vst v63  }
0x405: {  	_ =	swait.ge [sflag:s6], $0x2000  }
0x406: {  	[sflag:s6] =	ssyncset.done $0x0  }
0x407: {  	s3 =	simm.s32 $0x600;
	[sflag:s6] =	ssyncadd.s32 $0xFFFFE000  }
0x408: {  	[tilespmem:s11], [sflag:$0x1] =	stream.indirect.gather [hbm4b:s9+s10], $0x40, s3, s10, $0xb8;
	[tilespmem:$0xE940] =	vst v63  }
0x409: {  	_ =	swait.ge [sflag:s15], $0x2000  }
0x40a: {  	[sflag:s15] =	ssyncset.done $0x0  }
0x40b: {  	s4 =	simm.s32 $0xC00;
	[sflag:s15] =	ssyncadd.s32 $0xFFFFE000  }
0x40c: {  	[spmem:s2] =	stream.indirect.scatter.add.f32 [tilespmem:s12], [sflag:$0x3], $0x40, s4, s10, $0xb8;
	[tilespmem:$0xE940] =	vst v63  }
0x40d: {  	_ =	swait.ge [sflag:s6], $0x2000  }
0x40e: {  	[sflag:s6] =	ssyncset.done $0x0  }
0x40f: {  	[sflag:s6] =	ssyncadd.s32 $0xFFFFE000  }
0x410: {  	_ =	swait.ge [sflag:s13], $0x2000  }
0x411: {  	[sflag:s13] =	ssyncset.done $0x0  }
0x412: {  	s5 =	simm.s32 $0xC80;
	[sflag:s13] =	ssyncadd.s32 $0xFFFFE000  }
0x413: {  	[spmem:s2] =	stream.indirect.scatter.add.f32 [tilespmem:s11], [sflag:$0x3], $0x40, s5, s10, $0xb8;
	[tilespmem:$0xE940] =	vst v63  }
0x414: {  	_ =	swait.ge [sflag:s6], $0x2000  }
0x415: {  	[sflag:s6] =	ssyncset.done $0x0  }
0x416: {  	s5 =	rddreg [dreg:$0x7];
	[sflag:s6] =	ssyncadd.s32 $0xFFFFE000  }
0x417: {  	[tilespmem:s1], [sflag:$0x3] =	stream.linear.gather [hbm4b:s5+s1], $0x680, $0x38;
	[tilespmem:$0xE940] =	vst v63  }
0x418: {  	_ =	swait.ge [sflag:s6], $0x680  }
0x419: {  	[sflag:s6] =	ssyncset.done $0x0  }
0x41a: {  	s5 =	rddreg [dreg:$0x8];
	[sflag:s6] =	ssyncadd.s32 $0xFFFFF980  }
0x41b: {  	[tilespmem:s19], [sflag:$0x3] =	stream.linear.gather [hbm4b:s5+s1], $0x680, $0x38;
	[tilespmem:$0xE940] =	vst v63  }
0x41c: {  	_ =	swait.ge [sflag:s6], $0x680  }
0x41d: {  	[sflag:s6] =	ssyncset.done $0x0  }
0x41e: {  	[sflag:s6] =	ssyncadd.s32 $0xFFFFF980  }
0x41f: {  	[tilespmem:s11], [sflag:$0x1] =	stream.indirect.gather [hbm4b:s9+s10], $0x40, s1, s10, $0xb8;
	[tilespmem:$0xE940] =	vst v63  }
0x420: {  	_ = 	snop  }
0x421: {  	[tilespmem:s12], [sflag:$0x2] =	stream.indirect.gather [hbm4b:s9+s10], $0x40, s10, s10, $0xb8;
	[tilespmem:$0xE940] =	vst v63  }
0x422: {  	_ =	swait.ge [sflag:s13], $0x2000  }
0x423: {  	[sflag:s13] =	ssyncset.done $0x0  }
0x424: {  	[sflag:s13] =	ssyncadd.s32 $0xFFFFE000  }
0x425: {  	[spmem:s2] =	stream.indirect.scatter.add.f32 [tilespmem:s11], [sflag:$0x3], $0x40, s19, s10, $0xb8;
	[tilespmem:$0xE940] =	vst v63  }
0x426: {  	_ =	swait.ge [sflag:s6], $0x2000  }
0x427: {  	[sflag:s6] =	ssyncset.done $0x0  }
0x428: {  	s25 =	simm.s32 $0x100;
	[sflag:s6] =	ssyncadd.s32 $0xFFFFE000  }
0x429: {  	[tilespmem:s11], [sflag:$0x1] =	stream.indirect.gather [hbm4b:s9+s10], $0x40, s25, s10, $0xb8;
	[tilespmem:$0xE940] =	vst v63  }
0x42a: {  	_ =	swait.ge [sflag:s15], $0x2000  }
0x42b: {  	[sflag:s15] =	ssyncset.done $0x0  }
0x42c: {  	s31 =	simm.s32 $0x700;
	[sflag:s15] =	ssyncadd.s32 $0xFFFFE000  }
0x42d: {  	[spmem:s2] =	stream.indirect.scatter.add.f32 [tilespmem:s12], [sflag:$0x3], $0x40, s31, s10, $0xb8;
	[tilespmem:$0xE940] =	vst v63  }
0x42e: {  	_ =	swait.ge [sflag:s6], $0x2000  }
0x42f: {  	[sflag:s6] =	ssyncset.done $0x0  }
0x430: {  	s31 =	simm.s32 $0x180;
	[sflag:s6] =	ssyncadd.s32 $0xFFFFE000  }
0x431: {  	[tilespmem:s12], [sflag:$0x2] =	stream.indirect.gather [hbm4b:s9+s10], $0x40, s31, s10, $0xb8;
	[tilespmem:$0xE940] =	vst v63  }
0x432: {  	_ =	swait.ge [sflag:s13], $0x2000  }
0x433: {  	[sflag:s13] =	ssyncset.done $0x0  }
0x434: {  	s25 =	simm.s32 $0x780;
	[sflag:s13] =	ssyncadd.s32 $0xFFFFE000  }
0x435: {  	[spmem:s2] =	stream.indirect.scatter.add.f32 [tilespmem:s11], [sflag:$0x3], $0x40, s25, s10, $0xb8;
	[tilespmem:$0xE940] =	vst v63  }
0x436: {  	_ =	swait.ge [sflag:s6], $0x2000  }
0x437: {  	[sflag:s6] =	ssyncset.done $0x0  }
0x438: {  	s25 =	simm.s32 $0x200;
	[sflag:s6] =	ssyncadd.s32 $0xFFFFE000  }
0x439: {  	[tilespmem:s11], [sflag:$0x1] =	stream.indirect.gather [hbm4b:s9+s10], $0x40, s25, s10, $0xb8;
	[tilespmem:$0xE940] =	vst v63  }
0x43a: {  	_ =	swait.ge [sflag:s15], $0x2000  }
0x43b: {  	[sflag:s15] =	ssyncset.done $0x0  }
0x43c: {  	s29 =	simm.s32 $0x800;
	[sflag:s15] =	ssyncadd.s32 $0xFFFFE000  }
0x43d: {  	[spmem:s2] =	stream.indirect.scatter.add.f32 [tilespmem:s12], [sflag:$0x3], $0x40, s29, s10, $0xb8;
	[tilespmem:$0xE940] =	vst v63  }
0x43e: {  	_ =	swait.ge [sflag:s6], $0x2000  }
0x43f: {  	[sflag:s6] =	ssyncset.done $0x0  }
0x440: {  	[sflag:s6] =	ssyncadd.s32 $0xFFFFE000  }
0x441: {  	[tilespmem:s12], [sflag:$0x2] =	stream.indirect.gather [hbm4b:s9+s10], $0x40, s14, s10, $0xb8;
	[tilespmem:$0xE940] =	vst v63  }
0x442: {  	_ =	swait.ge [sflag:s13], $0x2000  }
0x443: {  	[sflag:s13] =	ssyncset.done $0x0  }
0x444: {  	s30 =	simm.s32 $0x880;
	[sflag:s13] =	ssyncadd.s32 $0xFFFFE000  }
0x445: {  	[spmem:s2] =	stream.indirect.scatter.add.f32 [tilespmem:s11], [sflag:$0x3], $0x40, s30, s10, $0xb8;
	[tilespmem:$0xE940] =	vst v63  }
0x446: {  	_ =	swait.ge [sflag:s6], $0x2000  }
0x447: {  	[sflag:s6] =	ssyncset.done $0x0  }
0x448: {  	[sflag:s6] =	ssyncadd.s32 $0xFFFFE000  }
0x449: {  	[tilespmem:s11], [sflag:$0x1] =	stream.indirect.gather [hbm4b:s9+s10], $0x40, s16, s10, $0xb8;
	[tilespmem:$0xE940] =	vst v63  }
0x44a: {  	_ =	swait.ge [sflag:s15], $0x2000  }
0x44b: {  	[sflag:s15] =	ssyncset.done $0x0  }
0x44c: {  	[sflag:s15] =	ssyncadd.s32 $0xFFFFE000  }
0x44d: {  	[spmem:s2] =	stream.indirect.scatter.add.f32 [tilespmem:s12], [sflag:$0x3], $0x40, s17, s10, $0xb8;
	[tilespmem:$0xE940] =	vst v63  }
0x44e: {  	_ =	swait.ge [sflag:s6], $0x2000  }
0x44f: {  	[sflag:s6] =	ssyncset.done $0x0  }
0x450: {  	[sflag:s6] =	ssyncadd.s32 $0xFFFFE000  }
0x451: {  	[tilespmem:s12], [sflag:$0x2] =	stream.indirect.gather [hbm4b:s9+s10], $0x40, s18, s10, $0xb8;
	[tilespmem:$0xE940] =	vst v63  }
0x452: {  	_ =	swait.ge [sflag:s13], $0x2000  }
0x453: {  	[sflag:s13] =	ssyncset.done $0x0  }
0x454: {  	[sflag:s13] =	ssyncadd.s32 $0xFFFFE000  }
0x455: {  	[spmem:s2] =	stream.indirect.scatter.add.f32 [tilespmem:s11], [sflag:$0x3], $0x40, s28, s10, $0xb8;
	[tilespmem:$0xE940] =	vst v63  }
0x456: {  	_ =	swait.ge [sflag:s6], $0x2000  }
0x457: {  	[sflag:s6] =	ssyncset.done $0x0  }
0x458: {  	s8 =	simm.s32 $0x400;
	[sflag:s6] =	ssyncadd.s32 $0xFFFFE000  }
0x459: {  	[tilespmem:s11], [sflag:$0x1] =	stream.indirect.gather [hbm4b:s9+s10], $0x40, s8, s10, $0xb8;
	[tilespmem:$0xE940] =	vst v63  }
0x45a: {  	_ =	swait.ge [sflag:s15], $0x2000  }
0x45b: {  	[sflag:s15] =	ssyncset.done $0x0  }
0x45c: {  	s21 =	simm.s32 $0xA00;
	[sflag:s15] =	ssyncadd.s32 $0xFFFFE000  }
0x45d: {  	[spmem:s2] =	stream.indirect.scatter.add.f32 [tilespmem:s12], [sflag:$0x3], $0x40, s21, s10, $0xb8;
	[tilespmem:$0xE940] =	vst v63  }
0x45e: {  	_ =	swait.ge [sflag:s6], $0x2000  }
0x45f: {  	[sflag:s6] =	ssyncset.done $0x0  }
0x460: {  	s25 =	simm.s32 $0x480;
	[sflag:s6] =	ssyncadd.s32 $0xFFFFE000  }
0x461: {  	[tilespmem:s12], [sflag:$0x2] =	stream.indirect.gather [hbm4b:s9+s10], $0x40, s25, s10, $0xb8;
	[tilespmem:$0xE940] =	vst v63  }
0x462: {  	_ =	swait.ge [sflag:s13], $0x2000  }
0x463: {  	[sflag:s13] =	ssyncset.done $0x0  }
0x464: {  	s28 =	simm.s32 $0xA80;
	[sflag:s13] =	ssyncadd.s32 $0xFFFFE000  }
0x465: {  	[spmem:s2] =	stream.indirect.scatter.add.f32 [tilespmem:s11], [sflag:$0x3], $0x40, s28, s10, $0xb8;
	[tilespmem:$0xE940] =	vst v63  }
0x466: {  	_ =	swait.ge [sflag:s6], $0x2000  }
0x467: {  	[sflag:s6] =	ssyncset.done $0x0  }
0x468: {  	s24 =	simm.s32 $0x500;
	[sflag:s6] =	ssyncadd.s32 $0xFFFFE000  }
0x469: {  	[tilespmem:s11], [sflag:$0x1] =	stream.indirect.gather [hbm4b:s9+s10], $0x40, s24, s10, $0xb8;
	[tilespmem:$0xE940] =	vst v63  }
0x46a: {  	_ =	swait.ge [sflag:s15], $0x2000  }
0x46b: {  	[sflag:s15] =	ssyncset.done $0x0  }
0x46c: {  	s26 =	simm.s32 $0xB00;
	[sflag:s15] =	ssyncadd.s32 $0xFFFFE000  }
0x46d: {  	[spmem:s2] =	stream.indirect.scatter.add.f32 [tilespmem:s12], [sflag:$0x3], $0x40, s26, s10, $0xb8;
	[tilespmem:$0xE940] =	vst v63  }
0x46e: {  	_ =	swait.ge [sflag:s6], $0x2000  }
0x46f: {  	[sflag:s6] =	ssyncset.done $0x0  }
0x470: {  	s23 =	simm.s32 $0x580;
	[sflag:s6] =	ssyncadd.s32 $0xFFFFE000  }
0x471: {  	[tilespmem:s12], [sflag:$0x2] =	stream.indirect.gather [hbm4b:s9+s10], $0x40, s23, s10, $0xb8;
	[tilespmem:$0xE940] =	vst v63  }
0x472: {  	_ =	swait.ge [sflag:s13], $0x2000  }
0x473: {  	[sflag:s13] =	ssyncset.done $0x0  }
0x474: {  	s0 =	simm.s32 $0xB80;
	[sflag:s13] =	ssyncadd.s32 $0xFFFFE000  }
0x475: {  	[spmem:s2] =	stream.indirect.scatter.add.f32 [tilespmem:s11], [sflag:$0x3], $0x40, s0, s10, $0xb8;
	[tilespmem:$0xE940] =	vst v63  }
0x476: {  	_ =	swait.ge [sflag:s6], $0x2000  }
0x477: {  	[sflag:s6] =	ssyncset.done $0x0  }
0x478: {  	s22 =	simm.s32 $0x600;
	[sflag:s6] =	ssyncadd.s32 $0xFFFFE000  }
0x479: {  	[tilespmem:s11], [sflag:$0x1] =	stream.indirect.gather [hbm4b:s9+s10], $0x40, s22, s10, $0xb8;
	[tilespmem:$0xE940] =	vst v63  }
0x47a: {  	_ =	swait.ge [sflag:s15], $0x2000  }
0x47b: {  	[sflag:s15] =	ssyncset.done $0x0  }
0x47c: {  	s3 =	simm.s32 $0xC00;
	[sflag:s15] =	ssyncadd.s32 $0xFFFFE000  }
0x47d: {  	[spmem:s2] =	stream.indirect.scatter.add.f32 [tilespmem:s12], [sflag:$0x3], $0x40, s3, s10, $0xb8;
	[tilespmem:$0xE940] =	vst v63  }
0x47e: {  	_ =	swait.ge [sflag:s6], $0x2000  }
0x47f: {  	[sflag:s6] =	ssyncset.done $0x0  }
0x480: {  	[sflag:s6] =	ssyncadd.s32 $0xFFFFE000  }
0x481: {  	_ =	swait.ge [sflag:s13], $0x2000  }
0x482: {  	[sflag:s13] =	ssyncset.done $0x0  }
0x483: {  	s4 =	simm.s32 $0xC80;
	[sflag:s13] =	ssyncadd.s32 $0xFFFFE000  }
0x484: {  	[spmem:s2] =	stream.indirect.scatter.add.f32 [tilespmem:s11], [sflag:$0x3], $0x40, s4, s10, $0xb8;
	[tilespmem:$0xE940] =	vst v63  }
0x485: {  	_ =	swait.ge [sflag:s6], $0x2000  }
0x486: {  	[sflag:s6] =	ssyncset.done $0x0  }
0x487: {  	s4 =	rddreg [dreg:$0x9];
	[sflag:s6] =	ssyncadd.s32 $0xFFFFE000  }
0x488: {  	[tilespmem:s1], [sflag:$0x3] =	stream.linear.gather [hbm4b:s4+s1], $0x680, $0x38;
	[tilespmem:$0xE940] =	vst v63  }
0x489: {  	_ =	swait.ge [sflag:s6], $0x680  }
0x48a: {  	[sflag:s6] =	ssyncset.done $0x0  }
0x48b: {  	s4 =	rddreg [dreg:$0xa];
	[sflag:s6] =	ssyncadd.s32 $0xFFFFF980  }
0x48c: {  	[tilespmem:s19], [sflag:$0x3] =	stream.linear.gather [hbm4b:s4+s1], $0x680, $0x38;
	[tilespmem:$0xE940] =	vst v63  }
0x48d: {  	_ =	swait.ge [sflag:s6], $0x680  }
0x48e: {  	[sflag:s6] =	ssyncset.done $0x0  }
0x48f: {  	[sflag:s6] =	ssyncadd.s32 $0xFFFFF980  }
0x490: {  	[tilespmem:s11], [sflag:$0x1] =	stream.indirect.gather [hbm4b:s9+s10], $0x40, s1, s10, $0xb8;
	[tilespmem:$0xE940] =	vst v63  }
0x491: {  	_ = 	snop  }
0x492: {  	[tilespmem:s12], [sflag:$0x2] =	stream.indirect.gather [hbm4b:s9+s10], $0x40, s10, s10, $0xb8;
	[tilespmem:$0xE940] =	vst v63  }
0x493: {  	_ =	swait.ge [sflag:s13], $0x2000  }
0x494: {  	[sflag:s13] =	ssyncset.done $0x0  }
0x495: {  	[sflag:s13] =	ssyncadd.s32 $0xFFFFE000  }
0x496: {  	[spmem:s2] =	stream.indirect.scatter.add.f32 [tilespmem:s11], [sflag:$0x3], $0x40, s19, s10, $0xb8;
	[tilespmem:$0xE940] =	vst v63  }
0x497: {  	_ =	swait.ge [sflag:s6], $0x2000  }
0x498: {  	[sflag:s6] =	ssyncset.done $0x0  }
0x499: {  	s25 =	simm.s32 $0x100;
	[sflag:s6] =	ssyncadd.s32 $0xFFFFE000  }
0x49a: {  	[tilespmem:s11], [sflag:$0x1] =	stream.indirect.gather [hbm4b:s9+s10], $0x40, s25, s10, $0xb8;
	[tilespmem:$0xE940] =	vst v63  }
0x49b: {  	_ =	swait.ge [sflag:s15], $0x2000  }
0x49c: {  	[sflag:s15] =	ssyncset.done $0x0  }
0x49d: {  	s5 =	simm.s32 $0x700;
	[sflag:s15] =	ssyncadd.s32 $0xFFFFE000  }
0x49e: {  	[spmem:s2] =	stream.indirect.scatter.add.f32 [tilespmem:s12], [sflag:$0x3], $0x40, s5, s10, $0xb8;
	[tilespmem:$0xE940] =	vst v63  }
0x49f: {  	_ =	swait.ge [sflag:s6], $0x2000  }
0x4a0: {  	[sflag:s6] =	ssyncset.done $0x0  }
0x4a1: {  	s31 =	simm.s32 $0x180;
	[sflag:s6] =	ssyncadd.s32 $0xFFFFE000  }
0x4a2: {  	[tilespmem:s12], [sflag:$0x2] =	stream.indirect.gather [hbm4b:s9+s10], $0x40, s31, s10, $0xb8;
	[tilespmem:$0xE940] =	vst v63  }
0x4a3: {  	_ =	swait.ge [sflag:s13], $0x2000  }
0x4a4: {  	[sflag:s13] =	ssyncset.done $0x0  }
0x4a5: {  	s31 =	simm.s32 $0x780;
	[sflag:s13] =	ssyncadd.s32 $0xFFFFE000  }
0x4a6: {  	[spmem:s2] =	stream.indirect.scatter.add.f32 [tilespmem:s11], [sflag:$0x3], $0x40, s31, s10, $0xb8;
	[tilespmem:$0xE940] =	vst v63  }
0x4a7: {  	_ =	swait.ge [sflag:s6], $0x2000  }
0x4a8: {  	[sflag:s6] =	ssyncset.done $0x0  }
0x4a9: {  	s31 =	simm.s32 $0x200;
	[sflag:s6] =	ssyncadd.s32 $0xFFFFE000  }
0x4aa: {  	[tilespmem:s11], [sflag:$0x1] =	stream.indirect.gather [hbm4b:s9+s10], $0x40, s31, s10, $0xb8;
	[tilespmem:$0xE940] =	vst v63  }
0x4ab: {  	_ =	swait.ge [sflag:s15], $0x2000  }
0x4ac: {  	[sflag:s15] =	ssyncset.done $0x0  }
0x4ad: {  	s31 =	simm.s32 $0x800;
	[sflag:s15] =	ssyncadd.s32 $0xFFFFE000  }
0x4ae: {  	[spmem:s2] =	stream.indirect.scatter.add.f32 [tilespmem:s12], [sflag:$0x3], $0x40, s31, s10, $0xb8;
	[tilespmem:$0xE940] =	vst v63  }
0x4af: {  	_ =	swait.ge [sflag:s6], $0x2000  }
0x4b0: {  	[sflag:s6] =	ssyncset.done $0x0  }
0x4b1: {  	s14 =	simm.s32 $0x280;
	[sflag:s6] =	ssyncadd.s32 $0xFFFFE000  }
0x4b2: {  	[tilespmem:s12], [sflag:$0x2] =	stream.indirect.gather [hbm4b:s9+s10], $0x40, s14, s10, $0xb8;
	[tilespmem:$0xE940] =	vst v63  }
0x4b3: {  	_ =	swait.ge [sflag:s13], $0x2000  }
0x4b4: {  	[sflag:s13] =	ssyncset.done $0x0  }
0x4b5: {  	s25 =	simm.s32 $0x880;
	[sflag:s13] =	ssyncadd.s32 $0xFFFFE000  }
0x4b6: {  	[spmem:s2] =	stream.indirect.scatter.add.f32 [tilespmem:s11], [sflag:$0x3], $0x40, s25, s10, $0xb8;
	[tilespmem:$0xE940] =	vst v63  }
0x4b7: {  	_ =	swait.ge [sflag:s6], $0x2000  }
0x4b8: {  	[sflag:s6] =	ssyncset.done $0x0  }
0x4b9: {  	s16 =	simm.s32 $0x300;
	[sflag:s6] =	ssyncadd.s32 $0xFFFFE000  }
0x4ba: {  	[tilespmem:s11], [sflag:$0x1] =	stream.indirect.gather [hbm4b:s9+s10], $0x40, s16, s10, $0xb8;
	[tilespmem:$0xE940] =	vst v63  }
0x4bb: {  	_ =	swait.ge [sflag:s15], $0x2000  }
0x4bc: {  	[sflag:s15] =	ssyncset.done $0x0  }
0x4bd: {  	s29 =	simm.s32 $0x900;
	[sflag:s15] =	ssyncadd.s32 $0xFFFFE000  }
0x4be: {  	[spmem:s2] =	stream.indirect.scatter.add.f32 [tilespmem:s12], [sflag:$0x3], $0x40, s29, s10, $0xb8;
	[tilespmem:$0xE940] =	vst v63  }
0x4bf: {  	_ =	swait.ge [sflag:s6], $0x2000  }
0x4c0: {  	[sflag:s6] =	ssyncset.done $0x0  }
0x4c1: {  	s17 =	simm.s32 $0x380;
	[sflag:s6] =	ssyncadd.s32 $0xFFFFE000  }
0x4c2: {  	[tilespmem:s12], [sflag:$0x2] =	stream.indirect.gather [hbm4b:s9+s10], $0x40, s17, s10, $0xb8;
	[tilespmem:$0xE940] =	vst v63  }
0x4c3: {  	_ =	swait.ge [sflag:s13], $0x2000  }
0x4c4: {  	[sflag:s13] =	ssyncset.done $0x0  }
0x4c5: {  	s18 =	simm.s32 $0x980;
	[sflag:s13] =	ssyncadd.s32 $0xFFFFE000  }
0x4c6: {  	[spmem:s2] =	stream.indirect.scatter.add.f32 [tilespmem:s11], [sflag:$0x3], $0x40, s18, s10, $0xb8;
	[tilespmem:$0xE940] =	vst v63  }
0x4c7: {  	_ =	swait.ge [sflag:s6], $0x2000  }
0x4c8: {  	[sflag:s6] =	ssyncset.done $0x0  }
0x4c9: {  	s30 =	simm.s32 $0x400;
	[sflag:s6] =	ssyncadd.s32 $0xFFFFE000  }
0x4ca: {  	[tilespmem:s11], [sflag:$0x1] =	stream.indirect.gather [hbm4b:s9+s10], $0x40, s30, s10, $0xb8;
	[tilespmem:$0xE940] =	vst v63  }
0x4cb: {  	_ =	swait.ge [sflag:s15], $0x2000  }
0x4cc: {  	[sflag:s15] =	ssyncset.done $0x0  }
0x4cd: {  	s21 =	simm.s32 $0xA00;
	[sflag:s15] =	ssyncadd.s32 $0xFFFFE000  }
0x4ce: {  	[spmem:s2] =	stream.indirect.scatter.add.f32 [tilespmem:s12], [sflag:$0x3], $0x40, s21, s10, $0xb8;
	[tilespmem:$0xE940] =	vst v63  }
0x4cf: {  	_ =	swait.ge [sflag:s6], $0x2000  }
0x4d0: {  	[sflag:s6] =	ssyncset.done $0x0  }
0x4d1: {  	s8 =	simm.s32 $0x480;
	[sflag:s6] =	ssyncadd.s32 $0xFFFFE000  }
0x4d2: {  	[tilespmem:s12], [sflag:$0x2] =	stream.indirect.gather [hbm4b:s9+s10], $0x40, s8, s10, $0xb8;
	[tilespmem:$0xE940] =	vst v63  }
0x4d3: {  	_ =	swait.ge [sflag:s13], $0x2000  }
0x4d4: {  	[sflag:s13] =	ssyncset.done $0x0  }
0x4d5: {  	s30 =	simm.s32 $0xA80;
	[sflag:s13] =	ssyncadd.s32 $0xFFFFE000  }
0x4d6: {  	[spmem:s2] =	stream.indirect.scatter.add.f32 [tilespmem:s11], [sflag:$0x3], $0x40, s30, s10, $0xb8;
	[tilespmem:$0xE940] =	vst v63  }
0x4d7: {  	_ =	swait.ge [sflag:s6], $0x2000  }
0x4d8: {  	[sflag:s6] =	ssyncset.done $0x0  }
0x4d9: {  	s24 =	simm.s32 $0x500;
	[sflag:s6] =	ssyncadd.s32 $0xFFFFE000  }
0x4da: {  	[tilespmem:s11], [sflag:$0x1] =	stream.indirect.gather [hbm4b:s9+s10], $0x40, s24, s10, $0xb8;
	[tilespmem:$0xE940] =	vst v63  }
0x4db: {  	_ =	swait.ge [sflag:s15], $0x2000  }
0x4dc: {  	[sflag:s15] =	ssyncset.done $0x0  }
0x4dd: {  	s26 =	simm.s32 $0xB00;
	[sflag:s15] =	ssyncadd.s32 $0xFFFFE000  }
0x4de: {  	[spmem:s2] =	stream.indirect.scatter.add.f32 [tilespmem:s12], [sflag:$0x3], $0x40, s26, s10, $0xb8;
	[tilespmem:$0xE940] =	vst v63  }
0x4df: {  	_ =	swait.ge [sflag:s6], $0x2000  }
0x4e0: {  	[sflag:s6] =	ssyncset.done $0x0  }
0x4e1: {  	s28 =	simm.s32 $0x580;
	[sflag:s6] =	ssyncadd.s32 $0xFFFFE000  }
0x4e2: {  	[tilespmem:s12], [sflag:$0x2] =	stream.indirect.gather [hbm4b:s9+s10], $0x40, s28, s10, $0xb8;
	[tilespmem:$0xE940] =	vst v63  }
0x4e3: {  	_ =	swait.ge [sflag:s13], $0x2000  }
0x4e4: {  	[sflag:s13] =	ssyncset.done $0x0  }
0x4e5: {  	s23 =	simm.s32 $0xB80;
	[sflag:s13] =	ssyncadd.s32 $0xFFFFE000  }
0x4e6: {  	[spmem:s2] =	stream.indirect.scatter.add.f32 [tilespmem:s11], [sflag:$0x3], $0x40, s23, s10, $0xb8;
	[tilespmem:$0xE940] =	vst v63  }
0x4e7: {  	_ =	swait.ge [sflag:s6], $0x2000  }
0x4e8: {  	[sflag:s6] =	ssyncset.done $0x0  }
0x4e9: {  	s0 =	simm.s32 $0x600;
	[sflag:s6] =	ssyncadd.s32 $0xFFFFE000  }
0x4ea: {  	[tilespmem:s11], [sflag:$0x1] =	stream.indirect.gather [hbm4b:s9+s10], $0x40, s0, s10, $0xb8;
	[tilespmem:$0xE940] =	vst v63  }
0x4eb: {  	_ =	swait.ge [sflag:s15], $0x2000  }
0x4ec: {  	[sflag:s15] =	ssyncset.done $0x0  }
0x4ed: {  	s22 =	simm.s32 $0xC00;
	[sflag:s15] =	ssyncadd.s32 $0xFFFFE000  }
0x4ee: {  	[spmem:s2] =	stream.indirect.scatter.add.f32 [tilespmem:s12], [sflag:$0x3], $0x40, s22, s10, $0xb8;
	[tilespmem:$0xE940] =	vst v63  }
0x4ef: {  	_ =	swait.ge [sflag:s6], $0x2000  }
0x4f0: {  	[sflag:s6] =	ssyncset.done $0x0  }
0x4f1: {  	[sflag:s6] =	ssyncadd.s32 $0xFFFFE000  }
0x4f2: {  	_ =	swait.ge [sflag:s13], $0x2000  }
0x4f3: {  	[sflag:s13] =	ssyncset.done $0x0  }
0x4f4: {  	s3 =	simm.s32 $0xC80;
	[sflag:s13] =	ssyncadd.s32 $0xFFFFE000  }
0x4f5: {  	[spmem:s2] =	stream.indirect.scatter.add.f32 [tilespmem:s11], [sflag:$0x3], $0x40, s3, s10, $0xb8;
	[tilespmem:$0xE940] =	vst v63  }
0x4f6: {  	_ =	swait.ge [sflag:s6], $0x2000  }
0x4f7: {  	[sflag:s6] =	ssyncset.done $0x0  }
0x4f8: {  	s22 =	rddreg [dreg:$0xb];
	[sflag:s6] =	ssyncadd.s32 $0xFFFFE000  }
0x4f9: {  	[tilespmem:s1], [sflag:$0x3] =	stream.linear.gather [hbm4b:s22+s1], $0x680, $0x38;
	[tilespmem:$0xE940] =	vst v63  }
0x4fa: {  	_ =	swait.ge [sflag:s6], $0x680  }
0x4fb: {  	[sflag:s6] =	ssyncset.done $0x0  }
0x4fc: {  	s0 =	rddreg [dreg:$0xc];
	[sflag:s6] =	ssyncadd.s32 $0xFFFFF980  }
0x4fd: {  	[tilespmem:s19], [sflag:$0x3] =	stream.linear.gather [hbm4b:s0+s1], $0x680, $0x38;
	[tilespmem:$0xE940] =	vst v63  }
0x4fe: {  	_ =	swait.ge [sflag:s6], $0x680  }
0x4ff: {  	[sflag:s6] =	ssyncset.done $0x0  }
0x500: {  	[sflag:s6] =	ssyncadd.s32 $0xFFFFF980  }
0x501: {  	[tilespmem:s11], [sflag:$0x1] =	stream.indirect.gather [hbm4b:s9+s10], $0x40, s1, s10, $0xb8;
	[tilespmem:$0xE940] =	vst v63  }
0x502: {  	_ = 	snop  }
0x503: {  	[tilespmem:s12], [sflag:$0x2] =	stream.indirect.gather [hbm4b:s9+s10], $0x40, s10, s10, $0xb8;
	[tilespmem:$0xE940] =	vst v63  }
0x504: {  	_ =	swait.ge [sflag:s13], $0x2000  }
0x505: {  	[sflag:s13] =	ssyncset.done $0x0  }
0x506: {  	[sflag:s13] =	ssyncadd.s32 $0xFFFFE000  }
0x507: {  	[spmem:s2] =	stream.indirect.scatter.add.f32 [tilespmem:s11], [sflag:$0x3], $0x40, s19, s10, $0xb8;
	[tilespmem:$0xE940] =	vst v63  }
0x508: {  	_ =	swait.ge [sflag:s6], $0x2000  }
0x509: {  	[sflag:s6] =	ssyncset.done $0x0  }
0x50a: {  	s3 =	simm.s32 $0x100;
	[sflag:s6] =	ssyncadd.s32 $0xFFFFE000  }
0x50b: {  	[tilespmem:s11], [sflag:$0x1] =	stream.indirect.gather [hbm4b:s9+s10], $0x40, s3, s10, $0xb8;
	[tilespmem:$0xE940] =	vst v63  }
0x50c: {  	_ =	swait.ge [sflag:s15], $0x2000  }
0x50d: {  	[sflag:s15] =	ssyncset.done $0x0  }
0x50e: {  	s5 =	simm.s32 $0x700;
	[sflag:s15] =	ssyncadd.s32 $0xFFFFE000  }
0x50f: {  	[spmem:s2] =	stream.indirect.scatter.add.f32 [tilespmem:s12], [sflag:$0x3], $0x40, s5, s10, $0xb8;
	[tilespmem:$0xE940] =	vst v63  }
0x510: {  	_ =	swait.ge [sflag:s6], $0x2000  }
0x511: {  	[sflag:s6] =	ssyncset.done $0x0  }
0x512: {  	s4 =	simm.s32 $0x180;
	[sflag:s6] =	ssyncadd.s32 $0xFFFFE000  }
0x513: {  	[tilespmem:s12], [sflag:$0x2] =	stream.indirect.gather [hbm4b:s9+s10], $0x40, s4, s10, $0xb8;
	[tilespmem:$0xE940] =	vst v63  }
0x514: {  	_ =	swait.ge [sflag:s13], $0x2000  }
0x515: {  	[sflag:s13] =	ssyncset.done $0x0  }
0x516: {  	s4 =	simm.s32 $0x780;
	[sflag:s13] =	ssyncadd.s32 $0xFFFFE000  }
0x517: {  	[spmem:s2] =	stream.indirect.scatter.add.f32 [tilespmem:s11], [sflag:$0x3], $0x40, s4, s10, $0xb8;
	[tilespmem:$0xE940] =	vst v63  }
0x518: {  	_ =	swait.ge [sflag:s6], $0x2000  }
0x519: {  	[sflag:s6] =	ssyncset.done $0x0  }
0x51a: {  	s5 =	simm.s32 $0x200;
	[sflag:s6] =	ssyncadd.s32 $0xFFFFE000  }
0x51b: {  	[tilespmem:s11], [sflag:$0x1] =	stream.indirect.gather [hbm4b:s9+s10], $0x40, s5, s10, $0xb8;
	[tilespmem:$0xE940] =	vst v63  }
0x51c: {  	_ =	swait.ge [sflag:s15], $0x2000  }
0x51d: {  	[sflag:s15] =	ssyncset.done $0x0  }
0x51e: {  	s31 =	simm.s32 $0x800;
	[sflag:s15] =	ssyncadd.s32 $0xFFFFE000  }
0x51f: {  	[spmem:s2] =	stream.indirect.scatter.add.f32 [tilespmem:s12], [sflag:$0x3], $0x40, s31, s10, $0xb8;
	[tilespmem:$0xE940] =	vst v63  }
0x520: {  	_ =	swait.ge [sflag:s6], $0x2000  }
0x521: {  	[sflag:s6] =	ssyncset.done $0x0  }
0x522: {  	s14 =	simm.s32 $0x280;
	[sflag:s6] =	ssyncadd.s32 $0xFFFFE000  }
0x523: {  	[tilespmem:s12], [sflag:$0x2] =	stream.indirect.gather [hbm4b:s9+s10], $0x40, s14, s10, $0xb8;
	[tilespmem:$0xE940] =	vst v63  }
0x524: {  	_ =	swait.ge [sflag:s13], $0x2000  }
0x525: {  	[sflag:s13] =	ssyncset.done $0x0  }
0x526: {  	s14 =	simm.s32 $0x880;
	[sflag:s13] =	ssyncadd.s32 $0xFFFFE000  }
0x527: {  	[spmem:s2] =	stream.indirect.scatter.add.f32 [tilespmem:s11], [sflag:$0x3], $0x40, s14, s10, $0xb8;
	[tilespmem:$0xE940] =	vst v63  }
0x528: {  	_ =	swait.ge [sflag:s6], $0x2000  }
0x529: {  	[sflag:s6] =	ssyncset.done $0x0  }
0x52a: {  	s16 =	simm.s32 $0x300;
	[sflag:s6] =	ssyncadd.s32 $0xFFFFE000  }
0x52b: {  	[tilespmem:s11], [sflag:$0x1] =	stream.indirect.gather [hbm4b:s9+s10], $0x40, s16, s10, $0xb8;
	[tilespmem:$0xE940] =	vst v63  }
0x52c: {  	_ =	swait.ge [sflag:s15], $0x2000  }
0x52d: {  	[sflag:s15] =	ssyncset.done $0x0  }
0x52e: {  	s29 =	simm.s32 $0x900;
	[sflag:s15] =	ssyncadd.s32 $0xFFFFE000  }
0x52f: {  	[spmem:s2] =	stream.indirect.scatter.add.f32 [tilespmem:s12], [sflag:$0x3], $0x40, s29, s10, $0xb8;
	[tilespmem:$0xE940] =	vst v63  }
0x530: {  	_ =	swait.ge [sflag:s6], $0x2000  }
0x531: {  	[sflag:s6] =	ssyncset.done $0x0  }
0x532: {  	s17 =	simm.s32 $0x380;
	[sflag:s6] =	ssyncadd.s32 $0xFFFFE000  }
0x533: {  	[tilespmem:s12], [sflag:$0x2] =	stream.indirect.gather [hbm4b:s9+s10], $0x40, s17, s10, $0xb8;
	[tilespmem:$0xE940] =	vst v63  }
0x534: {  	_ =	swait.ge [sflag:s13], $0x2000  }
0x535: {  	[sflag:s13] =	ssyncset.done $0x0  }
0x536: {  	s18 =	simm.s32 $0x980;
	[sflag:s13] =	ssyncadd.s32 $0xFFFFE000  }
0x537: {  	[spmem:s2] =	stream.indirect.scatter.add.f32 [tilespmem:s11], [sflag:$0x3], $0x40, s18, s10, $0xb8;
	[tilespmem:$0xE940] =	vst v63  }
0x538: {  	_ =	swait.ge [sflag:s6], $0x2000  }
0x539: {  	[sflag:s6] =	ssyncset.done $0x0  }
0x53a: {  	s25 =	simm.s32 $0x400;
	[sflag:s6] =	ssyncadd.s32 $0xFFFFE000  }
0x53b: {  	[tilespmem:s11], [sflag:$0x1] =	stream.indirect.gather [hbm4b:s9+s10], $0x40, s25, s10, $0xb8;
	[tilespmem:$0xE940] =	vst v63  }
0x53c: {  	_ =	swait.ge [sflag:s15], $0x2000  }
0x53d: {  	[sflag:s15] =	ssyncset.done $0x0  }
0x53e: {  	s21 =	simm.s32 $0xA00;
	[sflag:s15] =	ssyncadd.s32 $0xFFFFE000  }
0x53f: {  	[spmem:s2] =	stream.indirect.scatter.add.f32 [tilespmem:s12], [sflag:$0x3], $0x40, s21, s10, $0xb8;
	[tilespmem:$0xE940] =	vst v63  }
0x540: {  	_ =	swait.ge [sflag:s6], $0x2000  }
0x541: {  	[sflag:s6] =	ssyncset.done $0x0  }
0x542: {  	s8 =	simm.s32 $0x480;
	[sflag:s6] =	ssyncadd.s32 $0xFFFFE000  }
0x543: {  	[tilespmem:s12], [sflag:$0x2] =	stream.indirect.gather [hbm4b:s9+s10], $0x40, s8, s10, $0xb8;
	[tilespmem:$0xE940] =	vst v63  }
0x544: {  	_ =	swait.ge [sflag:s13], $0x2000  }
0x545: {  	[sflag:s13] =	ssyncset.done $0x0  }
0x546: {  	s29 =	simm.s32 $0xA80;
	[sflag:s13] =	ssyncadd.s32 $0xFFFFE000  }
0x547: {  	[spmem:s2] =	stream.indirect.scatter.add.f32 [tilespmem:s11], [sflag:$0x3], $0x40, s29, s10, $0xb8;
	[tilespmem:$0xE940] =	vst v63  }
0x548: {  	_ =	swait.ge [sflag:s6], $0x2000  }
0x549: {  	[sflag:s6] =	ssyncset.done $0x0  }
0x54a: {  	s21 =	simm.s32 $0x500;
	[sflag:s6] =	ssyncadd.s32 $0xFFFFE000  }
0x54b: {  	[tilespmem:s11], [sflag:$0x1] =	stream.indirect.gather [hbm4b:s9+s10], $0x40, s21, s10, $0xb8;
	[tilespmem:$0xE940] =	vst v63  }
0x54c: {  	_ =	swait.ge [sflag:s15], $0x2000  }
0x54d: {  	[sflag:s15] =	ssyncset.done $0x0  }
0x54e: {  	s25 =	simm.s32 $0xB00;
	[sflag:s15] =	ssyncadd.s32 $0xFFFFE000  }
0x54f: {  	[spmem:s2] =	stream.indirect.scatter.add.f32 [tilespmem:s12], [sflag:$0x3], $0x40, s25, s10, $0xb8;
	[tilespmem:$0xE940] =	vst v63  }
0x550: {  	_ =	swait.ge [sflag:s6], $0x2000  }
0x551: {  	[sflag:s6] =	ssyncset.done $0x0  }
0x552: {  	s30 =	simm.s32 $0x580;
	[sflag:s6] =	ssyncadd.s32 $0xFFFFE000  }
0x553: {  	[tilespmem:s12], [sflag:$0x2] =	stream.indirect.gather [hbm4b:s9+s10], $0x40, s30, s10, $0xb8;
	[tilespmem:$0xE940] =	vst v63  }
0x554: {  	_ =	swait.ge [sflag:s13], $0x2000  }
0x555: {  	[sflag:s13] =	ssyncset.done $0x0  }
0x556: {  	s23 =	simm.s32 $0xB80;
	[sflag:s13] =	ssyncadd.s32 $0xFFFFE000  }
0x557: {  	[spmem:s2] =	stream.indirect.scatter.add.f32 [tilespmem:s11], [sflag:$0x3], $0x40, s23, s10, $0xb8;
	[tilespmem:$0xE940] =	vst v63  }
0x558: {  	_ =	swait.ge [sflag:s6], $0x2000  }
0x559: {  	[sflag:s6] =	ssyncset.done $0x0  }
0x55a: {  	s28 =	simm.s32 $0x600;
	[sflag:s6] =	ssyncadd.s32 $0xFFFFE000  }
0x55b: {  	[tilespmem:s11], [sflag:$0x1] =	stream.indirect.gather [hbm4b:s9+s10], $0x40, s28, s10, $0xb8;
	[tilespmem:$0xE940] =	vst v63  }
0x55c: {  	_ =	swait.ge [sflag:s15], $0x2000  }
0x55d: {  	[sflag:s15] =	ssyncset.done $0x0  }
0x55e: {  	s26 =	simm.s32 $0xC00;
	[sflag:s15] =	ssyncadd.s32 $0xFFFFE000  }
0x55f: {  	[spmem:s2] =	stream.indirect.scatter.add.f32 [tilespmem:s12], [sflag:$0x3], $0x40, s26, s10, $0xb8;
	[tilespmem:$0xE940] =	vst v63  }
0x560: {  	_ =	swait.ge [sflag:s6], $0x2000  }
0x561: {  	[sflag:s6] =	ssyncset.done $0x0  }
0x562: {  	[sflag:s6] =	ssyncadd.s32 $0xFFFFE000  }
0x563: {  	_ =	swait.ge [sflag:s13], $0x2000  }
0x564: {  	[sflag:s13] =	ssyncset.done $0x0  }
0x565: {  	s24 =	simm.s32 $0xC80;
	[sflag:s13] =	ssyncadd.s32 $0xFFFFE000  }
0x566: {  	[spmem:s2] =	stream.indirect.scatter.add.f32 [tilespmem:s11], [sflag:$0x3], $0x40, s24, s10, $0xb8;
	[tilespmem:$0xE940] =	vst v63  }
0x567: {  	_ =	swait.ge [sflag:s6], $0x2000  }
0x568: {  	[sflag:s6] =	ssyncset.done $0x0  }
0x569: {  	s28 =	rddreg [dreg:$0xd];
	[sflag:s6] =	ssyncadd.s32 $0xFFFFE000  }
0x56a: {  	[tilespmem:s1], [sflag:$0x3] =	stream.linear.gather [hbm4b:s28+s1], $0x680, $0x38;
	[tilespmem:$0xE940] =	vst v63  }
0x56b: {  	_ =	swait.ge [sflag:s6], $0x680  }
0x56c: {  	[sflag:s6] =	ssyncset.done $0x0  }
0x56d: {  	s24 =	rddreg [dreg:$0xe];
	[sflag:s6] =	ssyncadd.s32 $0xFFFFF980  }
0x56e: {  	[tilespmem:s19], [sflag:$0x3] =	stream.linear.gather [hbm4b:s24+s1], $0x680, $0x38;
	[tilespmem:$0xE940] =	vst v63  }
0x56f: {  	_ =	swait.ge [sflag:s6], $0x680  }
0x570: {  	[sflag:s6] =	ssyncset.done $0x0  }
0x571: {  	[sflag:s6] =	ssyncadd.s32 $0xFFFFF980  }
0x572: {  	[tilespmem:s11], [sflag:$0x1] =	stream.indirect.gather [hbm4b:s9+s10], $0x40, s1, s10, $0xb8;
	[tilespmem:$0xE940] =	vst v63  }
0x573: {  	_ = 	snop  }
0x574: {  	[tilespmem:s12], [sflag:$0x2] =	stream.indirect.gather [hbm4b:s9+s10], $0x40, s10, s10, $0xb8;
	[tilespmem:$0xE940] =	vst v63  }
0x575: {  	_ =	swait.ge [sflag:s13], $0x2000  }
0x576: {  	[sflag:s13] =	ssyncset.done $0x0  }
0x577: {  	[sflag:s13] =	ssyncadd.s32 $0xFFFFE000  }
0x578: {  	[spmem:s2] =	stream.indirect.scatter.add.f32 [tilespmem:s11], [sflag:$0x3], $0x40, s19, s10, $0xb8;
	[tilespmem:$0xE940] =	vst v63  }
0x579: {  	_ =	swait.ge [sflag:s6], $0x2000  }
0x57a: {  	[sflag:s6] =	ssyncset.done $0x0  }
0x57b: {  	s26 =	simm.s32 $0x100;
	[sflag:s6] =	ssyncadd.s32 $0xFFFFE000  }
0x57c: {  	[tilespmem:s11], [sflag:$0x1] =	stream.indirect.gather [hbm4b:s9+s10], $0x40, s26, s10, $0xb8;
	[tilespmem:$0xE940] =	vst v63  }
0x57d: {  	_ =	swait.ge [sflag:s15], $0x2000  }
0x57e: {  	[sflag:s15] =	ssyncset.done $0x0  }
0x57f: {  	s22 =	simm.s32 $0x700;
	[sflag:s15] =	ssyncadd.s32 $0xFFFFE000  }
0x580: {  	[spmem:s2] =	stream.indirect.scatter.add.f32 [tilespmem:s12], [sflag:$0x3], $0x40, s22, s10, $0xb8;
	[tilespmem:$0xE940] =	vst v63  }
0x581: {  	_ =	swait.ge [sflag:s6], $0x2000  }
0x582: {  	[sflag:s6] =	ssyncset.done $0x0  }
0x583: {  	s3 =	simm.s32 $0x180;
	[sflag:s6] =	ssyncadd.s32 $0xFFFFE000  }
0x584: {  	[tilespmem:s12], [sflag:$0x2] =	stream.indirect.gather [hbm4b:s9+s10], $0x40, s3, s10, $0xb8;
	[tilespmem:$0xE940] =	vst v63  }
0x585: {  	_ =	swait.ge [sflag:s13], $0x2000  }
0x586: {  	[sflag:s13] =	ssyncset.done $0x0  }
0x587: {  	s28 =	simm.s32 $0x780;
	[sflag:s13] =	ssyncadd.s32 $0xFFFFE000  }
0x588: {  	[spmem:s2] =	stream.indirect.scatter.add.f32 [tilespmem:s11], [sflag:$0x3], $0x40, s28, s10, $0xb8;
	[tilespmem:$0xE940] =	vst v63  }
0x589: {  	_ =	swait.ge [sflag:s6], $0x2000  }
0x58a: {  	[sflag:s6] =	ssyncset.done $0x0  }
0x58b: {  	s3 =	simm.s32 $0x200;
	[sflag:s6] =	ssyncadd.s32 $0xFFFFE000  }
0x58c: {  	[tilespmem:s11], [sflag:$0x1] =	stream.indirect.gather [hbm4b:s9+s10], $0x40, s3, s10, $0xb8;
	[tilespmem:$0xE940] =	vst v63  }
0x58d: {  	_ =	swait.ge [sflag:s15], $0x2000  }
0x58e: {  	[sflag:s15] =	ssyncset.done $0x0  }
0x58f: {  	s0 =	simm.s32 $0x800;
	[sflag:s15] =	ssyncadd.s32 $0xFFFFE000  }
0x590: {  	[spmem:s2] =	stream.indirect.scatter.add.f32 [tilespmem:s12], [sflag:$0x3], $0x40, s0, s10, $0xb8;
	[tilespmem:$0xE940] =	vst v63  }
0x591: {  	_ =	swait.ge [sflag:s6], $0x2000  }
0x592: {  	[sflag:s6] =	ssyncset.done $0x0  }
0x593: {  	s4 =	simm.s32 $0x280;
	[sflag:s6] =	ssyncadd.s32 $0xFFFFE000  }
0x594: {  	[tilespmem:s12], [sflag:$0x2] =	stream.indirect.gather [hbm4b:s9+s10], $0x40, s4, s10, $0xb8;
	[tilespmem:$0xE940] =	vst v63  }
0x595: {  	_ =	swait.ge [sflag:s13], $0x2000  }
0x596: {  	[sflag:s13] =	ssyncset.done $0x0  }
0x597: {  	s4 =	simm.s32 $0x880;
	[sflag:s13] =	ssyncadd.s32 $0xFFFFE000  }
0x598: {  	[spmem:s2] =	stream.indirect.scatter.add.f32 [tilespmem:s11], [sflag:$0x3], $0x40, s4, s10, $0xb8;
	[tilespmem:$0xE940] =	vst v63  }
0x599: {  	_ =	swait.ge [sflag:s6], $0x2000  }
0x59a: {  	[sflag:s6] =	ssyncset.done $0x0  }
0x59b: {  	s5 =	simm.s32 $0x300;
	[sflag:s6] =	ssyncadd.s32 $0xFFFFE000  }
0x59c: {  	[tilespmem:s11], [sflag:$0x1] =	stream.indirect.gather [hbm4b:s9+s10], $0x40, s5, s10, $0xb8;
	[tilespmem:$0xE940] =	vst v63  }
0x59d: {  	_ =	swait.ge [sflag:s15], $0x2000  }
0x59e: {  	[sflag:s15] =	ssyncset.done $0x0  }
0x59f: {  	s31 =	simm.s32 $0x900;
	[sflag:s15] =	ssyncadd.s32 $0xFFFFE000  }
0x5a0: {  	[spmem:s2] =	stream.indirect.scatter.add.f32 [tilespmem:s12], [sflag:$0x3], $0x40, s31, s10, $0xb8;
	[tilespmem:$0xE940] =	vst v63  }
0x5a1: {  	_ =	swait.ge [sflag:s6], $0x2000  }
0x5a2: {  	[sflag:s6] =	ssyncset.done $0x0  }
0x5a3: {  	s14 =	simm.s32 $0x380;
	[sflag:s6] =	ssyncadd.s32 $0xFFFFE000  }
0x5a4: {  	[tilespmem:s12], [sflag:$0x2] =	stream.indirect.gather [hbm4b:s9+s10], $0x40, s14, s10, $0xb8;
	[tilespmem:$0xE940] =	vst v63  }
0x5a5: {  	_ =	swait.ge [sflag:s13], $0x2000  }
0x5a6: {  	[sflag:s13] =	ssyncset.done $0x0  }
0x5a7: {  	s16 =	simm.s32 $0x980;
	[sflag:s13] =	ssyncadd.s32 $0xFFFFE000  }
0x5a8: {  	[spmem:s2] =	stream.indirect.scatter.add.f32 [tilespmem:s11], [sflag:$0x3], $0x40, s16, s10, $0xb8;
	[tilespmem:$0xE940] =	vst v63  }
0x5a9: {  	_ =	swait.ge [sflag:s6], $0x2000  }
0x5aa: {  	[sflag:s6] =	ssyncset.done $0x0  }
0x5ab: {  	s14 =	simm.s32 $0x400;
	[sflag:s6] =	ssyncadd.s32 $0xFFFFE000  }
0x5ac: {  	[tilespmem:s11], [sflag:$0x1] =	stream.indirect.gather [hbm4b:s9+s10], $0x40, s14, s10, $0xb8;
	[tilespmem:$0xE940] =	vst v63  }
0x5ad: {  	_ =	swait.ge [sflag:s15], $0x2000  }
0x5ae: {  	[sflag:s15] =	ssyncset.done $0x0  }
0x5af: {  	s18 =	simm.s32 $0xA00;
	[sflag:s15] =	ssyncadd.s32 $0xFFFFE000  }
0x5b0: {  	[spmem:s2] =	stream.indirect.scatter.add.f32 [tilespmem:s12], [sflag:$0x3], $0x40, s18, s10, $0xb8;
	[tilespmem:$0xE940] =	vst v63  }
0x5b1: {  	_ =	swait.ge [sflag:s6], $0x2000  }
0x5b2: {  	[sflag:s6] =	ssyncset.done $0x0  }
0x5b3: {  	s17 =	simm.s32 $0x480;
	[sflag:s6] =	ssyncadd.s32 $0xFFFFE000  }
0x5b4: {  	[tilespmem:s12], [sflag:$0x2] =	stream.indirect.gather [hbm4b:s9+s10], $0x40, s17, s10, $0xb8;
	[tilespmem:$0xE940] =	vst v63  }
0x5b5: {  	_ =	swait.ge [sflag:s13], $0x2000  }
0x5b6: {  	[sflag:s13] =	ssyncset.done $0x0  }
0x5b7: {  	s16 =	simm.s32 $0xA80;
	[sflag:s13] =	ssyncadd.s32 $0xFFFFE000  }
0x5b8: {  	[spmem:s2] =	stream.indirect.scatter.add.f32 [tilespmem:s11], [sflag:$0x3], $0x40, s16, s10, $0xb8;
	[tilespmem:$0xE940] =	vst v63  }
0x5b9: {  	_ =	swait.ge [sflag:s6], $0x2000  }
0x5ba: {  	[sflag:s6] =	ssyncset.done $0x0  }
0x5bb: {  	s17 =	simm.s32 $0x500;
	[sflag:s6] =	ssyncadd.s32 $0xFFFFE000  }
0x5bc: {  	[tilespmem:s11], [sflag:$0x1] =	stream.indirect.gather [hbm4b:s9+s10], $0x40, s17, s10, $0xb8;
	[tilespmem:$0xE940] =	vst v63  }
0x5bd: {  	_ =	swait.ge [sflag:s15], $0x2000  }
0x5be: {  	[sflag:s15] =	ssyncset.done $0x0  }
0x5bf: {  	s18 =	simm.s32 $0xB00;
	[sflag:s15] =	ssyncadd.s32 $0xFFFFE000  }
0x5c0: {  	[spmem:s2] =	stream.indirect.scatter.add.f32 [tilespmem:s12], [sflag:$0x3], $0x40, s18, s10, $0xb8;
	[tilespmem:$0xE940] =	vst v63  }
0x5c1: {  	_ =	swait.ge [sflag:s6], $0x2000  }
0x5c2: {  	[sflag:s6] =	ssyncset.done $0x0  }
0x5c3: {  	s30 =	simm.s32 $0x580;
	[sflag:s6] =	ssyncadd.s32 $0xFFFFE000  }
0x5c4: {  	[tilespmem:s12], [sflag:$0x2] =	stream.indirect.gather [hbm4b:s9+s10], $0x40, s30, s10, $0xb8;
	[tilespmem:$0xE940] =	vst v63  }
0x5c5: {  	_ =	swait.ge [sflag:s13], $0x2000  }
0x5c6: {  	[sflag:s13] =	ssyncset.done $0x0  }
0x5c7: {  	s8 =	simm.s32 $0xB80;
	[sflag:s13] =	ssyncadd.s32 $0xFFFFE000  }
0x5c8: {  	[spmem:s2] =	stream.indirect.scatter.add.f32 [tilespmem:s11], [sflag:$0x3], $0x40, s8, s10, $0xb8;
	[tilespmem:$0xE940] =	vst v63  }
0x5c9: {  	_ =	swait.ge [sflag:s6], $0x2000  }
0x5ca: {  	[sflag:s6] =	ssyncset.done $0x0  }
0x5cb: {  	s29 =	simm.s32 $0x600;
	[sflag:s6] =	ssyncadd.s32 $0xFFFFE000  }
0x5cc: {  	[tilespmem:s11], [sflag:$0x1] =	stream.indirect.gather [hbm4b:s9+s10], $0x40, s29, s10, $0xb8;
	[tilespmem:$0xE940] =	vst v63  }
0x5cd: {  	_ =	swait.ge [sflag:s15], $0x2000  }
0x5ce: {  	[sflag:s15] =	ssyncset.done $0x0  }
0x5cf: {  	s23 =	simm.s32 $0xC00;
	[sflag:s15] =	ssyncadd.s32 $0xFFFFE000  }
0x5d0: {  	[spmem:s2] =	stream.indirect.scatter.add.f32 [tilespmem:s12], [sflag:$0x3], $0x40, s23, s10, $0xb8;
	[tilespmem:$0xE940] =	vst v63  }
0x5d1: {  	_ =	swait.ge [sflag:s6], $0x2000  }
0x5d2: {  	[sflag:s6] =	ssyncset.done $0x0  }
0x5d3: {  	[sflag:s6] =	ssyncadd.s32 $0xFFFFE000  }
0x5d4: {  	_ =	swait.ge [sflag:s13], $0x2000  }
0x5d5: {  	[sflag:s13] =	ssyncset.done $0x0  }
0x5d6: {  	s21 =	simm.s32 $0xC80;
	[sflag:s13] =	ssyncadd.s32 $0xFFFFE000  }
0x5d7: {  	[spmem:s2] =	stream.indirect.scatter.add.f32 [tilespmem:s11], [sflag:$0x3], $0x40, s21, s10, $0xb8;
	[tilespmem:$0xE940] =	vst v63  }
0x5d8: {  	_ =	swait.ge [sflag:s6], $0x2000  }
0x5d9: {  	s1 =	simm.s32 @!p0 $0x3;
	[sflag:s6] =	ssyncset.done $0x0  }
0x5da: {  	s0 =	simm.s32 @!p0 $0x0;
	s25 =	rddreg [dreg:$0xf];
	[sflag:s6] =	ssyncadd.s32 $0xFFFFE000  }
0x5db: {  	[tilespmem:s0], [sflag:$0x3] =	stream.linear.gather @!p0 [hbm4b:s25+s0], $0x80, $0x38;
	[tilespmem:$0xE940] =	vst v63  }
0x5dc: {  	_ =	swait.ge @!p0 [sflag:s1], $0x80  }
0x5dd: {  	[sflag:s1] =	ssyncset.done @!p0 $0x0  }
0x5de: {  	s4 =	simm.s32 @!p0 $0x680;
	s25 =	rddreg [dreg:$0x10];
	[sflag:s1] =	ssyncadd.s32 @!p0 $0xFFFFFF80  }
0x5df: {  	[tilespmem:s4], [sflag:$0x3] =	stream.linear.gather @!p0 [hbm4b:s25+s0], $0x80, $0x38;
	[tilespmem:$0xE940] =	vst v63  }
0x5e0: {  	_ =	swait.ge @!p0 [sflag:s1], $0x80  }
0x5e1: {  	[sflag:s1] =	ssyncset.done @!p0 $0x0  }
0x5e2: {  	s5 =	simm.s32 @!p0 $0x80;
	s8 =	simm.s32 @!p0 $0xD00;
	[sflag:s1] =	ssyncadd.s32 @!p0 $0xFFFFFF80  }
0x5e3: {  	[tilespmem:s8], [sflag:$0x1] =	stream.indirect.gather @!p0 [hbm4b:s9+s5], $0x40, s0, s5, $0xb8;
	[tilespmem:$0xE940] =	vst v63  }
0x5e4: {  	s0 =	simm.s32 @!p0 $0x1  }
0x5e5: {  	_ =	swait.ge @!p0 [sflag:s0], $0x2000  }
0x5e6: {  	[sflag:s0] =	ssyncset.done @!p0 $0x0  }
0x5e7: {  	[sflag:s0] =	ssyncadd.s32 @!p0 $0xFFFFE000  }
0x5e8: {  	[spmem:s2] =	stream.indirect.scatter.add.f32 @!p0 [tilespmem:s8], [sflag:$0x3], $0x40, s4, s5, $0xb8;
	[tilespmem:$0xE940] =	vst v63  }
0x5e9: {  	_ =	swait.ge @!p0 [sflag:s1], $0x2000  }
0x5ea: {  	[sflag:s1] =	ssyncset.done @!p0 $0x0  }
0x5eb: {  	[sflag:s1] =	ssyncadd.s32 @!p0 $0xFFFFE000  }
0x5ec: {  	[bflag:$0x0] =	sbarrier.arrive $0xFFFF  }
0x5ed: {  	s21 =	rddreg [dreg:$0x1b]  }
0x5ee: {  	s22 =	rddreg [dreg:$0x11]  }
0x5ef: {  	[hbm:s22], [sflag:s7] =	dma.local [spmem:s21], $0x3E8  }
0x5f0: {  	_ =	swait.ge [sflag:s6], $0x3E8  }
0x5f1: {  	[sflag:s6] =	ssyncset.done $0x0;
	s23 =	rddreg [dreg:$0x16]  }
0x5f2: {  	s24 =	rddreg [dreg:$0x1e];
	[sflag:s6] =	ssyncadd.s32 $0xFFFFFC18  }
0x5f3: {  	[hbm:s23], [sflag:s7] =	dma.local [spmem:s24], $0x3E8  }
0x5f4: {  	_ =	swait.ge [sflag:s6], $0x3E8  }
0x5f5: {  	[sflag:s6] =	ssyncset.done $0x0;
	s25 =	rddreg [dreg:$0x17]  }
0x5f6: {  	s26 =	rddreg [dreg:$0x1f];
	[sflag:s6] =	ssyncadd.s32 $0xFFFFFC18  }
0x5f7: {  	[hbm:s25], [sflag:s7] =	dma.local [spmem:s26], $0x3E8  }
0x5f8: {  	_ =	swait.ge [sflag:s6], $0x3E8  }
0x5f9: {  	s29 =	sld [smem:$0x7F6]  }
0x5fa: {  	[sflag:s6] =	ssyncset.done $0x0  }
0x5fb: {  	s20 =	sadd.s32 $0xFFFFFFFF, s20;
	s28 =	rddreg [dreg:$0x18];
	[sflag:s6] =	ssyncadd.s32 $0xFFFFFC18  }
0x5fc: {  	[hbm:s28], [sflag:s7] =	dma.local [spmem:s29], $0x3E8  }
0x5fd: {  	p1 =	sne.s32 s20, $0x0;
	_ =	swait.ge [sflag:s6], $0x3E8  }
.Ltmp1:
0x5fe: {  	s31 =	sld [smem:$0x7F7];
	(pc) =	sbr.rel @p1 .LBB2_2-.Ltmp1, $4  }
0x5ff: {  	[sflag:s6] =	ssyncset.done $0x0  }
0x600: {  	s30 =	rddreg [dreg:$0x19];
	[sflag:s6] =	ssyncadd.s32 $0xFFFFFC18  }
0x601: {  	[hbm:s30], [sflag:s7] =	dma.local [spmem:s31], $0x3E8  }
0x602: {  	_ =	swait.ge [sflag:s6], $0x3E8  }
.LBB2_3:
0x603: {  	[sflag:s6] =	ssyncset.done $0x0  }
0x604: {  	[sflag:s6] =	ssyncadd.s32 $0xFFFFFC18  }
0x605: {  	_ =	sfence.sel $0x180000  }
0x606: {  	[bflag:$0x0] =	sbarrier.arrive $0xFFFF  }
0x607: {  	_ =	strace $0x9000004A  }
0x608: {  	s0 =	stileid.u32;
	[bflag:$0x2] =	sbarrier.arrive $0xFFFF  }
0x609: {  	p0 =	sne.s32 s0, $0x0;
	s0 =	rddreg [dreg:$0x3]  }
0x60a: {  	s0 =	sadd.s32 @!p0 $0x100000, s0  }
0x60b: {  	[sflag:s0] =	ssyncadd.tile.s32 @!p0 $0x1;
	_ =	shalt  }
.Lfunc_end2:
_tile_overlayer_lowered:
.L_overlay_start_2:
0x60c: {  	(tag) =	ssettag $0x2  }
0x60d: {  	s0 =	rddreg [dreg:$0x0];
	s2 =	stileid.u32  }
0x60e: {  	s1 =	rddreg [dreg:$0x1];
	p0 =	sne.s32 s2, $0x0  }
0x60f: {  	s3 =	rddreg [dreg:$0x2];
	[bflag:$0x3] =	sbarrier.arrive $0xFFFF;
	s2 =	simm.s32 @!p0 $0x1C03  }
0x610: {  	[timem:s3], [sflag:s2] =	dma.local @!p0 [hbm:s0], s1  }
0x611: {  	s0 =	simm.s32 @!p0 $0x3  }
0x612: {  	_ =	swait.ge @!p0 [sflag:s0], s1  }
0x613: {  	s1 =	ssub.s32 @!p0 $0x0, s1;
	[sflag:s0] =	ssyncset.done @!p0 $0x0  }
0x614: {  	[sflag:s0] =	ssyncadd.s32 @!p0 s1  }
0x615: {  	[bflag:$0x3] =	sbarrier.arrive $0xFFFF  }
0x616: {  	_ =	shalt  }

</sc_bundles>
